<compile_context>
chip_gen: v7x
topology: tpu7x:2x2x1
jax: 0.10.2.dev20260603
libtpu: 0.0.44.dev20260713+nightly
codegen_flags: <defaults>
</compile_context>

<pallas_src>
import jax
import jax.numpy as jnp
from jax import lax
from jax.experimental import pallas as pl
from jax.experimental.pallas import tpu as pltpu
from jax.experimental.pallas import tpu_sc as plsc

_FFT = 4096
_NSC = 3276
_HALF = 1638
_ROWS = 14
_COL0 = 384
_NCOL = 3328
_NVEC = 103

_NC = 2
_NS = 16
_NW = _NC * _NS


_HW = 1664


def _body(x_hbm, out_hbm, inl, inr, outbuf, lsem, rsem, osem):
    wid = lax.axis_index("s") * _NC + lax.axis_index("c")
    nsl = x_hbm.shape[0] // _NW
    s0 = wid * nsl
    iota = lax.iota(jnp.int32, 16)

    def inl_copy(j):
        return pltpu.make_async_copy(
            x_hbm.at[s0 + j, :, pl.ds(_COL0, _HW)], inl, lsem)

    def inr_copy(j):
        return pltpu.make_async_copy(
            x_hbm.at[s0 + j, :, pl.ds(_COL0 + _HW, _HW)], inr, rsem)

    def out_copy(j):
        return pltpu.make_async_copy(outbuf, out_hbm.at[s0 + j], osem)

    rowvs = [jnp.full((16,), r, jnp.int32) for r in range(_ROWS)]

    def compute(seg, buf):
        cbase = seg * _HALF
        shift = (410 - _COL0) if seg == 0 else (411 - _COL0 - _HW)

        @plsc.parallel_loop(0, _NVEC, unroll=2)
        def _vec(k):
            cout = iota + (jnp.minimum(k * 16, _HALF - 16) + cbase)
            cin = cout + shift
            for r in range(_ROWS):
                v = plsc.load_gather(buf, [rowvs[r], cin])
                plsc.store_scatter(outbuf, [rowvs[r], cout], v)

    inl_copy(0).start()
    inr_copy(0).start()
    for j in range(nsl):
        inl_copy(j).wait()
        if j > 0:
            out_copy(j - 1).wait()
        compute(0, inl)
        if j + 1 < nsl:
            inl_copy(j + 1).start()
        inr_copy(j).wait()
        compute(1, inr)
        out_copy(j).start()
        if j + 1 < nsl:
            inr_copy(j + 1).start()
    out_copy(nsl - 1).wait()


def kernel(inputs, sc_ind):
    del sc_ind
    lead = inputs.shape[:-1]
    nsl = 1
    for d in lead[:-1]:
        nsl *= d
    x = inputs.reshape(nsl, _ROWS, _FFT)
    mesh = plsc.VectorSubcoreMesh(core_axis_name="c", subcore_axis_name="s")
    out = pl.kernel(
        _body,
        out_type=jax.ShapeDtypeStruct((nsl, _ROWS, _NSC), inputs.dtype),
        mesh=mesh,
        scratch_types=[pltpu.VMEM((_ROWS, _HW), jnp.float32),
                       pltpu.VMEM((_ROWS, _HW), jnp.float32),
                       pltpu.VMEM((_ROWS, _NSC), jnp.float32),
                       pltpu.SemaphoreType.DMA,
                       pltpu.SemaphoreType.DMA,
                       pltpu.SemaphoreType.DMA],
        compiler_params=pltpu.CompilerParams(use_tc_tiling_on_sc=True,
                                             needs_layout_passes=False),
    )(x)
    return out.reshape(*lead, _NSC)

# --- scband reference (transcript-rebuilt; emitter-appended) ---
"""Pipeline reference for scband-remove-nulled-subcarriers-317827580206 (READ-ONLY COPY).

The authoritative reference and input builder live on the scoring server;
editing this copy changes nothing except your own understanding.
"""

import jax, jax.numpy as jnp
import numpy as np

FFT_SIZE = 4096
GUARD_LEFT = 410
GUARD_RIGHT = 409
DC_IDX = FFT_SIZE // 2  # 2048


def _effective_subcarrier_ind():
    # Mirrors sionna ResourceGrid.effective_subcarrier_ind: drop guard bands and DC.
    idx = np.arange(FFT_SIZE)
    mask = (idx >= GUARD_LEFT) & (idx < FFT_SIZE - GUARD_RIGHT) & (idx != DC_IDX)
    ind = idx[mask]
    assert ind.shape[0] == 3276
    return jnp.asarray(ind, dtype=jnp.int32)


def setup_inputs(seed: int = 0) -> dict:
    key = jax.random.key(seed)
    # Torch module uses complex64; we model the same gather on float32 values
    # (the index_select is dtype-agnostic and identical for real/imag planes).
    inputs = jax.random.normal(key, (16, 4, 2, 14, FFT_SIZE), dtype=jnp.float32)
    sc_ind = _effective_subcarrier_ind()  # baked-in init state of the module
    return {"inputs": inputs, "sc_ind": sc_ind}


def reference(inputs, sc_ind):
    # torch.index_select(inputs, dim=-1, index=sc_ind)
    return jnp.take(inputs, sc_ind, axis=-1)

if __name__ == "__main__":
    import jax
    _d = setup_inputs()
    print(jax.jit(kernel)(*tuple(_d.values())))

</pallas_src>

<mosaic_0001>
#map = affine_map<(d0, d1) -> (0, 0, 0)>
module attributes {stable_mosaic.version = 14 : i64} {
  func.func @_body(%arg0: i32, %arg1: i32, %arg2: memref<128x14x4096xf32, #tpu.memory_space<hbm>>, %arg3: memref<128x14x3276xf32, #tpu.memory_space<hbm>>, %arg4: memref<14x1664xf32, #tpu.memory_space<vmem>>, %arg5: memref<14x1664xf32, #tpu.memory_space<vmem>>, %arg6: memref<14x3276xf32, #tpu.memory_space<vmem>>, %arg7: memref<!tpu.dma_semaphore, #tpu.memory_space<semaphore_mem>>, %arg8: memref<!tpu.dma_semaphore, #tpu.memory_space<semaphore_mem>>, %arg9: memref<!tpu.dma_semaphore, #tpu.memory_space<semaphore_mem>>) attributes {dimension_semantics = [#tpu.dimension_semantics<core_parallel>, #tpu.dimension_semantics<subcore_parallel>], iteration_bounds = array<i64: 2, 16>, scalar_prefetch = 0 : i64, scratch_operands = 6 : i64, tpu.core_type = #tpu.core_type<sc_vector_subcore>, window_params = [{transform_indices = #map}, {transform_indices = #map}]} {
    %mul3A = arith.constant 2 : i32
    %mul3A_0 = arith.muli %arg1, %mul3A : i32
    %add3A = arith.addi %mul3A_0, %arg0 : i32
    %mul3A_1 = arith.constant 4 : i32
    %mul3A_2 = arith.muli %add3A, %mul3A_1 : i32
    %iota3A = tpu.iota {dimensions = array<i32: 0>} : vector<16xi32>
    %broadcast_in_dim3A = arith.constant 0 : i32
    %broadcast_in_dim3A_3 = vector.broadcast %broadcast_in_dim3A : i32 to vector<16xi32>
    %broadcast_in_dim3A_4 = arith.constant 1 : i32
    %broadcast_in_dim3A_5 = vector.broadcast %broadcast_in_dim3A_4 : i32 to vector<16xi32>
    %broadcast_in_dim3A_6 = arith.constant 2 : i32
    %broadcast_in_dim3A_7 = vector.broadcast %broadcast_in_dim3A_6 : i32 to vector<16xi32>
    %broadcast_in_dim3A_8 = arith.constant 3 : i32
    %broadcast_in_dim3A_9 = vector.broadcast %broadcast_in_dim3A_8 : i32 to vector<16xi32>
    %broadcast_in_dim3A_10 = arith.constant 4 : i32
    %broadcast_in_dim3A_11 = vector.broadcast %broadcast_in_dim3A_10 : i32 to vector<16xi32>
    %broadcast_in_dim3A_12 = arith.constant 5 : i32
    %broadcast_in_dim3A_13 = vector.broadcast %broadcast_in_dim3A_12 : i32 to vector<16xi32>
    %broadcast_in_dim3A_14 = arith.constant 6 : i32
    %broadcast_in_dim3A_15 = vector.broadcast %broadcast_in_dim3A_14 : i32 to vector<16xi32>
    %broadcast_in_dim3A_16 = arith.constant 7 : i32
    %broadcast_in_dim3A_17 = vector.broadcast %broadcast_in_dim3A_16 : i32 to vector<16xi32>
    %broadcast_in_dim3A_18 = arith.constant 8 : i32
    %broadcast_in_dim3A_19 = vector.broadcast %broadcast_in_dim3A_18 : i32 to vector<16xi32>
    %broadcast_in_dim3A_20 = arith.constant 9 : i32
    %broadcast_in_dim3A_21 = vector.broadcast %broadcast_in_dim3A_20 : i32 to vector<16xi32>
    %broadcast_in_dim3A_22 = arith.constant 10 : i32
    %broadcast_in_dim3A_23 = vector.broadcast %broadcast_in_dim3A_22 : i32 to vector<16xi32>
    %broadcast_in_dim3A_24 = arith.constant 11 : i32
    %broadcast_in_dim3A_25 = vector.broadcast %broadcast_in_dim3A_24 : i32 to vector<16xi32>
    %broadcast_in_dim3A_26 = arith.constant 12 : i32
    %broadcast_in_dim3A_27 = vector.broadcast %broadcast_in_dim3A_26 : i32 to vector<16xi32>
    %broadcast_in_dim3A_28 = arith.constant 13 : i32
    %broadcast_in_dim3A_29 = vector.broadcast %broadcast_in_dim3A_28 : i32 to vector<16xi32>
    %add3A_30 = arith.constant 0 : i32
    %add3A_31 = arith.addi %mul3A_2, %add3A_30 : i32
    %dma_start3A = arith.constant 0 : i32
    %dma_start3A_32 = arith.constant 384 : i32
    %dma_start3A_33 = tpu.memref_slice %arg2[%add3A_31, %dma_start3A, %dma_start3A_32] : memref<128x14x4096xf32, #tpu.memory_space<hbm>> -> memref<1x14x1664xf32, #tpu.memory_space<hbm>>
    %dma_start3A_34 = tpu.memref_squeeze %dma_start3A_33 : memref<1x14x1664xf32, #tpu.memory_space<hbm>> -> memref<14x1664xf32, #tpu.memory_space<hbm>>
    %dma_start3A_35 = arith.constant 0 : i32
    %dma_start3A_36 = arith.constant 384 : i32
    %dma_start3A_37 = tpu.memref_slice %arg2[%add3A_31, %dma_start3A_35, %dma_start3A_36] : memref<128x14x4096xf32, #tpu.memory_space<hbm>> -> memref<1x14x1664xf32, #tpu.memory_space<hbm>>
    %dma_start3A_38 = tpu.memref_squeeze %dma_start3A_37 : memref<1x14x1664xf32, #tpu.memory_space<hbm>> -> memref<14x1664xf32, #tpu.memory_space<hbm>>
    tpu.enqueue_dma source(%dma_start3A_38 : memref<14x1664xf32, #tpu.memory_space<hbm>>) target(%arg4 : memref<14x1664xf32, #tpu.memory_space<vmem>>) target_semaphore(%arg7 : memref<!tpu.dma_semaphore, #tpu.memory_space<semaphore_mem>>)
    %add3A_39 = arith.constant 0 : i32
    %add3A_40 = arith.addi %mul3A_2, %add3A_39 : i32
    %dma_start3A_41 = arith.constant 0 : i32
    %dma_start3A_42 = arith.constant 2048 : i32
    %dma_start3A_43 = tpu.memref_slice %arg2[%add3A_40, %dma_start3A_41, %dma_start3A_42] : memref<128x14x4096xf32, #tpu.memory_space<hbm>> -> memref<1x14x1664xf32, #tpu.memory_space<hbm>>
    %dma_start3A_44 = tpu.memref_squeeze %dma_start3A_43 : memref<1x14x1664xf32, #tpu.memory_space<hbm>> -> memref<14x1664xf32, #tpu.memory_space<hbm>>
    %dma_start3A_45 = arith.constant 0 : i32
    %dma_start3A_46 = arith.constant 2048 : i32
    %dma_start3A_47 = tpu.memref_slice %arg2[%add3A_40, %dma_start3A_45, %dma_start3A_46] : memref<128x14x4096xf32, #tpu.memory_space<hbm>> -> memref<1x14x1664xf32, #tpu.memory_space<hbm>>
    %dma_start3A_48 = tpu.memref_squeeze %dma_start3A_47 : memref<1x14x1664xf32, #tpu.memory_space<hbm>> -> memref<14x1664xf32, #tpu.memory_space<hbm>>
    tpu.enqueue_dma source(%dma_start3A_48 : memref<14x1664xf32, #tpu.memory_space<hbm>>) target(%arg5 : memref<14x1664xf32, #tpu.memory_space<vmem>>) target_semaphore(%arg8 : memref<!tpu.dma_semaphore, #tpu.memory_space<semaphore_mem>>)
    %add3A_49 = arith.constant 0 : i32
    %add3A_50 = arith.addi %mul3A_2, %add3A_49 : i32
    %dma_wait3A = arith.constant 0 : i32
    %dma_wait3A_51 = arith.constant 384 : i32
    %dma_wait3A_52 = tpu.memref_slice %arg2[%add3A_50, %dma_wait3A, %dma_wait3A_51] : memref<128x14x4096xf32, #tpu.memory_space<hbm>> -> memref<1x14x1664xf32, #tpu.memory_space<hbm>>
    %dma_wait3A_53 = tpu.memref_squeeze %dma_wait3A_52 : memref<1x14x1664xf32, #tpu.memory_space<hbm>> -> memref<14x1664xf32, #tpu.memory_space<hbm>>
    %dma_wait3A_54 = arith.constant 0 : i32
    %dma_wait3A_55 = arith.constant 384 : i32
    %dma_wait3A_56 = tpu.memref_slice %arg2[%add3A_50, %dma_wait3A_54, %dma_wait3A_55] : memref<128x14x4096xf32, #tpu.memory_space<hbm>> -> memref<1x14x1664xf32, #tpu.memory_space<hbm>>
    %dma_wait3A_57 = tpu.memref_squeeze %dma_wait3A_56 : memref<1x14x1664xf32, #tpu.memory_space<hbm>> -> memref<14x1664xf32, #tpu.memory_space<hbm>>
    tpu.wait_dma2 semaphore(%arg7 : memref<!tpu.dma_semaphore, #tpu.memory_space<semaphore_mem>>) src(%dma_wait3A_57 : memref<14x1664xf32, #tpu.memory_space<hbm>>) dst(%arg4 : memref<14x1664xf32, #tpu.memory_space<vmem>>)
    %parallel_loop3A = arith.constant 0 : i32
    %parallel_loop3A_58 = arith.constant 103 : i32
    %parallel_loop3A_59 = arith.constant 1 : i32
    scf.for %parallel_loop3A_291 = %parallel_loop3A to %parallel_loop3A_58 step %parallel_loop3A_59  : i32 {
      %parallel_loop3A_292 = arith.constant 16 : i32
      %parallel_loop3A_293 = arith.muli %parallel_loop3A_291, %parallel_loop3A_292 : i32
      %parallel_loop3A_294 = arith.constant 1622 : i32
      %parallel_loop3A_295 = arith.minsi %parallel_loop3A_293, %parallel_loop3A_294 : i32
      %parallel_loop3A_296 = arith.constant 0 : i32
      %parallel_loop3A_297 = arith.addi %parallel_loop3A_295, %parallel_loop3A_296 : i32
      %parallel_loop3A_298 = vector.broadcast %parallel_loop3A_297 : i32 to vector<16xi32>
      %parallel_loop3A_299 = arith.addi %iota3A, %parallel_loop3A_298 : vector<16xi32>
      %parallel_loop3A_300 = arith.constant 26 : i32
      %parallel_loop3A_301 = vector.broadcast %parallel_loop3A_300 : i32 to vector<16xi32>
      %parallel_loop3A_302 = arith.addi %parallel_loop3A_299, %parallel_loop3A_301 : vector<16xi32>
      %parallel_loop3A_303 = tpu.vector_load_idx %arg4[%broadcast_in_dim3A_3, %parallel_loop3A_302] : memref<14x1664xf32, #tpu.memory_space<vmem>>[vector<16xi32>, vector<16xi32>], vector<16xf32>,
      tpu.vector_store_idx %arg6[%broadcast_in_dim3A_3, %parallel_loop3A_299], %parallel_loop3A_303 : memref<14x3276xf32, #tpu.memory_space<vmem>>[vector<16xi32>, vector<16xi32>], vector<16xf32>,
      %parallel_loop3A_304 = tpu.vector_load_idx %arg4[%broadcast_in_dim3A_5, %parallel_loop3A_302] : memref<14x1664xf32, #tpu.memory_space<vmem>>[vector<16xi32>, vector<16xi32>], vector<16xf32>,
      tpu.vector_store_idx %arg6[%broadcast_in_dim3A_5, %parallel_loop3A_299], %parallel_loop3A_304 : memref<14x3276xf32, #tpu.memory_space<vmem>>[vector<16xi32>, vector<16xi32>], vector<16xf32>,
      %parallel_loop3A_305 = tpu.vector_load_idx %arg4[%broadcast_in_dim3A_7, %parallel_loop3A_302] : memref<14x1664xf32, #tpu.memory_space<vmem>>[vector<16xi32>, vector<16xi32>], vector<16xf32>,
      tpu.vector_store_idx %arg6[%broadcast_in_dim3A_7, %parallel_loop3A_299], %parallel_loop3A_305 : memref<14x3276xf32, #tpu.memory_space<vmem>>[vector<16xi32>, vector<16xi32>], vector<16xf32>,
      %parallel_loop3A_306 = tpu.vector_load_idx %arg4[%broadcast_in_dim3A_9, %parallel_loop3A_302] : memref<14x1664xf32, #tpu.memory_space<vmem>>[vector<16xi32>, vector<16xi32>], vector<16xf32>,
      tpu.vector_store_idx %arg6[%broadcast_in_dim3A_9, %parallel_loop3A_299], %parallel_loop3A_306 : memref<14x3276xf32, #tpu.memory_space<vmem>>[vector<16xi32>, vector<16xi32>], vector<16xf32>,
      %parallel_loop3A_307 = tpu.vector_load_idx %arg4[%broadcast_in_dim3A_11, %parallel_loop3A_302] : memref<14x1664xf32, #tpu.memory_space<vmem>>[vector<16xi32>, vector<16xi32>], vector<16xf32>,
      tpu.vector_store_idx %arg6[%broadcast_in_dim3A_11, %parallel_loop3A_299], %parallel_loop3A_307 : memref<14x3276xf32, #tpu.memory_space<vmem>>[vector<16xi32>, vector<16xi32>], vector<16xf32>,
      %parallel_loop3A_308 = tpu.vector_load_idx %arg4[%broadcast_in_dim3A_13, %parallel_loop3A_302] : memref<14x1664xf32, #tpu.memory_space<vmem>>[vector<16xi32>, vector<16xi32>], vector<16xf32>,
      tpu.vector_store_idx %arg6[%broadcast_in_dim3A_13, %parallel_loop3A_299], %parallel_loop3A_308 : memref<14x3276xf32, #tpu.memory_space<vmem>>[vector<16xi32>, vector<16xi32>], vector<16xf32>,
      %parallel_loop3A_309 = tpu.vector_load_idx %arg4[%broadcast_in_dim3A_15, %parallel_loop3A_302] : memref<14x1664xf32, #tpu.memory_space<vmem>>[vector<16xi32>, vector<16xi32>], vector<16xf32>,
      tpu.vector_store_idx %arg6[%broadcast_in_dim3A_15, %parallel_loop3A_299], %parallel_loop3A_309 : memref<14x3276xf32, #tpu.memory_space<vmem>>[vector<16xi32>, vector<16xi32>], vector<16xf32>,
      %parallel_loop3A_310 = tpu.vector_load_idx %arg4[%broadcast_in_dim3A_17, %parallel_loop3A_302] : memref<14x1664xf32, #tpu.memory_space<vmem>>[vector<16xi32>, vector<16xi32>], vector<16xf32>,
      tpu.vector_store_idx %arg6[%broadcast_in_dim3A_17, %parallel_loop3A_299], %parallel_loop3A_310 : memref<14x3276xf32, #tpu.memory_space<vmem>>[vector<16xi32>, vector<16xi32>], vector<16xf32>,
      %parallel_loop3A_311 = tpu.vector_load_idx %arg4[%broadcast_in_dim3A_19, %parallel_loop3A_302] : memref<14x1664xf32, #tpu.memory_space<vmem>>[vector<16xi32>, vector<16xi32>], vector<16xf32>,
      tpu.vector_store_idx %arg6[%broadcast_in_dim3A_19, %parallel_loop3A_299], %parallel_loop3A_311 : memref<14x3276xf32, #tpu.memory_space<vmem>>[vector<16xi32>, vector<16xi32>], vector<16xf32>,
      %parallel_loop3A_312 = tpu.vector_load_idx %arg4[%broadcast_in_dim3A_21, %parallel_loop3A_302] : memref<14x1664xf32, #tpu.memory_space<vmem>>[vector<16xi32>, vector<16xi32>], vector<16xf32>,
      tpu.vector_store_idx %arg6[%broadcast_in_dim3A_21, %parallel_loop3A_299], %parallel_loop3A_312 : memref<14x3276xf32, #tpu.memory_space<vmem>>[vector<16xi32>, vector<16xi32>], vector<16xf32>,
      %parallel_loop3A_313 = tpu.vector_load_idx %arg4[%broadcast_in_dim3A_23, %parallel_loop3A_302] : memref<14x1664xf32, #tpu.memory_space<vmem>>[vector<16xi32>, vector<16xi32>], vector<16xf32>,
      tpu.vector_store_idx %arg6[%broadcast_in_dim3A_23, %parallel_loop3A_299], %parallel_loop3A_313 : memref<14x3276xf32, #tpu.memory_space<vmem>>[vector<16xi32>, vector<16xi32>], vector<16xf32>,
      %parallel_loop3A_314 = tpu.vector_load_idx %arg4[%broadcast_in_dim3A_25, %parallel_loop3A_302] : memref<14x1664xf32, #tpu.memory_space<vmem>>[vector<16xi32>, vector<16xi32>], vector<16xf32>,
      tpu.vector_store_idx %arg6[%broadcast_in_dim3A_25, %parallel_loop3A_299], %parallel_loop3A_314 : memref<14x3276xf32, #tpu.memory_space<vmem>>[vector<16xi32>, vector<16xi32>], vector<16xf32>,
      %parallel_loop3A_315 = tpu.vector_load_idx %arg4[%broadcast_in_dim3A_27, %parallel_loop3A_302] : memref<14x1664xf32, #tpu.memory_space<vmem>>[vector<16xi32>, vector<16xi32>], vector<16xf32>,
      tpu.vector_store_idx %arg6[%broadcast_in_dim3A_27, %parallel_loop3A_299], %parallel_loop3A_315 : memref<14x3276xf32, #tpu.memory_space<vmem>>[vector<16xi32>, vector<16xi32>], vector<16xf32>,
      %parallel_loop3A_316 = tpu.vector_load_idx %arg4[%broadcast_in_dim3A_29, %parallel_loop3A_302] : memref<14x1664xf32, #tpu.memory_space<vmem>>[vector<16xi32>, vector<16xi32>], vector<16xf32>,
      tpu.vector_store_idx %arg6[%broadcast_in_dim3A_29, %parallel_loop3A_299], %parallel_loop3A_316 : memref<14x3276xf32, #tpu.memory_space<vmem>>[vector<16xi32>, vector<16xi32>], vector<16xf32>,
    } {sc.loop_unroll_factor = 2 : i64, sc.parallel_access}
    %add3A_60 = arith.constant 1 : i32
    %add3A_61 = arith.addi %mul3A_2, %add3A_60 : i32
    %dma_start3A_62 = arith.constant 0 : i32
    %dma_start3A_63 = arith.constant 384 : i32
    %dma_start3A_64 = tpu.memref_slice %arg2[%add3A_61, %dma_start3A_62, %dma_start3A_63] : memref<128x14x4096xf32, #tpu.memory_space<hbm>> -> memref<1x14x1664xf32, #tpu.memory_space<hbm>>
    %dma_start3A_65 = tpu.memref_squeeze %dma_start3A_64 : memref<1x14x1664xf32, #tpu.memory_space<hbm>> -> memref<14x1664xf32, #tpu.memory_space<hbm>>
    %dma_start3A_66 = arith.constant 0 : i32
    %dma_start3A_67 = arith.constant 384 : i32
    %dma_start3A_68 = tpu.memref_slice %arg2[%add3A_61, %dma_start3A_66, %dma_start3A_67] : memref<128x14x4096xf32, #tpu.memory_space<hbm>> -> memref<1x14x1664xf32, #tpu.memory_space<hbm>>
    %dma_start3A_69 = tpu.memref_squeeze %dma_start3A_68 : memref<1x14x1664xf32, #tpu.memory_space<hbm>> -> memref<14x1664xf32, #tpu.memory_space<hbm>>
    tpu.enqueue_dma source(%dma_start3A_69 : memref<14x1664xf32, #tpu.memory_space<hbm>>) target(%arg4 : memref<14x1664xf32, #tpu.memory_space<vmem>>) target_semaphore(%arg7 : memref<!tpu.dma_semaphore, #tpu.memory_space<semaphore_mem>>)
    %add3A_70 = arith.constant 0 : i32
    %add3A_71 = arith.addi %mul3A_2, %add3A_70 : i32
    %dma_wait3A_72 = arith.constant 0 : i32
    %dma_wait3A_73 = arith.constant 2048 : i32
    %dma_wait3A_74 = tpu.memref_slice %arg2[%add3A_71, %dma_wait3A_72, %dma_wait3A_73] : memref<128x14x4096xf32, #tpu.memory_space<hbm>> -> memref<1x14x1664xf32, #tpu.memory_space<hbm>>
    %dma_wait3A_75 = tpu.memref_squeeze %dma_wait3A_74 : memref<1x14x1664xf32, #tpu.memory_space<hbm>> -> memref<14x1664xf32, #tpu.memory_space<hbm>>
    %dma_wait3A_76 = arith.constant 0 : i32
    %dma_wait3A_77 = arith.constant 2048 : i32
    %dma_wait3A_78 = tpu.memref_slice %arg2[%add3A_71, %dma_wait3A_76, %dma_wait3A_77] : memref<128x14x4096xf32, #tpu.memory_space<hbm>> -> memref<1x14x1664xf32, #tpu.memory_space<hbm>>
    %dma_wait3A_79 = tpu.memref_squeeze %dma_wait3A_78 : memref<1x14x1664xf32, #tpu.memory_space<hbm>> -> memref<14x1664xf32, #tpu.memory_space<hbm>>
    tpu.wait_dma2 semaphore(%arg8 : memref<!tpu.dma_semaphore, #tpu.memory_space<semaphore_mem>>) src(%dma_wait3A_79 : memref<14x1664xf32, #tpu.memory_space<hbm>>) dst(%arg5 : memref<14x1664xf32, #tpu.memory_space<vmem>>)
    %parallel_loop3A_80 = arith.constant 0 : i32
    %parallel_loop3A_81 = arith.constant 103 : i32
    %parallel_loop3A_82 = arith.constant 1 : i32
    scf.for %parallel_loop3A_291 = %parallel_loop3A_80 to %parallel_loop3A_81 step %parallel_loop3A_82  : i32 {
      %parallel_loop3A_292 = arith.constant 16 : i32
      %parallel_loop3A_293 = arith.muli %parallel_loop3A_291, %parallel_loop3A_292 : i32
      %parallel_loop3A_294 = arith.constant 1622 : i32
      %parallel_loop3A_295 = arith.minsi %parallel_loop3A_293, %parallel_loop3A_294 : i32
      %parallel_loop3A_296 = arith.constant 1638 : i32
      %parallel_loop3A_297 = arith.addi %parallel_loop3A_295, %parallel_loop3A_296 : i32
      %parallel_loop3A_298 = vector.broadcast %parallel_loop3A_297 : i32 to vector<16xi32>
      %parallel_loop3A_299 = arith.addi %iota3A, %parallel_loop3A_298 : vector<16xi32>
      %parallel_loop3A_300 = arith.constant -1637 : i32
      %parallel_loop3A_301 = vector.broadcast %parallel_loop3A_300 : i32 to vector<16xi32>
      %parallel_loop3A_302 = arith.addi %parallel_loop3A_299, %parallel_loop3A_301 : vector<16xi32>
      %parallel_loop3A_303 = tpu.vector_load_idx %arg5[%broadcast_in_dim3A_3, %parallel_loop3A_302] : memref<14x1664xf32, #tpu.memory_space<vmem>>[vector<16xi32>, vector<16xi32>], vector<16xf32>,
      tpu.vector_store_idx %arg6[%broadcast_in_dim3A_3, %parallel_loop3A_299], %parallel_loop3A_303 : memref<14x3276xf32, #tpu.memory_space<vmem>>[vector<16xi32>, vector<16xi32>], vector<16xf32>,
      %parallel_loop3A_304 = tpu.vector_load_idx %arg5[%broadcast_in_dim3A_5, %parallel_loop3A_302] : memref<14x1664xf32, #tpu.memory_space<vmem>>[vector<16xi32>, vector<16xi32>], vector<16xf32>,
      tpu.vector_store_idx %arg6[%broadcast_in_dim3A_5, %parallel_loop3A_299], %parallel_loop3A_304 : memref<14x3276xf32, #tpu.memory_space<vmem>>[vector<16xi32>, vector<16xi32>], vector<16xf32>,
      %parallel_loop3A_305 = tpu.vector_load_idx %arg5[%broadcast_in_dim3A_7, %parallel_loop3A_302] : memref<14x1664xf32, #tpu.memory_space<vmem>>[vector<16xi32>, vector<16xi32>], vector<16xf32>,
      tpu.vector_store_idx %arg6[%broadcast_in_dim3A_7, %parallel_loop3A_299], %parallel_loop3A_305 : memref<14x3276xf32, #tpu.memory_space<vmem>>[vector<16xi32>, vector<16xi32>], vector<16xf32>,
      %parallel_loop3A_306 = tpu.vector_load_idx %arg5[%broadcast_in_dim3A_9, %parallel_loop3A_302] : memref<14x1664xf32, #tpu.memory_space<vmem>>[vector<16xi32>, vector<16xi32>], vector<16xf32>,
      tpu.vector_store_idx %arg6[%broadcast_in_dim3A_9, %parallel_loop3A_299], %parallel_loop3A_306 : memref<14x3276xf32, #tpu.memory_space<vmem>>[vector<16xi32>, vector<16xi32>], vector<16xf32>,
      %parallel_loop3A_307 = tpu.vector_load_idx %arg5[%broadcast_in_dim3A_11, %parallel_loop3A_302] : memref<14x1664xf32, #tpu.memory_space<vmem>>[vector<16xi32>, vector<16xi32>], vector<16xf32>,
      tpu.vector_store_idx %arg6[%broadcast_in_dim3A_11, %parallel_loop3A_299], %parallel_loop3A_307 : memref<14x3276xf32, #tpu.memory_space<vmem>>[vector<16xi32>, vector<16xi32>], vector<16xf32>,
      %parallel_loop3A_308 = tpu.vector_load_idx %arg5[%broadcast_in_dim3A_13, %parallel_loop3A_302] : memref<14x1664xf32, #tpu.memory_space<vmem>>[vector<16xi32>, vector<16xi32>], vector<16xf32>,
      tpu.vector_store_idx %arg6[%broadcast_in_dim3A_13, %parallel_loop3A_299], %parallel_loop3A_308 : memref<14x3276xf32, #tpu.memory_space<vmem>>[vector<16xi32>, vector<16xi32>], vector<16xf32>,
      %parallel_loop3A_309 = tpu.vector_load_idx %arg5[%broadcast_in_dim3A_15, %parallel_loop3A_302] : memref<14x1664xf32, #tpu.memory_space<vmem>>[vector<16xi32>, vector<16xi32>], vector<16xf32>,
      tpu.vector_store_idx %arg6[%broadcast_in_dim3A_15, %parallel_loop3A_299], %parallel_loop3A_309 : memref<14x3276xf32, #tpu.memory_space<vmem>>[vector<16xi32>, vector<16xi32>], vector<16xf32>,
      %parallel_loop3A_310 = tpu.vector_load_idx %arg5[%broadcast_in_dim3A_17, %parallel_loop3A_302] : memref<14x1664xf32, #tpu.memory_space<vmem>>[vector<16xi32>, vector<16xi32>], vector<16xf32>,
      tpu.vector_store_idx %arg6[%broadcast_in_dim3A_17, %parallel_loop3A_299], %parallel_loop3A_310 : memref<14x3276xf32, #tpu.memory_space<vmem>>[vector<16xi32>, vector<16xi32>], vector<16xf32>,
      %parallel_loop3A_311 = tpu.vector_load_idx %arg5[%broadcast_in_dim3A_19, %parallel_loop3A_302] : memref<14x1664xf32, #tpu.memory_space<vmem>>[vector<16xi32>, vector<16xi32>], vector<16xf32>,
      tpu.vector_store_idx %arg6[%broadcast_in_dim3A_19, %parallel_loop3A_299], %parallel_loop3A_311 : memref<14x3276xf32, #tpu.memory_space<vmem>>[vector<16xi32>, vector<16xi32>], vector<16xf32>,
      %parallel_loop3A_312 = tpu.vector_load_idx %arg5[%broadcast_in_dim3A_21, %parallel_loop3A_302] : memref<14x1664xf32, #tpu.memory_space<vmem>>[vector<16xi32>, vector<16xi32>], vector<16xf32>,
      tpu.vector_store_idx %arg6[%broadcast_in_dim3A_21, %parallel_loop3A_299], %parallel_loop3A_312 : memref<14x3276xf32, #tpu.memory_space<vmem>>[vector<16xi32>, vector<16xi32>], vector<16xf32>,
      %parallel_loop3A_313 = tpu.vector_load_idx %arg5[%broadcast_in_dim3A_23, %parallel_loop3A_302] : memref<14x1664xf32, #tpu.memory_space<vmem>>[vector<16xi32>, vector<16xi32>], vector<16xf32>,
      tpu.vector_store_idx %arg6[%broadcast_in_dim3A_23, %parallel_loop3A_299], %parallel_loop3A_313 : memref<14x3276xf32, #tpu.memory_space<vmem>>[vector<16xi32>, vector<16xi32>], vector<16xf32>,
      %parallel_loop3A_314 = tpu.vector_load_idx %arg5[%broadcast_in_dim3A_25, %parallel_loop3A_302] : memref<14x1664xf32, #tpu.memory_space<vmem>>[vector<16xi32>, vector<16xi32>], vector<16xf32>,
      tpu.vector_store_idx %arg6[%broadcast_in_dim3A_25, %parallel_loop3A_299], %parallel_loop3A_314 : memref<14x3276xf32, #tpu.memory_space<vmem>>[vector<16xi32>, vector<16xi32>], vector<16xf32>,
      %parallel_loop3A_315 = tpu.vector_load_idx %arg5[%broadcast_in_dim3A_27, %parallel_loop3A_302] : memref<14x1664xf32, #tpu.memory_space<vmem>>[vector<16xi32>, vector<16xi32>], vector<16xf32>,
      tpu.vector_store_idx %arg6[%broadcast_in_dim3A_27, %parallel_loop3A_299], %parallel_loop3A_315 : memref<14x3276xf32, #tpu.memory_space<vmem>>[vector<16xi32>, vector<16xi32>], vector<16xf32>,
      %parallel_loop3A_316 = tpu.vector_load_idx %arg5[%broadcast_in_dim3A_29, %parallel_loop3A_302] : memref<14x1664xf32, #tpu.memory_space<vmem>>[vector<16xi32>, vector<16xi32>], vector<16xf32>,
      tpu.vector_store_idx %arg6[%broadcast_in_dim3A_29, %parallel_loop3A_299], %parallel_loop3A_316 : memref<14x3276xf32, #tpu.memory_space<vmem>>[vector<16xi32>, vector<16xi32>], vector<16xf32>,
    } {sc.loop_unroll_factor = 2 : i64, sc.parallel_access}
    %add3A_83 = arith.constant 0 : i32
    %add3A_84 = arith.addi %mul3A_2, %add3A_83 : i32
    %dma_start3A_85 = arith.constant 0 : i32
    %dma_start3A_86 = arith.constant 0 : i32
    %dma_start3A_87 = tpu.memref_slice %arg3[%add3A_84, %dma_start3A_85, %dma_start3A_86] : memref<128x14x3276xf32, #tpu.memory_space<hbm>> -> memref<1x14x3276xf32, #tpu.memory_space<hbm>>
    %dma_start3A_88 = tpu.memref_squeeze %dma_start3A_87 : memref<1x14x3276xf32, #tpu.memory_space<hbm>> -> memref<14x3276xf32, #tpu.memory_space<hbm>>
    %dma_start3A_89 = arith.constant 0 : i32
    %dma_start3A_90 = arith.constant 0 : i32
    %dma_start3A_91 = tpu.memref_slice %arg3[%add3A_84, %dma_start3A_89, %dma_start3A_90] : memref<128x14x3276xf32, #tpu.memory_space<hbm>> -> memref<1x14x3276xf32, #tpu.memory_space<hbm>>
    %dma_start3A_92 = tpu.memref_squeeze %dma_start3A_91 : memref<1x14x3276xf32, #tpu.memory_space<hbm>> -> memref<14x3276xf32, #tpu.memory_space<hbm>>
    tpu.enqueue_dma source(%arg6 : memref<14x3276xf32, #tpu.memory_space<vmem>>) target(%dma_start3A_92 : memref<14x3276xf32, #tpu.memory_space<hbm>>) target_semaphore(%arg9 : memref<!tpu.dma_semaphore, #tpu.memory_space<semaphore_mem>>)
    %add3A_93 = arith.constant 1 : i32
    %add3A_94 = arith.addi %mul3A_2, %add3A_93 : i32
    %dma_start3A_95 = arith.constant 0 : i32
    %dma_start3A_96 = arith.constant 2048 : i32
    %dma_start3A_97 = tpu.memref_slice %arg2[%add3A_94, %dma_start3A_95, %dma_start3A_96] : memref<128x14x4096xf32, #tpu.memory_space<hbm>> -> memref<1x14x1664xf32, #tpu.memory_space<hbm>>
    %dma_start3A_98 = tpu.memref_squeeze %dma_start3A_97 : memref<1x14x1664xf32, #tpu.memory_space<hbm>> -> memref<14x1664xf32, #tpu.memory_space<hbm>>
    %dma_start3A_99 = arith.constant 0 : i32
    %dma_start3A_100 = arith.constant 2048 : i32
    %dma_start3A_101 = tpu.memref_slice %arg2[%add3A_94, %dma_start3A_99, %dma_start3A_100] : memref<128x14x4096xf32, #tpu.memory_space<hbm>> -> memref<1x14x1664xf32, #tpu.memory_space<hbm>>
    %dma_start3A_102 = tpu.memref_squeeze %dma_start3A_101 : memref<1x14x1664xf32, #tpu.memory_space<hbm>> -> memref<14x1664xf32, #tpu.memory_space<hbm>>
    tpu.enqueue_dma source(%dma_start3A_102 : memref<14x1664xf32, #tpu.memory_space<hbm>>) target(%arg5 : memref<14x1664xf32, #tpu.memory_space<vmem>>) target_semaphore(%arg8 : memref<!tpu.dma_semaphore, #tpu.memory_space<semaphore_mem>>)
    %add3A_103 = arith.constant 1 : i32
    %add3A_104 = arith.addi %mul3A_2, %add3A_103 : i32
    %dma_wait3A_105 = arith.constant 0 : i32
    %dma_wait3A_106 = arith.constant 384 : i32
    %dma_wait3A_107 = tpu.memref_slice %arg2[%add3A_104, %dma_wait3A_105, %dma_wait3A_106] : memref<128x14x4096xf32, #tpu.memory_space<hbm>> -> memref<1x14x1664xf32, #tpu.memory_space<hbm>>
    %dma_wait3A_108 = tpu.memref_squeeze %dma_wait3A_107 : memref<1x14x1664xf32, #tpu.memory_space<hbm>> -> memref<14x1664xf32, #tpu.memory_space<hbm>>
    %dma_wait3A_109 = arith.constant 0 : i32
    %dma_wait3A_110 = arith.constant 384 : i32
    %dma_wait3A_111 = tpu.memref_slice %arg2[%add3A_104, %dma_wait3A_109, %dma_wait3A_110] : memref<128x14x4096xf32, #tpu.memory_space<hbm>> -> memref<1x14x1664xf32, #tpu.memory_space<hbm>>
    %dma_wait3A_112 = tpu.memref_squeeze %dma_wait3A_111 : memref<1x14x1664xf32, #tpu.memory_space<hbm>> -> memref<14x1664xf32, #tpu.memory_space<hbm>>
    tpu.wait_dma2 semaphore(%arg7 : memref<!tpu.dma_semaphore, #tpu.memory_space<semaphore_mem>>) src(%dma_wait3A_112 : memref<14x1664xf32, #tpu.memory_space<hbm>>) dst(%arg4 : memref<14x1664xf32, #tpu.memory_space<vmem>>)
    %add3A_113 = arith.constant 0 : i32
    %add3A_114 = arith.addi %mul3A_2, %add3A_113 : i32
    %dma_wait3A_115 = arith.constant 0 : i32
    %dma_wait3A_116 = arith.constant 0 : i32
    %dma_wait3A_117 = tpu.memref_slice %arg3[%add3A_114, %dma_wait3A_115, %dma_wait3A_116] : memref<128x14x3276xf32, #tpu.memory_space<hbm>> -> memref<1x14x3276xf32, #tpu.memory_space<hbm>>
    %dma_wait3A_118 = tpu.memref_squeeze %dma_wait3A_117 : memref<1x14x3276xf32, #tpu.memory_space<hbm>> -> memref<14x3276xf32, #tpu.memory_space<hbm>>
    %dma_wait3A_119 = arith.constant 0 : i32
    %dma_wait3A_120 = arith.constant 0 : i32
    %dma_wait3A_121 = tpu.memref_slice %arg3[%add3A_114, %dma_wait3A_119, %dma_wait3A_120] : memref<128x14x3276xf32, #tpu.memory_space<hbm>> -> memref<1x14x3276xf32, #tpu.memory_space<hbm>>
    %dma_wait3A_122 = tpu.memref_squeeze %dma_wait3A_121 : memref<1x14x3276xf32, #tpu.memory_space<hbm>> -> memref<14x3276xf32, #tpu.memory_space<hbm>>
    tpu.wait_dma2 semaphore(%arg9 : memref<!tpu.dma_semaphore, #tpu.memory_space<semaphore_mem>>) src(%arg6 : memref<14x3276xf32, #tpu.memory_space<vmem>>) dst(%dma_wait3A_122 : memref<14x3276xf32, #tpu.memory_space<hbm>>)
    %parallel_loop3A_123 = arith.constant 0 : i32
    %parallel_loop3A_124 = arith.constant 103 : i32
    %parallel_loop3A_125 = arith.constant 1 : i32
    scf.for %parallel_loop3A_291 = %parallel_loop3A_123 to %parallel_loop3A_124 step %parallel_loop3A_125  : i32 {
      %parallel_loop3A_292 = arith.constant 16 : i32
      %parallel_loop3A_293 = arith.muli %parallel_loop3A_291, %parallel_loop3A_292 : i32
      %parallel_loop3A_294 = arith.constant 1622 : i32
      %parallel_loop3A_295 = arith.minsi %parallel_loop3A_293, %parallel_loop3A_294 : i32
      %parallel_loop3A_296 = arith.constant 0 : i32
      %parallel_loop3A_297 = arith.addi %parallel_loop3A_295, %parallel_loop3A_296 : i32
      %parallel_loop3A_298 = vector.broadcast %parallel_loop3A_297 : i32 to vector<16xi32>
      %parallel_loop3A_299 = arith.addi %iota3A, %parallel_loop3A_298 : vector<16xi32>
      %parallel_loop3A_300 = arith.constant 26 : i32
      %parallel_loop3A_301 = vector.broadcast %parallel_loop3A_300 : i32 to vector<16xi32>
      %parallel_loop3A_302 = arith.addi %parallel_loop3A_299, %parallel_loop3A_301 : vector<16xi32>
      %parallel_loop3A_303 = tpu.vector_load_idx %arg4[%broadcast_in_dim3A_3, %parallel_loop3A_302] : memref<14x1664xf32, #tpu.memory_space<vmem>>[vector<16xi32>, vector<16xi32>], vector<16xf32>,
      tpu.vector_store_idx %arg6[%broadcast_in_dim3A_3, %parallel_loop3A_299], %parallel_loop3A_303 : memref<14x3276xf32, #tpu.memory_space<vmem>>[vector<16xi32>, vector<16xi32>], vector<16xf32>,
      %parallel_loop3A_304 = tpu.vector_load_idx %arg4[%broadcast_in_dim3A_5, %parallel_loop3A_302] : memref<14x1664xf32, #tpu.memory_space<vmem>>[vector<16xi32>, vector<16xi32>], vector<16xf32>,
      tpu.vector_store_idx %arg6[%broadcast_in_dim3A_5, %parallel_loop3A_299], %parallel_loop3A_304 : memref<14x3276xf32, #tpu.memory_space<vmem>>[vector<16xi32>, vector<16xi32>], vector<16xf32>,
      %parallel_loop3A_305 = tpu.vector_load_idx %arg4[%broadcast_in_dim3A_7, %parallel_loop3A_302] : memref<14x1664xf32, #tpu.memory_space<vmem>>[vector<16xi32>, vector<16xi32>], vector<16xf32>,
      tpu.vector_store_idx %arg6[%broadcast_in_dim3A_7, %parallel_loop3A_299], %parallel_loop3A_305 : memref<14x3276xf32, #tpu.memory_space<vmem>>[vector<16xi32>, vector<16xi32>], vector<16xf32>,
      %parallel_loop3A_306 = tpu.vector_load_idx %arg4[%broadcast_in_dim3A_9, %parallel_loop3A_302] : memref<14x1664xf32, #tpu.memory_space<vmem>>[vector<16xi32>, vector<16xi32>], vector<16xf32>,
      tpu.vector_store_idx %arg6[%broadcast_in_dim3A_9, %parallel_loop3A_299], %parallel_loop3A_306 : memref<14x3276xf32, #tpu.memory_space<vmem>>[vector<16xi32>, vector<16xi32>], vector<16xf32>,
      %parallel_loop3A_307 = tpu.vector_load_idx %arg4[%broadcast_in_dim3A_11, %parallel_loop3A_302] : memref<14x1664xf32, #tpu.memory_space<vmem>>[vector<16xi32>, vector<16xi32>], vector<16xf32>,
      tpu.vector_store_idx %arg6[%broadcast_in_dim3A_11, %parallel_loop3A_299], %parallel_loop3A_307 : memref<14x3276xf32, #tpu.memory_space<vmem>>[vector<16xi32>, vector<16xi32>], vector<16xf32>,
      %parallel_loop3A_308 = tpu.vector_load_idx %arg4[%broadcast_in_dim3A_13, %parallel_loop3A_302] : memref<14x1664xf32, #tpu.memory_space<vmem>>[vector<16xi32>, vector<16xi32>], vector<16xf32>,
      tpu.vector_store_idx %arg6[%broadcast_in_dim3A_13, %parallel_loop3A_299], %parallel_loop3A_308 : memref<14x3276xf32, #tpu.memory_space<vmem>>[vector<16xi32>, vector<16xi32>], vector<16xf32>,
      %parallel_loop3A_309 = tpu.vector_load_idx %arg4[%broadcast_in_dim3A_15, %parallel_loop3A_302] : memref<14x1664xf32, #tpu.memory_space<vmem>>[vector<16xi32>, vector<16xi32>], vector<16xf32>,
      tpu.vector_store_idx %arg6[%broadcast_in_dim3A_15, %parallel_loop3A_299], %parallel_loop3A_309 : memref<14x3276xf32, #tpu.memory_space<vmem>>[vector<16xi32>, vector<16xi32>], vector<16xf32>,
      %parallel_loop3A_310 = tpu.vector_load_idx %arg4[%broadcast_in_dim3A_17, %parallel_loop3A_302] : memref<14x1664xf32, #tpu.memory_space<vmem>>[vector<16xi32>, vector<16xi32>], vector<16xf32>,
      tpu.vector_store_idx %arg6[%broadcast_in_dim3A_17, %parallel_loop3A_299], %parallel_loop3A_310 : memref<14x3276xf32, #tpu.memory_space<vmem>>[vector<16xi32>, vector<16xi32>], vector<16xf32>,
      %parallel_loop3A_311 = tpu.vector_load_idx %arg4[%broadcast_in_dim3A_19, %parallel_loop3A_302] : memref<14x1664xf32, #tpu.memory_space<vmem>>[vector<16xi32>, vector<16xi32>], vector<16xf32>,
      tpu.vector_store_idx %arg6[%broadcast_in_dim3A_19, %parallel_loop3A_299], %parallel_loop3A_311 : memref<14x3276xf32, #tpu.memory_space<vmem>>[vector<16xi32>, vector<16xi32>], vector<16xf32>,
      %parallel_loop3A_312 = tpu.vector_load_idx %arg4[%broadcast_in_dim3A_21, %parallel_loop3A_302] : memref<14x1664xf32, #tpu.memory_space<vmem>>[vector<16xi32>, vector<16xi32>], vector<16xf32>,
      tpu.vector_store_idx %arg6[%broadcast_in_dim3A_21, %parallel_loop3A_299], %parallel_loop3A_312 : memref<14x3276xf32, #tpu.memory_space<vmem>>[vector<16xi32>, vector<16xi32>], vector<16xf32>,
      %parallel_loop3A_313 = tpu.vector_load_idx %arg4[%broadcast_in_dim3A_23, %parallel_loop3A_302] : memref<14x1664xf32, #tpu.memory_space<vmem>>[vector<16xi32>, vector<16xi32>], vector<16xf32>,
      tpu.vector_store_idx %arg6[%broadcast_in_dim3A_23, %parallel_loop3A_299], %parallel_loop3A_313 : memref<14x3276xf32, #tpu.memory_space<vmem>>[vector<16xi32>, vector<16xi32>], vector<16xf32>,
      %parallel_loop3A_314 = tpu.vector_load_idx %arg4[%broadcast_in_dim3A_25, %parallel_loop3A_302] : memref<14x1664xf32, #tpu.memory_space<vmem>>[vector<16xi32>, vector<16xi32>], vector<16xf32>,
      tpu.vector_store_idx %arg6[%broadcast_in_dim3A_25, %parallel_loop3A_299], %parallel_loop3A_314 : memref<14x3276xf32, #tpu.memory_space<vmem>>[vector<16xi32>, vector<16xi32>], vector<16xf32>,
      %parallel_loop3A_315 = tpu.vector_load_idx %arg4[%broadcast_in_dim3A_27, %parallel_loop3A_302] : memref<14x1664xf32, #tpu.memory_space<vmem>>[vector<16xi32>, vector<16xi32>], vector<16xf32>,
      tpu.vector_store_idx %arg6[%broadcast_in_dim3A_27, %parallel_loop3A_299], %parallel_loop3A_315 : memref<14x3276xf32, #tpu.memory_space<vmem>>[vector<16xi32>, vector<16xi32>], vector<16xf32>,
      %parallel_loop3A_316 = tpu.vector_load_idx %arg4[%broadcast_in_dim3A_29, %parallel_loop3A_302] : memref<14x1664xf32, #tpu.memory_space<vmem>>[vector<16xi32>, vector<16xi32>], vector<16xf32>,
      tpu.vector_store_idx %arg6[%broadcast_in_dim3A_29, %parallel_loop3A_299], %parallel_loop3A_316 : memref<14x3276xf32, #tpu.memory_space<vmem>>[vector<16xi32>, vector<16xi32>], vector<16xf32>,
    } {sc.loop_unroll_factor = 2 : i64, sc.parallel_access}
    %add3A_126 = arith.constant 2 : i32
    %add3A_127 = arith.addi %mul3A_2, %add3A_126 : i32
    %dma_start3A_128 = arith.constant 0 : i32
    %dma_start3A_129 = arith.constant 384 : i32
    %dma_start3A_130 = tpu.memref_slice %arg2[%add3A_127, %dma_start3A_128, %dma_start3A_129] : memref<128x14x4096xf32, #tpu.memory_space<hbm>> -> memref<1x14x1664xf32, #tpu.memory_space<hbm>>
    %dma_start3A_131 = tpu.memref_squeeze %dma_start3A_130 : memref<1x14x1664xf32, #tpu.memory_space<hbm>> -> memref<14x1664xf32, #tpu.memory_space<hbm>>
    %dma_start3A_132 = arith.constant 0 : i32
    %dma_start3A_133 = arith.constant 384 : i32
    %dma_start3A_134 = tpu.memref_slice %arg2[%add3A_127, %dma_start3A_132, %dma_start3A_133] : memref<128x14x4096xf32, #tpu.memory_space<hbm>> -> memref<1x14x1664xf32, #tpu.memory_space<hbm>>
    %dma_start3A_135 = tpu.memref_squeeze %dma_start3A_134 : memref<1x14x1664xf32, #tpu.memory_space<hbm>> -> memref<14x1664xf32, #tpu.memory_space<hbm>>
    tpu.enqueue_dma source(%dma_start3A_135 : memref<14x1664xf32, #tpu.memory_space<hbm>>) target(%arg4 : memref<14x1664xf32, #tpu.memory_space<vmem>>) target_semaphore(%arg7 : memref<!tpu.dma_semaphore, #tpu.memory_space<semaphore_mem>>)
    %add3A_136 = arith.constant 1 : i32
    %add3A_137 = arith.addi %mul3A_2, %add3A_136 : i32
    %dma_wait3A_138 = arith.constant 0 : i32
    %dma_wait3A_139 = arith.constant 2048 : i32
    %dma_wait3A_140 = tpu.memref_slice %arg2[%add3A_137, %dma_wait3A_138, %dma_wait3A_139] : memref<128x14x4096xf32, #tpu.memory_space<hbm>> -> memref<1x14x1664xf32, #tpu.memory_space<hbm>>
    %dma_wait3A_141 = tpu.memref_squeeze %dma_wait3A_140 : memref<1x14x1664xf32, #tpu.memory_space<hbm>> -> memref<14x1664xf32, #tpu.memory_space<hbm>>
    %dma_wait3A_142 = arith.constant 0 : i32
    %dma_wait3A_143 = arith.constant 2048 : i32
    %dma_wait3A_144 = tpu.memref_slice %arg2[%add3A_137, %dma_wait3A_142, %dma_wait3A_143] : memref<128x14x4096xf32, #tpu.memory_space<hbm>> -> memref<1x14x1664xf32, #tpu.memory_space<hbm>>
    %dma_wait3A_145 = tpu.memref_squeeze %dma_wait3A_144 : memref<1x14x1664xf32, #tpu.memory_space<hbm>> -> memref<14x1664xf32, #tpu.memory_space<hbm>>
    tpu.wait_dma2 semaphore(%arg8 : memref<!tpu.dma_semaphore, #tpu.memory_space<semaphore_mem>>) src(%dma_wait3A_145 : memref<14x1664xf32, #tpu.memory_space<hbm>>) dst(%arg5 : memref<14x1664xf32, #tpu.memory_space<vmem>>)
    %parallel_loop3A_146 = arith.constant 0 : i32
    %parallel_loop3A_147 = arith.constant 103 : i32
    %parallel_loop3A_148 = arith.constant 1 : i32
    scf.for %parallel_loop3A_291 = %parallel_loop3A_146 to %parallel_loop3A_147 step %parallel_loop3A_148  : i32 {
      %parallel_loop3A_292 = arith.constant 16 : i32
      %parallel_loop3A_293 = arith.muli %parallel_loop3A_291, %parallel_loop3A_292 : i32
      %parallel_loop3A_294 = arith.constant 1622 : i32
      %parallel_loop3A_295 = arith.minsi %parallel_loop3A_293, %parallel_loop3A_294 : i32
      %parallel_loop3A_296 = arith.constant 1638 : i32
      %parallel_loop3A_297 = arith.addi %parallel_loop3A_295, %parallel_loop3A_296 : i32
      %parallel_loop3A_298 = vector.broadcast %parallel_loop3A_297 : i32 to vector<16xi32>
      %parallel_loop3A_299 = arith.addi %iota3A, %parallel_loop3A_298 : vector<16xi32>
      %parallel_loop3A_300 = arith.constant -1637 : i32
      %parallel_loop3A_301 = vector.broadcast %parallel_loop3A_300 : i32 to vector<16xi32>
      %parallel_loop3A_302 = arith.addi %parallel_loop3A_299, %parallel_loop3A_301 : vector<16xi32>
      %parallel_loop3A_303 = tpu.vector_load_idx %arg5[%broadcast_in_dim3A_3, %parallel_loop3A_302] : memref<14x1664xf32, #tpu.memory_space<vmem>>[vector<16xi32>, vector<16xi32>], vector<16xf32>,
      tpu.vector_store_idx %arg6[%broadcast_in_dim3A_3, %parallel_loop3A_299], %parallel_loop3A_303 : memref<14x3276xf32, #tpu.memory_space<vmem>>[vector<16xi32>, vector<16xi32>], vector<16xf32>,
      %parallel_loop3A_304 = tpu.vector_load_idx %arg5[%broadcast_in_dim3A_5, %parallel_loop3A_302] : memref<14x1664xf32, #tpu.memory_space<vmem>>[vector<16xi32>, vector<16xi32>], vector<16xf32>,
      tpu.vector_store_idx %arg6[%broadcast_in_dim3A_5, %parallel_loop3A_299], %parallel_loop3A_304 : memref<14x3276xf32, #tpu.memory_space<vmem>>[vector<16xi32>, vector<16xi32>], vector<16xf32>,
      %parallel_loop3A_305 = tpu.vector_load_idx %arg5[%broadcast_in_dim3A_7, %parallel_loop3A_302] : memref<14x1664xf32, #tpu.memory_space<vmem>>[vector<16xi32>, vector<16xi32>], vector<16xf32>,
      tpu.vector_store_idx %arg6[%broadcast_in_dim3A_7, %parallel_loop3A_299], %parallel_loop3A_305 : memref<14x3276xf32, #tpu.memory_space<vmem>>[vector<16xi32>, vector<16xi32>], vector<16xf32>,
      %parallel_loop3A_306 = tpu.vector_load_idx %arg5[%broadcast_in_dim3A_9, %parallel_loop3A_302] : memref<14x1664xf32, #tpu.memory_space<vmem>>[vector<16xi32>, vector<16xi32>], vector<16xf32>,
      tpu.vector_store_idx %arg6[%broadcast_in_dim3A_9, %parallel_loop3A_299], %parallel_loop3A_306 : memref<14x3276xf32, #tpu.memory_space<vmem>>[vector<16xi32>, vector<16xi32>], vector<16xf32>,
      %parallel_loop3A_307 = tpu.vector_load_idx %arg5[%broadcast_in_dim3A_11, %parallel_loop3A_302] : memref<14x1664xf32, #tpu.memory_space<vmem>>[vector<16xi32>, vector<16xi32>], vector<16xf32>,
      tpu.vector_store_idx %arg6[%broadcast_in_dim3A_11, %parallel_loop3A_299], %parallel_loop3A_307 : memref<14x3276xf32, #tpu.memory_space<vmem>>[vector<16xi32>, vector<16xi32>], vector<16xf32>,
      %parallel_loop3A_308 = tpu.vector_load_idx %arg5[%broadcast_in_dim3A_13, %parallel_loop3A_302] : memref<14x1664xf32, #tpu.memory_space<vmem>>[vector<16xi32>, vector<16xi32>], vector<16xf32>,
      tpu.vector_store_idx %arg6[%broadcast_in_dim3A_13, %parallel_loop3A_299], %parallel_loop3A_308 : memref<14x3276xf32, #tpu.memory_space<vmem>>[vector<16xi32>, vector<16xi32>], vector<16xf32>,
      %parallel_loop3A_309 = tpu.vector_load_idx %arg5[%broadcast_in_dim3A_15, %parallel_loop3A_302] : memref<14x1664xf32, #tpu.memory_space<vmem>>[vector<16xi32>, vector<16xi32>], vector<16xf32>,
      tpu.vector_store_idx %arg6[%broadcast_in_dim3A_15, %parallel_loop3A_299], %parallel_loop3A_309 : memref<14x3276xf32, #tpu.memory_space<vmem>>[vector<16xi32>, vector<16xi32>], vector<16xf32>,
      %parallel_loop3A_310 = tpu.vector_load_idx %arg5[%broadcast_in_dim3A_17, %parallel_loop3A_302] : memref<14x1664xf32, #tpu.memory_space<vmem>>[vector<16xi32>, vector<16xi32>], vector<16xf32>,
      tpu.vector_store_idx %arg6[%broadcast_in_dim3A_17, %parallel_loop3A_299], %parallel_loop3A_310 : memref<14x3276xf32, #tpu.memory_space<vmem>>[vector<16xi32>, vector<16xi32>], vector<16xf32>,
      %parallel_loop3A_311 = tpu.vector_load_idx %arg5[%broadcast_in_dim3A_19, %parallel_loop3A_302] : memref<14x1664xf32, #tpu.memory_space<vmem>>[vector<16xi32>, vector<16xi32>], vector<16xf32>,
      tpu.vector_store_idx %arg6[%broadcast_in_dim3A_19, %parallel_loop3A_299], %parallel_loop3A_311 : memref<14x3276xf32, #tpu.memory_space<vmem>>[vector<16xi32>, vector<16xi32>], vector<16xf32>,
      %parallel_loop3A_312 = tpu.vector_load_idx %arg5[%broadcast_in_dim3A_21, %parallel_loop3A_302] : memref<14x1664xf32, #tpu.memory_space<vmem>>[vector<16xi32>, vector<16xi32>], vector<16xf32>,
      tpu.vector_store_idx %arg6[%broadcast_in_dim3A_21, %parallel_loop3A_299], %parallel_loop3A_312 : memref<14x3276xf32, #tpu.memory_space<vmem>>[vector<16xi32>, vector<16xi32>], vector<16xf32>,
      %parallel_loop3A_313 = tpu.vector_load_idx %arg5[%broadcast_in_dim3A_23, %parallel_loop3A_302] : memref<14x1664xf32, #tpu.memory_space<vmem>>[vector<16xi32>, vector<16xi32>], vector<16xf32>,
      tpu.vector_store_idx %arg6[%broadcast_in_dim3A_23, %parallel_loop3A_299], %parallel_loop3A_313 : memref<14x3276xf32, #tpu.memory_space<vmem>>[vector<16xi32>, vector<16xi32>], vector<16xf32>,
      %parallel_loop3A_314 = tpu.vector_load_idx %arg5[%broadcast_in_dim3A_25, %parallel_loop3A_302] : memref<14x1664xf32, #tpu.memory_space<vmem>>[vector<16xi32>, vector<16xi32>], vector<16xf32>,
      tpu.vector_store_idx %arg6[%broadcast_in_dim3A_25, %parallel_loop3A_299], %parallel_loop3A_314 : memref<14x3276xf32, #tpu.memory_space<vmem>>[vector<16xi32>, vector<16xi32>], vector<16xf32>,
      %parallel_loop3A_315 = tpu.vector_load_idx %arg5[%broadcast_in_dim3A_27, %parallel_loop3A_302] : memref<14x1664xf32, #tpu.memory_space<vmem>>[vector<16xi32>, vector<16xi32>], vector<16xf32>,
      tpu.vector_store_idx %arg6[%broadcast_in_dim3A_27, %parallel_loop3A_299], %parallel_loop3A_315 : memref<14x3276xf32, #tpu.memory_space<vmem>>[vector<16xi32>, vector<16xi32>], vector<16xf32>,
      %parallel_loop3A_316 = tpu.vector_load_idx %arg5[%broadcast_in_dim3A_29, %parallel_loop3A_302] : memref<14x1664xf32, #tpu.memory_space<vmem>>[vector<16xi32>, vector<16xi32>], vector<16xf32>,
      tpu.vector_store_idx %arg6[%broadcast_in_dim3A_29, %parallel_loop3A_299], %parallel_loop3A_316 : memref<14x3276xf32, #tpu.memory_space<vmem>>[vector<16xi32>, vector<16xi32>], vector<16xf32>,
    } {sc.loop_unroll_factor = 2 : i64, sc.parallel_access}
    %add3A_149 = arith.constant 1 : i32
    %add3A_150 = arith.addi %mul3A_2, %add3A_149 : i32
    %dma_start3A_151 = arith.constant 0 : i32
    %dma_start3A_152 = arith.constant 0 : i32
    %dma_start3A_153 = tpu.memref_slice %arg3[%add3A_150, %dma_start3A_151, %dma_start3A_152] : memref<128x14x3276xf32, #tpu.memory_space<hbm>> -> memref<1x14x3276xf32, #tpu.memory_space<hbm>>
    %dma_start3A_154 = tpu.memref_squeeze %dma_start3A_153 : memref<1x14x3276xf32, #tpu.memory_space<hbm>> -> memref<14x3276xf32, #tpu.memory_space<hbm>>
    %dma_start3A_155 = arith.constant 0 : i32
    %dma_start3A_156 = arith.constant 0 : i32
    %dma_start3A_157 = tpu.memref_slice %arg3[%add3A_150, %dma_start3A_155, %dma_start3A_156] : memref<128x14x3276xf32, #tpu.memory_space<hbm>> -> memref<1x14x3276xf32, #tpu.memory_space<hbm>>
    %dma_start3A_158 = tpu.memref_squeeze %dma_start3A_157 : memref<1x14x3276xf32, #tpu.memory_space<hbm>> -> memref<14x3276xf32, #tpu.memory_space<hbm>>
    tpu.enqueue_dma source(%arg6 : memref<14x3276xf32, #tpu.memory_space<vmem>>) target(%dma_start3A_158 : memref<14x3276xf32, #tpu.memory_space<hbm>>) target_semaphore(%arg9 : memref<!tpu.dma_semaphore, #tpu.memory_space<semaphore_mem>>)
    %add3A_159 = arith.constant 2 : i32
    %add3A_160 = arith.addi %mul3A_2, %add3A_159 : i32
    %dma_start3A_161 = arith.constant 0 : i32
    %dma_start3A_162 = arith.constant 2048 : i32
    %dma_start3A_163 = tpu.memref_slice %arg2[%add3A_160, %dma_start3A_161, %dma_start3A_162] : memref<128x14x4096xf32, #tpu.memory_space<hbm>> -> memref<1x14x1664xf32, #tpu.memory_space<hbm>>
    %dma_start3A_164 = tpu.memref_squeeze %dma_start3A_163 : memref<1x14x1664xf32, #tpu.memory_space<hbm>> -> memref<14x1664xf32, #tpu.memory_space<hbm>>
    %dma_start3A_165 = arith.constant 0 : i32
    %dma_start3A_166 = arith.constant 2048 : i32
    %dma_start3A_167 = tpu.memref_slice %arg2[%add3A_160, %dma_start3A_165, %dma_start3A_166] : memref<128x14x4096xf32, #tpu.memory_space<hbm>> -> memref<1x14x1664xf32, #tpu.memory_space<hbm>>
    %dma_start3A_168 = tpu.memref_squeeze %dma_start3A_167 : memref<1x14x1664xf32, #tpu.memory_space<hbm>> -> memref<14x1664xf32, #tpu.memory_space<hbm>>
    tpu.enqueue_dma source(%dma_start3A_168 : memref<14x1664xf32, #tpu.memory_space<hbm>>) target(%arg5 : memref<14x1664xf32, #tpu.memory_space<vmem>>) target_semaphore(%arg8 : memref<!tpu.dma_semaphore, #tpu.memory_space<semaphore_mem>>)
    %add3A_169 = arith.constant 2 : i32
    %add3A_170 = arith.addi %mul3A_2, %add3A_169 : i32
    %dma_wait3A_171 = arith.constant 0 : i32
    %dma_wait3A_172 = arith.constant 384 : i32
    %dma_wait3A_173 = tpu.memref_slice %arg2[%add3A_170, %dma_wait3A_171, %dma_wait3A_172] : memref<128x14x4096xf32, #tpu.memory_space<hbm>> -> memref<1x14x1664xf32, #tpu.memory_space<hbm>>
    %dma_wait3A_174 = tpu.memref_squeeze %dma_wait3A_173 : memref<1x14x1664xf32, #tpu.memory_space<hbm>> -> memref<14x1664xf32, #tpu.memory_space<hbm>>
    %dma_wait3A_175 = arith.constant 0 : i32
    %dma_wait3A_176 = arith.constant 384 : i32
    %dma_wait3A_177 = tpu.memref_slice %arg2[%add3A_170, %dma_wait3A_175, %dma_wait3A_176] : memref<128x14x4096xf32, #tpu.memory_space<hbm>> -> memref<1x14x1664xf32, #tpu.memory_space<hbm>>
    %dma_wait3A_178 = tpu.memref_squeeze %dma_wait3A_177 : memref<1x14x1664xf32, #tpu.memory_space<hbm>> -> memref<14x1664xf32, #tpu.memory_space<hbm>>
    tpu.wait_dma2 semaphore(%arg7 : memref<!tpu.dma_semaphore, #tpu.memory_space<semaphore_mem>>) src(%dma_wait3A_178 : memref<14x1664xf32, #tpu.memory_space<hbm>>) dst(%arg4 : memref<14x1664xf32, #tpu.memory_space<vmem>>)
    %add3A_179 = arith.constant 1 : i32
    %add3A_180 = arith.addi %mul3A_2, %add3A_179 : i32
    %dma_wait3A_181 = arith.constant 0 : i32
    %dma_wait3A_182 = arith.constant 0 : i32
    %dma_wait3A_183 = tpu.memref_slice %arg3[%add3A_180, %dma_wait3A_181, %dma_wait3A_182] : memref<128x14x3276xf32, #tpu.memory_space<hbm>> -> memref<1x14x3276xf32, #tpu.memory_space<hbm>>
    %dma_wait3A_184 = tpu.memref_squeeze %dma_wait3A_183 : memref<1x14x3276xf32, #tpu.memory_space<hbm>> -> memref<14x3276xf32, #tpu.memory_space<hbm>>
    %dma_wait3A_185 = arith.constant 0 : i32
    %dma_wait3A_186 = arith.constant 0 : i32
    %dma_wait3A_187 = tpu.memref_slice %arg3[%add3A_180, %dma_wait3A_185, %dma_wait3A_186] : memref<128x14x3276xf32, #tpu.memory_space<hbm>> -> memref<1x14x3276xf32, #tpu.memory_space<hbm>>
    %dma_wait3A_188 = tpu.memref_squeeze %dma_wait3A_187 : memref<1x14x3276xf32, #tpu.memory_space<hbm>> -> memref<14x3276xf32, #tpu.memory_space<hbm>>
    tpu.wait_dma2 semaphore(%arg9 : memref<!tpu.dma_semaphore, #tpu.memory_space<semaphore_mem>>) src(%arg6 : memref<14x3276xf32, #tpu.memory_space<vmem>>) dst(%dma_wait3A_188 : memref<14x3276xf32, #tpu.memory_space<hbm>>)
    %parallel_loop3A_189 = arith.constant 0 : i32
    %parallel_loop3A_190 = arith.constant 103 : i32
    %parallel_loop3A_191 = arith.constant 1 : i32
    scf.for %parallel_loop3A_291 = %parallel_loop3A_189 to %parallel_loop3A_190 step %parallel_loop3A_191  : i32 {
      %parallel_loop3A_292 = arith.constant 16 : i32
      %parallel_loop3A_293 = arith.muli %parallel_loop3A_291, %parallel_loop3A_292 : i32
      %parallel_loop3A_294 = arith.constant 1622 : i32
      %parallel_loop3A_295 = arith.minsi %parallel_loop3A_293, %parallel_loop3A_294 : i32
      %parallel_loop3A_296 = arith.constant 0 : i32
      %parallel_loop3A_297 = arith.addi %parallel_loop3A_295, %parallel_loop3A_296 : i32
      %parallel_loop3A_298 = vector.broadcast %parallel_loop3A_297 : i32 to vector<16xi32>
      %parallel_loop3A_299 = arith.addi %iota3A, %parallel_loop3A_298 : vector<16xi32>
      %parallel_loop3A_300 = arith.constant 26 : i32
      %parallel_loop3A_301 = vector.broadcast %parallel_loop3A_300 : i32 to vector<16xi32>
      %parallel_loop3A_302 = arith.addi %parallel_loop3A_299, %parallel_loop3A_301 : vector<16xi32>
      %parallel_loop3A_303 = tpu.vector_load_idx %arg4[%broadcast_in_dim3A_3, %parallel_loop3A_302] : memref<14x1664xf32, #tpu.memory_space<vmem>>[vector<16xi32>, vector<16xi32>], vector<16xf32>,
      tpu.vector_store_idx %arg6[%broadcast_in_dim3A_3, %parallel_loop3A_299], %parallel_loop3A_303 : memref<14x3276xf32, #tpu.memory_space<vmem>>[vector<16xi32>, vector<16xi32>], vector<16xf32>,
      %parallel_loop3A_304 = tpu.vector_load_idx %arg4[%broadcast_in_dim3A_5, %parallel_loop3A_302] : memref<14x1664xf32, #tpu.memory_space<vmem>>[vector<16xi32>, vector<16xi32>], vector<16xf32>,
      tpu.vector_store_idx %arg6[%broadcast_in_dim3A_5, %parallel_loop3A_299], %parallel_loop3A_304 : memref<14x3276xf32, #tpu.memory_space<vmem>>[vector<16xi32>, vector<16xi32>], vector<16xf32>,
      %parallel_loop3A_305 = tpu.vector_load_idx %arg4[%broadcast_in_dim3A_7, %parallel_loop3A_302] : memref<14x1664xf32, #tpu.memory_space<vmem>>[vector<16xi32>, vector<16xi32>], vector<16xf32>,
      tpu.vector_store_idx %arg6[%broadcast_in_dim3A_7, %parallel_loop3A_299], %parallel_loop3A_305 : memref<14x3276xf32, #tpu.memory_space<vmem>>[vector<16xi32>, vector<16xi32>], vector<16xf32>,
      %parallel_loop3A_306 = tpu.vector_load_idx %arg4[%broadcast_in_dim3A_9, %parallel_loop3A_302] : memref<14x1664xf32, #tpu.memory_space<vmem>>[vector<16xi32>, vector<16xi32>], vector<16xf32>,
      tpu.vector_store_idx %arg6[%broadcast_in_dim3A_9, %parallel_loop3A_299], %parallel_loop3A_306 : memref<14x3276xf32, #tpu.memory_space<vmem>>[vector<16xi32>, vector<16xi32>], vector<16xf32>,
      %parallel_loop3A_307 = tpu.vector_load_idx %arg4[%broadcast_in_dim3A_11, %parallel_loop3A_302] : memref<14x1664xf32, #tpu.memory_space<vmem>>[vector<16xi32>, vector<16xi32>], vector<16xf32>,
      tpu.vector_store_idx %arg6[%broadcast_in_dim3A_11, %parallel_loop3A_299], %parallel_loop3A_307 : memref<14x3276xf32, #tpu.memory_space<vmem>>[vector<16xi32>, vector<16xi32>], vector<16xf32>,
      %parallel_loop3A_308 = tpu.vector_load_idx %arg4[%broadcast_in_dim3A_13, %parallel_loop3A_302] : memref<14x1664xf32, #tpu.memory_space<vmem>>[vector<16xi32>, vector<16xi32>], vector<16xf32>,
      tpu.vector_store_idx %arg6[%broadcast_in_dim3A_13, %parallel_loop3A_299], %parallel_loop3A_308 : memref<14x3276xf32, #tpu.memory_space<vmem>>[vector<16xi32>, vector<16xi32>], vector<16xf32>,
      %parallel_loop3A_309 = tpu.vector_load_idx %arg4[%broadcast_in_dim3A_15, %parallel_loop3A_302] : memref<14x1664xf32, #tpu.memory_space<vmem>>[vector<16xi32>, vector<16xi32>], vector<16xf32>,
      tpu.vector_store_idx %arg6[%broadcast_in_dim3A_15, %parallel_loop3A_299], %parallel_loop3A_309 : memref<14x3276xf32, #tpu.memory_space<vmem>>[vector<16xi32>, vector<16xi32>], vector<16xf32>,
      %parallel_loop3A_310 = tpu.vector_load_idx %arg4[%broadcast_in_dim3A_17, %parallel_loop3A_302] : memref<14x1664xf32, #tpu.memory_space<vmem>>[vector<16xi32>, vector<16xi32>], vector<16xf32>,
      tpu.vector_store_idx %arg6[%broadcast_in_dim3A_17, %parallel_loop3A_299], %parallel_loop3A_310 : memref<14x3276xf32, #tpu.memory_space<vmem>>[vector<16xi32>, vector<16xi32>], vector<16xf32>,
      %parallel_loop3A_311 = tpu.vector_load_idx %arg4[%broadcast_in_dim3A_19, %parallel_loop3A_302] : memref<14x1664xf32, #tpu.memory_space<vmem>>[vector<16xi32>, vector<16xi32>], vector<16xf32>,
      tpu.vector_store_idx %arg6[%broadcast_in_dim3A_19, %parallel_loop3A_299], %parallel_loop3A_311 : memref<14x3276xf32, #tpu.memory_space<vmem>>[vector<16xi32>, vector<16xi32>], vector<16xf32>,
      %parallel_loop3A_312 = tpu.vector_load_idx %arg4[%broadcast_in_dim3A_21, %parallel_loop3A_302] : memref<14x1664xf32, #tpu.memory_space<vmem>>[vector<16xi32>, vector<16xi32>], vector<16xf32>,
      tpu.vector_store_idx %arg6[%broadcast_in_dim3A_21, %parallel_loop3A_299], %parallel_loop3A_312 : memref<14x3276xf32, #tpu.memory_space<vmem>>[vector<16xi32>, vector<16xi32>], vector<16xf32>,
      %parallel_loop3A_313 = tpu.vector_load_idx %arg4[%broadcast_in_dim3A_23, %parallel_loop3A_302] : memref<14x1664xf32, #tpu.memory_space<vmem>>[vector<16xi32>, vector<16xi32>], vector<16xf32>,
      tpu.vector_store_idx %arg6[%broadcast_in_dim3A_23, %parallel_loop3A_299], %parallel_loop3A_313 : memref<14x3276xf32, #tpu.memory_space<vmem>>[vector<16xi32>, vector<16xi32>], vector<16xf32>,
      %parallel_loop3A_314 = tpu.vector_load_idx %arg4[%broadcast_in_dim3A_25, %parallel_loop3A_302] : memref<14x1664xf32, #tpu.memory_space<vmem>>[vector<16xi32>, vector<16xi32>], vector<16xf32>,
      tpu.vector_store_idx %arg6[%broadcast_in_dim3A_25, %parallel_loop3A_299], %parallel_loop3A_314 : memref<14x3276xf32, #tpu.memory_space<vmem>>[vector<16xi32>, vector<16xi32>], vector<16xf32>,
      %parallel_loop3A_315 = tpu.vector_load_idx %arg4[%broadcast_in_dim3A_27, %parallel_loop3A_302] : memref<14x1664xf32, #tpu.memory_space<vmem>>[vector<16xi32>, vector<16xi32>], vector<16xf32>,
      tpu.vector_store_idx %arg6[%broadcast_in_dim3A_27, %parallel_loop3A_299], %parallel_loop3A_315 : memref<14x3276xf32, #tpu.memory_space<vmem>>[vector<16xi32>, vector<16xi32>], vector<16xf32>,
      %parallel_loop3A_316 = tpu.vector_load_idx %arg4[%broadcast_in_dim3A_29, %parallel_loop3A_302] : memref<14x1664xf32, #tpu.memory_space<vmem>>[vector<16xi32>, vector<16xi32>], vector<16xf32>,
      tpu.vector_store_idx %arg6[%broadcast_in_dim3A_29, %parallel_loop3A_299], %parallel_loop3A_316 : memref<14x3276xf32, #tpu.memory_space<vmem>>[vector<16xi32>, vector<16xi32>], vector<16xf32>,
    } {sc.loop_unroll_factor = 2 : i64, sc.parallel_access}
    %add3A_192 = arith.constant 3 : i32
    %add3A_193 = arith.addi %mul3A_2, %add3A_192 : i32
    %dma_start3A_194 = arith.constant 0 : i32
    %dma_start3A_195 = arith.constant 384 : i32
    %dma_start3A_196 = tpu.memref_slice %arg2[%add3A_193, %dma_start3A_194, %dma_start3A_195] : memref<128x14x4096xf32, #tpu.memory_space<hbm>> -> memref<1x14x1664xf32, #tpu.memory_space<hbm>>
    %dma_start3A_197 = tpu.memref_squeeze %dma_start3A_196 : memref<1x14x1664xf32, #tpu.memory_space<hbm>> -> memref<14x1664xf32, #tpu.memory_space<hbm>>
    %dma_start3A_198 = arith.constant 0 : i32
    %dma_start3A_199 = arith.constant 384 : i32
    %dma_start3A_200 = tpu.memref_slice %arg2[%add3A_193, %dma_start3A_198, %dma_start3A_199] : memref<128x14x4096xf32, #tpu.memory_space<hbm>> -> memref<1x14x1664xf32, #tpu.memory_space<hbm>>
    %dma_start3A_201 = tpu.memref_squeeze %dma_start3A_200 : memref<1x14x1664xf32, #tpu.memory_space<hbm>> -> memref<14x1664xf32, #tpu.memory_space<hbm>>
    tpu.enqueue_dma source(%dma_start3A_201 : memref<14x1664xf32, #tpu.memory_space<hbm>>) target(%arg4 : memref<14x1664xf32, #tpu.memory_space<vmem>>) target_semaphore(%arg7 : memref<!tpu.dma_semaphore, #tpu.memory_space<semaphore_mem>>)
    %add3A_202 = arith.constant 2 : i32
    %add3A_203 = arith.addi %mul3A_2, %add3A_202 : i32
    %dma_wait3A_204 = arith.constant 0 : i32
    %dma_wait3A_205 = arith.constant 2048 : i32
    %dma_wait3A_206 = tpu.memref_slice %arg2[%add3A_203, %dma_wait3A_204, %dma_wait3A_205] : memref<128x14x4096xf32, #tpu.memory_space<hbm>> -> memref<1x14x1664xf32, #tpu.memory_space<hbm>>
    %dma_wait3A_207 = tpu.memref_squeeze %dma_wait3A_206 : memref<1x14x1664xf32, #tpu.memory_space<hbm>> -> memref<14x1664xf32, #tpu.memory_space<hbm>>
    %dma_wait3A_208 = arith.constant 0 : i32
    %dma_wait3A_209 = arith.constant 2048 : i32
    %dma_wait3A_210 = tpu.memref_slice %arg2[%add3A_203, %dma_wait3A_208, %dma_wait3A_209] : memref<128x14x4096xf32, #tpu.memory_space<hbm>> -> memref<1x14x1664xf32, #tpu.memory_space<hbm>>
    %dma_wait3A_211 = tpu.memref_squeeze %dma_wait3A_210 : memref<1x14x1664xf32, #tpu.memory_space<hbm>> -> memref<14x1664xf32, #tpu.memory_space<hbm>>
    tpu.wait_dma2 semaphore(%arg8 : memref<!tpu.dma_semaphore, #tpu.memory_space<semaphore_mem>>) src(%dma_wait3A_211 : memref<14x1664xf32, #tpu.memory_space<hbm>>) dst(%arg5 : memref<14x1664xf32, #tpu.memory_space<vmem>>)
    %parallel_loop3A_212 = arith.constant 0 : i32
    %parallel_loop3A_213 = arith.constant 103 : i32
    %parallel_loop3A_214 = arith.constant 1 : i32
    scf.for %parallel_loop3A_291 = %parallel_loop3A_212 to %parallel_loop3A_213 step %parallel_loop3A_214  : i32 {
      %parallel_loop3A_292 = arith.constant 16 : i32
      %parallel_loop3A_293 = arith.muli %parallel_loop3A_291, %parallel_loop3A_292 : i32
      %parallel_loop3A_294 = arith.constant 1622 : i32
      %parallel_loop3A_295 = arith.minsi %parallel_loop3A_293, %parallel_loop3A_294 : i32
      %parallel_loop3A_296 = arith.constant 1638 : i32
      %parallel_loop3A_297 = arith.addi %parallel_loop3A_295, %parallel_loop3A_296 : i32
      %parallel_loop3A_298 = vector.broadcast %parallel_loop3A_297 : i32 to vector<16xi32>
      %parallel_loop3A_299 = arith.addi %iota3A, %parallel_loop3A_298 : vector<16xi32>
      %parallel_loop3A_300 = arith.constant -1637 : i32
      %parallel_loop3A_301 = vector.broadcast %parallel_loop3A_300 : i32 to vector<16xi32>
      %parallel_loop3A_302 = arith.addi %parallel_loop3A_299, %parallel_loop3A_301 : vector<16xi32>
      %parallel_loop3A_303 = tpu.vector_load_idx %arg5[%broadcast_in_dim3A_3, %parallel_loop3A_302] : memref<14x1664xf32, #tpu.memory_space<vmem>>[vector<16xi32>, vector<16xi32>], vector<16xf32>,
      tpu.vector_store_idx %arg6[%broadcast_in_dim3A_3, %parallel_loop3A_299], %parallel_loop3A_303 : memref<14x3276xf32, #tpu.memory_space<vmem>>[vector<16xi32>, vector<16xi32>], vector<16xf32>,
      %parallel_loop3A_304 = tpu.vector_load_idx %arg5[%broadcast_in_dim3A_5, %parallel_loop3A_302] : memref<14x1664xf32, #tpu.memory_space<vmem>>[vector<16xi32>, vector<16xi32>], vector<16xf32>,
      tpu.vector_store_idx %arg6[%broadcast_in_dim3A_5, %parallel_loop3A_299], %parallel_loop3A_304 : memref<14x3276xf32, #tpu.memory_space<vmem>>[vector<16xi32>, vector<16xi32>], vector<16xf32>,
      %parallel_loop3A_305 = tpu.vector_load_idx %arg5[%broadcast_in_dim3A_7, %parallel_loop3A_302] : memref<14x1664xf32, #tpu.memory_space<vmem>>[vector<16xi32>, vector<16xi32>], vector<16xf32>,
      tpu.vector_store_idx %arg6[%broadcast_in_dim3A_7, %parallel_loop3A_299], %parallel_loop3A_305 : memref<14x3276xf32, #tpu.memory_space<vmem>>[vector<16xi32>, vector<16xi32>], vector<16xf32>,
      %parallel_loop3A_306 = tpu.vector_load_idx %arg5[%broadcast_in_dim3A_9, %parallel_loop3A_302] : memref<14x1664xf32, #tpu.memory_space<vmem>>[vector<16xi32>, vector<16xi32>], vector<16xf32>,
      tpu.vector_store_idx %arg6[%broadcast_in_dim3A_9, %parallel_loop3A_299], %parallel_loop3A_306 : memref<14x3276xf32, #tpu.memory_space<vmem>>[vector<16xi32>, vector<16xi32>], vector<16xf32>,
      %parallel_loop3A_307 = tpu.vector_load_idx %arg5[%broadcast_in_dim3A_11, %parallel_loop3A_302] : memref<14x1664xf32, #tpu.memory_space<vmem>>[vector<16xi32>, vector<16xi32>], vector<16xf32>,
      tpu.vector_store_idx %arg6[%broadcast_in_dim3A_11, %parallel_loop3A_299], %parallel_loop3A_307 : memref<14x3276xf32, #tpu.memory_space<vmem>>[vector<16xi32>, vector<16xi32>], vector<16xf32>,
      %parallel_loop3A_308 = tpu.vector_load_idx %arg5[%broadcast_in_dim3A_13, %parallel_loop3A_302] : memref<14x1664xf32, #tpu.memory_space<vmem>>[vector<16xi32>, vector<16xi32>], vector<16xf32>,
      tpu.vector_store_idx %arg6[%broadcast_in_dim3A_13, %parallel_loop3A_299], %parallel_loop3A_308 : memref<14x3276xf32, #tpu.memory_space<vmem>>[vector<16xi32>, vector<16xi32>], vector<16xf32>,
      %parallel_loop3A_309 = tpu.vector_load_idx %arg5[%broadcast_in_dim3A_15, %parallel_loop3A_302] : memref<14x1664xf32, #tpu.memory_space<vmem>>[vector<16xi32>, vector<16xi32>], vector<16xf32>,
      tpu.vector_store_idx %arg6[%broadcast_in_dim3A_15, %parallel_loop3A_299], %parallel_loop3A_309 : memref<14x3276xf32, #tpu.memory_space<vmem>>[vector<16xi32>, vector<16xi32>], vector<16xf32>,
      %parallel_loop3A_310 = tpu.vector_load_idx %arg5[%broadcast_in_dim3A_17, %parallel_loop3A_302] : memref<14x1664xf32, #tpu.memory_space<vmem>>[vector<16xi32>, vector<16xi32>], vector<16xf32>,
      tpu.vector_store_idx %arg6[%broadcast_in_dim3A_17, %parallel_loop3A_299], %parallel_loop3A_310 : memref<14x3276xf32, #tpu.memory_space<vmem>>[vector<16xi32>, vector<16xi32>], vector<16xf32>,
      %parallel_loop3A_311 = tpu.vector_load_idx %arg5[%broadcast_in_dim3A_19, %parallel_loop3A_302] : memref<14x1664xf32, #tpu.memory_space<vmem>>[vector<16xi32>, vector<16xi32>], vector<16xf32>,
      tpu.vector_store_idx %arg6[%broadcast_in_dim3A_19, %parallel_loop3A_299], %parallel_loop3A_311 : memref<14x3276xf32, #tpu.memory_space<vmem>>[vector<16xi32>, vector<16xi32>], vector<16xf32>,
      %parallel_loop3A_312 = tpu.vector_load_idx %arg5[%broadcast_in_dim3A_21, %parallel_loop3A_302] : memref<14x1664xf32, #tpu.memory_space<vmem>>[vector<16xi32>, vector<16xi32>], vector<16xf32>,
      tpu.vector_store_idx %arg6[%broadcast_in_dim3A_21, %parallel_loop3A_299], %parallel_loop3A_312 : memref<14x3276xf32, #tpu.memory_space<vmem>>[vector<16xi32>, vector<16xi32>], vector<16xf32>,
      %parallel_loop3A_313 = tpu.vector_load_idx %arg5[%broadcast_in_dim3A_23, %parallel_loop3A_302] : memref<14x1664xf32, #tpu.memory_space<vmem>>[vector<16xi32>, vector<16xi32>], vector<16xf32>,
      tpu.vector_store_idx %arg6[%broadcast_in_dim3A_23, %parallel_loop3A_299], %parallel_loop3A_313 : memref<14x3276xf32, #tpu.memory_space<vmem>>[vector<16xi32>, vector<16xi32>], vector<16xf32>,
      %parallel_loop3A_314 = tpu.vector_load_idx %arg5[%broadcast_in_dim3A_25, %parallel_loop3A_302] : memref<14x1664xf32, #tpu.memory_space<vmem>>[vector<16xi32>, vector<16xi32>], vector<16xf32>,
      tpu.vector_store_idx %arg6[%broadcast_in_dim3A_25, %parallel_loop3A_299], %parallel_loop3A_314 : memref<14x3276xf32, #tpu.memory_space<vmem>>[vector<16xi32>, vector<16xi32>], vector<16xf32>,
      %parallel_loop3A_315 = tpu.vector_load_idx %arg5[%broadcast_in_dim3A_27, %parallel_loop3A_302] : memref<14x1664xf32, #tpu.memory_space<vmem>>[vector<16xi32>, vector<16xi32>], vector<16xf32>,
      tpu.vector_store_idx %arg6[%broadcast_in_dim3A_27, %parallel_loop3A_299], %parallel_loop3A_315 : memref<14x3276xf32, #tpu.memory_space<vmem>>[vector<16xi32>, vector<16xi32>], vector<16xf32>,
      %parallel_loop3A_316 = tpu.vector_load_idx %arg5[%broadcast_in_dim3A_29, %parallel_loop3A_302] : memref<14x1664xf32, #tpu.memory_space<vmem>>[vector<16xi32>, vector<16xi32>], vector<16xf32>,
      tpu.vector_store_idx %arg6[%broadcast_in_dim3A_29, %parallel_loop3A_299], %parallel_loop3A_316 : memref<14x3276xf32, #tpu.memory_space<vmem>>[vector<16xi32>, vector<16xi32>], vector<16xf32>,
    } {sc.loop_unroll_factor = 2 : i64, sc.parallel_access}
    %add3A_215 = arith.constant 2 : i32
    %add3A_216 = arith.addi %mul3A_2, %add3A_215 : i32
    %dma_start3A_217 = arith.constant 0 : i32
    %dma_start3A_218 = arith.constant 0 : i32
    %dma_start3A_219 = tpu.memref_slice %arg3[%add3A_216, %dma_start3A_217, %dma_start3A_218] : memref<128x14x3276xf32, #tpu.memory_space<hbm>> -> memref<1x14x3276xf32, #tpu.memory_space<hbm>>
    %dma_start3A_220 = tpu.memref_squeeze %dma_start3A_219 : memref<1x14x3276xf32, #tpu.memory_space<hbm>> -> memref<14x3276xf32, #tpu.memory_space<hbm>>
    %dma_start3A_221 = arith.constant 0 : i32
    %dma_start3A_222 = arith.constant 0 : i32
    %dma_start3A_223 = tpu.memref_slice %arg3[%add3A_216, %dma_start3A_221, %dma_start3A_222] : memref<128x14x3276xf32, #tpu.memory_space<hbm>> -> memref<1x14x3276xf32, #tpu.memory_space<hbm>>
    %dma_start3A_224 = tpu.memref_squeeze %dma_start3A_223 : memref<1x14x3276xf32, #tpu.memory_space<hbm>> -> memref<14x3276xf32, #tpu.memory_space<hbm>>
    tpu.enqueue_dma source(%arg6 : memref<14x3276xf32, #tpu.memory_space<vmem>>) target(%dma_start3A_224 : memref<14x3276xf32, #tpu.memory_space<hbm>>) target_semaphore(%arg9 : memref<!tpu.dma_semaphore, #tpu.memory_space<semaphore_mem>>)
    %add3A_225 = arith.constant 3 : i32
    %add3A_226 = arith.addi %mul3A_2, %add3A_225 : i32
    %dma_start3A_227 = arith.constant 0 : i32
    %dma_start3A_228 = arith.constant 2048 : i32
    %dma_start3A_229 = tpu.memref_slice %arg2[%add3A_226, %dma_start3A_227, %dma_start3A_228] : memref<128x14x4096xf32, #tpu.memory_space<hbm>> -> memref<1x14x1664xf32, #tpu.memory_space<hbm>>
    %dma_start3A_230 = tpu.memref_squeeze %dma_start3A_229 : memref<1x14x1664xf32, #tpu.memory_space<hbm>> -> memref<14x1664xf32, #tpu.memory_space<hbm>>
    %dma_start3A_231 = arith.constant 0 : i32
    %dma_start3A_232 = arith.constant 2048 : i32
    %dma_start3A_233 = tpu.memref_slice %arg2[%add3A_226, %dma_start3A_231, %dma_start3A_232] : memref<128x14x4096xf32, #tpu.memory_space<hbm>> -> memref<1x14x1664xf32, #tpu.memory_space<hbm>>
    %dma_start3A_234 = tpu.memref_squeeze %dma_start3A_233 : memref<1x14x1664xf32, #tpu.memory_space<hbm>> -> memref<14x1664xf32, #tpu.memory_space<hbm>>
    tpu.enqueue_dma source(%dma_start3A_234 : memref<14x1664xf32, #tpu.memory_space<hbm>>) target(%arg5 : memref<14x1664xf32, #tpu.memory_space<vmem>>) target_semaphore(%arg8 : memref<!tpu.dma_semaphore, #tpu.memory_space<semaphore_mem>>)
    %add3A_235 = arith.constant 3 : i32
    %add3A_236 = arith.addi %mul3A_2, %add3A_235 : i32
    %dma_wait3A_237 = arith.constant 0 : i32
    %dma_wait3A_238 = arith.constant 384 : i32
    %dma_wait3A_239 = tpu.memref_slice %arg2[%add3A_236, %dma_wait3A_237, %dma_wait3A_238] : memref<128x14x4096xf32, #tpu.memory_space<hbm>> -> memref<1x14x1664xf32, #tpu.memory_space<hbm>>
    %dma_wait3A_240 = tpu.memref_squeeze %dma_wait3A_239 : memref<1x14x1664xf32, #tpu.memory_space<hbm>> -> memref<14x1664xf32, #tpu.memory_space<hbm>>
    %dma_wait3A_241 = arith.constant 0 : i32
    %dma_wait3A_242 = arith.constant 384 : i32
    %dma_wait3A_243 = tpu.memref_slice %arg2[%add3A_236, %dma_wait3A_241, %dma_wait3A_242] : memref<128x14x4096xf32, #tpu.memory_space<hbm>> -> memref<1x14x1664xf32, #tpu.memory_space<hbm>>
    %dma_wait3A_244 = tpu.memref_squeeze %dma_wait3A_243 : memref<1x14x1664xf32, #tpu.memory_space<hbm>> -> memref<14x1664xf32, #tpu.memory_space<hbm>>
    tpu.wait_dma2 semaphore(%arg7 : memref<!tpu.dma_semaphore, #tpu.memory_space<semaphore_mem>>) src(%dma_wait3A_244 : memref<14x1664xf32, #tpu.memory_space<hbm>>) dst(%arg4 : memref<14x1664xf32, #tpu.memory_space<vmem>>)
    %add3A_245 = arith.constant 2 : i32
    %add3A_246 = arith.addi %mul3A_2, %add3A_245 : i32
    %dma_wait3A_247 = arith.constant 0 : i32
    %dma_wait3A_248 = arith.constant 0 : i32
    %dma_wait3A_249 = tpu.memref_slice %arg3[%add3A_246, %dma_wait3A_247, %dma_wait3A_248] : memref<128x14x3276xf32, #tpu.memory_space<hbm>> -> memref<1x14x3276xf32, #tpu.memory_space<hbm>>
    %dma_wait3A_250 = tpu.memref_squeeze %dma_wait3A_249 : memref<1x14x3276xf32, #tpu.memory_space<hbm>> -> memref<14x3276xf32, #tpu.memory_space<hbm>>
    %dma_wait3A_251 = arith.constant 0 : i32
    %dma_wait3A_252 = arith.constant 0 : i32
    %dma_wait3A_253 = tpu.memref_slice %arg3[%add3A_246, %dma_wait3A_251, %dma_wait3A_252] : memref<128x14x3276xf32, #tpu.memory_space<hbm>> -> memref<1x14x3276xf32, #tpu.memory_space<hbm>>
    %dma_wait3A_254 = tpu.memref_squeeze %dma_wait3A_253 : memref<1x14x3276xf32, #tpu.memory_space<hbm>> -> memref<14x3276xf32, #tpu.memory_space<hbm>>
    tpu.wait_dma2 semaphore(%arg9 : memref<!tpu.dma_semaphore, #tpu.memory_space<semaphore_mem>>) src(%arg6 : memref<14x3276xf32, #tpu.memory_space<vmem>>) dst(%dma_wait3A_254 : memref<14x3276xf32, #tpu.memory_space<hbm>>)
    %parallel_loop3A_255 = arith.constant 0 : i32
    %parallel_loop3A_256 = arith.constant 103 : i32
    %parallel_loop3A_257 = arith.constant 1 : i32
    scf.for %parallel_loop3A_291 = %parallel_loop3A_255 to %parallel_loop3A_256 step %parallel_loop3A_257  : i32 {
      %parallel_loop3A_292 = arith.constant 16 : i32
      %parallel_loop3A_293 = arith.muli %parallel_loop3A_291, %parallel_loop3A_292 : i32
      %parallel_loop3A_294 = arith.constant 1622 : i32
      %parallel_loop3A_295 = arith.minsi %parallel_loop3A_293, %parallel_loop3A_294 : i32
      %parallel_loop3A_296 = arith.constant 0 : i32
      %parallel_loop3A_297 = arith.addi %parallel_loop3A_295, %parallel_loop3A_296 : i32
      %parallel_loop3A_298 = vector.broadcast %parallel_loop3A_297 : i32 to vector<16xi32>
      %parallel_loop3A_299 = arith.addi %iota3A, %parallel_loop3A_298 : vector<16xi32>
      %parallel_loop3A_300 = arith.constant 26 : i32
      %parallel_loop3A_301 = vector.broadcast %parallel_loop3A_300 : i32 to vector<16xi32>
      %parallel_loop3A_302 = arith.addi %parallel_loop3A_299, %parallel_loop3A_301 : vector<16xi32>
      %parallel_loop3A_303 = tpu.vector_load_idx %arg4[%broadcast_in_dim3A_3, %parallel_loop3A_302] : memref<14x1664xf32, #tpu.memory_space<vmem>>[vector<16xi32>, vector<16xi32>], vector<16xf32>,
      tpu.vector_store_idx %arg6[%broadcast_in_dim3A_3, %parallel_loop3A_299], %parallel_loop3A_303 : memref<14x3276xf32, #tpu.memory_space<vmem>>[vector<16xi32>, vector<16xi32>], vector<16xf32>,
      %parallel_loop3A_304 = tpu.vector_load_idx %arg4[%broadcast_in_dim3A_5, %parallel_loop3A_302] : memref<14x1664xf32, #tpu.memory_space<vmem>>[vector<16xi32>, vector<16xi32>], vector<16xf32>,
      tpu.vector_store_idx %arg6[%broadcast_in_dim3A_5, %parallel_loop3A_299], %parallel_loop3A_304 : memref<14x3276xf32, #tpu.memory_space<vmem>>[vector<16xi32>, vector<16xi32>], vector<16xf32>,
      %parallel_loop3A_305 = tpu.vector_load_idx %arg4[%broadcast_in_dim3A_7, %parallel_loop3A_302] : memref<14x1664xf32, #tpu.memory_space<vmem>>[vector<16xi32>, vector<16xi32>], vector<16xf32>,
      tpu.vector_store_idx %arg6[%broadcast_in_dim3A_7, %parallel_loop3A_299], %parallel_loop3A_305 : memref<14x3276xf32, #tpu.memory_space<vmem>>[vector<16xi32>, vector<16xi32>], vector<16xf32>,
      %parallel_loop3A_306 = tpu.vector_load_idx %arg4[%broadcast_in_dim3A_9, %parallel_loop3A_302] : memref<14x1664xf32, #tpu.memory_space<vmem>>[vector<16xi32>, vector<16xi32>], vector<16xf32>,
      tpu.vector_store_idx %arg6[%broadcast_in_dim3A_9, %parallel_loop3A_299], %parallel_loop3A_306 : memref<14x3276xf32, #tpu.memory_space<vmem>>[vector<16xi32>, vector<16xi32>], vector<16xf32>,
      %parallel_loop3A_307 = tpu.vector_load_idx %arg4[%broadcast_in_dim3A_11, %parallel_loop3A_302] : memref<14x1664xf32, #tpu.memory_space<vmem>>[vector<16xi32>, vector<16xi32>], vector<16xf32>,
      tpu.vector_store_idx %arg6[%broadcast_in_dim3A_11, %parallel_loop3A_299], %parallel_loop3A_307 : memref<14x3276xf32, #tpu.memory_space<vmem>>[vector<16xi32>, vector<16xi32>], vector<16xf32>,
      %parallel_loop3A_308 = tpu.vector_load_idx %arg4[%broadcast_in_dim3A_13, %parallel_loop3A_302] : memref<14x1664xf32, #tpu.memory_space<vmem>>[vector<16xi32>, vector<16xi32>], vector<16xf32>,
      tpu.vector_store_idx %arg6[%broadcast_in_dim3A_13, %parallel_loop3A_299], %parallel_loop3A_308 : memref<14x3276xf32, #tpu.memory_space<vmem>>[vector<16xi32>, vector<16xi32>], vector<16xf32>,
      %parallel_loop3A_309 = tpu.vector_load_idx %arg4[%broadcast_in_dim3A_15, %parallel_loop3A_302] : memref<14x1664xf32, #tpu.memory_space<vmem>>[vector<16xi32>, vector<16xi32>], vector<16xf32>,
      tpu.vector_store_idx %arg6[%broadcast_in_dim3A_15, %parallel_loop3A_299], %parallel_loop3A_309 : memref<14x3276xf32, #tpu.memory_space<vmem>>[vector<16xi32>, vector<16xi32>], vector<16xf32>,
      %parallel_loop3A_310 = tpu.vector_load_idx %arg4[%broadcast_in_dim3A_17, %parallel_loop3A_302] : memref<14x1664xf32, #tpu.memory_space<vmem>>[vector<16xi32>, vector<16xi32>], vector<16xf32>,
      tpu.vector_store_idx %arg6[%broadcast_in_dim3A_17, %parallel_loop3A_299], %parallel_loop3A_310 : memref<14x3276xf32, #tpu.memory_space<vmem>>[vector<16xi32>, vector<16xi32>], vector<16xf32>,
      %parallel_loop3A_311 = tpu.vector_load_idx %arg4[%broadcast_in_dim3A_19, %parallel_loop3A_302] : memref<14x1664xf32, #tpu.memory_space<vmem>>[vector<16xi32>, vector<16xi32>], vector<16xf32>,
      tpu.vector_store_idx %arg6[%broadcast_in_dim3A_19, %parallel_loop3A_299], %parallel_loop3A_311 : memref<14x3276xf32, #tpu.memory_space<vmem>>[vector<16xi32>, vector<16xi32>], vector<16xf32>,
      %parallel_loop3A_312 = tpu.vector_load_idx %arg4[%broadcast_in_dim3A_21, %parallel_loop3A_302] : memref<14x1664xf32, #tpu.memory_space<vmem>>[vector<16xi32>, vector<16xi32>], vector<16xf32>,
      tpu.vector_store_idx %arg6[%broadcast_in_dim3A_21, %parallel_loop3A_299], %parallel_loop3A_312 : memref<14x3276xf32, #tpu.memory_space<vmem>>[vector<16xi32>, vector<16xi32>], vector<16xf32>,
      %parallel_loop3A_313 = tpu.vector_load_idx %arg4[%broadcast_in_dim3A_23, %parallel_loop3A_302] : memref<14x1664xf32, #tpu.memory_space<vmem>>[vector<16xi32>, vector<16xi32>], vector<16xf32>,
      tpu.vector_store_idx %arg6[%broadcast_in_dim3A_23, %parallel_loop3A_299], %parallel_loop3A_313 : memref<14x3276xf32, #tpu.memory_space<vmem>>[vector<16xi32>, vector<16xi32>], vector<16xf32>,
      %parallel_loop3A_314 = tpu.vector_load_idx %arg4[%broadcast_in_dim3A_25, %parallel_loop3A_302] : memref<14x1664xf32, #tpu.memory_space<vmem>>[vector<16xi32>, vector<16xi32>], vector<16xf32>,
      tpu.vector_store_idx %arg6[%broadcast_in_dim3A_25, %parallel_loop3A_299], %parallel_loop3A_314 : memref<14x3276xf32, #tpu.memory_space<vmem>>[vector<16xi32>, vector<16xi32>], vector<16xf32>,
      %parallel_loop3A_315 = tpu.vector_load_idx %arg4[%broadcast_in_dim3A_27, %parallel_loop3A_302] : memref<14x1664xf32, #tpu.memory_space<vmem>>[vector<16xi32>, vector<16xi32>], vector<16xf32>,
      tpu.vector_store_idx %arg6[%broadcast_in_dim3A_27, %parallel_loop3A_299], %parallel_loop3A_315 : memref<14x3276xf32, #tpu.memory_space<vmem>>[vector<16xi32>, vector<16xi32>], vector<16xf32>,
      %parallel_loop3A_316 = tpu.vector_load_idx %arg4[%broadcast_in_dim3A_29, %parallel_loop3A_302] : memref<14x1664xf32, #tpu.memory_space<vmem>>[vector<16xi32>, vector<16xi32>], vector<16xf32>,
      tpu.vector_store_idx %arg6[%broadcast_in_dim3A_29, %parallel_loop3A_299], %parallel_loop3A_316 : memref<14x3276xf32, #tpu.memory_space<vmem>>[vector<16xi32>, vector<16xi32>], vector<16xf32>,
    } {sc.loop_unroll_factor = 2 : i64, sc.parallel_access}
    %add3A_258 = arith.constant 3 : i32
    %add3A_259 = arith.addi %mul3A_2, %add3A_258 : i32
    %dma_wait3A_260 = arith.constant 0 : i32
    %dma_wait3A_261 = arith.constant 2048 : i32
    %dma_wait3A_262 = tpu.memref_slice %arg2[%add3A_259, %dma_wait3A_260, %dma_wait3A_261] : memref<128x14x4096xf32, #tpu.memory_space<hbm>> -> memref<1x14x1664xf32, #tpu.memory_space<hbm>>
    %dma_wait3A_263 = tpu.memref_squeeze %dma_wait3A_262 : memref<1x14x1664xf32, #tpu.memory_space<hbm>> -> memref<14x1664xf32, #tpu.memory_space<hbm>>
    %dma_wait3A_264 = arith.constant 0 : i32
    %dma_wait3A_265 = arith.constant 2048 : i32
    %dma_wait3A_266 = tpu.memref_slice %arg2[%add3A_259, %dma_wait3A_264, %dma_wait3A_265] : memref<128x14x4096xf32, #tpu.memory_space<hbm>> -> memref<1x14x1664xf32, #tpu.memory_space<hbm>>
    %dma_wait3A_267 = tpu.memref_squeeze %dma_wait3A_266 : memref<1x14x1664xf32, #tpu.memory_space<hbm>> -> memref<14x1664xf32, #tpu.memory_space<hbm>>
    tpu.wait_dma2 semaphore(%arg8 : memref<!tpu.dma_semaphore, #tpu.memory_space<semaphore_mem>>) src(%dma_wait3A_267 : memref<14x1664xf32, #tpu.memory_space<hbm>>) dst(%arg5 : memref<14x1664xf32, #tpu.memory_space<vmem>>)
    %parallel_loop3A_268 = arith.constant 0 : i32
    %parallel_loop3A_269 = arith.constant 103 : i32
    %parallel_loop3A_270 = arith.constant 1 : i32
    scf.for %parallel_loop3A_291 = %parallel_loop3A_268 to %parallel_loop3A_269 step %parallel_loop3A_270  : i32 {
      %parallel_loop3A_292 = arith.constant 16 : i32
      %parallel_loop3A_293 = arith.muli %parallel_loop3A_291, %parallel_loop3A_292 : i32
      %parallel_loop3A_294 = arith.constant 1622 : i32
      %parallel_loop3A_295 = arith.minsi %parallel_loop3A_293, %parallel_loop3A_294 : i32
      %parallel_loop3A_296 = arith.constant 1638 : i32
      %parallel_loop3A_297 = arith.addi %parallel_loop3A_295, %parallel_loop3A_296 : i32
      %parallel_loop3A_298 = vector.broadcast %parallel_loop3A_297 : i32 to vector<16xi32>
      %parallel_loop3A_299 = arith.addi %iota3A, %parallel_loop3A_298 : vector<16xi32>
      %parallel_loop3A_300 = arith.constant -1637 : i32
      %parallel_loop3A_301 = vector.broadcast %parallel_loop3A_300 : i32 to vector<16xi32>
      %parallel_loop3A_302 = arith.addi %parallel_loop3A_299, %parallel_loop3A_301 : vector<16xi32>
      %parallel_loop3A_303 = tpu.vector_load_idx %arg5[%broadcast_in_dim3A_3, %parallel_loop3A_302] : memref<14x1664xf32, #tpu.memory_space<vmem>>[vector<16xi32>, vector<16xi32>], vector<16xf32>,
      tpu.vector_store_idx %arg6[%broadcast_in_dim3A_3, %parallel_loop3A_299], %parallel_loop3A_303 : memref<14x3276xf32, #tpu.memory_space<vmem>>[vector<16xi32>, vector<16xi32>], vector<16xf32>,
      %parallel_loop3A_304 = tpu.vector_load_idx %arg5[%broadcast_in_dim3A_5, %parallel_loop3A_302] : memref<14x1664xf32, #tpu.memory_space<vmem>>[vector<16xi32>, vector<16xi32>], vector<16xf32>,
      tpu.vector_store_idx %arg6[%broadcast_in_dim3A_5, %parallel_loop3A_299], %parallel_loop3A_304 : memref<14x3276xf32, #tpu.memory_space<vmem>>[vector<16xi32>, vector<16xi32>], vector<16xf32>,
      %parallel_loop3A_305 = tpu.vector_load_idx %arg5[%broadcast_in_dim3A_7, %parallel_loop3A_302] : memref<14x1664xf32, #tpu.memory_space<vmem>>[vector<16xi32>, vector<16xi32>], vector<16xf32>,
      tpu.vector_store_idx %arg6[%broadcast_in_dim3A_7, %parallel_loop3A_299], %parallel_loop3A_305 : memref<14x3276xf32, #tpu.memory_space<vmem>>[vector<16xi32>, vector<16xi32>], vector<16xf32>,
      %parallel_loop3A_306 = tpu.vector_load_idx %arg5[%broadcast_in_dim3A_9, %parallel_loop3A_302] : memref<14x1664xf32, #tpu.memory_space<vmem>>[vector<16xi32>, vector<16xi32>], vector<16xf32>,
      tpu.vector_store_idx %arg6[%broadcast_in_dim3A_9, %parallel_loop3A_299], %parallel_loop3A_306 : memref<14x3276xf32, #tpu.memory_space<vmem>>[vector<16xi32>, vector<16xi32>], vector<16xf32>,
      %parallel_loop3A_307 = tpu.vector_load_idx %arg5[%broadcast_in_dim3A_11, %parallel_loop3A_302] : memref<14x1664xf32, #tpu.memory_space<vmem>>[vector<16xi32>, vector<16xi32>], vector<16xf32>,
      tpu.vector_store_idx %arg6[%broadcast_in_dim3A_11, %parallel_loop3A_299], %parallel_loop3A_307 : memref<14x3276xf32, #tpu.memory_space<vmem>>[vector<16xi32>, vector<16xi32>], vector<16xf32>,
      %parallel_loop3A_308 = tpu.vector_load_idx %arg5[%broadcast_in_dim3A_13, %parallel_loop3A_302] : memref<14x1664xf32, #tpu.memory_space<vmem>>[vector<16xi32>, vector<16xi32>], vector<16xf32>,
      tpu.vector_store_idx %arg6[%broadcast_in_dim3A_13, %parallel_loop3A_299], %parallel_loop3A_308 : memref<14x3276xf32, #tpu.memory_space<vmem>>[vector<16xi32>, vector<16xi32>], vector<16xf32>,
      %parallel_loop3A_309 = tpu.vector_load_idx %arg5[%broadcast_in_dim3A_15, %parallel_loop3A_302] : memref<14x1664xf32, #tpu.memory_space<vmem>>[vector<16xi32>, vector<16xi32>], vector<16xf32>,
      tpu.vector_store_idx %arg6[%broadcast_in_dim3A_15, %parallel_loop3A_299], %parallel_loop3A_309 : memref<14x3276xf32, #tpu.memory_space<vmem>>[vector<16xi32>, vector<16xi32>], vector<16xf32>,
      %parallel_loop3A_310 = tpu.vector_load_idx %arg5[%broadcast_in_dim3A_17, %parallel_loop3A_302] : memref<14x1664xf32, #tpu.memory_space<vmem>>[vector<16xi32>, vector<16xi32>], vector<16xf32>,
      tpu.vector_store_idx %arg6[%broadcast_in_dim3A_17, %parallel_loop3A_299], %parallel_loop3A_310 : memref<14x3276xf32, #tpu.memory_space<vmem>>[vector<16xi32>, vector<16xi32>], vector<16xf32>,
      %parallel_loop3A_311 = tpu.vector_load_idx %arg5[%broadcast_in_dim3A_19, %parallel_loop3A_302] : memref<14x1664xf32, #tpu.memory_space<vmem>>[vector<16xi32>, vector<16xi32>], vector<16xf32>,
      tpu.vector_store_idx %arg6[%broadcast_in_dim3A_19, %parallel_loop3A_299], %parallel_loop3A_311 : memref<14x3276xf32, #tpu.memory_space<vmem>>[vector<16xi32>, vector<16xi32>], vector<16xf32>,
      %parallel_loop3A_312 = tpu.vector_load_idx %arg5[%broadcast_in_dim3A_21, %parallel_loop3A_302] : memref<14x1664xf32, #tpu.memory_space<vmem>>[vector<16xi32>, vector<16xi32>], vector<16xf32>,
      tpu.vector_store_idx %arg6[%broadcast_in_dim3A_21, %parallel_loop3A_299], %parallel_loop3A_312 : memref<14x3276xf32, #tpu.memory_space<vmem>>[vector<16xi32>, vector<16xi32>], vector<16xf32>,
      %parallel_loop3A_313 = tpu.vector_load_idx %arg5[%broadcast_in_dim3A_23, %parallel_loop3A_302] : memref<14x1664xf32, #tpu.memory_space<vmem>>[vector<16xi32>, vector<16xi32>], vector<16xf32>,
      tpu.vector_store_idx %arg6[%broadcast_in_dim3A_23, %parallel_loop3A_299], %parallel_loop3A_313 : memref<14x3276xf32, #tpu.memory_space<vmem>>[vector<16xi32>, vector<16xi32>], vector<16xf32>,
      %parallel_loop3A_314 = tpu.vector_load_idx %arg5[%broadcast_in_dim3A_25, %parallel_loop3A_302] : memref<14x1664xf32, #tpu.memory_space<vmem>>[vector<16xi32>, vector<16xi32>], vector<16xf32>,
      tpu.vector_store_idx %arg6[%broadcast_in_dim3A_25, %parallel_loop3A_299], %parallel_loop3A_314 : memref<14x3276xf32, #tpu.memory_space<vmem>>[vector<16xi32>, vector<16xi32>], vector<16xf32>,
      %parallel_loop3A_315 = tpu.vector_load_idx %arg5[%broadcast_in_dim3A_27, %parallel_loop3A_302] : memref<14x1664xf32, #tpu.memory_space<vmem>>[vector<16xi32>, vector<16xi32>], vector<16xf32>,
      tpu.vector_store_idx %arg6[%broadcast_in_dim3A_27, %parallel_loop3A_299], %parallel_loop3A_315 : memref<14x3276xf32, #tpu.memory_space<vmem>>[vector<16xi32>, vector<16xi32>], vector<16xf32>,
      %parallel_loop3A_316 = tpu.vector_load_idx %arg5[%broadcast_in_dim3A_29, %parallel_loop3A_302] : memref<14x1664xf32, #tpu.memory_space<vmem>>[vector<16xi32>, vector<16xi32>], vector<16xf32>,
      tpu.vector_store_idx %arg6[%broadcast_in_dim3A_29, %parallel_loop3A_299], %parallel_loop3A_316 : memref<14x3276xf32, #tpu.memory_space<vmem>>[vector<16xi32>, vector<16xi32>], vector<16xf32>,
    } {sc.loop_unroll_factor = 2 : i64, sc.parallel_access}
    %add3A_271 = arith.constant 3 : i32
    %add3A_272 = arith.addi %mul3A_2, %add3A_271 : i32
    %dma_start3A_273 = arith.constant 0 : i32
    %dma_start3A_274 = arith.constant 0 : i32
    %dma_start3A_275 = tpu.memref_slice %arg3[%add3A_272, %dma_start3A_273, %dma_start3A_274] : memref<128x14x3276xf32, #tpu.memory_space<hbm>> -> memref<1x14x3276xf32, #tpu.memory_space<hbm>>
    %dma_start3A_276 = tpu.memref_squeeze %dma_start3A_275 : memref<1x14x3276xf32, #tpu.memory_space<hbm>> -> memref<14x3276xf32, #tpu.memory_space<hbm>>
    %dma_start3A_277 = arith.constant 0 : i32
    %dma_start3A_278 = arith.constant 0 : i32
    %dma_start3A_279 = tpu.memref_slice %arg3[%add3A_272, %dma_start3A_277, %dma_start3A_278] : memref<128x14x3276xf32, #tpu.memory_space<hbm>> -> memref<1x14x3276xf32, #tpu.memory_space<hbm>>
    %dma_start3A_280 = tpu.memref_squeeze %dma_start3A_279 : memref<1x14x3276xf32, #tpu.memory_space<hbm>> -> memref<14x3276xf32, #tpu.memory_space<hbm>>
    tpu.enqueue_dma source(%arg6 : memref<14x3276xf32, #tpu.memory_space<vmem>>) target(%dma_start3A_280 : memref<14x3276xf32, #tpu.memory_space<hbm>>) target_semaphore(%arg9 : memref<!tpu.dma_semaphore, #tpu.memory_space<semaphore_mem>>)
    %add3A_281 = arith.constant 3 : i32
    %add3A_282 = arith.addi %mul3A_2, %add3A_281 : i32
    %dma_wait3A_283 = arith.constant 0 : i32
    %dma_wait3A_284 = arith.constant 0 : i32
    %dma_wait3A_285 = tpu.memref_slice %arg3[%add3A_282, %dma_wait3A_283, %dma_wait3A_284] : memref<128x14x3276xf32, #tpu.memory_space<hbm>> -> memref<1x14x3276xf32, #tpu.memory_space<hbm>>
    %dma_wait3A_286 = tpu.memref_squeeze %dma_wait3A_285 : memref<1x14x3276xf32, #tpu.memory_space<hbm>> -> memref<14x3276xf32, #tpu.memory_space<hbm>>
    %dma_wait3A_287 = arith.constant 0 : i32
    %dma_wait3A_288 = arith.constant 0 : i32
    %dma_wait3A_289 = tpu.memref_slice %arg3[%add3A_282, %dma_wait3A_287, %dma_wait3A_288] : memref<128x14x3276xf32, #tpu.memory_space<hbm>> -> memref<1x14x3276xf32, #tpu.memory_space<hbm>>
    %dma_wait3A_290 = tpu.memref_squeeze %dma_wait3A_289 : memref<1x14x3276xf32, #tpu.memory_space<hbm>> -> memref<14x3276xf32, #tpu.memory_space<hbm>>
    tpu.wait_dma2 semaphore(%arg9 : memref<!tpu.dma_semaphore, #tpu.memory_space<semaphore_mem>>) src(%arg6 : memref<14x3276xf32, #tpu.memory_space<vmem>>) dst(%dma_wait3A_290 : memref<14x3276xf32, #tpu.memory_space<hbm>>)
    return
  }
}

</mosaic_0001>

<sc_bundles>
// kernel: kernel.3.cloned.1.call-start
scs
__scs_entry_jumppad:
0x0: {  	(pc) =	sbr.rel $0x88, $3  }
0x1: {  	(tag) =	ssettag $0x0;
	lr =	simm.s32 $0x1  }
0x2: {  	[smem:$0x3FA0] =	sst lr;
	_ =	strace $0xD0000000  }
0x3: {  	_ = 	snop  }
0x4: {  	_ = 	snop  }
0x5: {  	_ = 	snop  }
0x6: {  	_ = 	snop  }
0x7: {  	_ = 	snop  }
__scs_overlays_trampoline_lowered:
0x8: {  	[smem:$0x3FAF] =	sst s0  }
0x9: {  	[smem:$0x3FB0] =	sst s1  }
0xa: {  	[smem:$0x3FB1] =	sst s2  }
0xb: {  	[smem:$0x3FB2] =	sst s3  }
0xc: {  	[smem:$0x3FB3] =	sst s4  }
0xd: {  	[smem:$0x3FB4] =	sst s5  }
0xe: {  	[smem:$0x3FB5] =	sst s6  }
0xf: {  	[smem:$0x3FB6] =	sst s7  }
0x10: {  	[smem:$0x3FB7] =	sst s8  }
0x11: {  	[smem:$0x3FB8] =	sst s9;
	s0 =	simm.s32 @!p0 $0x0  }
0x12: {  	s1 =	sld [smem:$0x3F9E];
	s0 =	simm.s32 @p0 $0x1  }
0x13: {  	[smem:$0x3FB9] =	sst s0;
	s0 =	simm.s32 @!p1 $0x0  }
0x14: {  	s2 =	sld [smem:$0x3F9D];
	s0 =	simm.s32 @p1 $0x1  }
0x15: {  	[smem:$0x3FBA] =	sst s0;
	s0 =	simm.s32 @!p2 $0x0  }
0x16: {  	s3 =	sld [smem:$0x3FDB];
	s0 =	simm.s32 @p2 $0x1  }
0x17: {  	s4 =	simm.s32 $0x1BF5;
	[smem:$0x3FBC] =	sst s0  }
0x18: {  	s0 =	sld [smem:$0x3F9F];
	_ =	swait.ge [sflag:s4], $0x0  }
0x19: {  	s7 =	sld [smem:$0x3FA0]  }
0x1a: {  	s8 =	sadd.s32 $0xFFFFE003, lr  }
0x1b: {  	s9 =	sadd.s32 $0xFFFFFEF7, lr;
	s5 =	simm.s32 $0xFFFFFFFF;
	p2 =	slt.u32 s8, $0xFFFFF086  }
0x1c: {  	p1 =	slt.u32 s9, $0xF7A;
	s5 =	simm.s32 @!p2 $0x0  }
0x1d: {  	s5 =	simm.s32 @p1 $0x1;
	p0 =	seq.s32 s7, s2  }
0x1e: {  	s7 =	smul.u32 @!p0 $0xF7A, s2;
	p2 =	seq.s32 @!p0 s5, $0x0  }
0x1f: {  	s9 =	smul.u32 $0xF7A, s1;
	s8 =	simm.s32 @!p0 $0x1BF5;
	p2 =	por !p2, p0  }
0x20: {  	[sflag:s8] =	ssyncset.s32 @!p0 $0xFFFFF086;
	s6 =	sadd.s32 @!p0 s3, s7;
	s7 =	simm.s32 @!p0 $0x108  }
0x21: {  	s3 =	sadd.s32 s3, s9;
	s6 =	sadd.s32 @!p0 $0x88, s6;
	s7 =	simm.s32 @p2 $0x1082  }
0x22: {  	[simem:s7], [sflag:s8] =	dma.local @!p0 [hbm:s6], $0xF7A  }
0x23: {  	s9 =	sor.u32 $0xD0000000, s2;
	s6 =	simm.s32 $0x108;
	_ =	swait.ge @!p0 [sflag:s8], $0x0  }
0x24: {  	s3 =	sadd.s32 $0x88, s3;
	s6 =	simm.s32 @!p1 $0x1082;
	[sflag:s4] =	ssyncset.s32 $0xFFFFF086  }
0x25: {  	[simem:s6], [sflag:s4] =	dma.local [hbm:s3], $0xF7A  }
0x26: {  	[smem:$0x3FA0] =	sst s1;
	(tag) =	ssettag s2;
	_ =	strace s9  }
0x27: {  	s1 =	sld [smem:$0x3FB0]  }
0x28: {  	s2 =	sld [smem:$0x3FB1]  }
0x29: {  	s4 =	sld [smem:$0x3FB3]  }
0x2a: {  	p0 =	seq.s32 s5, $0x0;
	s5 =	sld [smem:$0x3FB4]  }
0x2b: {  	s6 =	sld [smem:$0x3FB5]  }
0x2c: {  	s7 =	sld [smem:$0x3FB6]  }
0x2d: {  	s3 =	simm.s32 $0x108;
	s8 =	sld [smem:$0x3FB7]  }
0x2e: {  	s3 =	simm.s32 @!p0 $0x1082;
	s9 =	sld [smem:$0x3FB8]  }
0x2f: {  	lr =	sadd.s32 s0, s3;
	s0 =	sld [smem:$0x3FAF]  }
0x30: {  	s3 =	sld [smem:$0x3FB2]  }
0x31: {  	[smem:$0x3FBB] =	sst s10  }
0x32: {  	s10 =	sld [smem:$0x3FB9];
	_ =	sdelay $0x3  }
0x33: {  	p0 =	seq.s32 s10, $0x1;
	s10 =	sld [smem:$0x3FBB];
	_ =	sdelay $0x3  }
0x34: {  	[smem:$0x3FBB] =	sst s10  }
0x35: {  	s10 =	sld [smem:$0x3FBA];
	_ =	sdelay $0x3  }
0x36: {  	p1 =	seq.s32 s10, $0x1;
	s10 =	sld [smem:$0x3FBB];
	_ =	sdelay $0x3  }
0x37: {  	[smem:$0x3FBB] =	sst s10  }
0x38: {  	s10 =	sld [smem:$0x3FBC]  }
0x39: {  	_ = 	snop;
	(pc) =	sbr.ind lr, $3  }
0x3a: {  	_ = 	snop  }
0x3b: {  	_ = 	snop  }
0x3c: {  	p2 =	seq.s32 s10, $0x1;
	s10 =	sld [smem:$0x3FBB]  }
0x3d: {  	_ =	shalt  }
0x3e: {  	_ =	shalt  }
0x3f: {  	_ =	shalt  }
0x40: {  	_ =	shalt  }
0x41: {  	_ =	shalt  }
0x42: {  	_ =	shalt  }
0x43: {  	_ =	shalt  }
0x44: {  	_ =	shalt  }
0x45: {  	_ =	shalt  }
0x46: {  	_ =	shalt  }
0x47: {  	_ =	shalt  }
0x48: {  	_ =	shalt  }
0x49: {  	_ =	shalt  }
0x4a: {  	_ =	shalt  }
0x4b: {  	_ =	shalt  }
0x4c: {  	_ =	shalt  }
0x4d: {  	_ =	shalt  }
0x4e: {  	_ =	shalt  }
0x4f: {  	_ =	shalt  }
0x50: {  	_ =	shalt  }
0x51: {  	_ =	shalt  }
0x52: {  	_ =	shalt  }
0x53: {  	_ =	shalt  }
0x54: {  	_ =	shalt  }
0x55: {  	_ =	shalt  }
0x56: {  	_ =	shalt  }
0x57: {  	_ =	shalt  }
0x58: {  	_ =	shalt  }
0x59: {  	_ =	shalt  }
0x5a: {  	_ =	shalt  }
0x5b: {  	_ =	shalt  }
0x5c: {  	_ =	shalt  }
0x5d: {  	_ =	shalt  }
0x5e: {  	_ =	shalt  }
0x5f: {  	_ =	shalt  }
0x60: {  	_ =	shalt  }
0x61: {  	_ =	shalt  }
0x62: {  	_ =	shalt  }
0x63: {  	_ =	shalt  }
0x64: {  	_ =	shalt  }
0x65: {  	_ =	shalt  }
0x66: {  	_ =	shalt  }
0x67: {  	_ =	shalt  }
0x68: {  	_ =	shalt  }
0x69: {  	_ =	shalt  }
0x6a: {  	_ =	shalt  }
0x6b: {  	_ =	shalt  }
0x6c: {  	_ =	shalt  }
0x6d: {  	_ =	shalt  }
0x6e: {  	_ =	shalt  }
0x6f: {  	_ =	shalt  }
0x70: {  	_ =	shalt  }
0x71: {  	_ =	shalt  }
0x72: {  	_ =	shalt  }
0x73: {  	_ =	shalt  }
0x74: {  	_ =	shalt  }
0x75: {  	_ =	shalt  }
0x76: {  	_ =	shalt  }
0x77: {  	_ =	shalt  }
0x78: {  	_ =	shalt  }
0x79: {  	_ =	shalt  }
0x7a: {  	_ =	shalt  }
0x7b: {  	_ =	shalt  }
0x7c: {  	_ =	shalt  }
0x7d: {  	_ =	shalt  }
0x7e: {  	_ =	shalt  }
0x7f: {  	_ =	shalt  }
0x80: {  	_ =	shalt  }
0x81: {  	_ =	shalt  }
0x82: {  	_ =	shalt  }
0x83: {  	_ =	shalt  }
0x84: {  	_ =	shalt  }
0x85: {  	_ =	shalt  }
0x86: {  	_ =	shalt  }
0x87: {  	_ =	shalt  }
.Lfunc_end0:
.L_simem_size_0:
called_computation_lowered:
.L_overlay_start_0:
0x88: {  	s2 =	sld [smem:$0x3FD9]  }
0x89: {  	s3 =	sld [smem:$0x3FFE];
	_ =	sdelay $0x1  }
0x8a: {  	s1 =	srdreg.scid  }
0x8b: {  	s0 =	sand.u32 $0x1, s1  }
0x8c: {  	s16 =	sshll.u32 s0, $0xA;
	s2 =	sadd.s32 s3, s2  }
0x8d: {  	s2 =	sadd.s32 s2, s16  }
0x8e: {  	[smem:$0x3FC7] =	sst s2  }
0x8f: {  	_ = 	snop  }
0x90: {  	(tm) =	ssettm $0x1  }
0x91: {  	s17 =	sld [smem:$0x3FFB];
	_ =	sdelay $0x3  }
0x92: {  	_ =	strace s17  }
0x93: {  	s2 =	sld [smem:$0x3FFC];
	_ =	sdelay $0x3  }
0x94: {  	_ =	strace s2  }
0x95: {  	s2 =	sld [smem:$0x3FFD];
	_ =	sdelay $0x3  }
0x96: {  	_ =	strace s2  }
0x97: {  	_ =	strace $0x8FFFFFFF  }
0x98: {  	s18 =	sld [smem:$0x3FDB];
	_ =	sdelay $0x1  }
0x99: {  	s19 =	simm.s32 $_scs_section_size  }
0x9a: {  	s4 =	simm.s32 $_size__tile_overlayer_lowered;
	s5 =	simm.s32 $_tile_overlayer_lowered  }
0x9b: {  	s22 =	simm.s32 $0x1BFF;
	s21 =	sshll.u32 s5, $0x1;
	s2 =	sadd.s32 s19, s18  }
0x9c: {  	s6 =	simm.s32 $0x0;
	s20 =	sshll.u32 s4, $0x1;
	s4 =	sadd.s32 s21, s2  }
0x9d: {  	[timem:s6], [sflag:s22] =	dma.local [hbm:s4], s20  }
0x9e: {  	_ =	swait.ge [sflag:s22], s20  }
0x9f: {  	s3 =	ssub.s32 $0x0, s20;
	[sflag:s22] =	ssyncset.done $0x0  }
0xa0: {  	[sflag:s22] =	ssyncadd.s32 s3;
	_ =	sdelay $0x1  }
0xa1: {  	s23 =	simm.s32 $0x1B8B  }
0xa2: {  	_ =	swait.ge [sflag:s23], $0x1  }
0xa3: {  	[sflag:s23] =	ssyncset.done $0x0  }
0xa4: {  	s25 =	simm.s32 $0x1B8E;
	s24 =	sld [smem:$0x3FFE];
	[sflag:s23] =	ssyncadd.s32 $0xFFFFFFFF  }
0xa5: {  	s26 =	simm.s32 $execute0_lowered;
	[smem:$0x3FD2] =	sst s25  }
0xa6: {  	s4 =	sshll.u32 s26, $0x1;
	_ =	strace $0x80000046;
	[dreg:$0x1] =	wrdreg $0xFFFFFFFF  }
0xa7: {  	s28 =	simm.s32 $_size_execute0_lowered;
	s2 =	sadd.s32 s2, s4;
	[dreg:$0x0] =	wrdreg $0x0  }
0xa8: {  	s4 =	sshll.u32 s28, $0x1;
	[dreg:$0x2] =	wrdreg s2  }
0xa9: {  	[dreg:$0x3] =	wrdreg s4  }
0xaa: {  	[dreg:$0x4] =	wrdreg $0xC0  }
0xab: {  	_ =	task [dreg:s6], $0x5FFFF  }
0xac: {  	[dreg:$0x1] =	wrdreg $0xFFFFFFFF  }
0xad: {  	[dreg:$0x0] =	wrdreg $0x60  }
0xae: {  	[dreg:$0x2] =	wrdreg s24  }
0xaf: {  	[dreg:$0x3] =	wrdreg $0x9  }
0xb0: {  	_ =	task.clear_ibuf [dreg:s6], $0x4FFFF;
	_ =	strace $0x90000046  }
0xb1: {  	s29 =	simm.s32 $0x9;
	_ =	strace $0x80000048  }
0xb2: {  	_ =	swait.ge [sflag:s29], $0x1  }
0xb3: {  	[sflag:s29] =	ssyncadd.s32 $0xFFFFFFFF  }
0xb4: {  	_ =	strace $0x90000048  }
0xb5: {  	_ =	sfence  }
0xb6: {  	s30 =	sld [smem:$0x0];
	_ =	sdelay $0x2  }
0xb7: {  	s31 =	sshll.u32 s1, $0xD;
	s1 =	sshrl.u32 s1, $0x2  }
0xb8: {  	s3 =	sand.u32 $0x4000, s31;
	s1 =	sadd.s32 s1, s30  }
0xb9: {  	s0 =	sor.u32 s3, s0;
	s1 =	sshll.u32 s1, $0x11  }
0xba: {  	s0 =	sor.u32 s1, s0  }
0xbb: {  	s0 =	sadd.s32 $0x8F2B, s0  }
0xbc: {  	[sflag:s0] =	ssyncadd.remote.s32 $0x1  }
0xbd: {  	_ =	sfence.sel $0xFFFF  }
0xbe: {  	[dreg:$0x0] =	wrdreg $0xFFFFFFFF;
	(pc) =	sbr.abs _section_cstart, $3  }
0xbf: {  	[dreg:$0x1] =	wrdreg $0xFFFFFFFF  }
0xc0: {  	_ =	task.clear_ibuf [dreg:s6], $0x2FFFF;
	_ =	strace $0x9FFFFFFF  }
0xc1: {  	(tm) =	ssettm $0x7FFFFFFF  }
tec
execute0_lowered:
.L_overlay_start_1:
0x0: {  	(tag) =	ssettag $0x1  }
0x1: {  	v0 =	vlaneseq.u32  }
0x2: {  	v2 =	vor.u32 $0x3070, v0  }
0x3: {  	[tilespmem:$0x1FD50] =	vst v2;
	v2 =	vadd.s32 $0x3056, v0  }
0x4: {  	[tilespmem:$0x1FD60] =	vst v2;
	v2 =	vor.u32 $0x30F0, v0  }
0x5: {  	[tilespmem:$0x1FD70] =	vst v2;
	v2 =	vadd.s32 $0x30D6, v0  }
0x6: {  	[tilespmem:$0x1FD80] =	vst v2;
	v2 =	vor.u32 $0x3170, v0  }
0x7: {  	[tilespmem:$0x1FD90] =	vst v2;
	v2 =	vadd.s32 $0x3156, v0  }
0x8: {  	[tilespmem:$0x1FDA0] =	vst v2;
	v2 =	vor.u32 $0x31F0, v0  }
0x9: {  	[tilespmem:$0x1FDB0] =	vst v2;
	v2 =	vadd.s32 $0x31D6, v0  }
0xa: {  	[tilespmem:$0x1FDC0] =	vst v2;
	v2 =	vor.u32 $0x3270, v0  }
0xb: {  	[tilespmem:$0x1FDD0] =	vst v2;
	v2 =	vadd.s32 $0x3256, v0  }
0xc: {  	[tilespmem:$0x1FDE0] =	vst v2;
	v2 =	vor.u32 $0x32F0, v0  }
0xd: {  	[tilespmem:$0x1FDF0] =	vst v2;
	v2 =	vadd.s32 $0x32D6, v0  }
0xe: {  	[tilespmem:$0x1FE00] =	vst v2;
	v2 =	vor.u32 $0x3370, v0  }
0xf: {  	s4 =	rddreg [dreg:$0x0];
	s1 =	simm.s32 $0x0;
	[tilespmem:$0x1FE10] =	vst v2;
	v2 =	vadd.s32 $0x3356, v0  }
0x10: {  	[smem:$0x7FF] =	sst s1;
	[tilespmem:$0x1FE20] =	vst v2;
	v2 =	vor.u32 $0x33F0, v0  }
0x11: {  	s0 =	rddreg [dreg:$0x1];
	_ =	strace $0x80000047;
	[tilespmem:$0x1FE30] =	vst v2;
	v2 =	vadd.s32 $0x33D6, v0  }
0x12: {  	[tilespmem:$0x1FE40] =	vst v2;
	v2 =	vor.u32 $0x6470, v0  }
0x13: {  	[tilespmem:$0x1FE50] =	vst v2;
	v2 =	vadd.s32 $0x9856, v0  }
0x14: {  	[tilespmem:$0x1FE60] =	vst v2;
	v2 =	vor.u32 $0x64F0, v0  }
0x15: {  	[tilespmem:$0x1FE70] =	vst v2;
	v2 =	vadd.s32 $0x98D6, v0  }
0x16: {  	[tilespmem:$0x1FE80] =	vst v2;
	v2 =	vor.u32 $0x6570, v0  }
0x17: {  	[tilespmem:$0x1FE90] =	vst v2;
	v2 =	vadd.s32 $0x9956, v0  }
0x18: {  	[tilespmem:$0x1FEA0] =	vst v2;
	v2 =	vor.u32 $0x65F0, v0  }
0x19: {  	[tilespmem:$0x1FEB0] =	vst v2;
	v2 =	vadd.s32 $0x99D6, v0  }
0x1a: {  	[tilespmem:$0x1FEC0] =	vst v2;
	v2 =	vor.u32 $0x6670, v0  }
0x1b: {  	[tilespmem:$0x1FED0] =	vst v2;
	v2 =	vadd.s32 $0x9A56, v0  }
0x1c: {  	[tilespmem:$0x1FEE0] =	vst v2;
	v2 =	vor.u32 $0x66F0, v0  }
0x1d: {  	[tilespmem:$0x1FEF0] =	vst v2;
	v2 =	vadd.s32 $0x9AD6, v0  }
0x1e: {  	[tilespmem:$0x1FF00] =	vst v2;
	v2 =	vadd.s32 $0x3057, v0  }
0x1f: {  	s3 =	srdreg.scid;
	s2 =	stileid.u32;
	[tilespmem:$0x1FF10] =	vst v2;
	v2 =	vadd.s32 $0x643C, v0  }
0x20: {  	s19 =	simm.s32 $0x1;
	s20 =	simm.s32 $0xD000;
	s21 =	simm.s32 $0x2;
	[tilespmem:$0x1FF20] =	vst v2;
	v2 =	vadd.s32 $0x30D7, v0  }
0x21: {  	s22 =	simm.s32 $0x3;
	s23 =	simm.s32 $0x0;
	s3 =	sand.u32 $0x1, s3;
	[tilespmem:$0x1FF30] =	vst v2;
	v2 =	vadd.s32 $0x64BC, v0  }
0x22: {  	s6 =	sshll.u32 s2, $0x3;
	s14 =	sadd.s32 $0x100400, s4;
	s5 =	ssub.s32 $0x2, s3;
	[tilespmem:$0x1FF40] =	vst v2;
	v2 =	vadd.s32 $0x3157, v0  }
0x23: {  	s11 =	sadd.s32 $0x580, s4;
	s3 =	sshll.u32 s3, $0x2;
	s7 =	sshrl.u32 s5, $0x1;
	[tilespmem:$0x1FF50] =	vst v2;
	v2 =	vadd.s32 $0x653C, v0  }
0x24: {  	s13 =	sadd.s32 $0xC00, s4;
	s8 =	sor.u32 s3, s6;
	s15 =	ssub.s32 s5, s7;
	[tilespmem:$0x1FF60] =	vst v2;
	v2 =	vadd.s32 $0x31D7, v0  }
0x25: {  	s30 =	sshll.u32 s8, $0xD;
	s9 =	sor.u32 $0x1, s8;
	s6 =	smul.u32 $0x1A00, s8;
	[tilespmem:$0x1FF70] =	vst v2;
	v2 =	vadd.s32 $0x65BC, v0  }
0x26: {  	s10 =	sor.u32 $0x2, s8;
	s16 =	sor.u32 $0x3, s8;
	s3 =	sadd.s32 s30, s11;
	[tilespmem:$0x1FF80] =	vst v2;
	v2 =	vadd.s32 $0x3257, v0  }
0x27: {  	s31 =	sshll.u32 s9, $0xD;
	s4 =	sadd.s32 s30, s13;
	s9 =	smul.u32 $0x1A00, s9;
	[tilespmem:$0x1FF90] =	vst v2;
	v2 =	vadd.s32 $0x663C, v0  }
0x28: {  	s12 =	sshll.u32 s10, $0xD;
	s17 =	smul.u32 $0x1A00, s10;
	s18 =	sshll.u32 s16, $0xD;
	[tilespmem:$0x1FFA0] =	vst v2;
	v2 =	vadd.s32 $0x32D7, v0  }
0x29: {  	v1 =	vadd.s32 $0x1A, v0;
	v30 =	vadd.s32 $0xFFFFF99B, v0;
	s16 =	smul.u32 $0x1A00, s16;
	s15 =	smax.u32 s15, $0x1;
	s5 =	sadd.s32 s31, s11;
	[tilespmem:$0x1FFB0] =	vst v2;
	v2 =	vadd.s32 $0x66BC, v0  }
0x2a: {  	v46 =	vadd.s32 $0x67BC, v0;
	v47 =	vadd.s32 $0x6457, v0;
	s6 =	sadd.s32 s14, s6;
	s7 =	sadd.s32 s31, s13;
	s8 =	sadd.s32 s12, s11;
	[tilespmem:$0x1FFC0] =	vst v2;
	v2 =	vadd.s32 $0x3357, v0  }
0x2b: {  	v48 =	vadd.s32 $0xCC3C, v0;
	v49 =	vadd.s32 $0x64D7, v0;
	s10 =	sadd.s32 s12, s13;
	s11 =	sadd.s32 s18, s11;
	s13 =	sadd.s32 s18, s13;
	[tilespmem:$0x1FFD0] =	vst v2;
	v2 =	vadd.s32 $0x673C, v0  }
0x2c: {  	v50 =	vadd.s32 $0xCCBC, v0;
	v51 =	vadd.s32 $0x6557, v0;
	s18 =	simm.s32 $0x6800;
	s9 =	sadd.s32 s14, s9;
	s12 =	sadd.s32 s14, s17;
	[tilespmem:$0x1FFE0] =	vst v2;
	v2 =	vadd.s32 $0x33D7, v0  }
0x2d: {  	v52 =	vadd.s32 $0xCD3C, v0;
	v53 =	vadd.s32 $0x65D7, v0;
	v54 =	vadd.s32 $0xCDBC, v0;
	s14 =	sadd.s32 s14, s16;
	s16 =	simm.s32 $0x3400;
	s17 =	simm.s32 $0x8000;
	[tilespmem:$0x1FFF0] =	vst v2  }
.LBB2_1:
0x2e: {  	s24 =	simm.s32 $0x10  }
0x2f: {  	v2 =	vadd.s32 s24, v1  }
0x30: {  	v3 =	vadd.s32 s1, v1;
	v4 =	vshll.u32 v2, $0x3  }
0x31: {  	[tilespmem:s1], [sflag:$0x1] =	stream.strided.gather [hbm4b:s3+s16], $0x6800, s17, s16, $0x38;
	v5 =	vshll.u32 v3, $0x3;
	v2 =	vand.u32 $0x7F, v2;
	v4 =	vand.u32 $0x7C00, v4;
	[tilespmem:$0x1A000] =	vst v63  }
0x32: {  	v3 =	vand.u32 $0x7F, v3;
	v5 =	vand.u32 $0x7C00, v5;
	v8 =	vor.u32 v2, v4  }
0x33: {  	[tilespmem:s18], [sflag:$0x2] =	stream.strided.gather [hbm4b:s4+s16], $0x6800, s17, s16, $0x38;
	v10 =	vor.u32 v3, v5;
	[tilespmem:$0x1A000] =	vst v63  }
0x34: {  	_ =	swait.ge [sflag:s19], $0x6800;
	v3 =	vor.u32 s24, v0;
	v2 =	vmov s24  }
0x35: {  	v5 =	vor.u32 s1, v0;
	[sflag:s19] =	ssyncset.done $0x0;
	v4 =	vmov s1;
	v2 =	vshll.u32 v2, $0x3  }
0x36: {  	v3 =	vand.u32 $0x7F, v3;
	[sflag:s19] =	ssyncadd.s32 $0xFFFF9800;
	v4 =	vshll.u32 v4, $0x3;
	v2 =	vand.u32 $0x7C00, v2  }
0x37: {  	v5 =	vand.u32 $0x6F, v5;
	v6 =	vand.u32 $0x3C00, v4;
	v9 =	vor.u32 v3, v2;
	v7 =	vld.idx.msk [tilespmem:v8+s1+$0x0], $0xffff  }
0x38: {  	v11 =	vor.u32 v5, v6;
	v3 =	vor.u32 $0x80, v8;
	v2 =	vld.idx.msk [tilespmem:v10+s1+$0x0], $0xffff  }
0x39: {  	v6 =	vor.u32 $0x80, v10;
	_ =	sdelay $0x2  }
0x3a: {  	[tilespmem:v9+s20+$0x0] =	vst.idx.msk $0xffff, v7  }
0x3b: {  	s26 =	simm.s32 $0x20;
	[tilespmem:v11+s20+$0x0] =	vst.idx.msk $0xffff, v2;
	v2 =	vld.idx.msk [tilespmem:v3+s1+$0x0], $0xffff;
	v3 =	vor.u32 $0x80, v9  }
0x3c: {  	v13 =	vadd.s32 s26, v1;
	v12 =	vor.u32 $0x100, v8;
	v6 =	vld.idx.msk [tilespmem:v6+s1+$0x0], $0xffff;
	v7 =	vor.u32 $0x80, v11  }
0x3d: {  	s25 =	simm.s32 $0x30;
	v15 =	vshll.u32 v13, $0x3;
	v14 =	vor.u32 $0x100, v10  }
0x3e: {  	v16 =	vadd.s32 s25, v1;
	v13 =	vand.u32 $0x7F, v13;
	v15 =	vand.u32 $0x7C00, v15  }
0x3f: {  	v18 =	vshll.u32 v16, $0x3;
	v55 =	vor.u32 v13, v15;
	v17 =	vor.u32 $0x180, v8  }
0x40: {  	v13 =	vor.u32 $0x100, v11;
	[tilespmem:v3+s20+$0x0] =	vst.idx.msk $0xffff, v2;
	v2 =	vand.u32 $0x7F, v16;
	v3 =	vand.u32 $0x7C00, v18  }
0x41: {  	[tilespmem:v7+s20+$0x0] =	vst.idx.msk $0xffff, v6;
	v7 =	vor.u32 $0x100, v9;
	v6 =	vld.idx.msk [tilespmem:v12+s1+$0x0], $0xffff;
	v57 =	vor.u32 v2, v3;
	v2 =	vmov s26  }
0x42: {  	v3 =	vld.idx.msk [tilespmem:v14+s1+$0x0], $0xffff;
	v12 =	vor.u32 $0x180, v10;
	v14 =	vor.u32 s26, v0;
	v15 =	vshll.u32 v2, $0x3  }
0x43: {  	v2 =	vmov s25;
	v14 =	vand.u32 $0x6F, v14;
	v16 =	vand.u32 $0x3C00, v15  }
0x44: {  	v19 =	vld.idx.msk [tilespmem:v55+s1+$0x0], $0xffff;
	v18 =	vor.u32 s25, v0;
	v2 =	vshll.u32 v2, $0x3;
	v56 =	vor.u32 v14, v16  }
0x45: {  	v18 =	vand.u32 $0x7F, v18;
	v2 =	vand.u32 $0x7C00, v2;
	v16 =	vor.u32 $0x80, v55  }
0x46: {  	v58 =	vor.u32 v18, v2;
	[tilespmem:v7+s20+$0x0] =	vst.idx.msk $0xffff, v6;
	v6 =	vld.idx.msk [tilespmem:v57+s1+$0x0], $0xffff  }
0x47: {  	[tilespmem:v13+s20+$0x0] =	vst.idx.msk $0xffff, v3;
	v3 =	vor.u32 $0x180, v9;
	v7 =	vor.u32 $0x80, v57;
	v2 =	vld.idx.msk [tilespmem:v17+s1+$0x0], $0xffff  }
0x48: {  	v13 =	vor.u32 $0x180, v11;
	v12 =	vld.idx.msk [tilespmem:v12+s1+$0x0], $0xffff;
	v17 =	vor.u32 $0x200, v8  }
0x49: {  	v18 =	vor.u32 $0x200, v10;
	[tilespmem:v56+s20+$0x0] =	vst.idx.msk $0xffff, v19  }
0x4a: {  	v19 =	vor.u32 $0x80, v56;
	v16 =	vld.idx.msk [tilespmem:v16+s1+$0x0], $0xffff  }
0x4b: {  	[tilespmem:v58+s20+$0x0] =	vst.idx.msk $0xffff, v6;
	v6 =	vor.u32 $0x100, v55  }
0x4c: {  	[tilespmem:v3+s20+$0x0] =	vst.idx.msk $0xffff, v2;
	v2 =	vld.idx.msk [tilespmem:v7+s1+$0x0], $0xffff;
	v3 =	vor.u32 $0x80, v58  }
0x4d: {  	[tilespmem:v13+s20+$0x0] =	vst.idx.msk $0xffff, v12;
	v12 =	vor.u32 $0x200, v9;
	v13 =	vor.u32 $0x100, v57;
	v7 =	vld.idx.msk [tilespmem:v17+s1+$0x0], $0xffff  }
0x4e: {  	v20 =	vor.u32 $0x280, v8;
	v17 =	vld.idx.msk [tilespmem:v18+s1+$0x0], $0xffff;
	v18 =	vor.u32 $0x200, v11  }
0x4f: {  	s28 =	simm.s32 $0x40;
	s29 =	simm.s32 $0x50;
	v4 =	vor.u32 v4, v5;
	v5 =	vor.u32 $0x280, v10;
	[tilespmem:v19+s20+$0x0] =	vst.idx.msk $0xffff, v16  }
0x50: {  	v24 =	vadd.s32 s28, v1;
	v28 =	vadd.s32 s29, v1;
	v21 =	vor.u32 $0x100, v56;
	v6 =	vld.idx.msk [tilespmem:v6+s1+$0x0], $0xffff  }
0x51: {  	v27 =	vshll.u32 v24, $0x3;
	v24 =	vand.u32 $0x7F, v24;
	[tilespmem:v3+s20+$0x0] =	vst.idx.msk $0xffff, v2;
	v2 =	vor.u32 $0x180, v55  }
0x52: {  	v27 =	vand.u32 $0x7C00, v27;
	v23 =	vor.u32 $0x300, v10;
	[tilespmem:v12+s20+$0x0] =	vst.idx.msk $0xffff, v7;
	v12 =	vld.idx.msk [tilespmem:v13+s1+$0x0], $0xffff;
	v13 =	vor.u32 $0x100, v58  }
0x53: {  	v60 =	vor.u32 v24, v27;
	v19 =	vor.u32 $0x180, v57;
	v3 =	vor.u32 $0x280, v9;
	[tilespmem:v18+s20+$0x0] =	vst.idx.msk $0xffff, v17;
	v17 =	vld.idx.msk [tilespmem:v20+s1+$0x0], $0xffff  }
0x54: {  	v24 =	vand.u32 $0x7F, v28;
	v22 =	vor.u32 $0x280, v11;
	v7 =	vor.u32 $0x300, v8;
	v5 =	vld.idx.msk [tilespmem:v5+s1+$0x0], $0xffff  }
0x55: {  	v26 =	vor.u32 $0x380, v8;
	v27 =	vor.u32 $0x200, v55;
	v25 =	vor.u32 $0x180, v56;
	[tilespmem:v21+s20+$0x0] =	vst.idx.msk $0xffff, v6  }
0x56: {  	v16 =	vor.u32 $0x300, v9;
	v18 =	vor.u32 $0x300, v4;
	v21 =	vshll.u32 v28, $0x3;
	v2 =	vld.idx.msk [tilespmem:v2+s1+$0x0], $0xffff  }
0x57: {  	v20 =	vor.u32 $0x380, v10;
	v6 =	vmov s29;
	v21 =	vand.u32 $0x7C00, v21;
	[tilespmem:v13+s20+$0x0] =	vst.idx.msk $0xffff, v12  }
0x58: {  	v12 =	vmov s28;
	[tilespmem:v3+s20+$0x0] =	vst.idx.msk $0xffff, v17;
	v3 =	vor.u32 v24, v21;
	v17 =	vld.idx.msk [tilespmem:v19+s1+$0x0], $0xffff;
	v19 =	vor.u32 $0x180, v58  }
0x59: {  	v13 =	vor.u32 s28, v0;
	[tilespmem:v22+s20+$0x0] =	vst.idx.msk $0xffff, v5;
	v12 =	vshll.u32 v12, $0x3;
	v5 =	vld.idx.msk [tilespmem:v7+s1+$0x0], $0xffff;
	v7 =	vor.u32 $0x200, v57  }
0x5a: {  	v6 =	vshll.u32 v6, $0x3;
	v13 =	vand.u32 $0x6F, v13;
	v21 =	vld.idx.msk [tilespmem:v23+s1+$0x0], $0xffff;
	v22 =	vand.u32 $0x3C00, v12  }
0x5b: {  	v6 =	vand.u32 $0x7C00, v6;
	v24 =	vld.idx.msk [tilespmem:v60+s1+$0x0], $0xffff;
	v23 =	vor.u32 s29, v0;
	v59 =	vor.u32 v13, v22;
	[tilespmem:v25+s20+$0x0] =	vst.idx.msk $0xffff, v2  }
0x5c: {  	v25 =	vor.u32 $0x80, v60;
	v2 =	vand.u32 $0x7F, v23;
	v23 =	vor.u32 $0x200, v56;
	v22 =	vld.idx.msk [tilespmem:v27+s1+$0x0], $0xffff  }
0x5d: {  	v2 =	vor.u32 v2, v6;
	v6 =	vor.u32 $0x280, v55;
	[tilespmem:v19+s20+$0x0] =	vst.idx.msk $0xffff, v17;
	v17 =	vld.idx.msk [tilespmem:v3+s1+$0x0], $0xffff  }
0x5e: {  	[tilespmem:v16+s20+$0x0] =	vst.idx.msk $0xffff, v5;
	v5 =	vld.idx.msk [tilespmem:v7+s1+$0x0], $0xffff;
	v7 =	vor.u32 $0x80, v3;
	v16 =	vor.u32 $0x200, v58  }
0x5f: {  	v19 =	vor.u32 $0x380, v9;
	[tilespmem:v18+s20+$0x0] =	vst.idx.msk $0xffff, v21;
	v21 =	vor.u32 $0x280, v57;
	v18 =	vld.idx.msk [tilespmem:v26+s1+$0x0], $0xffff  }
0x60: {  	v4 =	vor.u32 $0x380, v4;
	v20 =	vld.idx.msk [tilespmem:v20+s1+$0x0], $0xffff;
	v26 =	vadd.s32 $0x3400, v8;
	[tilespmem:v59+s20+$0x0] =	vst.idx.msk $0xffff, v24  }
0x61: {  	v24 =	vld.idx.msk [tilespmem:v25+s1+$0x0], $0xffff;
	[tilespmem:v23+s20+$0x0] =	vst.idx.msk $0xffff, v22;
	v22 =	vadd.s32 $0x3400, v10;
	v23 =	vor.u32 $0x80, v59  }
0x62: {  	v25 =	vor.u32 $0x280, v56;
	[tilespmem:v2+s20+$0x0] =	vst.idx.msk $0xffff, v17;
	v6 =	vld.idx.msk [tilespmem:v6+s1+$0x0], $0xffff;
	v17 =	vor.u32 $0x100, v60  }
0x63: {  	v7 =	vld.idx.msk [tilespmem:v7+s1+$0x0], $0xffff;
	[tilespmem:v16+s20+$0x0] =	vst.idx.msk $0xffff, v5;
	v5 =	vor.u32 $0x80, v2;
	v16 =	vor.u32 $0x300, v55  }
0x64: {  	v14 =	vor.u32 v15, v14;
	[tilespmem:v19+s20+$0x0] =	vst.idx.msk $0xffff, v18;
	v15 =	vld.idx.msk [tilespmem:v21+s1+$0x0], $0xffff;
	v18 =	vor.u32 $0x100, v3;
	v19 =	vor.u32 $0x280, v58  }
0x65: {  	v43 =	vadd.s32 $0x3580, v10;
	[tilespmem:v4+s20+$0x0] =	vst.idx.msk $0xffff, v20;
	v20 =	vadd.s32 $0x6800, v9;
	v4 =	vld.idx.msk [tilespmem:v26+s1+$0x0], $0xffff;
	v26 =	vor.u32 $0x300, v57  }
0x66: {  	v31 =	vor.u32 $0x380, v55;
	v28 =	vadd.s32 $0x3480, v8;
	v22 =	vld.idx.msk [tilespmem:v22+s1+$0x0], $0xffff;
	[tilespmem:v23+s20+$0x0] =	vst.idx.msk $0xffff, v24;
	v23 =	vadd.s32 $0x6800, v11  }
0x67: {  	v33 =	vor.u32 $0x380, v57;
	v17 =	vld.idx.msk [tilespmem:v17+s1+$0x0], $0xffff;
	[tilespmem:v25+s20+$0x0] =	vst.idx.msk $0xffff, v6;
	v6 =	vadd.s32 $0x3480, v10;
	v25 =	vor.u32 $0x100, v59  }
0x68: {  	v29 =	vor.u32 $0x300, v14;
	v27 =	vor.u32 $0x180, v3;
	[tilespmem:v5+s20+$0x0] =	vst.idx.msk $0xffff, v7;
	v5 =	vld.idx.msk [tilespmem:v16+s1+$0x0], $0xffff;
	v16 =	vor.u32 $0x180, v60  }
0x69: {  	s30 =	simm.s32 $0x60;
	v21 =	vor.u32 $0x300, v58;
	v24 =	vadd.s32 $0x6880, v9;
	v18 =	vld.idx.msk [tilespmem:v18+s1+$0x0], $0xffff;
	[tilespmem:v19+s20+$0x0] =	vst.idx.msk $0xffff, v15;
	v19 =	vor.u32 $0x100, v2  }
0x6a: {  	s31 =	simm.s32 $0x70;
	v7 =	vadd.s32 $0x3500, v10;
	v15 =	vadd.s32 $0x3500, v8;
	[tilespmem:v20+s20+$0x0] =	vst.idx.msk $0xffff, v4;
	v20 =	vld.idx.msk [tilespmem:v26+s1+$0x0], $0xffff;
	v4 =	vadd.s32 s30, v1  }
0x6b: {  	v26 =	vadd.s32 $0x6880, v11;
	v28 =	vld.idx.msk [tilespmem:v28+s1+$0x0], $0xffff;
	[tilespmem:v23+s20+$0x0] =	vst.idx.msk $0xffff, v22;
	v22 =	vshll.u32 v4, $0x3;
	v23 =	vadd.s32 s31, v1  }
0x6c: {  	v4 =	vand.u32 $0x7F, v4;
	v6 =	vld.idx.msk [tilespmem:v6+s1+$0x0], $0xffff;
	v22 =	vand.u32 $0x7C00, v22;
	v34 =	vshll.u32 v23, $0x3;
	[tilespmem:v25+s20+$0x0] =	vst.idx.msk $0xffff, v17  }
0x6d: {  	v17 =	vand.u32 $0x7F, v23;
	v4 =	vor.u32 v4, v22;
	v22 =	vand.u32 $0x7C00, v34;
	v16 =	vld.idx.msk [tilespmem:v16+s1+$0x0], $0xffff;
	[tilespmem:v29+s20+$0x0] =	vst.idx.msk $0xffff, v5  }
0x6e: {  	v42 =	vadd.s32 $0x6900, v11;
	v32 =	vor.u32 $0x180, v59;
	v5 =	vor.u32 v17, v22;
	[tilespmem:v19+s20+$0x0] =	vst.idx.msk $0xffff, v18;
	v17 =	vld.idx.msk [tilespmem:v31+s1+$0x0], $0xffff  }
0x6f: {  	v14 =	vor.u32 $0x380, v14;
	v23 =	vmov s31;
	v19 =	vld.idx.msk [tilespmem:v27+s1+$0x0], $0xffff;
	[tilespmem:v21+s20+$0x0] =	vst.idx.msk $0xffff, v20;
	v20 =	vor.u32 $0x200, v60  }
0x70: {  	v18 =	vshll.u32 v23, $0x3;
	v23 =	vor.u32 $0x380, v58;
	v21 =	vor.u32 $0x180, v2;
	[tilespmem:v24+s20+$0x0] =	vst.idx.msk $0xffff, v28;
	v22 =	vld.idx.msk [tilespmem:v33+s1+$0x0], $0xffff  }
0x71: {  	v31 =	vadd.s32 $0x3400, v57;
	[tilespmem:v26+s20+$0x0] =	vst.idx.msk $0xffff, v6;
	v6 =	vmov s30;
	v26 =	vor.u32 $0x200, v3;
	v15 =	vld.idx.msk [tilespmem:v15+s1+$0x0], $0xffff  }
0x72: {  	v27 =	vadd.s32 $0x6900, v9;
	v28 =	vor.u32 s30, v0;
	v29 =	vshll.u32 v6, $0x3;
	v41 =	vld.idx.msk [tilespmem:v7+s1+$0x0], $0xffff  }
0x73: {  	v24 =	vadd.s32 $0x3580, v8;
	v28 =	vand.u32 $0x6F, v28;
	[tilespmem:v32+s20+$0x0] =	vst.idx.msk $0xffff, v16;
	v16 =	vld.idx.msk [tilespmem:v4+s1+$0x0], $0xffff;
	v6 =	vand.u32 $0x3C00, v29  }
0x74: {  	v25 =	vor.u32 s31, v0;
	v18 =	vand.u32 $0x7C00, v18;
	[tilespmem:v14+s20+$0x0] =	vst.idx.msk $0xffff, v17;
	v7 =	vor.u32 v28, v6;
	v14 =	vld.idx.msk [tilespmem:v20+s1+$0x0], $0xffff  }
0x75: {  	v17 =	vor.u32 $0x80, v4;
	[tilespmem:v21+s20+$0x0] =	vst.idx.msk $0xffff, v19;
	v19 =	vld.idx.msk [tilespmem:v5+s1+$0x0], $0xffff;
	v6 =	vand.u32 $0x7F, v25;
	v20 =	vor.u32 $0x200, v59  }
0x76: {  	[tilespmem:v23+s20+$0x0] =	vst.idx.msk $0xffff, v22;
	v6 =	vor.u32 v6, v18;
	v18 =	vor.u32 $0x280, v60;
	v21 =	vld.idx.msk [tilespmem:v26+s1+$0x0], $0xffff  }
0x77: {  	v22 =	vor.u32 $0x80, v5;
	v23 =	vor.u32 $0x200, v2;
	v25 =	vld.idx.msk [tilespmem:v31+s1+$0x0], $0xffff;
	[tilespmem:v27+s20+$0x0] =	vst.idx.msk $0xffff, v15  }
0x78: {  	v26 =	vor.u32 $0x280, v3;
	v27 =	vadd.s32 $0x6800, v58;
	[tilespmem:v42+s20+$0x0] =	vst.idx.msk $0xffff, v41;
	v24 =	vld.idx.msk [tilespmem:v24+s1+$0x0], $0xffff  }
0x79: {  	v44 =	vadd.s32 $0x6980, v9;
	v35 =	vadd.s32 $0x6980, v11;
	v31 =	vadd.s32 $0x3480, v57;
	v32 =	vld.idx.msk [tilespmem:v43+s1+$0x0], $0xffff;
	[tilespmem:v7+s20+$0x0] =	vst.idx.msk $0xffff, v16  }
0x7a: {  	v12 =	vor.u32 v12, v13;
	v61 =	vor.u32 $0x300, v3;
	[tilespmem:v20+s20+$0x0] =	vst.idx.msk $0xffff, v14;
	v20 =	vadd.s32 $0x3400, v55;
	v45 =	vld.idx.msk [tilespmem:v17+s1+$0x0], $0xffff  }
0x7b: {  	v37 =	vor.u32 $0x280, v59;
	v36 =	vor.u32 $0x80, v7;
	[tilespmem:v6+s20+$0x0] =	vst.idx.msk $0xffff, v19;
	v18 =	vld.idx.msk [tilespmem:v18+s1+$0x0], $0xffff;
	v19 =	vadd.s32 $0x3600, v8  }
0x7c: {  	v13 =	vor.u32 $0x300, v2;
	v14 =	vor.u32 v29, v28;
	v29 =	vor.u32 $0x100, v4;
	v22 =	vld.idx.msk [tilespmem:v22+s1+$0x0], $0xffff;
	[tilespmem:v23+s20+$0x0] =	vst.idx.msk $0xffff, v21  }
0x7d: {  	v40 =	vor.u32 $0x280, v2;
	v21 =	vor.u32 $0x80, v6;
	v23 =	vor.u32 $0x300, v60;
	[tilespmem:v27+s20+$0x0] =	vst.idx.msk $0xffff, v25;
	v38 =	vld.idx.msk [tilespmem:v26+s1+$0x0], $0xffff  }
0x7e: {  	v39 =	vor.u32 $0x100, v5;
	v33 =	vor.u32 $0x380, v60;
	v15 =	vor.u32 $0x180, v5;
	v62 =	vld.idx.msk [tilespmem:v31+s1+$0x0], $0xffff;
	[tilespmem:v44+s20+$0x0] =	vst.idx.msk $0xffff, v24  }
0x7f: {  	v16 =	vor.u32 $0x300, v6;
	v28 =	vadd.s32 $0x6800, v56;
	[tilespmem:v35+s20+$0x0] =	vst.idx.msk $0xffff, v32;
	v24 =	vld.idx.msk [tilespmem:v20+s1+$0x0], $0xffff;
	v20 =	vadd.s32 $0x6880, v58  }
0x80: {  	v17 =	vadd.s32 $0x3680, v10;
	v25 =	vadd.s32 $0x3600, v10;
	v10 =	vadd.s32 $0x6A80, v11;
	[tilespmem:v36+s20+$0x0] =	vst.idx.msk $0xffff, v45;
	v26 =	vld.idx.msk [tilespmem:v19+s1+$0x0], $0xffff  }
0x81: {  	v27 =	vadd.s32 $0x3480, v55;
	v35 =	vor.u32 $0x100, v7;
	[tilespmem:v37+s20+$0x0] =	vst.idx.msk $0xffff, v18;
	v34 =	vld.idx.msk [tilespmem:v29+s1+$0x0], $0xffff;
	v29 =	vadd.s32 $0x6A00, v9  }
0x82: {  	v32 =	vor.u32 $0x300, v12;
	v19 =	vadd.s32 $0x3680, v8;
	v18 =	vadd.s32 $0x6A00, v11;
	[tilespmem:v21+s20+$0x0] =	vst.idx.msk $0xffff, v22;
	v31 =	vld.idx.msk [tilespmem:v23+s1+$0x0], $0xffff  }
0x83: {  	v8 =	vadd.s32 $0x3500, v55;
	v36 =	vor.u32 $0x180, v4;
	v11 =	vadd.s32 $0x3500, v57;
	v37 =	vld.idx.msk [tilespmem:v39+s1+$0x0], $0xffff;
	[tilespmem:v40+s20+$0x0] =	vst.idx.msk $0xffff, v38  }
0x84: {  	s24 =	simm.s32 $0x6;
	s25 =	simm.s32 $0x80;
	v9 =	vadd.s32 $0x6A80, v9;
	v23 =	vadd.s32 $0x6880, v56;
	v38 =	vor.u32 $0x100, v6;
	v61 =	vld.idx.msk [tilespmem:v61+s1+$0x0], $0xffff;
	[tilespmem:v20+s20+$0x0] =	vst.idx.msk $0xffff, v62  }
.LBB2_2:
0x85: {  	v21 =	vadd.s32 s25, v1;
	s26 =	sadd.s32 $0x10, s25;
	s24 =	sadd.s32 $0x2, s24;
	v39 =	vor.u32 $0x180, v7;
	v40 =	vor.u32 $0x380, v3;
	[tilespmem:v28+s20+$0x0] =	vst.idx.msk $0xffff, v24;
	v24 =	vld.idx.msk [tilespmem:v25+s1+$0x0], $0xffff;
	v20 =	vmovc v56  }
0x86: {  	v56 =	vmovc v59;
	v59 =	vmovc v7;
	v41 =	vshll.u32 v21, $0x3;
	v25 =	vmov s26;
	v28 =	vadd.s32 s26, v1;
	p0 =	slt.u32 s24, $0x64;
	v27 =	vld.idx.msk [tilespmem:v27+s1+$0x0], $0xffff;
	[tilespmem:v29+s20+$0x0] =	vst.idx.msk $0xffff, v26  }
0x87: {  	v22 =	vmovc v58;
	v7 =	vand.u32 $0x7F, v21;
	v21 =	vand.u32 $0x7C00, v41;
	v26 =	vshll.u32 v28, $0x3;
	[tilespmem:v35+s20+$0x0] =	vst.idx.msk $0xffff, v34;
	v19 =	vld.idx.msk [tilespmem:v19+s1+$0x0], $0xffff  }
0x88: {  	v35 =	vor.u32 v7, v21;
	v7 =	vand.u32 $0x7F, v28;
	v21 =	vand.u32 $0x7C00, v26;
	v26 =	vld.idx.msk [tilespmem:v36+s1+$0x0], $0xffff;
	[tilespmem:v32+s20+$0x0] =	vst.idx.msk $0xffff, v31  }
0x89: {  	v28 =	vor.u32 s26, v0;
	v21 =	vor.u32 v7, v21;
	v7 =	vshll.u32 v25, $0x3;
	[tilespmem:v38+s20+$0x0] =	vst.idx.msk $0xffff, v37;
	v25 =	vld.idx.msk [tilespmem:v33+s1+$0x0], $0xffff  }
0x8a: {  	v29 =	vand.u32 $0x7C00, v7;
	v31 =	vld.idx.msk [tilespmem:v15+s1+$0x0], $0xffff;
	v15 =	vor.u32 $0x180, v21;
	v7 =	vor.u32 $0x380, v12;
	[tilespmem:v13+s20+$0x0] =	vst.idx.msk $0xffff, v61;
	v12 =	vmovc v14  }
0x8b: {  	v58 =	vmovc v2;
	v2 =	vmov v6;
	v32 =	vor.u32 $0x200, v4;
	v33 =	vor.u32 $0x180, v6;
	v34 =	vld.idx.msk [tilespmem:v40+s1+$0x0], $0xffff;
	[tilespmem:v18+s20+$0x0] =	vst.idx.msk $0xffff, v24  }
0x8c: {  	v6 =	vor.u32 $0x380, v58;
	v13 =	vmovc v16;
	v18 =	vadd.s32 $0x3580, v55;
	[tilespmem:v23+s20+$0x0] =	vst.idx.msk $0xffff, v27;
	v23 =	vadd.s32 $0x3580, v57;
	v17 =	vld.idx.msk [tilespmem:v17+s1+$0x0], $0xffff  }
0x8d: {  	v14 =	vmov s25;
	v16 =	vor.u32 $0x200, v5;
	v24 =	vadd.s32 $0x6900, v22;
	v11 =	vld.idx.msk [tilespmem:v11+s1+$0x0], $0xffff;
	[tilespmem:v9+s20+$0x0] =	vst.idx.msk $0xffff, v19  }
0x8e: {  	v14 =	vshll.u32 v14, $0x3;
	v9 =	vor.u32 s25, v0;
	v19 =	vadd.s32 $0x3400, v3;
	[tilespmem:v39+s20+$0x0] =	vst.idx.msk $0xffff, v26;
	v8 =	vld.idx.msk [tilespmem:v8+s1+$0x0], $0xffff  }
0x8f: {  	v27 =	vand.u32 $0x3C00, v14;
	v9 =	vand.u32 $0x6F, v9;
	v26 =	vld.idx.msk [tilespmem:v35+s1+$0x0], $0xffff;
	[tilespmem:v7+s20+$0x0] =	vst.idx.msk $0xffff, v25;
	v25 =	vadd.s32 $0x6900, v20  }
0x90: {  	v7 =	vor.u32 v9, v27;
	v14 =	vor.u32 v14, v9;
	v9 =	vld.idx.msk [tilespmem:v32+s1+$0x0], $0xffff;
	[tilespmem:v33+s20+$0x0] =	vst.idx.msk $0xffff, v31  }
0x91: {  	v28 =	vand.u32 $0x7F, v28;
	v27 =	vor.u32 $0x80, v35;
	v32 =	vor.u32 $0x200, v59;
	v31 =	vld.idx.msk [tilespmem:v21+s1+$0x0], $0xffff;
	[tilespmem:v6+s20+$0x0] =	vst.idx.msk $0xffff, v34  }
0x92: {  	v6 =	vor.u32 v28, v29;
	v28 =	vor.u32 $0x280, v4;
	v29 =	vld.idx.msk [tilespmem:v16+s1+$0x0], $0xffff;
	[tilespmem:v10+s20+$0x0] =	vst.idx.msk $0xffff, v17  }
0x93: {  	v10 =	vor.u32 $0x80, v21;
	v16 =	vor.u32 $0x300, v6;
	v17 =	vor.u32 $0x200, v2;
	v19 =	vld.idx.msk [tilespmem:v19+s1+$0x0], $0xffff;
	[tilespmem:v24+s20+$0x0] =	vst.idx.msk $0xffff, v11  }
0x94: {  	v11 =	vor.u32 $0x280, v5;
	v24 =	vadd.s32 $0x6800, v58;
	[tilespmem:v25+s20+$0x0] =	vst.idx.msk $0xffff, v8;
	v8 =	vld.idx.msk [tilespmem:v23+s1+$0x0], $0xffff  }
0x95: {  	v23 =	vadd.s32 $0x3480, v3;
	v25 =	vadd.s32 $0x6980, v22;
	[tilespmem:v7+s20+$0x0] =	vst.idx.msk $0xffff, v26;
	v18 =	vld.idx.msk [tilespmem:v18+s1+$0x0], $0xffff  }
0x96: {  	v26 =	vld.idx.msk [tilespmem:v27+s1+$0x0], $0xffff;
	[tilespmem:v32+s20+$0x0] =	vst.idx.msk $0xffff, v9;
	v9 =	vadd.s32 $0x3400, v60;
	v27 =	vadd.s32 $0x6980, v20  }
0x97: {  	v33 =	vadd.s32 $0x3600, v57;
	v32 =	vor.u32 $0x80, v7;
	[tilespmem:v6+s20+$0x0] =	vst.idx.msk $0xffff, v31;
	v31 =	vld.idx.msk [tilespmem:v28+s1+$0x0], $0xffff  }
0x98: {  	v37 =	vor.u32 $0x280, v59;
	v34 =	vor.u32 $0x100, v35;
	v36 =	vld.idx.msk [tilespmem:v10+s1+$0x0], $0xffff;
	[tilespmem:v17+s20+$0x0] =	vst.idx.msk $0xffff, v29  }
0x99: {  	v39 =	vor.u32 $0x300, v4;
	v38 =	vor.u32 $0x80, v6;
	v11 =	vld.idx.msk [tilespmem:v11+s1+$0x0], $0xffff;
	[tilespmem:v24+s20+$0x0] =	vst.idx.msk $0xffff, v19  }
0x9a: {  	v61 =	vor.u32 $0x280, v2;
	v40 =	vor.u32 $0x100, v21;
	v17 =	vadd.s32 $0x3680, v55;
	v62 =	vld.idx.msk [tilespmem:v23+s1+$0x0], $0xffff;
	[tilespmem:v25+s20+$0x0] =	vst.idx.msk $0xffff, v8  }
0x9b: {  	v63 =	vadd.s32 $0x6880, v58;
	v23 =	vor.u32 $0x300, v5;
	v25 =	vadd.s32 $0x3600, v55;
	v55 =	vmovc v60;
	v24 =	vld.idx.msk [tilespmem:v9+s1+$0x0], $0xffff;
	[tilespmem:v27+s20+$0x0] =	vst.idx.msk $0xffff, v18  }
.Ltmp0:
0x9c: {  	v28 =	vadd.s32 $0x6800, v56;
	v10 =	vadd.s32 $0x6A80, v20;
	v19 =	vadd.s32 $0x3680, v57;
	v60 =	vmovc v4;
	[tilespmem:v32+s20+$0x0] =	vst.idx.msk $0xffff, v26;
	v26 =	vld.idx.msk [tilespmem:v33+s1+$0x0], $0xffff;
	(pc) =	sbr.rel @p0 .LBB2_2-.Ltmp0, $4  }
0x9d: {  	v29 =	vadd.s32 $0x6A00, v22;
	v4 =	vmovc v35;
	v27 =	vadd.s32 $0x3480, v55;
	v18 =	vadd.s32 $0x6A00, v20;
	v34 =	vld.idx.msk [tilespmem:v34+s1+$0x0], $0xffff;
	[tilespmem:v37+s20+$0x0] =	vst.idx.msk $0xffff, v31  }
0x9e: {  	v57 =	vmovc v3;
	v35 =	vor.u32 $0x100, v7;
	v8 =	vadd.s32 $0x3500, v55;
	v9 =	vadd.s32 $0x6A80, v22;
	[tilespmem:v38+s20+$0x0] =	vst.idx.msk $0xffff, v36;
	v31 =	vld.idx.msk [tilespmem:v39+s1+$0x0], $0xffff  }
0x9f: {  	v3 =	vmovc v5;
	v32 =	vor.u32 $0x300, v12;
	v36 =	vor.u32 $0x180, v4;
	v37 =	vld.idx.msk [tilespmem:v40+s1+$0x0], $0xffff;
	[tilespmem:v61+s20+$0x0] =	vst.idx.msk $0xffff, v11;
	v11 =	vadd.s32 $0x3500, v57  }
0xa0: {  	s25 =	sadd.s32 $0x20, s25;
	v5 =	vmovc v21;
	v33 =	vor.u32 $0x380, v60;
	v38 =	vor.u32 $0x100, v6;
	v61 =	vld.idx.msk [tilespmem:v23+s1+$0x0], $0xffff;
	v23 =	vadd.s32 $0x6880, v56;
	[tilespmem:v63+s20+$0x0] =	vst.idx.msk $0xffff, v62  }
0xa1: {  	_ =	sdelay $0x3  }
0xa2: {  	[tilespmem:v38+s20+$0x0] =	vst.idx.msk $0xffff, v37  }
0xa3: {  	v20 =	vor.u32 $0x180, v6;
	[tilespmem:v35+s20+$0x0] =	vst.idx.msk $0xffff, v34;
	v15 =	vld.idx.msk [tilespmem:v15+s1+$0x0], $0xffff  }
0xa4: {  	v21 =	vor.u32 $0x180, v7;
	v63 =	vor.u32 $0x200, v5;
	v22 =	vld.idx.msk [tilespmem:v36+s1+$0x0], $0xffff  }
0xa5: {  	v36 =	vor.u32 $0x200, v4;
	_ =	sdelay $0x2  }
0xa6: {  	[tilespmem:v20+s20+$0x0] =	vst.idx.msk $0xffff, v15  }
0xa7: {  	[tilespmem:v21+s20+$0x0] =	vst.idx.msk $0xffff, v22;
	v20 =	vor.u32 $0x200, v6;
	v15 =	vld.idx.msk [tilespmem:v63+s1+$0x0], $0xffff  }
0xa8: {  	v37 =	vor.u32 $0x280, v5;
	v22 =	vor.u32 $0x200, v7;
	v21 =	vld.idx.msk [tilespmem:v36+s1+$0x0], $0xffff  }
0xa9: {  	v38 =	vor.u32 $0x280, v4;
	_ =	sdelay $0x2  }
0xaa: {  	[tilespmem:v20+s20+$0x0] =	vst.idx.msk $0xffff, v15  }
0xab: {  	[tilespmem:v22+s20+$0x0] =	vst.idx.msk $0xffff, v21;
	v20 =	vor.u32 $0x280, v6;
	v15 =	vld.idx.msk [tilespmem:v37+s1+$0x0], $0xffff  }
0xac: {  	v39 =	vor.u32 $0x300, v5;
	v22 =	vor.u32 $0x280, v7;
	v21 =	vld.idx.msk [tilespmem:v38+s1+$0x0], $0xffff  }
0xad: {  	v40 =	vor.u32 $0x300, v4;
	_ =	sdelay $0x2  }
0xae: {  	[tilespmem:v20+s20+$0x0] =	vst.idx.msk $0xffff, v15;
	v15 =	vor.u32 $0x380, v3  }
0xaf: {  	[tilespmem:v22+s20+$0x0] =	vst.idx.msk $0xffff, v21;
	v20 =	vld.idx.msk [tilespmem:v39+s1+$0x0], $0xffff  }
0xb0: {  	v41 =	vor.u32 $0x380, v5;
	v22 =	vor.u32 $0x300, v14;
	v21 =	vld.idx.msk [tilespmem:v40+s1+$0x0], $0xffff  }
0xb1: {  	v42 =	vor.u32 $0x380, v4  }
0xb2: {  	[tilespmem:v13+s20+$0x0] =	vst.idx.msk $0xffff, v61  }
0xb3: {  	[tilespmem:v32+s20+$0x0] =	vst.idx.msk $0xffff, v31;
	v13 =	vld.idx.msk [tilespmem:v15+s1+$0x0], $0xffff;
	v15 =	vor.u32 $0x380, v2  }
0xb4: {  	v12 =	vor.u32 $0x380, v12;
	v31 =	vld.idx.msk [tilespmem:v33+s1+$0x0], $0xffff;
	[tilespmem:v16+s20+$0x0] =	vst.idx.msk $0xffff, v20;
	v16 =	vadd.s32 $0x3400, v3  }
0xb5: {  	[tilespmem:v22+s20+$0x0] =	vst.idx.msk $0xffff, v21;
	v22 =	vor.u32 $0x380, v6;
	v20 =	vadd.s32 $0x3400, v60;
	v21 =	vld.idx.msk [tilespmem:v41+s1+$0x0], $0xffff  }
0xb6: {  	[tilespmem:v28+s20+$0x0] =	vst.idx.msk $0xffff, v24;
	v28 =	vadd.s32 $0x3400, v5;
	v14 =	vor.u32 $0x380, v14;
	v24 =	vld.idx.msk [tilespmem:v42+s1+$0x0], $0xffff  }
0xb7: {  	v25 =	vld.idx.msk [tilespmem:v25+s1+$0x0], $0xffff;
	[tilespmem:v29+s20+$0x0] =	vst.idx.msk $0xffff, v26;
	v26 =	vadd.s32 $0x3400, v4  }
0xb8: {  	v27 =	vld.idx.msk [tilespmem:v27+s1+$0x0], $0xffff;
	[tilespmem:v15+s20+$0x0] =	vst.idx.msk $0xffff, v13  }
0xb9: {  	[tilespmem:v12+s20+$0x0] =	vst.idx.msk $0xffff, v31;
	v13 =	vadd.s32 $0x6800, v2;
	v12 =	vld.idx.msk [tilespmem:v16+s1+$0x0], $0xffff  }
0xba: {  	v15 =	vadd.s32 $0x3480, v3;
	v16 =	vld.idx.msk [tilespmem:v20+s1+$0x0], $0xffff;
	v20 =	vadd.s32 $0x6800, v59;
	[tilespmem:v22+s20+$0x0] =	vst.idx.msk $0xffff, v21  }
0xbb: {  	[tilespmem:v14+s20+$0x0] =	vst.idx.msk $0xffff, v24;
	v21 =	vadd.s32 $0x3480, v60;
	v22 =	vadd.s32 $0x6800, v6;
	v14 =	vld.idx.msk [tilespmem:v28+s1+$0x0], $0xffff  }
0xbc: {  	[tilespmem:v18+s20+$0x0] =	vst.idx.msk $0xffff, v25;
	v18 =	vadd.s32 $0x3480, v5;
	v25 =	vadd.s32 $0x6800, v7;
	v24 =	vld.idx.msk [tilespmem:v26+s1+$0x0], $0xffff  }
0xbd: {  	v19 =	vld.idx.msk [tilespmem:v19+s1+$0x0], $0xffff;
	[tilespmem:v23+s20+$0x0] =	vst.idx.msk $0xffff, v27;
	v23 =	vadd.s32 $0x3480, v4  }
0xbe: {  	v17 =	vld.idx.msk [tilespmem:v17+s1+$0x0], $0xffff;
	[tilespmem:v13+s20+$0x0] =	vst.idx.msk $0xffff, v12  }
0xbf: {  	v13 =	vadd.s32 $0x6880, v2;
	[tilespmem:v20+s20+$0x0] =	vst.idx.msk $0xffff, v16;
	v12 =	vld.idx.msk [tilespmem:v15+s1+$0x0], $0xffff  }
0xc0: {  	v16 =	vadd.s32 $0x6880, v59;
	v15 =	vadd.s32 $0x3500, v3;
	v20 =	vld.idx.msk [tilespmem:v21+s1+$0x0], $0xffff;
	[tilespmem:v22+s20+$0x0] =	vst.idx.msk $0xffff, v14  }
0xc1: {  	[tilespmem:v25+s20+$0x0] =	vst.idx.msk $0xffff, v24;
	v21 =	vadd.s32 $0x6880, v6;
	v14 =	vadd.s32 $0x3500, v60;
	v18 =	vld.idx.msk [tilespmem:v18+s1+$0x0], $0xffff  }
0xc2: {  	[tilespmem:v9+s20+$0x0] =	vst.idx.msk $0xffff, v19;
	v9 =	vadd.s32 $0x3500, v5;
	v19 =	vadd.s32 $0x6880, v7;
	v22 =	vld.idx.msk [tilespmem:v23+s1+$0x0], $0xffff  }
0xc3: {  	v11 =	vld.idx.msk [tilespmem:v11+s1+$0x0], $0xffff;
	[tilespmem:v10+s20+$0x0] =	vst.idx.msk $0xffff, v17;
	v10 =	vadd.s32 $0x3500, v4;
	v23 =	vadd.s32 $0x6900, v58  }
0xc4: {  	v8 =	vld.idx.msk [tilespmem:v8+s1+$0x0], $0xffff;
	v17 =	vadd.s32 $0x3580, v57;
	v24 =	vadd.s32 $0x6900, v56;
	[tilespmem:v13+s20+$0x0] =	vst.idx.msk $0xffff, v12  }
0xc5: {  	v12 =	vadd.s32 $0x3580, v55;
	[tilespmem:v16+s20+$0x0] =	vst.idx.msk $0xffff, v20;
	v13 =	vld.idx.msk [tilespmem:v15+s1+$0x0], $0xffff;
	v15 =	vadd.s32 $0x6900, v2  }
0xc6: {  	v16 =	vadd.s32 $0x3580, v3;
	v20 =	vadd.s32 $0x6900, v59;
	v14 =	vld.idx.msk [tilespmem:v14+s1+$0x0], $0xffff;
	[tilespmem:v21+s20+$0x0] =	vst.idx.msk $0xffff, v18  }
0xc7: {  	[tilespmem:v19+s20+$0x0] =	vst.idx.msk $0xffff, v22;
	v19 =	vadd.s32 $0x6900, v6;
	v18 =	vadd.s32 $0x3580, v60;
	v9 =	vld.idx.msk [tilespmem:v9+s1+$0x0], $0xffff  }
0xc8: {  	[tilespmem:v23+s20+$0x0] =	vst.idx.msk $0xffff, v11;
	v11 =	vadd.s32 $0x3580, v5;
	v10 =	vld.idx.msk [tilespmem:v10+s1+$0x0], $0xffff;
	v21 =	vadd.s32 $0x6900, v7  }
0xc9: {  	[tilespmem:v24+s20+$0x0] =	vst.idx.msk $0xffff, v8;
	v22 =	vadd.s32 $0x3580, v4;
	v8 =	vld.idx.msk [tilespmem:v17+s1+$0x0], $0xffff;
	v17 =	vadd.s32 $0x6980, v58  }
0xca: {  	v24 =	vadd.s32 $0x3600, v57;
	v23 =	vadd.s32 $0x6980, v56;
	v12 =	vld.idx.msk [tilespmem:v12+s1+$0x0], $0xffff;
	[tilespmem:v15+s20+$0x0] =	vst.idx.msk $0xffff, v13  }
0xcb: {  	v13 =	vadd.s32 $0x3600, v55;
	[tilespmem:v20+s20+$0x0] =	vst.idx.msk $0xffff, v14;
	v15 =	vadd.s32 $0x6980, v2;
	v14 =	vld.idx.msk [tilespmem:v16+s1+$0x0], $0xffff  }
0xcc: {  	v20 =	vadd.s32 $0x3600, v3;
	v16 =	vld.idx.msk [tilespmem:v18+s1+$0x0], $0xffff;
	v18 =	vadd.s32 $0x6980, v59;
	[tilespmem:v19+s20+$0x0] =	vst.idx.msk $0xffff, v9  }
0xcd: {  	[tilespmem:v21+s20+$0x0] =	vst.idx.msk $0xffff, v10;
	v9 =	vadd.s32 $0x3600, v60;
	v10 =	vld.idx.msk [tilespmem:v11+s1+$0x0], $0xffff;
	v11 =	vadd.s32 $0x6980, v6  }
0xce: {  	[tilespmem:v17+s20+$0x0] =	vst.idx.msk $0xffff, v8;
	v17 =	vadd.s32 $0x6980, v7;
	v8 =	vld.idx.msk [tilespmem:v22+s1+$0x0], $0xffff;
	v19 =	vadd.s32 $0x3600, v5  }
0xcf: {  	v21 =	vadd.s32 $0x6A00, v58;
	v22 =	vadd.s32 $0x3600, v4;
	[tilespmem:v23+s20+$0x0] =	vst.idx.msk $0xffff, v12;
	v12 =	vld.idx.msk [tilespmem:v24+s1+$0x0], $0xffff  }
0xd0: {  	v23 =	vadd.s32 $0x3680, v57;
	v24 =	vadd.s32 $0x6A00, v56;
	v13 =	vld.idx.msk [tilespmem:v13+s1+$0x0], $0xffff;
	[tilespmem:v15+s20+$0x0] =	vst.idx.msk $0xffff, v14  }
0xd1: {  	v14 =	vadd.s32 $0x3680, v55;
	[tilespmem:v18+s20+$0x0] =	vst.idx.msk $0xffff, v16;
	v16 =	vadd.s32 $0x6A00, v2;
	v15 =	vld.idx.msk [tilespmem:v20+s1+$0x0], $0xffff  }
0xd2: {  	v3 =	vadd.s32 $0x3680, v3;
	v18 =	vadd.s32 $0x6A00, v59;
	v9 =	vld.idx.msk [tilespmem:v9+s1+$0x0], $0xffff;
	[tilespmem:v11+s20+$0x0] =	vst.idx.msk $0xffff, v10  }
0xd3: {  	[tilespmem:v17+s20+$0x0] =	vst.idx.msk $0xffff, v8;
	v10 =	vadd.s32 $0x3680, v60;
	v11 =	vadd.s32 $0x6A00, v6;
	v8 =	vld.idx.msk [tilespmem:v19+s1+$0x0], $0xffff  }
0xd4: {  	v5 =	vadd.s32 $0x3680, v5;
	v17 =	vld.idx.msk [tilespmem:v22+s1+$0x0], $0xffff;
	[tilespmem:v21+s20+$0x0] =	vst.idx.msk $0xffff, v12;
	v12 =	vadd.s32 $0x6A00, v7  }
0xd5: {  	v4 =	vadd.s32 $0x3680, v4;
	v19 =	vadd.s32 $0x6A80, v58;
	v20 =	vld.idx.msk [tilespmem:v23+s1+$0x0], $0xffff;
	[tilespmem:v24+s20+$0x0] =	vst.idx.msk $0xffff, v13  }
0xd6: {  	v13 =	vadd.s32 $0x6A80, v56;
	v14 =	vld.idx.msk [tilespmem:v14+s1+$0x0], $0xffff;
	[tilespmem:v16+s20+$0x0] =	vst.idx.msk $0xffff, v15  }
0xd7: {  	v2 =	vadd.s32 $0x6A80, v2;
	[tilespmem:v18+s20+$0x0] =	vst.idx.msk $0xffff, v9;
	v3 =	vld.idx.msk [tilespmem:v3+s1+$0x0], $0xffff  }
0xd8: {  	v9 =	vadd.s32 $0x6A80, v59;
	v10 =	vld.idx.msk [tilespmem:v10+s1+$0x0], $0xffff;
	[tilespmem:v11+s20+$0x0] =	vst.idx.msk $0xffff, v8  }
0xd9: {  	v6 =	vadd.s32 $0x6A80, v6;
	[tilespmem:v12+s20+$0x0] =	vst.idx.msk $0xffff, v17;
	v5 =	vld.idx.msk [tilespmem:v5+s1+$0x0], $0xffff  }
0xda: {  	v7 =	vadd.s32 $0x6A80, v7;
	[tilespmem:v19+s20+$0x0] =	vst.idx.msk $0xffff, v20;
	v4 =	vld.idx.msk [tilespmem:v4+s1+$0x0], $0xffff  }
0xdb: {  	[tilespmem:v13+s20+$0x0] =	vst.idx.msk $0xffff, v14  }
0xdc: {  	[tilespmem:v2+s20+$0x0] =	vst.idx.msk $0xffff, v3  }
0xdd: {  	[tilespmem:v9+s20+$0x0] =	vst.idx.msk $0xffff, v10  }
0xde: {  	[tilespmem:v6+s20+$0x0] =	vst.idx.msk $0xffff, v5  }
0xdf: {  	[tilespmem:v7+s20+$0x0] =	vst.idx.msk $0xffff, v4  }
0xe0: {  	v2 =	vld [tilespmem:$0x1FD50];
	_ =	sdelay $0x4  }
0xe1: {  	v3 =	vld [tilespmem:$0x1FD60];
	_ =	sdelay $0x2  }
0xe2: {  	v2 =	vld.idx.msk [tilespmem:v2+s1+$0x0], $0xffff;
	_ =	sdelay $0x4  }
0xe3: {  	[tilespmem:v3+s20+$0x0] =	vst.idx.msk $0xffff, v2;
	v2 =	vld [tilespmem:$0x1FD70];
	_ =	sdelay $0x4  }
0xe4: {  	v3 =	vld [tilespmem:$0x1FD80];
	_ =	sdelay $0x2  }
0xe5: {  	v2 =	vld.idx.msk [tilespmem:v2+s1+$0x0], $0xffff;
	_ =	sdelay $0x4  }
0xe6: {  	[tilespmem:v3+s20+$0x0] =	vst.idx.msk $0xffff, v2;
	v2 =	vld [tilespmem:$0x1FD90];
	_ =	sdelay $0x4  }
0xe7: {  	v3 =	vld [tilespmem:$0x1FDA0];
	_ =	sdelay $0x2  }
0xe8: {  	v2 =	vld.idx.msk [tilespmem:v2+s1+$0x0], $0xffff;
	_ =	sdelay $0x4  }
0xe9: {  	[tilespmem:v3+s20+$0x0] =	vst.idx.msk $0xffff, v2;
	v2 =	vld [tilespmem:$0x1FDB0];
	_ =	sdelay $0x4  }
0xea: {  	v3 =	vld [tilespmem:$0x1FDC0];
	_ =	sdelay $0x2  }
0xeb: {  	v2 =	vld.idx.msk [tilespmem:v2+s1+$0x0], $0xffff;
	_ =	sdelay $0x4  }
0xec: {  	[tilespmem:v3+s20+$0x0] =	vst.idx.msk $0xffff, v2;
	v2 =	vld [tilespmem:$0x1FDD0];
	_ =	sdelay $0x4  }
0xed: {  	v3 =	vld [tilespmem:$0x1FDE0];
	_ =	sdelay $0x2  }
0xee: {  	v2 =	vld.idx.msk [tilespmem:v2+s1+$0x0], $0xffff;
	_ =	sdelay $0x4  }
0xef: {  	[tilespmem:v3+s20+$0x0] =	vst.idx.msk $0xffff, v2;
	v2 =	vld [tilespmem:$0x1FDF0];
	_ =	sdelay $0x4  }
0xf0: {  	v3 =	vld [tilespmem:$0x1FE00];
	_ =	sdelay $0x2  }
0xf1: {  	v2 =	vld.idx.msk [tilespmem:v2+s1+$0x0], $0xffff;
	_ =	sdelay $0x4  }
0xf2: {  	[tilespmem:v3+s20+$0x0] =	vst.idx.msk $0xffff, v2;
	v2 =	vld [tilespmem:$0x1FE10];
	_ =	sdelay $0x4  }
0xf3: {  	v3 =	vld [tilespmem:$0x1FE20];
	_ =	sdelay $0x2  }
0xf4: {  	v2 =	vld.idx.msk [tilespmem:v2+s1+$0x0], $0xffff;
	_ =	sdelay $0x4  }
0xf5: {  	[tilespmem:v3+s20+$0x0] =	vst.idx.msk $0xffff, v2;
	v2 =	vld [tilespmem:$0x1FE30];
	_ =	sdelay $0x4  }
0xf6: {  	v3 =	vld [tilespmem:$0x1FE40];
	_ =	sdelay $0x2  }
0xf7: {  	v2 =	vld.idx.msk [tilespmem:v2+s1+$0x0], $0xffff;
	_ =	sdelay $0x4  }
0xf8: {  	[tilespmem:v3+s20+$0x0] =	vst.idx.msk $0xffff, v2;
	v2 =	vld [tilespmem:$0x1FE50];
	_ =	sdelay $0x4  }
0xf9: {  	v3 =	vld [tilespmem:$0x1FE60];
	_ =	sdelay $0x2  }
0xfa: {  	v2 =	vld.idx.msk [tilespmem:v2+s1+$0x0], $0xffff;
	_ =	sdelay $0x4  }
0xfb: {  	[tilespmem:v3+s20+$0x0] =	vst.idx.msk $0xffff, v2;
	v2 =	vld [tilespmem:$0x1FE70];
	_ =	sdelay $0x4  }
0xfc: {  	v3 =	vld [tilespmem:$0x1FE80];
	_ =	sdelay $0x2  }
0xfd: {  	v2 =	vld.idx.msk [tilespmem:v2+s1+$0x0], $0xffff;
	_ =	sdelay $0x4  }
0xfe: {  	[tilespmem:v3+s20+$0x0] =	vst.idx.msk $0xffff, v2;
	v2 =	vld [tilespmem:$0x1FE90];
	_ =	sdelay $0x4  }
0xff: {  	v3 =	vld [tilespmem:$0x1FEA0];
	_ =	sdelay $0x2  }
0x100: {  	v2 =	vld.idx.msk [tilespmem:v2+s1+$0x0], $0xffff;
	_ =	sdelay $0x4  }
0x101: {  	[tilespmem:v3+s20+$0x0] =	vst.idx.msk $0xffff, v2;
	v2 =	vld [tilespmem:$0x1FEB0];
	_ =	sdelay $0x4  }
0x102: {  	v3 =	vld [tilespmem:$0x1FEC0];
	_ =	sdelay $0x2  }
0x103: {  	v2 =	vld.idx.msk [tilespmem:v2+s1+$0x0], $0xffff;
	_ =	sdelay $0x4  }
0x104: {  	[tilespmem:v3+s20+$0x0] =	vst.idx.msk $0xffff, v2;
	v2 =	vld [tilespmem:$0x1FED0];
	_ =	sdelay $0x4  }
0x105: {  	v3 =	vld [tilespmem:$0x1FEE0];
	_ =	sdelay $0x2  }
0x106: {  	v2 =	vld.idx.msk [tilespmem:v2+s1+$0x0], $0xffff;
	_ =	sdelay $0x4  }
0x107: {  	[tilespmem:v3+s20+$0x0] =	vst.idx.msk $0xffff, v2;
	v2 =	vld [tilespmem:$0x1FEF0];
	_ =	sdelay $0x4  }
0x108: {  	v7 =	vld [tilespmem:$0x1FF00];
	_ =	sdelay $0x2  }
0x109: {  	v2 =	vld.idx.msk [tilespmem:v2+s1+$0x0], $0xffff  }
0x10a: {  	s24 =	simm.s32 $0x666  }
0x10b: {  	s25 =	simm.s32 $0x676;
	v3 =	vadd.s32 s24, v30  }
0x10c: {  	v4 =	vadd.s32 s25, v30;
	v5 =	vshll.u32 v3, $0x3  }
0x10d: {  	v6 =	vshll.u32 v4, $0x3;
	v3 =	vand.u32 $0x7F, v3;
	v5 =	vand.u32 $0xFFFFFC00, v5  }
0x10e: {  	v8 =	vor.u32 v3, v5;
	[tilespmem:v7+s20+$0x0] =	vst.idx.msk $0xffff, v2;
	v2 =	vand.u32 $0x7F, v4;
	v4 =	vand.u32 $0xFFFFFC00, v6  }
0x10f: {  	[tilespmem:s1], [sflag:$0x1] =	stream.strided.gather [hbm4b:s5+s16], $0x6800, s17, s16, $0x38;
	v9 =	vor.u32 v2, v4;
	[tilespmem:$0x1A000] =	vst v63  }
0x110: {  	v2 =	vadd.s32 s24, v0;
	_ =	swait.ge [sflag:s21], $0x6800  }
0x111: {  	v4 =	vadd.s32 s25, v0;
	v3 =	vshll.u32 v2, $0x3;
	[sflag:s21] =	ssyncset.done $0x0  }
0x112: {  	v5 =	vshll.u32 v4, $0x3;
	v2 =	vand.u32 $0x7F, v2;
	v3 =	vand.u32 $0x7FFFFC00, v3;
	[sflag:s21] =	ssyncadd.s32 $0xFFFF9800  }
0x113: {  	v4 =	vand.u32 $0x7F, v4;
	v5 =	vand.u32 $0xFC00, v5;
	v10 =	vor.u32 v2, v3;
	v6 =	vld.idx.msk [tilespmem:v8+s18+$0x0], $0xffff  }
0x114: {  	v11 =	vor.u32 v4, v5;
	v3 =	vor.u32 $0x80, v8;
	v2 =	vld.idx.msk [tilespmem:v9+s18+$0x0], $0xffff  }
0x115: {  	v4 =	vor.u32 $0x80, v9;
	_ =	sdelay $0x2  }
0x116: {  	[tilespmem:v10+s20+$0x0] =	vst.idx.msk $0xffff, v6  }
0x117: {  	s25 =	simm.s32 $0x696;
	[tilespmem:v11+s20+$0x0] =	vst.idx.msk $0xffff, v2;
	v2 =	vld.idx.msk [tilespmem:v3+s18+$0x0], $0xffff;
	v3 =	vor.u32 $0x80, v10  }
0x118: {  	v7 =	vadd.s32 s25, v30;
	v5 =	vor.u32 $0x80, v11;
	v6 =	vor.u32 $0x100, v8;
	v4 =	vld.idx.msk [tilespmem:v4+s18+$0x0], $0xffff  }
0x119: {  	s26 =	simm.s32 $0x686;
	v12 =	vor.u32 $0x100, v9;
	v13 =	vshll.u32 v7, $0x3  }
0x11a: {  	v14 =	vadd.s32 s26, v30;
	v7 =	vand.u32 $0x7F, v7;
	v13 =	vand.u32 $0xFFFFFC00, v13  }
0x11b: {  	v15 =	vshll.u32 v14, $0x3;
	v55 =	vor.u32 v7, v13  }
0x11c: {  	v7 =	vor.u32 $0x180, v8;
	[tilespmem:v3+s20+$0x0] =	vst.idx.msk $0xffff, v2;
	v2 =	vand.u32 $0x7F, v14;
	v3 =	vand.u32 $0xFFFFFC00, v15  }
0x11d: {  	[tilespmem:v5+s20+$0x0] =	vst.idx.msk $0xffff, v4;
	v4 =	vld.idx.msk [tilespmem:v6+s18+$0x0], $0xffff;
	v5 =	vor.u32 $0x100, v10;
	v58 =	vor.u32 v2, v3;
	v2 =	vadd.s32 s25, v0  }
0x11e: {  	v14 =	vadd.s32 s26, v0;
	v6 =	vor.u32 $0x100, v11;
	v3 =	vld.idx.msk [tilespmem:v12+s18+$0x0], $0xffff;
	v13 =	vshll.u32 v2, $0x3  }
0x11f: {  	v12 =	vor.u32 $0x180, v9;
	v2 =	vand.u32 $0x7F, v2;
	v13 =	vand.u32 $0xFC00, v13  }
0x120: {  	v16 =	vld.idx.msk [tilespmem:v55+s18+$0x0], $0xffff;
	v15 =	vshll.u32 v14, $0x3;
	v56 =	vor.u32 v2, v13  }
0x121: {  	v2 =	vand.u32 $0x7FFFFC00, v15;
	v13 =	vand.u32 $0x7F, v14;
	v14 =	vor.u32 $0x80, v55  }
0x122: {  	v57 =	vor.u32 v13, v2;
	[tilespmem:v5+s20+$0x0] =	vst.idx.msk $0xffff, v4;
	v4 =	vld.idx.msk [tilespmem:v58+s18+$0x0], $0xffff  }
0x123: {  	v5 =	vor.u32 $0x80, v58;
	[tilespmem:v6+s20+$0x0] =	vst.idx.msk $0xffff, v3;
	v2 =	vld.idx.msk [tilespmem:v7+s18+$0x0], $0xffff;
	v3 =	vor.u32 $0x180, v10  }
0x124: {  	v7 =	vor.u32 $0x180, v11;
	v6 =	vld.idx.msk [tilespmem:v12+s18+$0x0], $0xffff;
	v12 =	vor.u32 $0x200, v8  }
0x125: {  	v13 =	vor.u32 $0x200, v9;
	[tilespmem:v56+s20+$0x0] =	vst.idx.msk $0xffff, v16  }
0x126: {  	v15 =	vor.u32 $0x80, v56;
	v14 =	vld.idx.msk [tilespmem:v14+s18+$0x0], $0xffff  }
0x127: {  	[tilespmem:v57+s20+$0x0] =	vst.idx.msk $0xffff, v4;
	v4 =	vor.u32 $0x100, v55  }
0x128: {  	[tilespmem:v3+s20+$0x0] =	vst.idx.msk $0xffff, v2;
	v2 =	vld.idx.msk [tilespmem:v5+s18+$0x0], $0xffff;
	v3 =	vor.u32 $0x80, v57  }
0x129: {  	[tilespmem:v7+s20+$0x0] =	vst.idx.msk $0xffff, v6;
	v5 =	vld.idx.msk [tilespmem:v12+s18+$0x0], $0xffff;
	v6 =	vor.u32 $0x200, v10;
	v7 =	vor.u32 $0x100, v58  }
0x12a: {  	v16 =	vor.u32 $0x280, v8;
	v12 =	vld.idx.msk [tilespmem:v13+s18+$0x0], $0xffff;
	v13 =	vor.u32 $0x200, v11  }
0x12b: {  	v17 =	vor.u32 $0x280, v9;
	[tilespmem:v15+s20+$0x0] =	vst.idx.msk $0xffff, v14  }
0x12c: {  	s29 =	simm.s32 $0x6A6;
	v14 =	vor.u32 $0x100, v56;
	v4 =	vld.idx.msk [tilespmem:v4+s18+$0x0], $0xffff  }
0x12d: {  	v23 =	vadd.s32 s29, v30;
	v21 =	vor.u32 $0x380, v8;
	[tilespmem:v3+s20+$0x0] =	vst.idx.msk $0xffff, v2;
	v3 =	vor.u32 $0x180, v55  }
0x12e: {  	s28 =	simm.s32 $0x6B6;
	v20 =	vor.u32 $0x300, v11;
	v18 =	vor.u32 $0x180, v58;
	v19 =	vor.u32 $0x100, v57;
	[tilespmem:v6+s20+$0x0] =	vst.idx.msk $0xffff, v5;
	v7 =	vld.idx.msk [tilespmem:v7+s18+$0x0], $0xffff  }
0x12f: {  	v15 =	vor.u32 $0x300, v10;
	v2 =	vadd.s32 s28, v30;
	[tilespmem:v13+s20+$0x0] =	vst.idx.msk $0xffff, v12;
	v12 =	vld.idx.msk [tilespmem:v16+s18+$0x0], $0xffff;
	v13 =	vor.u32 $0x280, v10  }
0x130: {  	v5 =	vor.u32 $0x280, v11;
	v22 =	vshll.u32 v2, $0x3;
	v16 =	vor.u32 $0x300, v8;
	v17 =	vld.idx.msk [tilespmem:v17+s18+$0x0], $0xffff  }
0x131: {  	v6 =	vor.u32 $0x300, v9;
	v2 =	vand.u32 $0x7F, v2;
	v22 =	vand.u32 $0xFFFFFC00, v22;
	[tilespmem:v14+s20+$0x0] =	vst.idx.msk $0xffff, v4  }
0x132: {  	v2 =	vor.u32 v2, v22;
	v22 =	vor.u32 $0x180, v56;
	v4 =	vshll.u32 v23, $0x3;
	v14 =	vld.idx.msk [tilespmem:v3+s18+$0x0], $0xffff  }
0x133: {  	v3 =	vand.u32 $0x7F, v23;
	v4 =	vand.u32 $0xFFFFFC00, v4;
	[tilespmem:v19+s20+$0x0] =	vst.idx.msk $0xffff, v7;
	v7 =	vor.u32 $0x200, v55  }
0x134: {  	v3 =	vor.u32 v3, v4;
	[tilespmem:v13+s20+$0x0] =	vst.idx.msk $0xffff, v12;
	v4 =	vld.idx.msk [tilespmem:v18+s18+$0x0], $0xffff;
	v12 =	vor.u32 $0x180, v57;
	v13 =	vadd.s32 s28, v0  }
0x135: {  	[tilespmem:v5+s20+$0x0] =	vst.idx.msk $0xffff, v17;
	v5 =	vld.idx.msk [tilespmem:v16+s18+$0x0], $0xffff;
	v16 =	vadd.s32 s29, v0;
	v17 =	vor.u32 $0x200, v58;
	v18 =	vshll.u32 v13, $0x3  }
0x136: {  	v13 =	vand.u32 $0x7F, v13;
	v6 =	vld.idx.msk [tilespmem:v6+s18+$0x0], $0xffff;
	v19 =	vshll.u32 v16, $0x3;
	v18 =	vand.u32 $0xFC00, v18  }
0x137: {  	v23 =	vor.u32 $0x380, v9;
	v19 =	vand.u32 $0x7FFFFC00, v19;
	[tilespmem:v22+s20+$0x0] =	vst.idx.msk $0xffff, v14;
	v14 =	vld.idx.msk [tilespmem:v2+s18+$0x0], $0xffff;
	v59 =	vor.u32 v13, v18  }
0x138: {  	v13 =	vand.u32 $0x7F, v16;
	v16 =	vor.u32 $0x80, v2;
	v18 =	vor.u32 $0x200, v56;
	v7 =	vld.idx.msk [tilespmem:v7+s18+$0x0], $0xffff  }
0x139: {  	[tilespmem:v12+s20+$0x0] =	vst.idx.msk $0xffff, v4;
	v12 =	vld.idx.msk [tilespmem:v3+s18+$0x0], $0xffff;
	v4 =	vor.u32 v13, v19;
	v13 =	vor.u32 $0x280, v55  }
0x13a: {  	[tilespmem:v15+s20+$0x0] =	vst.idx.msk $0xffff, v5;
	v5 =	vld.idx.msk [tilespmem:v17+s18+$0x0], $0xffff;
	v15 =	vor.u32 $0x80, v3;
	v17 =	vor.u32 $0x200, v57  }
0x13b: {  	v19 =	vor.u32 $0x380, v10;
	[tilespmem:v20+s20+$0x0] =	vst.idx.msk $0xffff, v6;
	v6 =	vld.idx.msk [tilespmem:v21+s18+$0x0], $0xffff;
	v20 =	vor.u32 $0x280, v58  }
0x13c: {  	v22 =	vor.u32 $0x380, v11;
	v21 =	vld.idx.msk [tilespmem:v23+s18+$0x0], $0xffff;
	v23 =	vadd.s32 $0x3400, v8;
	[tilespmem:v59+s20+$0x0] =	vst.idx.msk $0xffff, v14  }
0x13d: {  	v14 =	vld.idx.msk [tilespmem:v16+s18+$0x0], $0xffff;
	[tilespmem:v18+s20+$0x0] =	vst.idx.msk $0xffff, v7;
	v7 =	vadd.s32 $0x3400, v9;
	v16 =	vor.u32 $0x80, v59  }
0x13e: {  	v18 =	vor.u32 $0x280, v56;
	[tilespmem:v4+s20+$0x0] =	vst.idx.msk $0xffff, v12;
	v12 =	vld.idx.msk [tilespmem:v13+s18+$0x0], $0xffff;
	v13 =	vor.u32 $0x100, v2  }
0x13f: {  	v15 =	vld.idx.msk [tilespmem:v15+s18+$0x0], $0xffff;
	[tilespmem:v17+s20+$0x0] =	vst.idx.msk $0xffff, v5;
	v5 =	vor.u32 $0x80, v4;
	v17 =	vor.u32 $0x300, v55  }
0x140: {  	[tilespmem:v19+s20+$0x0] =	vst.idx.msk $0xffff, v6;
	v6 =	vld.idx.msk [tilespmem:v20+s18+$0x0], $0xffff;
	v19 =	vor.u32 $0x100, v3;
	v20 =	vor.u32 $0x280, v57  }
0x141: {  	[tilespmem:v22+s20+$0x0] =	vst.idx.msk $0xffff, v21;
	v21 =	vld.idx.msk [tilespmem:v23+s18+$0x0], $0xffff;
	v22 =	vadd.s32 $0x6800, v10;
	v23 =	vor.u32 $0x300, v58  }
0x142: {  	s31 =	simm.s32 $0x6C6;
	v24 =	vadd.s32 $0x3480, v8;
	v7 =	vld.idx.msk [tilespmem:v7+s18+$0x0], $0xffff;
	[tilespmem:v16+s20+$0x0] =	vst.idx.msk $0xffff, v14;
	v14 =	vadd.s32 $0x6800, v11  }
0x143: {  	s30 =	simm.s32 $0x6D6;
	v29 =	vadd.s32 s31, v0;
	v13 =	vld.idx.msk [tilespmem:v13+s18+$0x0], $0xffff;
	[tilespmem:v18+s20+$0x0] =	vst.idx.msk $0xffff, v12;
	v12 =	vadd.s32 $0x3480, v9;
	v18 =	vor.u32 $0x100, v59  }
0x144: {  	v27 =	vadd.s32 s30, v30;
	[tilespmem:v5+s20+$0x0] =	vst.idx.msk $0xffff, v15;
	v5 =	vld.idx.msk [tilespmem:v17+s18+$0x0], $0xffff;
	v15 =	vor.u32 $0x180, v2;
	v17 =	vor.u32 $0x300, v56  }
0x145: {  	v31 =	vshll.u32 v27, $0x3;
	v19 =	vld.idx.msk [tilespmem:v19+s18+$0x0], $0xffff;
	[tilespmem:v20+s20+$0x0] =	vst.idx.msk $0xffff, v6;
	v6 =	vor.u32 $0x100, v4;
	v20 =	vor.u32 $0x380, v55  }
0x146: {  	v26 =	vadd.s32 $0x6880, v10;
	v25 =	vor.u32 $0x180, v3;
	v16 =	vor.u32 $0x300, v57;
	[tilespmem:v22+s20+$0x0] =	vst.idx.msk $0xffff, v21;
	v22 =	vld.idx.msk [tilespmem:v23+s18+$0x0], $0xffff  }
0x147: {  	v28 =	vor.u32 $0x380, v58;
	v21 =	vadd.s32 $0x3500, v9;
	v24 =	vld.idx.msk [tilespmem:v24+s18+$0x0], $0xffff;
	[tilespmem:v14+s20+$0x0] =	vst.idx.msk $0xffff, v7;
	v14 =	vadd.s32 s31, v30  }
0x148: {  	v23 =	vadd.s32 $0x3500, v8;
	v7 =	vadd.s32 $0x6880, v11;
	v12 =	vld.idx.msk [tilespmem:v12+s18+$0x0], $0xffff;
	v43 =	vshll.u32 v14, $0x3;
	[tilespmem:v18+s20+$0x0] =	vst.idx.msk $0xffff, v13  }
0x149: {  	v13 =	vand.u32 $0x7F, v27;
	v18 =	vand.u32 $0xFFFFFC00, v31;
	v14 =	vand.u32 $0x7F, v14;
	v15 =	vld.idx.msk [tilespmem:v15+s18+$0x0], $0xffff;
	[tilespmem:v17+s20+$0x0] =	vst.idx.msk $0xffff, v5  }
0x14a: {  	v17 =	vand.u32 $0xFFFFFC00, v43;
	v5 =	vor.u32 v13, v18;
	v13 =	vor.u32 $0x180, v59;
	[tilespmem:v6+s20+$0x0] =	vst.idx.msk $0xffff, v19;
	v18 =	vld.idx.msk [tilespmem:v20+s18+$0x0], $0xffff  }
0x14b: {  	v6 =	vor.u32 v14, v17;
	v17 =	vor.u32 $0x200, v2;
	v14 =	vld.idx.msk [tilespmem:v25+s18+$0x0], $0xffff;
	[tilespmem:v16+s20+$0x0] =	vst.idx.msk $0xffff, v22;
	v16 =	vor.u32 $0x380, v56  }
0x14c: {  	v27 =	vadd.s32 $0x3400, v58;
	v19 =	vshll.u32 v29, $0x3;
	v20 =	vor.u32 $0x180, v4;
	[tilespmem:v26+s20+$0x0] =	vst.idx.msk $0xffff, v24;
	v22 =	vld.idx.msk [tilespmem:v28+s18+$0x0], $0xffff  }
0x14d: {  	v24 =	vor.u32 $0x380, v57;
	[tilespmem:v7+s20+$0x0] =	vst.idx.msk $0xffff, v12;
	v7 =	vadd.s32 s30, v0;
	v12 =	vor.u32 $0x200, v3;
	v23 =	vld.idx.msk [tilespmem:v23+s18+$0x0], $0xffff  }
0x14e: {  	v25 =	vadd.s32 $0x3580, v8;
	v28 =	vadd.s32 $0x6900, v10;
	v26 =	vshll.u32 v7, $0x3;
	v21 =	vld.idx.msk [tilespmem:v21+s18+$0x0], $0xffff  }
0x14f: {  	[tilespmem:v13+s20+$0x0] =	vst.idx.msk $0xffff, v15;
	v13 =	vld.idx.msk [tilespmem:v5+s18+$0x0], $0xffff;
	v7 =	vand.u32 $0x7F, v7;
	v15 =	vand.u32 $0xFC00, v26;
	v26 =	vadd.s32 $0x6900, v11  }
0x150: {  	v19 =	vand.u32 $0x7FFFFC00, v19;
	[tilespmem:v16+s20+$0x0] =	vst.idx.msk $0xffff, v18;
	v60 =	vor.u32 v7, v15;
	v15 =	vld.idx.msk [tilespmem:v17+s18+$0x0], $0xffff;
	v16 =	vadd.s32 $0x3580, v9  }
0x151: {  	[tilespmem:v20+s20+$0x0] =	vst.idx.msk $0xffff, v14;
	v14 =	vld.idx.msk [tilespmem:v6+s18+$0x0], $0xffff;
	v7 =	vand.u32 $0x7F, v29;
	v17 =	vor.u32 $0x80, v5;
	v18 =	vor.u32 $0x200, v59  }
0x152: {  	[tilespmem:v24+s20+$0x0] =	vst.idx.msk $0xffff, v22;
	v7 =	vor.u32 v7, v19;
	v19 =	vld.idx.msk [tilespmem:v12+s18+$0x0], $0xffff;
	v12 =	vor.u32 $0x280, v2  }
0x153: {  	v20 =	vor.u32 $0x80, v6;
	v22 =	vor.u32 $0x200, v4;
	v24 =	vld.idx.msk [tilespmem:v27+s18+$0x0], $0xffff;
	[tilespmem:v28+s20+$0x0] =	vst.idx.msk $0xffff, v23  }
0x154: {  	v23 =	vor.u32 $0x280, v3;
	v27 =	vadd.s32 $0x6800, v57;
	v25 =	vld.idx.msk [tilespmem:v25+s18+$0x0], $0xffff;
	[tilespmem:v26+s20+$0x0] =	vst.idx.msk $0xffff, v21  }
0x155: {  	v21 =	vadd.s32 $0x3480, v58;
	v26 =	vadd.s32 $0x6980, v10;
	[tilespmem:v60+s20+$0x0] =	vst.idx.msk $0xffff, v13;
	v16 =	vld.idx.msk [tilespmem:v16+s18+$0x0], $0xffff  }
0x156: {  	[tilespmem:v18+s20+$0x0] =	vst.idx.msk $0xffff, v15;
	v15 =	vadd.s32 $0x3400, v55;
	v18 =	vadd.s32 $0x6980, v11;
	v17 =	vld.idx.msk [tilespmem:v17+s18+$0x0], $0xffff  }
0x157: {  	v31 =	vadd.s32 $0x3600, v8;
	v28 =	vor.u32 $0x80, v60;
	[tilespmem:v7+s20+$0x0] =	vst.idx.msk $0xffff, v14;
	v29 =	vld.idx.msk [tilespmem:v12+s18+$0x0], $0xffff  }
0x158: {  	v45 =	vadd.s32 $0x6880, v57;
	v32 =	vor.u32 $0x100, v5;
	v20 =	vld.idx.msk [tilespmem:v20+s18+$0x0], $0xffff;
	[tilespmem:v22+s20+$0x0] =	vst.idx.msk $0xffff, v19;
	v19 =	vor.u32 $0x280, v59  }
0x159: {  	v35 =	vor.u32 $0x300, v2;
	v40 =	vor.u32 $0x300, v3;
	v33 =	vor.u32 $0x80, v7;
	[tilespmem:v27+s20+$0x0] =	vst.idx.msk $0xffff, v24;
	v36 =	vld.idx.msk [tilespmem:v23+s18+$0x0], $0xffff  }
0x15a: {  	v44 =	vor.u32 $0x280, v4;
	v37 =	vor.u32 $0x100, v6;
	v34 =	vor.u32 $0x100, v60;
	v39 =	vld.idx.msk [tilespmem:v21+s18+$0x0], $0xffff;
	[tilespmem:v26+s20+$0x0] =	vst.idx.msk $0xffff, v25  }
0x15b: {  	v13 =	vor.u32 $0x180, v6;
	v14 =	vor.u32 $0x300, v7;
	v12 =	vor.u32 $0x300, v4;
	v23 =	vld.idx.msk [tilespmem:v15+s18+$0x0], $0xffff;
	[tilespmem:v18+s20+$0x0] =	vst.idx.msk $0xffff, v16  }
0x15c: {  	v22 =	vadd.s32 $0x3600, v9;
	v9 =	vadd.s32 $0x3680, v9;
	v25 =	vadd.s32 $0x6800, v56;
	v21 =	vld.idx.msk [tilespmem:v31+s18+$0x0], $0xffff;
	[tilespmem:v28+s20+$0x0] =	vst.idx.msk $0xffff, v17  }
0x15d: {  	v24 =	vadd.s32 $0x3480, v55;
	v26 =	vadd.s32 $0x6A00, v10;
	v18 =	vadd.s32 $0x3680, v8;
	v32 =	vld.idx.msk [tilespmem:v32+s18+$0x0], $0xffff;
	[tilespmem:v19+s20+$0x0] =	vst.idx.msk $0xffff, v29  }
0x15e: {  	v16 =	vadd.s32 $0x6A00, v11;
	v15 =	vadd.s32 $0x6A80, v10;
	v8 =	vadd.s32 $0x6A80, v11;
	[tilespmem:v33+s20+$0x0] =	vst.idx.msk $0xffff, v20;
	v27 =	vld.idx.msk [tilespmem:v35+s18+$0x0], $0xffff  }
0x15f: {  	v10 =	vadd.s32 $0x3500, v55;
	v28 =	vor.u32 $0x300, v59;
	v33 =	vld.idx.msk [tilespmem:v37+s18+$0x0], $0xffff;
	v35 =	vor.u32 $0x180, v5;
	[tilespmem:v44+s20+$0x0] =	vst.idx.msk $0xffff, v36  }
0x160: {  	s24 =	simm.s32 $0x6;
	s25 =	simm.s32 $0x6F6;
	v31 =	vor.u32 $0x380, v2;
	v17 =	vadd.s32 $0x3500, v58;
	v36 =	vor.u32 $0x100, v7;
	v29 =	vld.idx.msk [tilespmem:v40+s18+$0x0], $0xffff;
	[tilespmem:v45+s20+$0x0] =	vst.idx.msk $0xffff, v39  }
.LBB2_4:
0x161: {  	s26 =	sadd.s32 $0xFFFFFFF0, s25;
	v20 =	vadd.s32 s25, v30;
	s24 =	sadd.s32 $0x2, s24;
	v37 =	vor.u32 $0x380, v3;
	[tilespmem:v25+s20+$0x0] =	vst.idx.msk $0xffff, v23;
	v23 =	vadd.s32 $0x6880, v56;
	v22 =	vld.idx.msk [tilespmem:v22+s18+$0x0], $0xffff;
	v11 =	vmovc v6  }
0x162: {  	v19 =	vmovc v56;
	v25 =	vadd.s32 s26, v0;
	v6 =	vadd.s32 s26, v30;
	v38 =	vshll.u32 v20, $0x3;
	p0 =	slt.u32 s24, $0x64;
	v24 =	vld.idx.msk [tilespmem:v24+s18+$0x0], $0xffff;
	[tilespmem:v26+s20+$0x0] =	vst.idx.msk $0xffff, v21  }
0x163: {  	v56 =	vmovc v59;
	v20 =	vand.u32 $0x7F, v20;
	v21 =	vshll.u32 v6, $0x3;
	v26 =	vand.u32 $0xFFFFFC00, v38;
	[tilespmem:v34+s20+$0x0] =	vst.idx.msk $0xffff, v32;
	v18 =	vld.idx.msk [tilespmem:v18+s18+$0x0], $0xffff  }
0x164: {  	v6 =	vand.u32 $0x7F, v6;
	v21 =	vand.u32 $0xFFFFFC00, v21;
	v20 =	vor.u32 v20, v26;
	v26 =	vld.idx.msk [tilespmem:v35+s18+$0x0], $0xffff;
	[tilespmem:v28+s20+$0x0] =	vst.idx.msk $0xffff, v27  }
0x165: {  	v27 =	vor.u32 $0x180, v60;
	v6 =	vor.u32 v6, v21;
	v21 =	vshll.u32 v25, $0x3;
	[tilespmem:v36+s20+$0x0] =	vst.idx.msk $0xffff, v33;
	v28 =	vld.idx.msk [tilespmem:v31+s18+$0x0], $0xffff  }
0x166: {  	v59 =	vmovc v60;
	v21 =	vand.u32 $0x7FFFFC00, v21;
	v31 =	vld.idx.msk [tilespmem:v13+s18+$0x0], $0xffff;
	v13 =	vor.u32 $0x180, v6;
	[tilespmem:v12+s20+$0x0] =	vst.idx.msk $0xffff, v29;
	v29 =	vor.u32 $0x380, v56  }
0x167: {  	v32 =	vor.u32 $0x180, v7;
	v35 =	vmovc v57;
	v57 =	vmov v4;
	v33 =	vor.u32 $0x200, v5;
	v34 =	vld.idx.msk [tilespmem:v37+s18+$0x0], $0xffff;
	[tilespmem:v16+s20+$0x0] =	vst.idx.msk $0xffff, v22  }
0x168: {  	v4 =	vmov v7;
	v12 =	vmov v14;
	v16 =	vor.u32 $0x380, v57;
	[tilespmem:v23+s20+$0x0] =	vst.idx.msk $0xffff, v24;
	v9 =	vld.idx.msk [tilespmem:v9+s18+$0x0], $0xffff  }
0x169: {  	v7 =	vadd.s32 s25, v0;
	v14 =	vor.u32 $0x200, v11;
	v22 =	vadd.s32 $0x3580, v58;
	v17 =	vld.idx.msk [tilespmem:v17+s18+$0x0], $0xffff;
	[tilespmem:v15+s20+$0x0] =	vst.idx.msk $0xffff, v18  }
0x16a: {  	v23 =	vadd.s32 $0x6900, v35;
	v15 =	vshll.u32 v7, $0x3;
	v18 =	vadd.s32 $0x3400, v3;
	[tilespmem:v27+s20+$0x0] =	vst.idx.msk $0xffff, v26;
	v10 =	vld.idx.msk [tilespmem:v10+s18+$0x0], $0xffff  }
0x16b: {  	v7 =	vand.u32 $0x7F, v7;
	v15 =	vand.u32 $0xFC00, v15;
	v26 =	vadd.s32 $0x6900, v19;
	v24 =	vld.idx.msk [tilespmem:v20+s18+$0x0], $0xffff;
	[tilespmem:v29+s20+$0x0] =	vst.idx.msk $0xffff, v28  }
0x16c: {  	v27 =	vadd.s32 $0x3580, v55;
	v60 =	vor.u32 v7, v15;
	[tilespmem:v32+s20+$0x0] =	vst.idx.msk $0xffff, v31;
	v15 =	vld.idx.msk [tilespmem:v33+s18+$0x0], $0xffff  }
0x16d: {  	v7 =	vand.u32 $0x7F, v25;
	v25 =	vor.u32 $0x80, v20;
	v29 =	vor.u32 $0x200, v59;
	v28 =	vld.idx.msk [tilespmem:v6+s18+$0x0], $0xffff;
	[tilespmem:v16+s20+$0x0] =	vst.idx.msk $0xffff, v34  }
0x16e: {  	v7 =	vor.u32 v7, v21;
	v21 =	vor.u32 $0x280, v5;
	v16 =	vld.idx.msk [tilespmem:v14+s18+$0x0], $0xffff;
	[tilespmem:v8+s20+$0x0] =	vst.idx.msk $0xffff, v9  }
0x16f: {  	v8 =	vor.u32 $0x80, v6;
	v14 =	vor.u32 $0x300, v7;
	v9 =	vor.u32 $0x200, v4;
	v18 =	vld.idx.msk [tilespmem:v18+s18+$0x0], $0xffff;
	[tilespmem:v23+s20+$0x0] =	vst.idx.msk $0xffff, v17  }
0x170: {  	v17 =	vor.u32 $0x280, v11;
	v23 =	vadd.s32 $0x6800, v57;
	v22 =	vld.idx.msk [tilespmem:v22+s18+$0x0], $0xffff;
	[tilespmem:v26+s20+$0x0] =	vst.idx.msk $0xffff, v10  }
0x171: {  	v10 =	vadd.s32 $0x3480, v3;
	[tilespmem:v60+s20+$0x0] =	vst.idx.msk $0xffff, v24;
	v24 =	vadd.s32 $0x6980, v35;
	v26 =	vld.idx.msk [tilespmem:v27+s18+$0x0], $0xffff  }
0x172: {  	v27 =	vadd.s32 $0x6980, v19;
	v25 =	vld.idx.msk [tilespmem:v25+s18+$0x0], $0xffff;
	[tilespmem:v29+s20+$0x0] =	vst.idx.msk $0xffff, v15;
	v15 =	vadd.s32 $0x3400, v2  }
0x173: {  	[tilespmem:v7+s20+$0x0] =	vst.idx.msk $0xffff, v28;
	v28 =	vor.u32 $0x80, v60;
	v29 =	vld.idx.msk [tilespmem:v21+s18+$0x0], $0xffff;
	v21 =	vadd.s32 $0x3600, v58  }
0x174: {  	v31 =	vor.u32 $0x100, v20;
	v8 =	vld.idx.msk [tilespmem:v8+s18+$0x0], $0xffff;
	[tilespmem:v9+s20+$0x0] =	vst.idx.msk $0xffff, v16;
	v16 =	vor.u32 $0x280, v59  }
0x175: {  	v36 =	vor.u32 $0x300, v5;
	v33 =	vor.u32 $0x80, v7;
	v17 =	vld.idx.msk [tilespmem:v17+s18+$0x0], $0xffff;
	[tilespmem:v23+s20+$0x0] =	vst.idx.msk $0xffff, v18  }
0x176: {  	v38 =	vor.u32 $0x280, v4;
	v37 =	vor.u32 $0x100, v6;
	v39 =	vld.idx.msk [tilespmem:v10+s18+$0x0], $0xffff;
	[tilespmem:v24+s20+$0x0] =	vst.idx.msk $0xffff, v22  }
0x177: {  	v40 =	vor.u32 $0x300, v11;
	v61 =	vadd.s32 $0x6880, v57;
	v22 =	vadd.s32 $0x3600, v55;
	v23 =	vld.idx.msk [tilespmem:v15+s18+$0x0], $0xffff;
	[tilespmem:v27+s20+$0x0] =	vst.idx.msk $0xffff, v26  }
.Ltmp1:
0x178: {  	v9 =	vadd.s32 $0x3680, v55;
	v18 =	vadd.s32 $0x3680, v58;
	v55 =	vmovc v2;
	[tilespmem:v28+s20+$0x0] =	vst.idx.msk $0xffff, v25;
	v25 =	vadd.s32 $0x6800, v56;
	v21 =	vld.idx.msk [tilespmem:v21+s18+$0x0], $0xffff;
	(pc) =	sbr.rel @p0 .LBB2_4-.Ltmp1, $4  }
0x179: {  	v2 =	vmovc v5;
	v24 =	vadd.s32 $0x3480, v55;
	v26 =	vadd.s32 $0x6A00, v35;
	v32 =	vld.idx.msk [tilespmem:v31+s18+$0x0], $0xffff;
	[tilespmem:v16+s20+$0x0] =	vst.idx.msk $0xffff, v29;
	v16 =	vadd.s32 $0x6A00, v19  }
0x17a: {  	v34 =	vor.u32 $0x100, v60;
	v5 =	vmovc v20;
	v15 =	vadd.s32 $0x6A80, v35;
	[tilespmem:v33+s20+$0x0] =	vst.idx.msk $0xffff, v8;
	v27 =	vld.idx.msk [tilespmem:v36+s18+$0x0], $0xffff;
	v8 =	vadd.s32 $0x6A80, v19  }
0x17b: {  	v58 =	vmovc v3;
	v35 =	vor.u32 $0x180, v5;
	v10 =	vadd.s32 $0x3500, v55;
	v28 =	vor.u32 $0x300, v59;
	v33 =	vld.idx.msk [tilespmem:v37+s18+$0x0], $0xffff;
	[tilespmem:v38+s20+$0x0] =	vst.idx.msk $0xffff, v17  }
0x17c: {  	s25 =	sadd.s32 $0x20, s25;
	v3 =	vmovc v11;
	v31 =	vor.u32 $0x380, v2;
	v36 =	vor.u32 $0x100, v7;
	v17 =	vadd.s32 $0x3500, v58;
	v29 =	vld.idx.msk [tilespmem:v40+s18+$0x0], $0xffff;
	[tilespmem:v61+s20+$0x0] =	vst.idx.msk $0xffff, v39  }
0x17d: {  	_ =	sdelay $0x3  }
0x17e: {  	[tilespmem:v36+s20+$0x0] =	vst.idx.msk $0xffff, v33  }
0x17f: {  	[tilespmem:v34+s20+$0x0] =	vst.idx.msk $0xffff, v32;
	v11 =	vld.idx.msk [tilespmem:v13+s18+$0x0], $0xffff;
	v13 =	vor.u32 $0x180, v7  }
0x180: {  	v20 =	vor.u32 $0x180, v60;
	v42 =	vor.u32 $0x200, v6;
	v19 =	vld.idx.msk [tilespmem:v35+s18+$0x0], $0xffff  }
0x181: {  	v43 =	vor.u32 $0x200, v5;
	_ =	sdelay $0x2  }
0x182: {  	[tilespmem:v13+s20+$0x0] =	vst.idx.msk $0xffff, v11  }
0x183: {  	[tilespmem:v20+s20+$0x0] =	vst.idx.msk $0xffff, v19;
	v13 =	vor.u32 $0x200, v7;
	v11 =	vld.idx.msk [tilespmem:v42+s18+$0x0], $0xffff  }
0x184: {  	v44 =	vor.u32 $0x280, v6;
	v20 =	vor.u32 $0x200, v60;
	v19 =	vld.idx.msk [tilespmem:v43+s18+$0x0], $0xffff  }
0x185: {  	v45 =	vor.u32 $0x280, v5;
	_ =	sdelay $0x2  }
0x186: {  	[tilespmem:v13+s20+$0x0] =	vst.idx.msk $0xffff, v11  }
0x187: {  	[tilespmem:v20+s20+$0x0] =	vst.idx.msk $0xffff, v19;
	v13 =	vor.u32 $0x280, v7;
	v11 =	vld.idx.msk [tilespmem:v44+s18+$0x0], $0xffff  }
0x188: {  	v61 =	vor.u32 $0x300, v6;
	v20 =	vor.u32 $0x280, v60;
	v19 =	vld.idx.msk [tilespmem:v45+s18+$0x0], $0xffff  }
0x189: {  	v62 =	vor.u32 $0x300, v5;
	_ =	sdelay $0x2  }
0x18a: {  	v63 =	vor.u32 $0x380, v3;
	[tilespmem:v13+s20+$0x0] =	vst.idx.msk $0xffff, v11  }
0x18b: {  	[tilespmem:v20+s20+$0x0] =	vst.idx.msk $0xffff, v19;
	v11 =	vld.idx.msk [tilespmem:v61+s18+$0x0], $0xffff  }
0x18c: {  	v19 =	vor.u32 $0x300, v60;
	v20 =	vor.u32 $0x380, v6;
	v13 =	vld.idx.msk [tilespmem:v62+s18+$0x0], $0xffff  }
0x18d: {  	v36 =	vor.u32 $0x380, v5  }
0x18e: {  	[tilespmem:v12+s20+$0x0] =	vst.idx.msk $0xffff, v29  }
0x18f: {  	[tilespmem:v28+s20+$0x0] =	vst.idx.msk $0xffff, v27;
	v27 =	vor.u32 $0x380, v4;
	v12 =	vld.idx.msk [tilespmem:v63+s18+$0x0], $0xffff  }
0x190: {  	v28 =	vld.idx.msk [tilespmem:v31+s18+$0x0], $0xffff;
	v31 =	vadd.s32 $0x3400, v3;
	v29 =	vor.u32 $0x380, v59;
	[tilespmem:v14+s20+$0x0] =	vst.idx.msk $0xffff, v11  }
0x191: {  	[tilespmem:v19+s20+$0x0] =	vst.idx.msk $0xffff, v13;
	v11 =	vadd.s32 $0x3400, v2;
	v14 =	vor.u32 $0x380, v7;
	v13 =	vld.idx.msk [tilespmem:v20+s18+$0x0], $0xffff  }
0x192: {  	[tilespmem:v25+s20+$0x0] =	vst.idx.msk $0xffff, v23;
	v23 =	vadd.s32 $0x3400, v6;
	v19 =	vld.idx.msk [tilespmem:v36+s18+$0x0], $0xffff;
	v20 =	vor.u32 $0x380, v60  }
0x193: {  	v22 =	vld.idx.msk [tilespmem:v22+s18+$0x0], $0xffff;
	[tilespmem:v26+s20+$0x0] =	vst.idx.msk $0xffff, v21;
	v21 =	vadd.s32 $0x3400, v5  }
0x194: {  	v25 =	vadd.s32 $0x6880, v56;
	v24 =	vld.idx.msk [tilespmem:v24+s18+$0x0], $0xffff;
	[tilespmem:v27+s20+$0x0] =	vst.idx.msk $0xffff, v12  }
0x195: {  	v26 =	vadd.s32 $0x6800, v4;
	[tilespmem:v29+s20+$0x0] =	vst.idx.msk $0xffff, v28;
	v12 =	vld.idx.msk [tilespmem:v31+s18+$0x0], $0xffff  }
0x196: {  	v28 =	vadd.s32 $0x6800, v59;
	v27 =	vadd.s32 $0x3480, v3;
	v11 =	vld.idx.msk [tilespmem:v11+s18+$0x0], $0xffff;
	[tilespmem:v14+s20+$0x0] =	vst.idx.msk $0xffff, v13  }
0x197: {  	v13 =	vadd.s32 $0x3480, v2;
	[tilespmem:v20+s20+$0x0] =	vst.idx.msk $0xffff, v19;
	v19 =	vadd.s32 $0x6800, v7;
	v14 =	vld.idx.msk [tilespmem:v23+s18+$0x0], $0xffff  }
0x198: {  	[tilespmem:v16+s20+$0x0] =	vst.idx.msk $0xffff, v22;
	v16 =	vadd.s32 $0x3480, v6;
	v20 =	vld.idx.msk [tilespmem:v21+s18+$0x0], $0xffff;
	v21 =	vadd.s32 $0x6800, v60  }
0x199: {  	v18 =	vld.idx.msk [tilespmem:v18+s18+$0x0], $0xffff;
	v22 =	vadd.s32 $0x3480, v5;
	[tilespmem:v25+s20+$0x0] =	vst.idx.msk $0xffff, v24  }
0x19a: {  	v9 =	vld.idx.msk [tilespmem:v9+s18+$0x0], $0xffff;
	[tilespmem:v26+s20+$0x0] =	vst.idx.msk $0xffff, v12  }
0x19b: {  	v12 =	vld.idx.msk [tilespmem:v27+s18+$0x0], $0xffff;
	v23 =	vadd.s32 $0x6880, v4;
	[tilespmem:v28+s20+$0x0] =	vst.idx.msk $0xffff, v11  }
0x19c: {  	v24 =	vadd.s32 $0x6880, v59;
	v11 =	vadd.s32 $0x3500, v3;
	v13 =	vld.idx.msk [tilespmem:v13+s18+$0x0], $0xffff;
	[tilespmem:v19+s20+$0x0] =	vst.idx.msk $0xffff, v14  }
0x19d: {  	v14 =	vadd.s32 $0x3500, v2;
	v19 =	vadd.s32 $0x6880, v7;
	[tilespmem:v21+s20+$0x0] =	vst.idx.msk $0xffff, v20;
	v16 =	vld.idx.msk [tilespmem:v16+s18+$0x0], $0xffff  }
0x19e: {  	[tilespmem:v15+s20+$0x0] =	vst.idx.msk $0xffff, v18;
	v15 =	vadd.s32 $0x3500, v6;
	v18 =	vadd.s32 $0x6880, v60;
	v20 =	vld.idx.msk [tilespmem:v22+s18+$0x0], $0xffff  }
0x19f: {  	v17 =	vld.idx.msk [tilespmem:v17+s18+$0x0], $0xffff;
	[tilespmem:v8+s20+$0x0] =	vst.idx.msk $0xffff, v9;
	v8 =	vadd.s32 $0x3500, v5;
	v21 =	vadd.s32 $0x6900, v57  }
0x1a0: {  	v10 =	vld.idx.msk [tilespmem:v10+s18+$0x0], $0xffff;
	v9 =	vadd.s32 $0x3580, v58;
	[tilespmem:v23+s20+$0x0] =	vst.idx.msk $0xffff, v12;
	v22 =	vadd.s32 $0x6900, v56  }
0x1a1: {  	v12 =	vadd.s32 $0x3580, v55;
	v11 =	vld.idx.msk [tilespmem:v11+s18+$0x0], $0xffff;
	[tilespmem:v24+s20+$0x0] =	vst.idx.msk $0xffff, v13;
	v13 =	vadd.s32 $0x6900, v4  }
0x1a2: {  	v23 =	vadd.s32 $0x3580, v3;
	v24 =	vadd.s32 $0x6900, v59;
	v14 =	vld.idx.msk [tilespmem:v14+s18+$0x0], $0xffff;
	[tilespmem:v19+s20+$0x0] =	vst.idx.msk $0xffff, v16  }
0x1a3: {  	v16 =	vadd.s32 $0x3580, v2;
	[tilespmem:v18+s20+$0x0] =	vst.idx.msk $0xffff, v20;
	v18 =	vadd.s32 $0x6900, v7;
	v15 =	vld.idx.msk [tilespmem:v15+s18+$0x0], $0xffff  }
0x1a4: {  	[tilespmem:v21+s20+$0x0] =	vst.idx.msk $0xffff, v17;
	v17 =	vadd.s32 $0x3580, v6;
	v19 =	vadd.s32 $0x6900, v60;
	v8 =	vld.idx.msk [tilespmem:v8+s18+$0x0], $0xffff  }
0x1a5: {  	v9 =	vld.idx.msk [tilespmem:v9+s18+$0x0], $0xffff;
	[tilespmem:v22+s20+$0x0] =	vst.idx.msk $0xffff, v10;
	v10 =	vadd.s32 $0x6980, v57;
	v20 =	vadd.s32 $0x3580, v5  }
0x1a6: {  	v21 =	vadd.s32 $0x6980, v56;
	v22 =	vadd.s32 $0x3600, v58;
	v12 =	vld.idx.msk [tilespmem:v12+s18+$0x0], $0xffff;
	[tilespmem:v13+s20+$0x0] =	vst.idx.msk $0xffff, v11  }
0x1a7: {  	v11 =	vadd.s32 $0x3600, v55;
	v13 =	vld.idx.msk [tilespmem:v23+s18+$0x0], $0xffff;
	[tilespmem:v24+s20+$0x0] =	vst.idx.msk $0xffff, v14;
	v14 =	vadd.s32 $0x6980, v4  }
0x1a8: {  	v23 =	vadd.s32 $0x6980, v59;
	v24 =	vadd.s32 $0x3600, v3;
	v16 =	vld.idx.msk [tilespmem:v16+s18+$0x0], $0xffff;
	[tilespmem:v18+s20+$0x0] =	vst.idx.msk $0xffff, v15  }
0x1a9: {  	v15 =	vadd.s32 $0x3600, v2;
	[tilespmem:v19+s20+$0x0] =	vst.idx.msk $0xffff, v8;
	v8 =	vadd.s32 $0x6980, v7;
	v17 =	vld.idx.msk [tilespmem:v17+s18+$0x0], $0xffff  }
0x1aa: {  	[tilespmem:v10+s20+$0x0] =	vst.idx.msk $0xffff, v9;
	v10 =	vadd.s32 $0x6980, v60;
	v18 =	vadd.s32 $0x3600, v6;
	v9 =	vld.idx.msk [tilespmem:v20+s18+$0x0], $0xffff  }
0x1ab: {  	[tilespmem:v21+s20+$0x0] =	vst.idx.msk $0xffff, v12;
	v12 =	vld.idx.msk [tilespmem:v22+s18+$0x0], $0xffff;
	v19 =	vadd.s32 $0x6A00, v57;
	v20 =	vadd.s32 $0x3600, v5  }
0x1ac: {  	v21 =	vadd.s32 $0x3680, v58;
	v22 =	vadd.s32 $0x6A00, v56;
	v11 =	vld.idx.msk [tilespmem:v11+s18+$0x0], $0xffff;
	[tilespmem:v14+s20+$0x0] =	vst.idx.msk $0xffff, v13  }
0x1ad: {  	v13 =	vadd.s32 $0x3680, v55;
	[tilespmem:v23+s20+$0x0] =	vst.idx.msk $0xffff, v16;
	v14 =	vld.idx.msk [tilespmem:v24+s18+$0x0], $0xffff;
	v16 =	vadd.s32 $0x6A00, v4  }
0x1ae: {  	v3 =	vadd.s32 $0x3680, v3;
	v23 =	vadd.s32 $0x6A00, v59;
	v15 =	vld.idx.msk [tilespmem:v15+s18+$0x0], $0xffff;
	[tilespmem:v8+s20+$0x0] =	vst.idx.msk $0xffff, v17  }
0x1af: {  	v2 =	vadd.s32 $0x3680, v2;
	[tilespmem:v10+s20+$0x0] =	vst.idx.msk $0xffff, v9;
	v9 =	vadd.s32 $0x6A00, v7;
	v8 =	vld.idx.msk [tilespmem:v18+s18+$0x0], $0xffff  }
0x1b0: {  	v6 =	vadd.s32 $0x3680, v6;
	[tilespmem:v19+s20+$0x0] =	vst.idx.msk $0xffff, v12;
	v10 =	vadd.s32 $0x6A00, v60;
	v12 =	vld.idx.msk [tilespmem:v20+s18+$0x0], $0xffff  }
0x1b1: {  	v5 =	vadd.s32 $0x3680, v5;
	v17 =	vadd.s32 $0x6A80, v57;
	v18 =	vld.idx.msk [tilespmem:v21+s18+$0x0], $0xffff;
	[tilespmem:v22+s20+$0x0] =	vst.idx.msk $0xffff, v11  }
0x1b2: {  	v11 =	vadd.s32 $0x6A80, v56;
	v13 =	vld.idx.msk [tilespmem:v13+s18+$0x0], $0xffff;
	[tilespmem:v16+s20+$0x0] =	vst.idx.msk $0xffff, v14  }
0x1b3: {  	v4 =	vadd.s32 $0x6A80, v4;
	v3 =	vld.idx.msk [tilespmem:v3+s18+$0x0], $0xffff;
	[tilespmem:v23+s20+$0x0] =	vst.idx.msk $0xffff, v15  }
0x1b4: {  	v14 =	vadd.s32 $0x6A80, v59;
	v2 =	vld.idx.msk [tilespmem:v2+s18+$0x0], $0xffff;
	[tilespmem:v9+s20+$0x0] =	vst.idx.msk $0xffff, v8  }
0x1b5: {  	v7 =	vadd.s32 $0x6A80, v7;
	[tilespmem:v10+s20+$0x0] =	vst.idx.msk $0xffff, v12;
	v6 =	vld.idx.msk [tilespmem:v6+s18+$0x0], $0xffff  }
0x1b6: {  	[tilespmem:v17+s20+$0x0] =	vst.idx.msk $0xffff, v18;
	v8 =	vadd.s32 $0x6A80, v60;
	v5 =	vld.idx.msk [tilespmem:v5+s18+$0x0], $0xffff  }
0x1b7: {  	[tilespmem:v11+s20+$0x0] =	vst.idx.msk $0xffff, v13  }
0x1b8: {  	[tilespmem:v4+s20+$0x0] =	vst.idx.msk $0xffff, v3  }
0x1b9: {  	[tilespmem:v14+s20+$0x0] =	vst.idx.msk $0xffff, v2  }
0x1ba: {  	[tilespmem:v7+s20+$0x0] =	vst.idx.msk $0xffff, v6  }
0x1bb: {  	[tilespmem:v8+s20+$0x0] =	vst.idx.msk $0xffff, v5  }
0x1bc: {  	v2 =	vld [tilespmem:$0x1FF10];
	_ =	sdelay $0x4  }
0x1bd: {  	v3 =	vld [tilespmem:$0x1FF20];
	_ =	sdelay $0x2  }
0x1be: {  	v2 =	vld.idx.msk [tilespmem:v2+s18+$0x0], $0xffff;
	_ =	sdelay $0x4  }
0x1bf: {  	[tilespmem:v3+s20+$0x0] =	vst.idx.msk $0xffff, v2;
	v2 =	vld [tilespmem:$0x1FF30];
	_ =	sdelay $0x4  }
0x1c0: {  	v3 =	vld [tilespmem:$0x1FF40];
	_ =	sdelay $0x2  }
0x1c1: {  	v2 =	vld.idx.msk [tilespmem:v2+s18+$0x0], $0xffff;
	_ =	sdelay $0x4  }
0x1c2: {  	[tilespmem:v3+s20+$0x0] =	vst.idx.msk $0xffff, v2;
	v2 =	vld [tilespmem:$0x1FF50];
	_ =	sdelay $0x4  }
0x1c3: {  	v3 =	vld [tilespmem:$0x1FF60];
	_ =	sdelay $0x2  }
0x1c4: {  	v2 =	vld.idx.msk [tilespmem:v2+s18+$0x0], $0xffff;
	_ =	sdelay $0x4  }
0x1c5: {  	[tilespmem:v3+s20+$0x0] =	vst.idx.msk $0xffff, v2;
	v2 =	vld [tilespmem:$0x1FF70];
	_ =	sdelay $0x4  }
0x1c6: {  	v3 =	vld [tilespmem:$0x1FF80];
	_ =	sdelay $0x2  }
0x1c7: {  	v2 =	vld.idx.msk [tilespmem:v2+s18+$0x0], $0xffff;
	_ =	sdelay $0x4  }
0x1c8: {  	[tilespmem:v3+s20+$0x0] =	vst.idx.msk $0xffff, v2;
	v2 =	vld [tilespmem:$0x1FF90];
	_ =	sdelay $0x4  }
0x1c9: {  	v3 =	vld [tilespmem:$0x1FFA0];
	_ =	sdelay $0x2  }
0x1ca: {  	v2 =	vld.idx.msk [tilespmem:v2+s18+$0x0], $0xffff;
	_ =	sdelay $0x4  }
0x1cb: {  	[tilespmem:v3+s20+$0x0] =	vst.idx.msk $0xffff, v2;
	v2 =	vld [tilespmem:$0x1FFB0];
	_ =	sdelay $0x4  }
0x1cc: {  	v3 =	vld [tilespmem:$0x1FFC0];
	_ =	sdelay $0x2  }
0x1cd: {  	v2 =	vld.idx.msk [tilespmem:v2+s18+$0x0], $0xffff;
	_ =	sdelay $0x4  }
0x1ce: {  	[tilespmem:v3+s20+$0x0] =	vst.idx.msk $0xffff, v2;
	v2 =	vld [tilespmem:$0x1FFD0];
	_ =	sdelay $0x4  }
0x1cf: {  	v3 =	vld [tilespmem:$0x1FFE0];
	_ =	sdelay $0x2  }
0x1d0: {  	v2 =	vld.idx.msk [tilespmem:v2+s18+$0x0], $0xffff;
	_ =	sdelay $0x4  }
0x1d1: {  	[tilespmem:v3+s20+$0x0] =	vst.idx.msk $0xffff, v2;
	v2 =	vld [tilespmem:$0x1FFF0];
	_ =	sdelay $0x7  }
0x1d2: {  	v2 =	vld.idx.msk [tilespmem:v2+s18+$0x0], $0xffff;
	_ =	sdelay $0x4  }
0x1d3: {  	[tilespmem:v46+s20+$0x0] =	vst.idx.msk $0xffff, v2  }
0x1d4: {  	v2 =	vld.idx.msk [tilespmem:v47+s18+$0x0], $0xffff;
	_ =	sdelay $0x4  }
0x1d5: {  	[tilespmem:v48+s20+$0x0] =	vst.idx.msk $0xffff, v2  }
0x1d6: {  	v2 =	vld.idx.msk [tilespmem:v49+s18+$0x0], $0xffff;
	_ =	sdelay $0x4  }
0x1d7: {  	[tilespmem:v50+s20+$0x0] =	vst.idx.msk $0xffff, v2  }
0x1d8: {  	v2 =	vld.idx.msk [tilespmem:v51+s18+$0x0], $0xffff;
	_ =	sdelay $0x4  }
0x1d9: {  	[tilespmem:v52+s20+$0x0] =	vst.idx.msk $0xffff, v2  }
0x1da: {  	v2 =	vld.idx.msk [tilespmem:v53+s18+$0x0], $0xffff  }
0x1db: {  	v55 =	vadd.s32 $0x6657, v0;
	_ =	sdelay $0x3  }
0x1dc: {  	[tilespmem:v54+s20+$0x0] =	vst.idx.msk $0xffff, v2  }
0x1dd: {  	v56 =	vadd.s32 $0xCE3C, v0;
	v2 =	vld.idx.msk [tilespmem:v55+s18+$0x0], $0xffff  }
0x1de: {  	v57 =	vadd.s32 $0x66D7, v0;
	_ =	sdelay $0x3  }
0x1df: {  	[tilespmem:v56+s20+$0x0] =	vst.idx.msk $0xffff, v2  }
0x1e0: {  	v58 =	vadd.s32 $0xCEBC, v0;
	v2 =	vld.idx.msk [tilespmem:v57+s18+$0x0], $0xffff;
	_ =	sdelay $0x4  }
0x1e1: {  	s24 =	simm.s32 $0x0;
	s25 =	simm.s32 $0x10;
	[tilespmem:v58+s20+$0x0] =	vst.idx.msk $0xffff, v2  }
0x1e2: {  	[hbm4b:s6+s24] =	stream.linear.scatter [tilespmem:s20], [sflag:$0x3], $0xD000, $0x38;
	[tilespmem:$0x1A000] =	vst v63  }
0x1e3: {  	v2 =	vadd.s32 s25, v1  }
0x1e4: {  	v3 =	vadd.s32 s24, v1;
	v4 =	vshll.u32 v2, $0x3;
	[tilespmem:s18], [sflag:$0x2] =	stream.strided.gather [hbm4b:s7+s16], $0x6800, s17, s16, $0x38;
	[tilespmem:$0x1A000] =	vst v63  }
0x1e5: {  	v5 =	vshll.u32 v3, $0x3;
	v2 =	vand.u32 $0x7F, v2;
	v4 =	vand.u32 $0x7C00, v4;
	_ =	swait.ge [sflag:s19], $0x6800  }
0x1e6: {  	v3 =	vand.u32 $0x7F, v3;
	v5 =	vand.u32 $0x7C00, v5;
	v9 =	vor.u32 v2, v4;
	[sflag:s19] =	ssyncset.done $0x0  }
0x1e7: {  	v11 =	vor.u32 v3, v5;
	[sflag:s19] =	ssyncadd.s32 $0xFFFF9800  }
0x1e8: {  	v3 =	vor.u32 s25, v0;
	v2 =	vmov s25;
	_ =	swait.ge [sflag:s22], $0xD000  }
0x1e9: {  	v5 =	vor.u32 s24, v0;
	v4 =	vmov s24;
	v2 =	vshll.u32 v2, $0x3;
	[sflag:s22] =	ssyncset.done $0x0  }
0x1ea: {  	v3 =	vand.u32 $0x7F, v3;
	v4 =	vshll.u32 v4, $0x3;
	v2 =	vand.u32 $0x7C00, v2;
	[sflag:s22] =	ssyncadd.s32 $0xFFFF3000  }
0x1eb: {  	v5 =	vand.u32 $0x6F, v5;
	v6 =	vand.u32 $0x3C00, v4;
	v10 =	vor.u32 v3, v2;
	v7 =	vld.idx.msk [tilespmem:v9+s1+$0x0], $0xffff  }
0x1ec: {  	v12 =	vor.u32 v5, v6;
	v3 =	vor.u32 $0x80, v9;
	v2 =	vld.idx.msk [tilespmem:v11+s1+$0x0], $0xffff  }
0x1ed: {  	v6 =	vor.u32 $0x80, v11;
	_ =	sdelay $0x2  }
0x1ee: {  	[tilespmem:v10+s20+$0x0] =	vst.idx.msk $0xffff, v7  }
0x1ef: {  	s25 =	simm.s32 $0x20;
	[tilespmem:v12+s20+$0x0] =	vst.idx.msk $0xffff, v2;
	v2 =	vld.idx.msk [tilespmem:v3+s1+$0x0], $0xffff;
	v3 =	vor.u32 $0x80, v10  }
0x1f0: {  	v8 =	vor.u32 $0x100, v9;
	v13 =	vadd.s32 s25, v1;
	v7 =	vor.u32 $0x80, v12;
	v6 =	vld.idx.msk [tilespmem:v6+s1+$0x0], $0xffff  }
0x1f1: {  	s26 =	simm.s32 $0x30;
	v14 =	vor.u32 $0x100, v11;
	v15 =	vshll.u32 v13, $0x3  }
0x1f2: {  	v16 =	vadd.s32 s26, v1;
	v13 =	vand.u32 $0x7F, v13;
	v15 =	vand.u32 $0x7C00, v15  }
0x1f3: {  	v18 =	vshll.u32 v16, $0x3;
	v17 =	vor.u32 $0x180, v9;
	v59 =	vor.u32 v13, v15  }
0x1f4: {  	v13 =	vor.u32 $0x100, v12;
	[tilespmem:v3+s20+$0x0] =	vst.idx.msk $0xffff, v2;
	v2 =	vand.u32 $0x7F, v16;
	v3 =	vand.u32 $0x7C00, v18  }
0x1f5: {  	[tilespmem:v7+s20+$0x0] =	vst.idx.msk $0xffff, v6;
	v7 =	vor.u32 $0x100, v10;
	v6 =	vld.idx.msk [tilespmem:v8+s1+$0x0], $0xffff;
	v61 =	vor.u32 v2, v3;
	v2 =	vmov s25  }
0x1f6: {  	v3 =	vld.idx.msk [tilespmem:v14+s1+$0x0], $0xffff;
	v8 =	vor.u32 $0x180, v11;
	v14 =	vor.u32 s25, v0;
	v15 =	vshll.u32 v2, $0x3  }
0x1f7: {  	v2 =	vmov s26;
	v16 =	vand.u32 $0x6F, v14;
	v14 =	vand.u32 $0x3C00, v15  }
0x1f8: {  	v19 =	vld.idx.msk [tilespmem:v59+s1+$0x0], $0xffff;
	v18 =	vor.u32 s26, v0;
	v2 =	vshll.u32 v2, $0x3;
	v60 =	vor.u32 v16, v14  }
0x1f9: {  	v18 =	vand.u32 $0x7F, v18;
	v2 =	vand.u32 $0x7C00, v2;
	v14 =	vor.u32 $0x80, v59  }
0x1fa: {  	v62 =	vor.u32 v18, v2;
	[tilespmem:v7+s20+$0x0] =	vst.idx.msk $0xffff, v6;
	v6 =	vld.idx.msk [tilespmem:v61+s1+$0x0], $0xffff  }
0x1fb: {  	[tilespmem:v13+s20+$0x0] =	vst.idx.msk $0xffff, v3;
	v3 =	vor.u32 $0x180, v10;
	v7 =	vor.u32 $0x80, v61;
	v2 =	vld.idx.msk [tilespmem:v17+s1+$0x0], $0xffff  }
0x1fc: {  	v13 =	vor.u32 $0x180, v12;
	v8 =	vld.idx.msk [tilespmem:v8+s1+$0x0], $0xffff;
	v17 =	vor.u32 $0x200, v9  }
0x1fd: {  	v18 =	vor.u32 $0x200, v11;
	[tilespmem:v60+s20+$0x0] =	vst.idx.msk $0xffff, v19  }
0x1fe: {  	v19 =	vor.u32 $0x80, v60;
	v14 =	vld.idx.msk [tilespmem:v14+s1+$0x0], $0xffff  }
0x1ff: {  	[tilespmem:v62+s20+$0x0] =	vst.idx.msk $0xffff, v6;
	v6 =	vor.u32 $0x100, v59  }
0x200: {  	[tilespmem:v3+s20+$0x0] =	vst.idx.msk $0xffff, v2;
	v2 =	vld.idx.msk [tilespmem:v7+s1+$0x0], $0xffff;
	v3 =	vor.u32 $0x80, v62  }
0x201: {  	[tilespmem:v13+s20+$0x0] =	vst.idx.msk $0xffff, v8;
	v8 =	vor.u32 $0x200, v10;
	v13 =	vor.u32 $0x100, v61;
	v7 =	vld.idx.msk [tilespmem:v17+s1+$0x0], $0xffff  }
0x202: {  	v20 =	vor.u32 $0x280, v9;
	v17 =	vld.idx.msk [tilespmem:v18+s1+$0x0], $0xffff;
	v18 =	vor.u32 $0x200, v12  }
0x203: {  	s29 =	simm.s32 $0x50;
	v5 =	vor.u32 v4, v5;
	v4 =	vor.u32 $0x280, v11;
	[tilespmem:v19+s20+$0x0] =	vst.idx.msk $0xffff, v14  }
0x204: {  	v28 =	vadd.s32 s29, v1;
	v23 =	vor.u32 $0x300, v11;
	v21 =	vor.u32 $0x100, v60;
	v6 =	vld.idx.msk [tilespmem:v6+s1+$0x0], $0xffff  }
0x205: {  	v27 =	vor.u32 $0x380, v9;
	v22 =	vor.u32 $0x280, v12;
	[tilespmem:v3+s20+$0x0] =	vst.idx.msk $0xffff, v2;
	v3 =	vor.u32 $0x180, v59  }
0x206: {  	s28 =	simm.s32 $0x40;
	v26 =	vor.u32 $0x180, v60;
	v24 =	vor.u32 $0x100, v62;
	v19 =	vor.u32 $0x300, v10;
	[tilespmem:v8+s20+$0x0] =	vst.idx.msk $0xffff, v7;
	v13 =	vld.idx.msk [tilespmem:v13+s1+$0x0], $0xffff  }
0x207: {  	v14 =	vor.u32 $0x180, v61;
	v2 =	vadd.s32 s28, v1;
	v7 =	vor.u32 $0x280, v10;
	[tilespmem:v18+s20+$0x0] =	vst.idx.msk $0xffff, v17;
	v17 =	vld.idx.msk [tilespmem:v20+s1+$0x0], $0xffff  }
0x208: {  	v8 =	vor.u32 $0x300, v9;
	v18 =	vor.u32 $0x300, v5;
	v25 =	vld.idx.msk [tilespmem:v4+s1+$0x0], $0xffff;
	v4 =	vshll.u32 v2, $0x3  }
0x209: {  	v20 =	vor.u32 $0x380, v11;
	v2 =	vand.u32 $0x7F, v2;
	v4 =	vand.u32 $0x7C00, v4;
	[tilespmem:v21+s20+$0x0] =	vst.idx.msk $0xffff, v6  }
0x20a: {  	v6 =	vmov s29;
	v21 =	vshll.u32 v28, $0x3;
	v2 =	vor.u32 v2, v4;
	v3 =	vld.idx.msk [tilespmem:v3+s1+$0x0], $0xffff  }
0x20b: {  	v4 =	vand.u32 $0x7F, v28;
	v21 =	vand.u32 $0x7C00, v21;
	[tilespmem:v24+s20+$0x0] =	vst.idx.msk $0xffff, v13;
	v24 =	vor.u32 $0x200, v59  }
0x20c: {  	v4 =	vor.u32 v4, v21;
	v13 =	vmov s28;
	[tilespmem:v7+s20+$0x0] =	vst.idx.msk $0xffff, v17;
	v7 =	vld.idx.msk [tilespmem:v14+s1+$0x0], $0xffff;
	v17 =	vor.u32 $0x180, v62  }
0x20d: {  	v21 =	vor.u32 $0x200, v61;
	[tilespmem:v22+s20+$0x0] =	vst.idx.msk $0xffff, v25;
	v14 =	vor.u32 s28, v0;
	v13 =	vshll.u32 v13, $0x3;
	v8 =	vld.idx.msk [tilespmem:v8+s1+$0x0], $0xffff  }
0x20e: {  	v6 =	vshll.u32 v6, $0x3;
	v22 =	vld.idx.msk [tilespmem:v23+s1+$0x0], $0xffff;
	v14 =	vand.u32 $0x6F, v14;
	v23 =	vand.u32 $0x3C00, v13  }
0x20f: {  	v6 =	vand.u32 $0x7C00, v6;
	v25 =	vor.u32 s29, v0;
	v63 =	vor.u32 v14, v23;
	[tilespmem:v26+s20+$0x0] =	vst.idx.msk $0xffff, v3;
	v26 =	vld.idx.msk [tilespmem:v2+s1+$0x0], $0xffff  }
0x210: {  	v3 =	vand.u32 $0x7F, v25;
	v25 =	vor.u32 $0x200, v60;
	v23 =	vld.idx.msk [tilespmem:v24+s1+$0x0], $0xffff;
	v24 =	vor.u32 $0x80, v2  }
0x211: {  	v3 =	vor.u32 v3, v6;
	v6 =	vor.u32 $0x280, v59;
	[tilespmem:v17+s20+$0x0] =	vst.idx.msk $0xffff, v7;
	v7 =	vld.idx.msk [tilespmem:v4+s1+$0x0], $0xffff  }
0x212: {  	v17 =	vor.u32 $0x80, v4;
	[tilespmem:v19+s20+$0x0] =	vst.idx.msk $0xffff, v8;
	v8 =	vld.idx.msk [tilespmem:v21+s1+$0x0], $0xffff;
	v19 =	vor.u32 $0x200, v62  }
0x213: {  	[tilespmem:v18+s20+$0x0] =	vst.idx.msk $0xffff, v22;
	v21 =	vor.u32 $0x380, v10;
	v22 =	vor.u32 $0x280, v61;
	v18 =	vld.idx.msk [tilespmem:v27+s1+$0x0], $0xffff  }
0x214: {  	v5 =	vor.u32 $0x380, v5;
	v20 =	vld.idx.msk [tilespmem:v20+s1+$0x0], $0xffff;
	v27 =	vadd.s32 $0x3400, v9;
	[tilespmem:v63+s20+$0x0] =	vst.idx.msk $0xffff, v26  }
0x215: {  	v24 =	vld.idx.msk [tilespmem:v24+s1+$0x0], $0xffff;
	[tilespmem:v25+s20+$0x0] =	vst.idx.msk $0xffff, v23;
	v23 =	vadd.s32 $0x3400, v11;
	v25 =	vor.u32 $0x80, v63  }
0x216: {  	v26 =	vor.u32 $0x280, v60;
	[tilespmem:v3+s20+$0x0] =	vst.idx.msk $0xffff, v7;
	v6 =	vld.idx.msk [tilespmem:v6+s1+$0x0], $0xffff;
	v7 =	vor.u32 $0x100, v2  }
0x217: {  	v17 =	vld.idx.msk [tilespmem:v17+s1+$0x0], $0xffff;
	[tilespmem:v19+s20+$0x0] =	vst.idx.msk $0xffff, v8;
	v8 =	vor.u32 $0x80, v3;
	v19 =	vor.u32 $0x300, v59  }
0x218: {  	v15 =	vor.u32 v15, v16;
	[tilespmem:v21+s20+$0x0] =	vst.idx.msk $0xffff, v18;
	v16 =	vld.idx.msk [tilespmem:v22+s1+$0x0], $0xffff;
	v18 =	vor.u32 $0x100, v4;
	v21 =	vor.u32 $0x280, v62  }
0x219: {  	v44 =	vadd.s32 $0x3580, v11;
	[tilespmem:v5+s20+$0x0] =	vst.idx.msk $0xffff, v20;
	v20 =	vadd.s32 $0x6800, v10;
	v5 =	vld.idx.msk [tilespmem:v27+s1+$0x0], $0xffff;
	v27 =	vor.u32 $0x300, v61  }
0x21a: {  	v29 =	vadd.s32 $0x3480, v9;
	v37 =	vor.u32 $0x380, v59;
	v23 =	vld.idx.msk [tilespmem:v23+s1+$0x0], $0xffff;
	[tilespmem:v25+s20+$0x0] =	vst.idx.msk $0xffff, v24;
	v24 =	vadd.s32 $0x6800, v12  }
0x21b: {  	v39 =	vor.u32 $0x380, v61;
	v7 =	vld.idx.msk [tilespmem:v7+s1+$0x0], $0xffff;
	[tilespmem:v26+s20+$0x0] =	vst.idx.msk $0xffff, v6;
	v6 =	vadd.s32 $0x3480, v11;
	v26 =	vor.u32 $0x100, v63  }
0x21c: {  	v31 =	vor.u32 $0x300, v15;
	v28 =	vor.u32 $0x180, v4;
	[tilespmem:v8+s20+$0x0] =	vst.idx.msk $0xffff, v17;
	v8 =	vld.idx.msk [tilespmem:v19+s1+$0x0], $0xffff;
	v19 =	vor.u32 $0x180, v2  }
0x21d: {  	s30 =	simm.s32 $0x60;
	v22 =	vor.u32 $0x300, v62;
	v25 =	vadd.s32 $0x6880, v10;
	v18 =	vld.idx.msk [tilespmem:v18+s1+$0x0], $0xffff;
	[tilespmem:v21+s20+$0x0] =	vst.idx.msk $0xffff, v16;
	v21 =	vor.u32 $0x100, v3  }
0x21e: {  	s31 =	simm.s32 $0x70;
	v17 =	vadd.s32 $0x3500, v11;
	v16 =	vadd.s32 $0x3500, v9;
	[tilespmem:v20+s20+$0x0] =	vst.idx.msk $0xffff, v5;
	v20 =	vld.idx.msk [tilespmem:v27+s1+$0x0], $0xffff;
	v5 =	vadd.s32 s30, v1  }
0x21f: {  	v27 =	vadd.s32 $0x6880, v12;
	v29 =	vld.idx.msk [tilespmem:v29+s1+$0x0], $0xffff;
	[tilespmem:v24+s20+$0x0] =	vst.idx.msk $0xffff, v23;
	v23 =	vshll.u32 v5, $0x3;
	v24 =	vadd.s32 s31, v1  }
0x220: {  	v5 =	vand.u32 $0x7F, v5;
	v40 =	vld.idx.msk [tilespmem:v6+s1+$0x0], $0xffff;
	v6 =	vand.u32 $0x7C00, v23;
	v23 =	vshll.u32 v24, $0x3;
	[tilespmem:v26+s20+$0x0] =	vst.idx.msk $0xffff, v7  }
0x221: {  	v5 =	vor.u32 v5, v6;
	v6 =	vand.u32 $0x7F, v24;
	v7 =	vand.u32 $0x7C00, v23;
	v19 =	vld.idx.msk [tilespmem:v19+s1+$0x0], $0xffff;
	[tilespmem:v31+s20+$0x0] =	vst.idx.msk $0xffff, v8  }
0x222: {  	v42 =	vadd.s32 $0x6900, v12;
	v38 =	vor.u32 $0x180, v63;
	v6 =	vor.u32 v6, v7;
	[tilespmem:v21+s20+$0x0] =	vst.idx.msk $0xffff, v18;
	v7 =	vld.idx.msk [tilespmem:v37+s1+$0x0], $0xffff  }
0x223: {  	v15 =	vor.u32 $0x380, v15;
	v26 =	vmov s30;
	v18 =	vld.idx.msk [tilespmem:v28+s1+$0x0], $0xffff;
	[tilespmem:v22+s20+$0x0] =	vst.idx.msk $0xffff, v20;
	v20 =	vor.u32 $0x200, v2  }
0x224: {  	v8 =	vmov s31;
	v24 =	vor.u32 $0x380, v62;
	v21 =	vor.u32 $0x180, v3;
	[tilespmem:v25+s20+$0x0] =	vst.idx.msk $0xffff, v29;
	v22 =	vld.idx.msk [tilespmem:v39+s1+$0x0], $0xffff  }
0x225: {  	v26 =	vshll.u32 v26, $0x3;
	v31 =	vadd.s32 $0x3400, v61;
	[tilespmem:v27+s20+$0x0] =	vst.idx.msk $0xffff, v40;
	v27 =	vor.u32 $0x200, v4;
	v16 =	vld.idx.msk [tilespmem:v16+s1+$0x0], $0xffff  }
0x226: {  	v8 =	vshll.u32 v8, $0x3;
	v28 =	vadd.s32 $0x6900, v10;
	v29 =	vor.u32 s30, v0;
	v17 =	vld.idx.msk [tilespmem:v17+s1+$0x0], $0xffff  }
0x227: {  	v41 =	vand.u32 $0x3C00, v26;
	v25 =	vadd.s32 $0x3580, v9;
	v29 =	vand.u32 $0x6F, v29;
	[tilespmem:v38+s20+$0x0] =	vst.idx.msk $0xffff, v19;
	v19 =	vld.idx.msk [tilespmem:v5+s1+$0x0], $0xffff  }
0x228: {  	v23 =	vor.u32 s31, v0;
	v43 =	vand.u32 $0x7C00, v8;
	v8 =	vor.u32 v29, v41;
	[tilespmem:v15+s20+$0x0] =	vst.idx.msk $0xffff, v7;
	v15 =	vld.idx.msk [tilespmem:v20+s1+$0x0], $0xffff  }
0x229: {  	v7 =	vand.u32 $0x7F, v23;
	[tilespmem:v21+s20+$0x0] =	vst.idx.msk $0xffff, v18;
	v18 =	vor.u32 $0x80, v5;
	v20 =	vld.idx.msk [tilespmem:v6+s1+$0x0], $0xffff;
	v21 =	vor.u32 $0x200, v63  }
0x22a: {  	v7 =	vor.u32 v7, v43;
	[tilespmem:v24+s20+$0x0] =	vst.idx.msk $0xffff, v22;
	v22 =	vor.u32 $0x280, v2;
	v23 =	vld.idx.msk [tilespmem:v27+s1+$0x0], $0xffff  }
0x22b: {  	v24 =	vor.u32 $0x80, v6;
	v27 =	vor.u32 $0x200, v3;
	v31 =	vld.idx.msk [tilespmem:v31+s1+$0x0], $0xffff;
	[tilespmem:v28+s20+$0x0] =	vst.idx.msk $0xffff, v16  }
0x22c: {  	v45 =	vadd.s32 $0x6800, v62;
	v28 =	vor.u32 $0x280, v4;
	[tilespmem:v42+s20+$0x0] =	vst.idx.msk $0xffff, v17;
	v25 =	vld.idx.msk [tilespmem:v25+s1+$0x0], $0xffff  }
0x22d: {  	v34 =	vadd.s32 $0x6980, v10;
	v36 =	vadd.s32 $0x6980, v12;
	[tilespmem:v8+s20+$0x0] =	vst.idx.msk $0xffff, v19;
	v19 =	vadd.s32 $0x3480, v61;
	v33 =	vld.idx.msk [tilespmem:v44+s1+$0x0], $0xffff  }
0x22e: {  	v13 =	vor.u32 v13, v14;
	v14 =	vor.u32 $0x300, v3;
	v35 =	vld.idx.msk [tilespmem:v18+s1+$0x0], $0xffff;
	[tilespmem:v21+s20+$0x0] =	vst.idx.msk $0xffff, v15;
	v21 =	vadd.s32 $0x3400, v59  }
0x22f: {  	v39 =	vor.u32 $0x280, v63;
	v37 =	vor.u32 $0x80, v8;
	[tilespmem:v7+s20+$0x0] =	vst.idx.msk $0xffff, v20;
	v20 =	vadd.s32 $0x3600, v9;
	v22 =	vld.idx.msk [tilespmem:v22+s1+$0x0], $0xffff  }
0x230: {  	v40 =	vor.u32 $0x300, v2;
	v38 =	vor.u32 $0x100, v5;
	v43 =	vor.u32 $0x280, v3;
	v24 =	vld.idx.msk [tilespmem:v24+s1+$0x0], $0xffff;
	[tilespmem:v27+s20+$0x0] =	vst.idx.msk $0xffff, v23  }
0x231: {  	v16 =	vor.u32 $0x180, v6;
	v17 =	vor.u32 $0x300, v7;
	v23 =	vor.u32 $0x80, v7;
	[tilespmem:v45+s20+$0x0] =	vst.idx.msk $0xffff, v31;
	v41 =	vld.idx.msk [tilespmem:v28+s1+$0x0], $0xffff  }
0x232: {  	v42 =	vor.u32 $0x100, v6;
	v15 =	vor.u32 v26, v29;
	v18 =	vadd.s32 $0x3680, v11;
	v44 =	vld.idx.msk [tilespmem:v19+s1+$0x0], $0xffff;
	[tilespmem:v34+s20+$0x0] =	vst.idx.msk $0xffff, v25  }
0x233: {  	v26 =	vadd.s32 $0x3600, v11;
	v45 =	vor.u32 $0x300, v4;
	[tilespmem:v36+s20+$0x0] =	vst.idx.msk $0xffff, v33;
	v25 =	vld.idx.msk [tilespmem:v21+s1+$0x0], $0xffff;
	v21 =	vadd.s32 $0x6880, v62  }
0x234: {  	v29 =	vadd.s32 $0x6800, v60;
	v11 =	vadd.s32 $0x6A80, v12;
	v31 =	vadd.s32 $0x6A00, v10;
	[tilespmem:v37+s20+$0x0] =	vst.idx.msk $0xffff, v35;
	v27 =	vld.idx.msk [tilespmem:v20+s1+$0x0], $0xffff  }
0x235: {  	v10 =	vadd.s32 $0x6A80, v10;
	v28 =	vadd.s32 $0x3480, v59;
	v19 =	vadd.s32 $0x6A00, v12;
	v36 =	vld.idx.msk [tilespmem:v38+s1+$0x0], $0xffff;
	[tilespmem:v39+s20+$0x0] =	vst.idx.msk $0xffff, v22  }
0x236: {  	v12 =	vadd.s32 $0x3500, v61;
	v20 =	vadd.s32 $0x3680, v9;
	v37 =	vor.u32 $0x100, v8;
	[tilespmem:v23+s20+$0x0] =	vst.idx.msk $0xffff, v24;
	v32 =	vld.idx.msk [tilespmem:v40+s1+$0x0], $0xffff  }
0x237: {  	v34 =	vor.u32 $0x380, v2;
	v33 =	vor.u32 $0x300, v13;
	v38 =	vor.u32 $0x180, v5;
	v39 =	vld.idx.msk [tilespmem:v42+s1+$0x0], $0xffff;
	[tilespmem:v43+s20+$0x0] =	vst.idx.msk $0xffff, v41  }
0x238: {  	s24 =	simm.s32 $0x6;
	s25 =	simm.s32 $0x80;
	v9 =	vadd.s32 $0x3500, v59;
	v40 =	vor.u32 $0x100, v7;
	v24 =	vadd.s32 $0x6880, v60;
	v35 =	vld.idx.msk [tilespmem:v45+s1+$0x0], $0xffff;
	[tilespmem:v21+s20+$0x0] =	vst.idx.msk $0xffff, v44  }
.LBB2_6:
0x239: {  	v22 =	vadd.s32 s25, v1;
	s26 =	sadd.s32 $0x10, s25;
	s24 =	sadd.s32 $0x2, s24;
	v41 =	vor.u32 $0x180, v8;
	v42 =	vor.u32 $0x380, v4;
	[tilespmem:v29+s20+$0x0] =	vst.idx.msk $0xffff, v25;
	v25 =	vld.idx.msk [tilespmem:v26+s1+$0x0], $0xffff;
	v21 =	vmovc v60  }
0x23a: {  	v60 =	vmovc v63;
	v63 =	vmovc v8;
	v43 =	vshll.u32 v22, $0x3;
	v26 =	vmov s26;
	v29 =	vadd.s32 s26, v1;
	p0 =	slt.u32 s24, $0x64;
	v28 =	vld.idx.msk [tilespmem:v28+s1+$0x0], $0xffff;
	[tilespmem:v31+s20+$0x0] =	vst.idx.msk $0xffff, v27  }
0x23b: {  	v23 =	vmovc v62;
	v8 =	vand.u32 $0x7F, v22;
	v22 =	vand.u32 $0x7C00, v43;
	v27 =	vshll.u32 v29, $0x3;
	[tilespmem:v37+s20+$0x0] =	vst.idx.msk $0xffff, v36;
	v20 =	vld.idx.msk [tilespmem:v20+s1+$0x0], $0xffff  }
0x23c: {  	v37 =	vor.u32 v8, v22;
	v8 =	vand.u32 $0x7F, v29;
	v22 =	vand.u32 $0x7C00, v27;
	v27 =	vld.idx.msk [tilespmem:v38+s1+$0x0], $0xffff;
	[tilespmem:v33+s20+$0x0] =	vst.idx.msk $0xffff, v32  }
0x23d: {  	v29 =	vor.u32 s26, v0;
	v22 =	vor.u32 v8, v22;
	v8 =	vshll.u32 v26, $0x3;
	[tilespmem:v40+s20+$0x0] =	vst.idx.msk $0xffff, v39;
	v26 =	vld.idx.msk [tilespmem:v34+s1+$0x0], $0xffff  }
0x23e: {  	v31 =	vand.u32 $0x7C00, v8;
	v32 =	vld.idx.msk [tilespmem:v16+s1+$0x0], $0xffff;
	v16 =	vor.u32 $0x180, v22;
	v8 =	vor.u32 $0x380, v13;
	[tilespmem:v14+s20+$0x0] =	vst.idx.msk $0xffff, v35;
	v13 =	vmovc v15  }
0x23f: {  	v62 =	vmovc v3;
	v3 =	vmov v7;
	v33 =	vor.u32 $0x200, v5;
	v34 =	vor.u32 $0x180, v7;
	v35 =	vld.idx.msk [tilespmem:v42+s1+$0x0], $0xffff;
	[tilespmem:v19+s20+$0x0] =	vst.idx.msk $0xffff, v25  }
0x240: {  	v7 =	vor.u32 $0x380, v62;
	v14 =	vmovc v17;
	v19 =	vadd.s32 $0x3580, v59;
	[tilespmem:v24+s20+$0x0] =	vst.idx.msk $0xffff, v28;
	v24 =	vadd.s32 $0x3580, v61;
	v18 =	vld.idx.msk [tilespmem:v18+s1+$0x0], $0xffff  }
0x241: {  	v15 =	vmov s25;
	v17 =	vor.u32 $0x200, v6;
	v25 =	vadd.s32 $0x6900, v23;
	v12 =	vld.idx.msk [tilespmem:v12+s1+$0x0], $0xffff;
	[tilespmem:v10+s20+$0x0] =	vst.idx.msk $0xffff, v20  }
0x242: {  	v15 =	vshll.u32 v15, $0x3;
	v10 =	vor.u32 s25, v0;
	v20 =	vadd.s32 $0x3400, v4;
	[tilespmem:v41+s20+$0x0] =	vst.idx.msk $0xffff, v27;
	v9 =	vld.idx.msk [tilespmem:v9+s1+$0x0], $0xffff  }
0x243: {  	v28 =	vand.u32 $0x3C00, v15;
	v10 =	vand.u32 $0x6F, v10;
	v27 =	vld.idx.msk [tilespmem:v37+s1+$0x0], $0xffff;
	[tilespmem:v8+s20+$0x0] =	vst.idx.msk $0xffff, v26;
	v26 =	vadd.s32 $0x6900, v21  }
0x244: {  	v8 =	vor.u32 v10, v28;
	v15 =	vor.u32 v15, v10;
	v10 =	vld.idx.msk [tilespmem:v33+s1+$0x0], $0xffff;
	[tilespmem:v34+s20+$0x0] =	vst.idx.msk $0xffff, v32  }
0x245: {  	v29 =	vand.u32 $0x7F, v29;
	v28 =	vor.u32 $0x80, v37;
	v33 =	vor.u32 $0x200, v63;
	v32 =	vld.idx.msk [tilespmem:v22+s1+$0x0], $0xffff;
	[tilespmem:v7+s20+$0x0] =	vst.idx.msk $0xffff, v35  }
0x246: {  	v7 =	vor.u32 v29, v31;
	v29 =	vor.u32 $0x280, v5;
	v31 =	vld.idx.msk [tilespmem:v17+s1+$0x0], $0xffff;
	[tilespmem:v11+s20+$0x0] =	vst.idx.msk $0xffff, v18  }
0x247: {  	v11 =	vor.u32 $0x80, v22;
	v17 =	vor.u32 $0x300, v7;
	v18 =	vor.u32 $0x200, v3;
	v20 =	vld.idx.msk [tilespmem:v20+s1+$0x0], $0xffff;
	[tilespmem:v25+s20+$0x0] =	vst.idx.msk $0xffff, v12  }
0x248: {  	v12 =	vor.u32 $0x280, v6;
	v25 =	vadd.s32 $0x6800, v62;
	[tilespmem:v26+s20+$0x0] =	vst.idx.msk $0xffff, v9;
	v9 =	vld.idx.msk [tilespmem:v24+s1+$0x0], $0xffff  }
0x249: {  	v24 =	vadd.s32 $0x3480, v4;
	v26 =	vadd.s32 $0x6980, v23;
	[tilespmem:v8+s20+$0x0] =	vst.idx.msk $0xffff, v27;
	v19 =	vld.idx.msk [tilespmem:v19+s1+$0x0], $0xffff  }
0x24a: {  	v27 =	vld.idx.msk [tilespmem:v28+s1+$0x0], $0xffff;
	[tilespmem:v33+s20+$0x0] =	vst.idx.msk $0xffff, v10;
	v10 =	vadd.s32 $0x3400, v2;
	v28 =	vadd.s32 $0x6980, v21  }
0x24b: {  	v34 =	vadd.s32 $0x3600, v61;
	v33 =	vor.u32 $0x80, v8;
	[tilespmem:v7+s20+$0x0] =	vst.idx.msk $0xffff, v32;
	v32 =	vld.idx.msk [tilespmem:v29+s1+$0x0], $0xffff  }
0x24c: {  	v39 =	vor.u32 $0x280, v63;
	v35 =	vor.u32 $0x100, v37;
	v38 =	vld.idx.msk [tilespmem:v11+s1+$0x0], $0xffff;
	[tilespmem:v18+s20+$0x0] =	vst.idx.msk $0xffff, v31  }
0x24d: {  	v41 =	vor.u32 $0x300, v5;
	v40 =	vor.u32 $0x80, v7;
	v12 =	vld.idx.msk [tilespmem:v12+s1+$0x0], $0xffff;
	[tilespmem:v25+s20+$0x0] =	vst.idx.msk $0xffff, v20  }
0x24e: {  	v43 =	vor.u32 $0x280, v3;
	v42 =	vor.u32 $0x100, v22;
	v18 =	vadd.s32 $0x3680, v59;
	v44 =	vld.idx.msk [tilespmem:v24+s1+$0x0], $0xffff;
	[tilespmem:v26+s20+$0x0] =	vst.idx.msk $0xffff, v9  }
0x24f: {  	v45 =	vadd.s32 $0x6880, v62;
	v24 =	vor.u32 $0x300, v6;
	v26 =	vadd.s32 $0x3600, v59;
	v59 =	vmovc v2;
	v25 =	vld.idx.msk [tilespmem:v10+s1+$0x0], $0xffff;
	[tilespmem:v28+s20+$0x0] =	vst.idx.msk $0xffff, v19  }
.Ltmp2:
0x250: {  	v29 =	vadd.s32 $0x6800, v60;
	v11 =	vadd.s32 $0x6A80, v21;
	v20 =	vadd.s32 $0x3680, v61;
	v2 =	vmovc v5;
	[tilespmem:v33+s20+$0x0] =	vst.idx.msk $0xffff, v27;
	v27 =	vld.idx.msk [tilespmem:v34+s1+$0x0], $0xffff;
	(pc) =	sbr.rel @p0 .LBB2_6-.Ltmp2, $4  }
0x251: {  	v31 =	vadd.s32 $0x6A00, v23;
	v5 =	vmovc v37;
	v28 =	vadd.s32 $0x3480, v59;
	v19 =	vadd.s32 $0x6A00, v21;
	v36 =	vld.idx.msk [tilespmem:v35+s1+$0x0], $0xffff;
	[tilespmem:v39+s20+$0x0] =	vst.idx.msk $0xffff, v32  }
0x252: {  	v61 =	vmovc v4;
	v37 =	vor.u32 $0x100, v8;
	v9 =	vadd.s32 $0x3500, v59;
	v10 =	vadd.s32 $0x6A80, v23;
	[tilespmem:v40+s20+$0x0] =	vst.idx.msk $0xffff, v38;
	v32 =	vld.idx.msk [tilespmem:v41+s1+$0x0], $0xffff  }
0x253: {  	v4 =	vmovc v6;
	v33 =	vor.u32 $0x300, v13;
	v38 =	vor.u32 $0x180, v5;
	v39 =	vld.idx.msk [tilespmem:v42+s1+$0x0], $0xffff;
	[tilespmem:v43+s20+$0x0] =	vst.idx.msk $0xffff, v12;
	v12 =	vadd.s32 $0x3500, v61  }
0x254: {  	s25 =	sadd.s32 $0x20, s25;
	v6 =	vmovc v22;
	v34 =	vor.u32 $0x380, v2;
	v40 =	vor.u32 $0x100, v7;
	v35 =	vld.idx.msk [tilespmem:v24+s1+$0x0], $0xffff;
	v24 =	vadd.s32 $0x6880, v60;
	[tilespmem:v45+s20+$0x0] =	vst.idx.msk $0xffff, v44  }
0x255: {  	_ =	sdelay $0x3  }
0x256: {  	[tilespmem:v40+s20+$0x0] =	vst.idx.msk $0xffff, v39  }
0x257: {  	v21 =	vor.u32 $0x180, v7;
	[tilespmem:v37+s20+$0x0] =	vst.idx.msk $0xffff, v36;
	v16 =	vld.idx.msk [tilespmem:v16+s1+$0x0], $0xffff  }
0x258: {  	v22 =	vor.u32 $0x180, v8;
	v41 =	vor.u32 $0x200, v6;
	v23 =	vld.idx.msk [tilespmem:v38+s1+$0x0], $0xffff  }
0x259: {  	v42 =	vor.u32 $0x200, v5;
	_ =	sdelay $0x2  }
0x25a: {  	[tilespmem:v21+s20+$0x0] =	vst.idx.msk $0xffff, v16  }
0x25b: {  	[tilespmem:v22+s20+$0x0] =	vst.idx.msk $0xffff, v23;
	v21 =	vor.u32 $0x200, v7;
	v16 =	vld.idx.msk [tilespmem:v41+s1+$0x0], $0xffff  }
0x25c: {  	v43 =	vor.u32 $0x280, v6;
	v23 =	vor.u32 $0x200, v8;
	v22 =	vld.idx.msk [tilespmem:v42+s1+$0x0], $0xffff  }
0x25d: {  	v44 =	vor.u32 $0x280, v5;
	_ =	sdelay $0x2  }
0x25e: {  	[tilespmem:v21+s20+$0x0] =	vst.idx.msk $0xffff, v16  }
0x25f: {  	[tilespmem:v23+s20+$0x0] =	vst.idx.msk $0xffff, v22;
	v21 =	vor.u32 $0x280, v7;
	v16 =	vld.idx.msk [tilespmem:v43+s1+$0x0], $0xffff  }
0x260: {  	v45 =	vor.u32 $0x300, v6;
	v23 =	vor.u32 $0x280, v8;
	v22 =	vld.idx.msk [tilespmem:v44+s1+$0x0], $0xffff  }
0x261: {  	v40 =	vor.u32 $0x300, v5;
	_ =	sdelay $0x2  }
0x262: {  	[tilespmem:v21+s20+$0x0] =	vst.idx.msk $0xffff, v16;
	v16 =	vor.u32 $0x380, v4  }
0x263: {  	[tilespmem:v23+s20+$0x0] =	vst.idx.msk $0xffff, v22;
	v21 =	vld.idx.msk [tilespmem:v45+s1+$0x0], $0xffff  }
0x264: {  	v41 =	vor.u32 $0x380, v6;
	v23 =	vor.u32 $0x300, v15;
	v22 =	vld.idx.msk [tilespmem:v40+s1+$0x0], $0xffff  }
0x265: {  	v42 =	vor.u32 $0x380, v5  }
0x266: {  	[tilespmem:v14+s20+$0x0] =	vst.idx.msk $0xffff, v35  }
0x267: {  	[tilespmem:v33+s20+$0x0] =	vst.idx.msk $0xffff, v32;
	v14 =	vld.idx.msk [tilespmem:v16+s1+$0x0], $0xffff;
	v16 =	vor.u32 $0x380, v3  }
0x268: {  	v13 =	vor.u32 $0x380, v13;
	v32 =	vld.idx.msk [tilespmem:v34+s1+$0x0], $0xffff;
	[tilespmem:v17+s20+$0x0] =	vst.idx.msk $0xffff, v21;
	v17 =	vadd.s32 $0x3400, v4  }
0x269: {  	[tilespmem:v23+s20+$0x0] =	vst.idx.msk $0xffff, v22;
	v23 =	vor.u32 $0x380, v7;
	v21 =	vadd.s32 $0x3400, v2;
	v22 =	vld.idx.msk [tilespmem:v41+s1+$0x0], $0xffff  }
0x26a: {  	[tilespmem:v29+s20+$0x0] =	vst.idx.msk $0xffff, v25;
	v29 =	vadd.s32 $0x3400, v6;
	v15 =	vor.u32 $0x380, v15;
	v25 =	vld.idx.msk [tilespmem:v42+s1+$0x0], $0xffff  }
0x26b: {  	v26 =	vld.idx.msk [tilespmem:v26+s1+$0x0], $0xffff;
	[tilespmem:v31+s20+$0x0] =	vst.idx.msk $0xffff, v27;
	v27 =	vadd.s32 $0x3400, v5  }
0x26c: {  	v28 =	vld.idx.msk [tilespmem:v28+s1+$0x0], $0xffff;
	[tilespmem:v16+s20+$0x0] =	vst.idx.msk $0xffff, v14  }
0x26d: {  	[tilespmem:v13+s20+$0x0] =	vst.idx.msk $0xffff, v32;
	v14 =	vadd.s32 $0x6800, v3;
	v13 =	vld.idx.msk [tilespmem:v17+s1+$0x0], $0xffff  }
0x26e: {  	v16 =	vadd.s32 $0x3480, v4;
	v17 =	vld.idx.msk [tilespmem:v21+s1+$0x0], $0xffff;
	v21 =	vadd.s32 $0x6800, v63;
	[tilespmem:v23+s20+$0x0] =	vst.idx.msk $0xffff, v22  }
0x26f: {  	[tilespmem:v15+s20+$0x0] =	vst.idx.msk $0xffff, v25;
	v22 =	vadd.s32 $0x3480, v2;
	v23 =	vadd.s32 $0x6800, v7;
	v15 =	vld.idx.msk [tilespmem:v29+s1+$0x0], $0xffff  }
0x270: {  	[tilespmem:v19+s20+$0x0] =	vst.idx.msk $0xffff, v26;
	v19 =	vadd.s32 $0x3480, v6;
	v26 =	vadd.s32 $0x6800, v8;
	v25 =	vld.idx.msk [tilespmem:v27+s1+$0x0], $0xffff  }
0x271: {  	v20 =	vld.idx.msk [tilespmem:v20+s1+$0x0], $0xffff;
	[tilespmem:v24+s20+$0x0] =	vst.idx.msk $0xffff, v28;
	v24 =	vadd.s32 $0x3480, v5  }
0x272: {  	v18 =	vld.idx.msk [tilespmem:v18+s1+$0x0], $0xffff;
	[tilespmem:v14+s20+$0x0] =	vst.idx.msk $0xffff, v13  }
0x273: {  	v14 =	vadd.s32 $0x6880, v3;
	[tilespmem:v21+s20+$0x0] =	vst.idx.msk $0xffff, v17;
	v13 =	vld.idx.msk [tilespmem:v16+s1+$0x0], $0xffff  }
0x274: {  	v17 =	vadd.s32 $0x6880, v63;
	v16 =	vadd.s32 $0x3500, v4;
	v21 =	vld.idx.msk [tilespmem:v22+s1+$0x0], $0xffff;
	[tilespmem:v23+s20+$0x0] =	vst.idx.msk $0xffff, v15  }
0x275: {  	[tilespmem:v26+s20+$0x0] =	vst.idx.msk $0xffff, v25;
	v22 =	vadd.s32 $0x6880, v7;
	v15 =	vadd.s32 $0x3500, v2;
	v19 =	vld.idx.msk [tilespmem:v19+s1+$0x0], $0xffff  }
0x276: {  	[tilespmem:v10+s20+$0x0] =	vst.idx.msk $0xffff, v20;
	v10 =	vadd.s32 $0x3500, v6;
	v20 =	vadd.s32 $0x6880, v8;
	v23 =	vld.idx.msk [tilespmem:v24+s1+$0x0], $0xffff  }
0x277: {  	v12 =	vld.idx.msk [tilespmem:v12+s1+$0x0], $0xffff;
	[tilespmem:v11+s20+$0x0] =	vst.idx.msk $0xffff, v18;
	v11 =	vadd.s32 $0x3500, v5;
	v24 =	vadd.s32 $0x6900, v62  }
0x278: {  	v9 =	vld.idx.msk [tilespmem:v9+s1+$0x0], $0xffff;
	v18 =	vadd.s32 $0x3580, v61;
	v25 =	vadd.s32 $0x6900, v60;
	[tilespmem:v14+s20+$0x0] =	vst.idx.msk $0xffff, v13  }
0x279: {  	v13 =	vadd.s32 $0x3580, v59;
	[tilespmem:v17+s20+$0x0] =	vst.idx.msk $0xffff, v21;
	v14 =	vld.idx.msk [tilespmem:v16+s1+$0x0], $0xffff;
	v16 =	vadd.s32 $0x6900, v3  }
0x27a: {  	v17 =	vadd.s32 $0x3580, v4;
	v21 =	vadd.s32 $0x6900, v63;
	v15 =	vld.idx.msk [tilespmem:v15+s1+$0x0], $0xffff;
	[tilespmem:v22+s20+$0x0] =	vst.idx.msk $0xffff, v19  }
0x27b: {  	[tilespmem:v20+s20+$0x0] =	vst.idx.msk $0xffff, v23;
	v20 =	vadd.s32 $0x6900, v7;
	v19 =	vadd.s32 $0x3580, v2;
	v10 =	vld.idx.msk [tilespmem:v10+s1+$0x0], $0xffff  }
0x27c: {  	[tilespmem:v24+s20+$0x0] =	vst.idx.msk $0xffff, v12;
	v12 =	vadd.s32 $0x3580, v6;
	v11 =	vld.idx.msk [tilespmem:v11+s1+$0x0], $0xffff;
	v22 =	vadd.s32 $0x6900, v8  }
0x27d: {  	[tilespmem:v25+s20+$0x0] =	vst.idx.msk $0xffff, v9;
	v23 =	vadd.s32 $0x3580, v5;
	v9 =	vld.idx.msk [tilespmem:v18+s1+$0x0], $0xffff;
	v18 =	vadd.s32 $0x6980, v62  }
0x27e: {  	v25 =	vadd.s32 $0x3600, v61;
	v24 =	vadd.s32 $0x6980, v60;
	v13 =	vld.idx.msk [tilespmem:v13+s1+$0x0], $0xffff;
	[tilespmem:v16+s20+$0x0] =	vst.idx.msk $0xffff, v14  }
0x27f: {  	v14 =	vadd.s32 $0x3600, v59;
	[tilespmem:v21+s20+$0x0] =	vst.idx.msk $0xffff, v15;
	v16 =	vadd.s32 $0x6980, v3;
	v15 =	vld.idx.msk [tilespmem:v17+s1+$0x0], $0xffff  }
0x280: {  	v21 =	vadd.s32 $0x3600, v4;
	v17 =	vld.idx.msk [tilespmem:v19+s1+$0x0], $0xffff;
	v19 =	vadd.s32 $0x6980, v63;
	[tilespmem:v20+s20+$0x0] =	vst.idx.msk $0xffff, v10  }
0x281: {  	[tilespmem:v22+s20+$0x0] =	vst.idx.msk $0xffff, v11;
	v10 =	vadd.s32 $0x3600, v2;
	v11 =	vld.idx.msk [tilespmem:v12+s1+$0x0], $0xffff;
	v12 =	vadd.s32 $0x6980, v7  }
0x282: {  	[tilespmem:v18+s20+$0x0] =	vst.idx.msk $0xffff, v9;
	v18 =	vadd.s32 $0x6980, v8;
	v9 =	vld.idx.msk [tilespmem:v23+s1+$0x0], $0xffff;
	v20 =	vadd.s32 $0x3600, v6  }
0x283: {  	v22 =	vadd.s32 $0x6A00, v62;
	v23 =	vadd.s32 $0x3600, v5;
	[tilespmem:v24+s20+$0x0] =	vst.idx.msk $0xffff, v13;
	v13 =	vld.idx.msk [tilespmem:v25+s1+$0x0], $0xffff  }
0x284: {  	v24 =	vadd.s32 $0x3680, v61;
	v25 =	vadd.s32 $0x6A00, v60;
	v14 =	vld.idx.msk [tilespmem:v14+s1+$0x0], $0xffff;
	[tilespmem:v16+s20+$0x0] =	vst.idx.msk $0xffff, v15  }
0x285: {  	v15 =	vadd.s32 $0x3680, v59;
	[tilespmem:v19+s20+$0x0] =	vst.idx.msk $0xffff, v17;
	v17 =	vadd.s32 $0x6A00, v3;
	v16 =	vld.idx.msk [tilespmem:v21+s1+$0x0], $0xffff  }
0x286: {  	v4 =	vadd.s32 $0x3680, v4;
	v19 =	vadd.s32 $0x6A00, v63;
	v10 =	vld.idx.msk [tilespmem:v10+s1+$0x0], $0xffff;
	[tilespmem:v12+s20+$0x0] =	vst.idx.msk $0xffff, v11  }
0x287: {  	v2 =	vadd.s32 $0x3680, v2;
	[tilespmem:v18+s20+$0x0] =	vst.idx.msk $0xffff, v9;
	v11 =	vadd.s32 $0x6A00, v7;
	v9 =	vld.idx.msk [tilespmem:v20+s1+$0x0], $0xffff  }
0x288: {  	v6 =	vadd.s32 $0x3680, v6;
	v12 =	vadd.s32 $0x6A00, v8;
	[tilespmem:v22+s20+$0x0] =	vst.idx.msk $0xffff, v13;
	v13 =	vld.idx.msk [tilespmem:v23+s1+$0x0], $0xffff  }
0x289: {  	v5 =	vadd.s32 $0x3680, v5;
	v18 =	vadd.s32 $0x6A80, v62;
	v20 =	vld.idx.msk [tilespmem:v24+s1+$0x0], $0xffff;
	[tilespmem:v25+s20+$0x0] =	vst.idx.msk $0xffff, v14  }
0x28a: {  	v14 =	vadd.s32 $0x6A80, v60;
	v15 =	vld.idx.msk [tilespmem:v15+s1+$0x0], $0xffff;
	[tilespmem:v17+s20+$0x0] =	vst.idx.msk $0xffff, v16  }
0x28b: {  	v3 =	vadd.s32 $0x6A80, v3;
	[tilespmem:v19+s20+$0x0] =	vst.idx.msk $0xffff, v10;
	v4 =	vld.idx.msk [tilespmem:v4+s1+$0x0], $0xffff  }
0x28c: {  	v10 =	vadd.s32 $0x6A80, v63;
	v2 =	vld.idx.msk [tilespmem:v2+s1+$0x0], $0xffff;
	[tilespmem:v11+s20+$0x0] =	vst.idx.msk $0xffff, v9  }
0x28d: {  	v7 =	vadd.s32 $0x6A80, v7;
	[tilespmem:v12+s20+$0x0] =	vst.idx.msk $0xffff, v13;
	v6 =	vld.idx.msk [tilespmem:v6+s1+$0x0], $0xffff  }
0x28e: {  	v8 =	vadd.s32 $0x6A80, v8;
	[tilespmem:v18+s20+$0x0] =	vst.idx.msk $0xffff, v20;
	v5 =	vld.idx.msk [tilespmem:v5+s1+$0x0], $0xffff  }
0x28f: {  	[tilespmem:v14+s20+$0x0] =	vst.idx.msk $0xffff, v15  }
0x290: {  	[tilespmem:v3+s20+$0x0] =	vst.idx.msk $0xffff, v4  }
0x291: {  	[tilespmem:v10+s20+$0x0] =	vst.idx.msk $0xffff, v2  }
0x292: {  	[tilespmem:v7+s20+$0x0] =	vst.idx.msk $0xffff, v6  }
0x293: {  	[tilespmem:v8+s20+$0x0] =	vst.idx.msk $0xffff, v5  }
0x294: {  	v2 =	vld [tilespmem:$0x1FD50];
	_ =	sdelay $0x4  }
0x295: {  	v3 =	vld [tilespmem:$0x1FD60];
	_ =	sdelay $0x2  }
0x296: {  	v2 =	vld.idx.msk [tilespmem:v2+s1+$0x0], $0xffff;
	_ =	sdelay $0x4  }
0x297: {  	[tilespmem:v3+s20+$0x0] =	vst.idx.msk $0xffff, v2;
	v2 =	vld [tilespmem:$0x1FD70];
	_ =	sdelay $0x4  }
0x298: {  	v3 =	vld [tilespmem:$0x1FD80];
	_ =	sdelay $0x2  }
0x299: {  	v2 =	vld.idx.msk [tilespmem:v2+s1+$0x0], $0xffff;
	_ =	sdelay $0x4  }
0x29a: {  	[tilespmem:v3+s20+$0x0] =	vst.idx.msk $0xffff, v2;
	v2 =	vld [tilespmem:$0x1FD90];
	_ =	sdelay $0x4  }
0x29b: {  	v3 =	vld [tilespmem:$0x1FDA0];
	_ =	sdelay $0x2  }
0x29c: {  	v2 =	vld.idx.msk [tilespmem:v2+s1+$0x0], $0xffff;
	_ =	sdelay $0x4  }
0x29d: {  	[tilespmem:v3+s20+$0x0] =	vst.idx.msk $0xffff, v2;
	v2 =	vld [tilespmem:$0x1FDB0];
	_ =	sdelay $0x4  }
0x29e: {  	v3 =	vld [tilespmem:$0x1FDC0];
	_ =	sdelay $0x2  }
0x29f: {  	v2 =	vld.idx.msk [tilespmem:v2+s1+$0x0], $0xffff;
	_ =	sdelay $0x4  }
0x2a0: {  	[tilespmem:v3+s20+$0x0] =	vst.idx.msk $0xffff, v2;
	v2 =	vld [tilespmem:$0x1FDD0];
	_ =	sdelay $0x4  }
0x2a1: {  	v3 =	vld [tilespmem:$0x1FDE0];
	_ =	sdelay $0x2  }
0x2a2: {  	v2 =	vld.idx.msk [tilespmem:v2+s1+$0x0], $0xffff;
	_ =	sdelay $0x4  }
0x2a3: {  	[tilespmem:v3+s20+$0x0] =	vst.idx.msk $0xffff, v2;
	v2 =	vld [tilespmem:$0x1FDF0];
	_ =	sdelay $0x4  }
0x2a4: {  	v3 =	vld [tilespmem:$0x1FE00];
	_ =	sdelay $0x2  }
0x2a5: {  	v2 =	vld.idx.msk [tilespmem:v2+s1+$0x0], $0xffff;
	_ =	sdelay $0x4  }
0x2a6: {  	[tilespmem:v3+s20+$0x0] =	vst.idx.msk $0xffff, v2;
	v2 =	vld [tilespmem:$0x1FE10];
	_ =	sdelay $0x4  }
0x2a7: {  	v3 =	vld [tilespmem:$0x1FE20];
	_ =	sdelay $0x2  }
0x2a8: {  	v2 =	vld.idx.msk [tilespmem:v2+s1+$0x0], $0xffff;
	_ =	sdelay $0x4  }
0x2a9: {  	[tilespmem:v3+s20+$0x0] =	vst.idx.msk $0xffff, v2;
	v2 =	vld [tilespmem:$0x1FE30];
	_ =	sdelay $0x4  }
0x2aa: {  	v3 =	vld [tilespmem:$0x1FE40];
	_ =	sdelay $0x2  }
0x2ab: {  	v2 =	vld.idx.msk [tilespmem:v2+s1+$0x0], $0xffff;
	_ =	sdelay $0x4  }
0x2ac: {  	[tilespmem:v3+s20+$0x0] =	vst.idx.msk $0xffff, v2;
	v2 =	vld [tilespmem:$0x1FE50];
	_ =	sdelay $0x4  }
0x2ad: {  	v3 =	vld [tilespmem:$0x1FE60];
	_ =	sdelay $0x2  }
0x2ae: {  	v2 =	vld.idx.msk [tilespmem:v2+s1+$0x0], $0xffff;
	_ =	sdelay $0x4  }
0x2af: {  	[tilespmem:v3+s20+$0x0] =	vst.idx.msk $0xffff, v2;
	v2 =	vld [tilespmem:$0x1FE70];
	_ =	sdelay $0x4  }
0x2b0: {  	v3 =	vld [tilespmem:$0x1FE80];
	_ =	sdelay $0x2  }
0x2b1: {  	v2 =	vld.idx.msk [tilespmem:v2+s1+$0x0], $0xffff;
	_ =	sdelay $0x4  }
0x2b2: {  	[tilespmem:v3+s20+$0x0] =	vst.idx.msk $0xffff, v2;
	v2 =	vld [tilespmem:$0x1FE90];
	_ =	sdelay $0x4  }
0x2b3: {  	v3 =	vld [tilespmem:$0x1FEA0];
	_ =	sdelay $0x2  }
0x2b4: {  	v2 =	vld.idx.msk [tilespmem:v2+s1+$0x0], $0xffff;
	_ =	sdelay $0x4  }
0x2b5: {  	[tilespmem:v3+s20+$0x0] =	vst.idx.msk $0xffff, v2;
	v2 =	vld [tilespmem:$0x1FEB0];
	_ =	sdelay $0x4  }
0x2b6: {  	v3 =	vld [tilespmem:$0x1FEC0];
	_ =	sdelay $0x2  }
0x2b7: {  	v2 =	vld.idx.msk [tilespmem:v2+s1+$0x0], $0xffff;
	_ =	sdelay $0x4  }
0x2b8: {  	[tilespmem:v3+s20+$0x0] =	vst.idx.msk $0xffff, v2;
	v2 =	vld [tilespmem:$0x1FED0];
	_ =	sdelay $0x4  }
0x2b9: {  	v3 =	vld [tilespmem:$0x1FEE0];
	_ =	sdelay $0x2  }
0x2ba: {  	v2 =	vld.idx.msk [tilespmem:v2+s1+$0x0], $0xffff;
	_ =	sdelay $0x4  }
0x2bb: {  	[tilespmem:v3+s20+$0x0] =	vst.idx.msk $0xffff, v2;
	v2 =	vld [tilespmem:$0x1FEF0];
	_ =	sdelay $0x4  }
0x2bc: {  	v7 =	vld [tilespmem:$0x1FF00];
	_ =	sdelay $0x2  }
0x2bd: {  	v2 =	vld.idx.msk [tilespmem:v2+s1+$0x0], $0xffff  }
0x2be: {  	s24 =	simm.s32 $0x666  }
0x2bf: {  	s25 =	simm.s32 $0x676;
	v3 =	vadd.s32 s24, v30  }
0x2c0: {  	v4 =	vadd.s32 s25, v30;
	v5 =	vshll.u32 v3, $0x3  }
0x2c1: {  	v6 =	vshll.u32 v4, $0x3;
	v3 =	vand.u32 $0x7F, v3;
	v5 =	vand.u32 $0xFFFFFC00, v5  }
0x2c2: {  	v9 =	vor.u32 v3, v5;
	[tilespmem:v7+s20+$0x0] =	vst.idx.msk $0xffff, v2;
	v2 =	vand.u32 $0x7F, v4;
	v4 =	vand.u32 $0xFFFFFC00, v6  }
0x2c3: {  	[tilespmem:s1], [sflag:$0x1] =	stream.strided.gather [hbm4b:s8+s16], $0x6800, s17, s16, $0x38;
	v10 =	vor.u32 v2, v4;
	[tilespmem:$0x1A000] =	vst v63  }
0x2c4: {  	v2 =	vadd.s32 s24, v0;
	_ =	swait.ge [sflag:s21], $0x6800  }
0x2c5: {  	v4 =	vadd.s32 s25, v0;
	v3 =	vshll.u32 v2, $0x3;
	[sflag:s21] =	ssyncset.done $0x0  }
0x2c6: {  	v5 =	vshll.u32 v4, $0x3;
	v2 =	vand.u32 $0x7F, v2;
	v3 =	vand.u32 $0x7FFFFC00, v3;
	[sflag:s21] =	ssyncadd.s32 $0xFFFF9800  }
0x2c7: {  	v4 =	vand.u32 $0x7F, v4;
	v5 =	vand.u32 $0xFC00, v5;
	v11 =	vor.u32 v2, v3;
	v6 =	vld.idx.msk [tilespmem:v9+s18+$0x0], $0xffff  }
0x2c8: {  	v12 =	vor.u32 v4, v5;
	v3 =	vor.u32 $0x80, v9;
	v2 =	vld.idx.msk [tilespmem:v10+s18+$0x0], $0xffff  }
0x2c9: {  	v4 =	vor.u32 $0x80, v10;
	_ =	sdelay $0x2  }
0x2ca: {  	[tilespmem:v11+s20+$0x0] =	vst.idx.msk $0xffff, v6  }
0x2cb: {  	s25 =	simm.s32 $0x696;
	[tilespmem:v12+s20+$0x0] =	vst.idx.msk $0xffff, v2;
	v2 =	vld.idx.msk [tilespmem:v3+s18+$0x0], $0xffff;
	v3 =	vor.u32 $0x80, v11  }
0x2cc: {  	v7 =	vadd.s32 s25, v30;
	v5 =	vor.u32 $0x80, v12;
	v6 =	vor.u32 $0x100, v9;
	v4 =	vld.idx.msk [tilespmem:v4+s18+$0x0], $0xffff  }
0x2cd: {  	s26 =	simm.s32 $0x686;
	v8 =	vor.u32 $0x100, v10;
	v13 =	vshll.u32 v7, $0x3  }
0x2ce: {  	v14 =	vadd.s32 s26, v30;
	v7 =	vand.u32 $0x7F, v7;
	v13 =	vand.u32 $0xFFFFFC00, v13  }
0x2cf: {  	v15 =	vshll.u32 v14, $0x3;
	v59 =	vor.u32 v7, v13  }
0x2d0: {  	v7 =	vor.u32 $0x180, v9;
	[tilespmem:v3+s20+$0x0] =	vst.idx.msk $0xffff, v2;
	v2 =	vand.u32 $0x7F, v14;
	v3 =	vand.u32 $0xFFFFFC00, v15  }
0x2d1: {  	[tilespmem:v5+s20+$0x0] =	vst.idx.msk $0xffff, v4;
	v4 =	vld.idx.msk [tilespmem:v6+s18+$0x0], $0xffff;
	v5 =	vor.u32 $0x100, v11;
	v62 =	vor.u32 v2, v3;
	v2 =	vadd.s32 s25, v0  }
0x2d2: {  	v14 =	vadd.s32 s26, v0;
	v6 =	vor.u32 $0x100, v12;
	v3 =	vld.idx.msk [tilespmem:v8+s18+$0x0], $0xffff;
	v13 =	vshll.u32 v2, $0x3  }
0x2d3: {  	v8 =	vor.u32 $0x180, v10;
	v2 =	vand.u32 $0x7F, v2;
	v13 =	vand.u32 $0xFC00, v13  }
0x2d4: {  	v16 =	vld.idx.msk [tilespmem:v59+s18+$0x0], $0xffff;
	v15 =	vshll.u32 v14, $0x3;
	v60 =	vor.u32 v2, v13  }
0x2d5: {  	v2 =	vand.u32 $0x7FFFFC00, v15;
	v13 =	vand.u32 $0x7F, v14;
	v14 =	vor.u32 $0x80, v59  }
0x2d6: {  	v61 =	vor.u32 v13, v2;
	[tilespmem:v5+s20+$0x0] =	vst.idx.msk $0xffff, v4;
	v4 =	vld.idx.msk [tilespmem:v62+s18+$0x0], $0xffff  }
0x2d7: {  	v5 =	vor.u32 $0x80, v62;
	[tilespmem:v6+s20+$0x0] =	vst.idx.msk $0xffff, v3;
	v2 =	vld.idx.msk [tilespmem:v7+s18+$0x0], $0xffff;
	v3 =	vor.u32 $0x180, v11  }
0x2d8: {  	v7 =	vor.u32 $0x180, v12;
	v6 =	vld.idx.msk [tilespmem:v8+s18+$0x0], $0xffff;
	v8 =	vor.u32 $0x200, v9  }
0x2d9: {  	v13 =	vor.u32 $0x200, v10;
	[tilespmem:v60+s20+$0x0] =	vst.idx.msk $0xffff, v16  }
0x2da: {  	v15 =	vor.u32 $0x80, v60;
	v14 =	vld.idx.msk [tilespmem:v14+s18+$0x0], $0xffff  }
0x2db: {  	[tilespmem:v61+s20+$0x0] =	vst.idx.msk $0xffff, v4;
	v4 =	vor.u32 $0x100, v59  }
0x2dc: {  	[tilespmem:v3+s20+$0x0] =	vst.idx.msk $0xffff, v2;
	v2 =	vld.idx.msk [tilespmem:v5+s18+$0x0], $0xffff;
	v3 =	vor.u32 $0x80, v61  }
0x2dd: {  	[tilespmem:v7+s20+$0x0] =	vst.idx.msk $0xffff, v6;
	v5 =	vld.idx.msk [tilespmem:v8+s18+$0x0], $0xffff;
	v6 =	vor.u32 $0x200, v11;
	v7 =	vor.u32 $0x100, v62  }
0x2de: {  	v16 =	vor.u32 $0x280, v9;
	v8 =	vld.idx.msk [tilespmem:v13+s18+$0x0], $0xffff;
	v13 =	vor.u32 $0x200, v12  }
0x2df: {  	v17 =	vor.u32 $0x280, v10;
	[tilespmem:v15+s20+$0x0] =	vst.idx.msk $0xffff, v14  }
0x2e0: {  	s29 =	simm.s32 $0x6A6;
	v14 =	vor.u32 $0x100, v60;
	v4 =	vld.idx.msk [tilespmem:v4+s18+$0x0], $0xffff  }
0x2e1: {  	v23 =	vadd.s32 s29, v30;
	v21 =	vor.u32 $0x380, v9;
	[tilespmem:v3+s20+$0x0] =	vst.idx.msk $0xffff, v2;
	v3 =	vor.u32 $0x180, v59  }
0x2e2: {  	s28 =	simm.s32 $0x6B6;
	v20 =	vor.u32 $0x300, v12;
	v18 =	vor.u32 $0x180, v62;
	v19 =	vor.u32 $0x100, v61;
	[tilespmem:v6+s20+$0x0] =	vst.idx.msk $0xffff, v5;
	v7 =	vld.idx.msk [tilespmem:v7+s18+$0x0], $0xffff  }
0x2e3: {  	v15 =	vor.u32 $0x300, v11;
	v2 =	vadd.s32 s28, v30;
	[tilespmem:v13+s20+$0x0] =	vst.idx.msk $0xffff, v8;
	v8 =	vld.idx.msk [tilespmem:v16+s18+$0x0], $0xffff;
	v13 =	vor.u32 $0x280, v11  }
0x2e4: {  	v5 =	vor.u32 $0x280, v12;
	v22 =	vshll.u32 v2, $0x3;
	v16 =	vor.u32 $0x300, v9;
	v17 =	vld.idx.msk [tilespmem:v17+s18+$0x0], $0xffff  }
0x2e5: {  	v6 =	vor.u32 $0x300, v10;
	v2 =	vand.u32 $0x7F, v2;
	v22 =	vand.u32 $0xFFFFFC00, v22;
	[tilespmem:v14+s20+$0x0] =	vst.idx.msk $0xffff, v4  }
0x2e6: {  	v2 =	vor.u32 v2, v22;
	v22 =	vor.u32 $0x180, v60;
	v4 =	vshll.u32 v23, $0x3;
	v14 =	vld.idx.msk [tilespmem:v3+s18+$0x0], $0xffff  }
0x2e7: {  	v3 =	vand.u32 $0x7F, v23;
	v4 =	vand.u32 $0xFFFFFC00, v4;
	[tilespmem:v19+s20+$0x0] =	vst.idx.msk $0xffff, v7;
	v7 =	vor.u32 $0x200, v59  }
0x2e8: {  	v3 =	vor.u32 v3, v4;
	[tilespmem:v13+s20+$0x0] =	vst.idx.msk $0xffff, v8;
	v4 =	vld.idx.msk [tilespmem:v18+s18+$0x0], $0xffff;
	v8 =	vor.u32 $0x180, v61;
	v13 =	vadd.s32 s28, v0  }
0x2e9: {  	[tilespmem:v5+s20+$0x0] =	vst.idx.msk $0xffff, v17;
	v5 =	vld.idx.msk [tilespmem:v16+s18+$0x0], $0xffff;
	v16 =	vadd.s32 s29, v0;
	v17 =	vor.u32 $0x200, v62;
	v18 =	vshll.u32 v13, $0x3  }
0x2ea: {  	v13 =	vand.u32 $0x7F, v13;
	v6 =	vld.idx.msk [tilespmem:v6+s18+$0x0], $0xffff;
	v19 =	vshll.u32 v16, $0x3;
	v18 =	vand.u32 $0xFC00, v18  }
0x2eb: {  	v23 =	vor.u32 $0x380, v10;
	v19 =	vand.u32 $0x7FFFFC00, v19;
	[tilespmem:v22+s20+$0x0] =	vst.idx.msk $0xffff, v14;
	v14 =	vld.idx.msk [tilespmem:v2+s18+$0x0], $0xffff;
	v63 =	vor.u32 v13, v18  }
0x2ec: {  	v13 =	vand.u32 $0x7F, v16;
	v16 =	vor.u32 $0x80, v2;
	v18 =	vor.u32 $0x200, v60;
	v7 =	vld.idx.msk [tilespmem:v7+s18+$0x0], $0xffff  }
0x2ed: {  	[tilespmem:v8+s20+$0x0] =	vst.idx.msk $0xffff, v4;
	v8 =	vld.idx.msk [tilespmem:v3+s18+$0x0], $0xffff;
	v4 =	vor.u32 v13, v19;
	v13 =	vor.u32 $0x280, v59  }
0x2ee: {  	[tilespmem:v15+s20+$0x0] =	vst.idx.msk $0xffff, v5;
	v5 =	vld.idx.msk [tilespmem:v17+s18+$0x0], $0xffff;
	v15 =	vor.u32 $0x80, v3;
	v17 =	vor.u32 $0x200, v61  }
0x2ef: {  	v19 =	vor.u32 $0x380, v11;
	[tilespmem:v20+s20+$0x0] =	vst.idx.msk $0xffff, v6;
	v6 =	vld.idx.msk [tilespmem:v21+s18+$0x0], $0xffff;
	v20 =	vor.u32 $0x280, v62  }
0x2f0: {  	v22 =	vor.u32 $0x380, v12;
	v21 =	vld.idx.msk [tilespmem:v23+s18+$0x0], $0xffff;
	v23 =	vadd.s32 $0x3400, v9;
	[tilespmem:v63+s20+$0x0] =	vst.idx.msk $0xffff, v14  }
0x2f1: {  	v14 =	vld.idx.msk [tilespmem:v16+s18+$0x0], $0xffff;
	[tilespmem:v18+s20+$0x0] =	vst.idx.msk $0xffff, v7;
	v7 =	vadd.s32 $0x3400, v10;
	v16 =	vor.u32 $0x80, v63  }
0x2f2: {  	v18 =	vor.u32 $0x280, v60;
	[tilespmem:v4+s20+$0x0] =	vst.idx.msk $0xffff, v8;
	v8 =	vld.idx.msk [tilespmem:v13+s18+$0x0], $0xffff;
	v13 =	vor.u32 $0x100, v2  }
0x2f3: {  	v15 =	vld.idx.msk [tilespmem:v15+s18+$0x0], $0xffff;
	[tilespmem:v17+s20+$0x0] =	vst.idx.msk $0xffff, v5;
	v5 =	vor.u32 $0x80, v4;
	v17 =	vor.u32 $0x300, v59  }
0x2f4: {  	[tilespmem:v19+s20+$0x0] =	vst.idx.msk $0xffff, v6;
	v6 =	vld.idx.msk [tilespmem:v20+s18+$0x0], $0xffff;
	v19 =	vor.u32 $0x100, v3;
	v20 =	vor.u32 $0x280, v61  }
0x2f5: {  	[tilespmem:v22+s20+$0x0] =	vst.idx.msk $0xffff, v21;
	v21 =	vld.idx.msk [tilespmem:v23+s18+$0x0], $0xffff;
	v22 =	vadd.s32 $0x6800, v11;
	v23 =	vor.u32 $0x300, v62  }
0x2f6: {  	s30 =	simm.s32 $0x6D6;
	v24 =	vadd.s32 $0x3480, v9;
	v7 =	vld.idx.msk [tilespmem:v7+s18+$0x0], $0xffff;
	[tilespmem:v16+s20+$0x0] =	vst.idx.msk $0xffff, v14;
	v14 =	vadd.s32 $0x6800, v12  }
0x2f7: {  	v27 =	vadd.s32 s30, v30;
	v13 =	vld.idx.msk [tilespmem:v13+s18+$0x0], $0xffff;
	[tilespmem:v18+s20+$0x0] =	vst.idx.msk $0xffff, v8;
	v8 =	vadd.s32 $0x3480, v10;
	v18 =	vor.u32 $0x100, v63  }
0x2f8: {  	s31 =	simm.s32 $0x6C6;
	v31 =	vshll.u32 v27, $0x3;
	[tilespmem:v5+s20+$0x0] =	vst.idx.msk $0xffff, v15;
	v5 =	vld.idx.msk [tilespmem:v17+s18+$0x0], $0xffff;
	v15 =	vor.u32 $0x180, v2;
	v17 =	vor.u32 $0x300, v60  }
0x2f9: {  	v29 =	vadd.s32 s31, v0;
	v19 =	vld.idx.msk [tilespmem:v19+s18+$0x0], $0xffff;
	[tilespmem:v20+s20+$0x0] =	vst.idx.msk $0xffff, v6;
	v6 =	vor.u32 $0x100, v4;
	v20 =	vor.u32 $0x380, v59  }
0x2fa: {  	v26 =	vadd.s32 $0x6880, v11;
	v25 =	vor.u32 $0x180, v3;
	v16 =	vor.u32 $0x300, v61;
	[tilespmem:v22+s20+$0x0] =	vst.idx.msk $0xffff, v21;
	v22 =	vld.idx.msk [tilespmem:v23+s18+$0x0], $0xffff  }
0x2fb: {  	v28 =	vor.u32 $0x380, v62;
	v21 =	vadd.s32 $0x3500, v10;
	v24 =	vld.idx.msk [tilespmem:v24+s18+$0x0], $0xffff;
	[tilespmem:v14+s20+$0x0] =	vst.idx.msk $0xffff, v7;
	v14 =	vadd.s32 s31, v30  }
0x2fc: {  	v23 =	vadd.s32 $0x3500, v9;
	v7 =	vadd.s32 $0x6880, v12;
	v8 =	vld.idx.msk [tilespmem:v8+s18+$0x0], $0xffff;
	v43 =	vshll.u32 v14, $0x3;
	[tilespmem:v18+s20+$0x0] =	vst.idx.msk $0xffff, v13  }
0x2fd: {  	v13 =	vand.u32 $0x7F, v27;
	v18 =	vand.u32 $0xFFFFFC00, v31;
	v14 =	vand.u32 $0x7F, v14;
	v15 =	vld.idx.msk [tilespmem:v15+s18+$0x0], $0xffff;
	[tilespmem:v17+s20+$0x0] =	vst.idx.msk $0xffff, v5  }
0x2fe: {  	v17 =	vand.u32 $0xFFFFFC00, v43;
	v5 =	vor.u32 v13, v18;
	v13 =	vor.u32 $0x180, v63;
	[tilespmem:v6+s20+$0x0] =	vst.idx.msk $0xffff, v19;
	v18 =	vld.idx.msk [tilespmem:v20+s18+$0x0], $0xffff  }
0x2ff: {  	v6 =	vor.u32 v14, v17;
	v17 =	vor.u32 $0x200, v2;
	v14 =	vld.idx.msk [tilespmem:v25+s18+$0x0], $0xffff;
	[tilespmem:v16+s20+$0x0] =	vst.idx.msk $0xffff, v22;
	v16 =	vor.u32 $0x380, v60  }
0x300: {  	v27 =	vadd.s32 $0x3400, v62;
	v19 =	vshll.u32 v29, $0x3;
	v20 =	vor.u32 $0x180, v4;
	[tilespmem:v26+s20+$0x0] =	vst.idx.msk $0xffff, v24;
	v22 =	vld.idx.msk [tilespmem:v28+s18+$0x0], $0xffff  }
0x301: {  	v25 =	vor.u32 $0x200, v3;
	v24 =	vor.u32 $0x380, v61;
	[tilespmem:v7+s20+$0x0] =	vst.idx.msk $0xffff, v8;
	v7 =	vadd.s32 s30, v0;
	v23 =	vld.idx.msk [tilespmem:v23+s18+$0x0], $0xffff  }
0x302: {  	v26 =	vadd.s32 $0x3580, v9;
	v28 =	vadd.s32 $0x6900, v11;
	v8 =	vshll.u32 v7, $0x3;
	v21 =	vld.idx.msk [tilespmem:v21+s18+$0x0], $0xffff  }
0x303: {  	[tilespmem:v13+s20+$0x0] =	vst.idx.msk $0xffff, v15;
	v13 =	vld.idx.msk [tilespmem:v5+s18+$0x0], $0xffff;
	v7 =	vand.u32 $0x7F, v7;
	v15 =	vadd.s32 $0x6900, v12;
	v8 =	vand.u32 $0xFC00, v8  }
0x304: {  	v19 =	vand.u32 $0x7FFFFC00, v19;
	[tilespmem:v16+s20+$0x0] =	vst.idx.msk $0xffff, v18;
	v7 =	vor.u32 v7, v8;
	v16 =	vld.idx.msk [tilespmem:v17+s18+$0x0], $0xffff;
	v17 =	vadd.s32 $0x3580, v10  }
0x305: {  	[tilespmem:v20+s20+$0x0] =	vst.idx.msk $0xffff, v14;
	v14 =	vld.idx.msk [tilespmem:v6+s18+$0x0], $0xffff;
	v8 =	vand.u32 $0x7F, v29;
	v18 =	vor.u32 $0x80, v5;
	v20 =	vor.u32 $0x200, v63  }
0x306: {  	[tilespmem:v24+s20+$0x0] =	vst.idx.msk $0xffff, v22;
	v8 =	vor.u32 v8, v19;
	v19 =	vld.idx.msk [tilespmem:v25+s18+$0x0], $0xffff;
	v22 =	vor.u32 $0x280, v2  }
0x307: {  	v24 =	vor.u32 $0x80, v6;
	v25 =	vor.u32 $0x200, v4;
	v27 =	vld.idx.msk [tilespmem:v27+s18+$0x0], $0xffff;
	[tilespmem:v28+s20+$0x0] =	vst.idx.msk $0xffff, v23  }
0x308: {  	v23 =	vor.u32 $0x280, v3;
	v28 =	vadd.s32 $0x6800, v61;
	v26 =	vld.idx.msk [tilespmem:v26+s18+$0x0], $0xffff;
	[tilespmem:v15+s20+$0x0] =	vst.idx.msk $0xffff, v21  }
0x309: {  	v29 =	vadd.s32 $0x6980, v11;
	v21 =	vadd.s32 $0x3480, v62;
	[tilespmem:v7+s20+$0x0] =	vst.idx.msk $0xffff, v13;
	v17 =	vld.idx.msk [tilespmem:v17+s18+$0x0], $0xffff  }
0x30a: {  	[tilespmem:v20+s20+$0x0] =	vst.idx.msk $0xffff, v16;
	v16 =	vadd.s32 $0x3400, v59;
	v20 =	vadd.s32 $0x6980, v12;
	v18 =	vld.idx.msk [tilespmem:v18+s18+$0x0], $0xffff  }
0x30b: {  	v31 =	vor.u32 $0x80, v7;
	[tilespmem:v8+s20+$0x0] =	vst.idx.msk $0xffff, v14;
	v32 =	vld.idx.msk [tilespmem:v22+s18+$0x0], $0xffff;
	v22 =	vadd.s32 $0x3600, v9  }
0x30c: {  	v41 =	vadd.s32 $0x6880, v61;
	v33 =	vor.u32 $0x100, v5;
	[tilespmem:v25+s20+$0x0] =	vst.idx.msk $0xffff, v19;
	v25 =	vor.u32 $0x280, v63;
	v34 =	vld.idx.msk [tilespmem:v24+s18+$0x0], $0xffff  }
0x30d: {  	v36 =	vor.u32 $0x300, v2;
	v45 =	vor.u32 $0x300, v3;
	v35 =	vor.u32 $0x80, v8;
	v37 =	vld.idx.msk [tilespmem:v23+s18+$0x0], $0xffff;
	[tilespmem:v28+s20+$0x0] =	vst.idx.msk $0xffff, v27  }
0x30e: {  	v44 =	vor.u32 $0x280, v4;
	v38 =	vor.u32 $0x100, v6;
	v15 =	vor.u32 $0x300, v8;
	v21 =	vld.idx.msk [tilespmem:v21+s18+$0x0], $0xffff;
	[tilespmem:v29+s20+$0x0] =	vst.idx.msk $0xffff, v26  }
0x30f: {  	v13 =	vor.u32 $0x300, v4;
	v14 =	vor.u32 $0x180, v6;
	v19 =	vadd.s32 $0x3680, v9;
	v24 =	vld.idx.msk [tilespmem:v16+s18+$0x0], $0xffff;
	[tilespmem:v20+s20+$0x0] =	vst.idx.msk $0xffff, v17  }
0x310: {  	v9 =	vadd.s32 $0x6A80, v12;
	v23 =	vadd.s32 $0x3600, v10;
	v26 =	vadd.s32 $0x6800, v60;
	[tilespmem:v31+s20+$0x0] =	vst.idx.msk $0xffff, v18;
	v22 =	vld.idx.msk [tilespmem:v22+s18+$0x0], $0xffff  }
0x311: {  	v10 =	vadd.s32 $0x3680, v10;
	v27 =	vadd.s32 $0x6A00, v11;
	[tilespmem:v25+s20+$0x0] =	vst.idx.msk $0xffff, v32;
	v25 =	vadd.s32 $0x3480, v59;
	v33 =	vld.idx.msk [tilespmem:v33+s18+$0x0], $0xffff  }
0x312: {  	v29 =	vor.u32 $0x300, v63;
	v17 =	vadd.s32 $0x6A00, v12;
	[tilespmem:v35+s20+$0x0] =	vst.idx.msk $0xffff, v34;
	v35 =	vor.u32 $0x100, v7;
	v28 =	vld.idx.msk [tilespmem:v36+s18+$0x0], $0xffff  }
0x313: {  	v16 =	vadd.s32 $0x6A80, v11;
	v11 =	vadd.s32 $0x3500, v59;
	v36 =	vor.u32 $0x180, v5;
	[tilespmem:v44+s20+$0x0] =	vst.idx.msk $0xffff, v37;
	v34 =	vld.idx.msk [tilespmem:v38+s18+$0x0], $0xffff  }
0x314: {  	s24 =	simm.s32 $0x6;
	s25 =	simm.s32 $0x6F6;
	v32 =	vor.u32 $0x380, v2;
	v18 =	vadd.s32 $0x3500, v62;
	v37 =	vor.u32 $0x100, v8;
	v31 =	vld.idx.msk [tilespmem:v45+s18+$0x0], $0xffff;
	[tilespmem:v41+s20+$0x0] =	vst.idx.msk $0xffff, v21  }
.LBB2_8:
0x315: {  	s26 =	sadd.s32 $0xFFFFFFF0, s25;
	v21 =	vadd.s32 s25, v30;
	s24 =	sadd.s32 $0x2, s24;
	v38 =	vor.u32 $0x380, v3;
	[tilespmem:v26+s20+$0x0] =	vst.idx.msk $0xffff, v24;
	v24 =	vadd.s32 $0x6880, v60;
	v23 =	vld.idx.msk [tilespmem:v23+s18+$0x0], $0xffff;
	v12 =	vmovc v6  }
0x316: {  	v20 =	vmovc v60;
	v26 =	vadd.s32 s26, v0;
	v6 =	vadd.s32 s26, v30;
	v39 =	vshll.u32 v21, $0x3;
	p0 =	slt.u32 s24, $0x64;
	v25 =	vld.idx.msk [tilespmem:v25+s18+$0x0], $0xffff;
	[tilespmem:v27+s20+$0x0] =	vst.idx.msk $0xffff, v22  }
0x317: {  	v60 =	vmovc v63;
	v21 =	vand.u32 $0x7F, v21;
	v22 =	vshll.u32 v6, $0x3;
	v27 =	vand.u32 $0xFFFFFC00, v39;
	[tilespmem:v35+s20+$0x0] =	vst.idx.msk $0xffff, v33;
	v19 =	vld.idx.msk [tilespmem:v19+s18+$0x0], $0xffff  }
0x318: {  	v6 =	vand.u32 $0x7F, v6;
	v22 =	vand.u32 $0xFFFFFC00, v22;
	v21 =	vor.u32 v21, v27;
	v27 =	vld.idx.msk [tilespmem:v36+s18+$0x0], $0xffff;
	[tilespmem:v29+s20+$0x0] =	vst.idx.msk $0xffff, v28  }
0x319: {  	v28 =	vor.u32 $0x180, v7;
	v6 =	vor.u32 v6, v22;
	v22 =	vshll.u32 v26, $0x3;
	[tilespmem:v37+s20+$0x0] =	vst.idx.msk $0xffff, v34;
	v29 =	vld.idx.msk [tilespmem:v32+s18+$0x0], $0xffff  }
0x31a: {  	v63 =	vmovc v7;
	v22 =	vand.u32 $0x7FFFFC00, v22;
	v32 =	vld.idx.msk [tilespmem:v14+s18+$0x0], $0xffff;
	v14 =	vor.u32 $0x180, v6;
	[tilespmem:v13+s20+$0x0] =	vst.idx.msk $0xffff, v31;
	v31 =	vor.u32 $0x380, v60  }
0x31b: {  	v33 =	vor.u32 $0x180, v8;
	v36 =	vmovc v61;
	v61 =	vmov v4;
	v34 =	vor.u32 $0x200, v5;
	v35 =	vld.idx.msk [tilespmem:v38+s18+$0x0], $0xffff;
	[tilespmem:v17+s20+$0x0] =	vst.idx.msk $0xffff, v23  }
0x31c: {  	v4 =	vmov v8;
	v13 =	vmov v15;
	v17 =	vor.u32 $0x380, v61;
	[tilespmem:v24+s20+$0x0] =	vst.idx.msk $0xffff, v25;
	v10 =	vld.idx.msk [tilespmem:v10+s18+$0x0], $0xffff  }
0x31d: {  	v7 =	vadd.s32 s25, v0;
	v15 =	vor.u32 $0x200, v12;
	v23 =	vadd.s32 $0x3580, v62;
	v18 =	vld.idx.msk [tilespmem:v18+s18+$0x0], $0xffff;
	[tilespmem:v16+s20+$0x0] =	vst.idx.msk $0xffff, v19  }
0x31e: {  	v8 =	vshll.u32 v7, $0x3;
	v16 =	vadd.s32 $0x3400, v3;
	v19 =	vadd.s32 $0x6900, v36;
	[tilespmem:v28+s20+$0x0] =	vst.idx.msk $0xffff, v27;
	v11 =	vld.idx.msk [tilespmem:v11+s18+$0x0], $0xffff  }
0x31f: {  	v7 =	vand.u32 $0x7F, v7;
	v8 =	vand.u32 $0xFC00, v8;
	v25 =	vadd.s32 $0x6900, v20;
	v24 =	vld.idx.msk [tilespmem:v21+s18+$0x0], $0xffff;
	[tilespmem:v31+s20+$0x0] =	vst.idx.msk $0xffff, v29  }
0x320: {  	v7 =	vor.u32 v7, v8;
	v28 =	vadd.s32 $0x3580, v59;
	[tilespmem:v33+s20+$0x0] =	vst.idx.msk $0xffff, v32;
	v27 =	vld.idx.msk [tilespmem:v34+s18+$0x0], $0xffff  }
0x321: {  	v8 =	vand.u32 $0x7F, v26;
	v26 =	vor.u32 $0x80, v21;
	v31 =	vor.u32 $0x200, v63;
	v29 =	vld.idx.msk [tilespmem:v6+s18+$0x0], $0xffff;
	[tilespmem:v17+s20+$0x0] =	vst.idx.msk $0xffff, v35  }
0x322: {  	v8 =	vor.u32 v8, v22;
	v22 =	vor.u32 $0x280, v5;
	v17 =	vld.idx.msk [tilespmem:v15+s18+$0x0], $0xffff;
	[tilespmem:v9+s20+$0x0] =	vst.idx.msk $0xffff, v10  }
0x323: {  	v9 =	vor.u32 $0x80, v6;
	v15 =	vor.u32 $0x300, v8;
	v10 =	vor.u32 $0x200, v4;
	v16 =	vld.idx.msk [tilespmem:v16+s18+$0x0], $0xffff;
	[tilespmem:v19+s20+$0x0] =	vst.idx.msk $0xffff, v18  }
0x324: {  	v18 =	vor.u32 $0x280, v12;
	v19 =	vadd.s32 $0x6800, v61;
	v23 =	vld.idx.msk [tilespmem:v23+s18+$0x0], $0xffff;
	[tilespmem:v25+s20+$0x0] =	vst.idx.msk $0xffff, v11  }
0x325: {  	v11 =	vadd.s32 $0x3480, v3;
	[tilespmem:v7+s20+$0x0] =	vst.idx.msk $0xffff, v24;
	v24 =	vadd.s32 $0x6980, v36;
	v25 =	vld.idx.msk [tilespmem:v28+s18+$0x0], $0xffff  }
0x326: {  	v28 =	vadd.s32 $0x6980, v20;
	v26 =	vld.idx.msk [tilespmem:v26+s18+$0x0], $0xffff;
	[tilespmem:v31+s20+$0x0] =	vst.idx.msk $0xffff, v27;
	v27 =	vadd.s32 $0x3400, v2  }
0x327: {  	[tilespmem:v8+s20+$0x0] =	vst.idx.msk $0xffff, v29;
	v29 =	vor.u32 $0x80, v7;
	v31 =	vld.idx.msk [tilespmem:v22+s18+$0x0], $0xffff;
	v22 =	vadd.s32 $0x3600, v62  }
0x328: {  	v32 =	vor.u32 $0x100, v21;
	v9 =	vld.idx.msk [tilespmem:v9+s18+$0x0], $0xffff;
	[tilespmem:v10+s20+$0x0] =	vst.idx.msk $0xffff, v17;
	v17 =	vor.u32 $0x280, v63  }
0x329: {  	v37 =	vor.u32 $0x300, v5;
	v34 =	vor.u32 $0x80, v8;
	v18 =	vld.idx.msk [tilespmem:v18+s18+$0x0], $0xffff;
	[tilespmem:v19+s20+$0x0] =	vst.idx.msk $0xffff, v16  }
0x32a: {  	v39 =	vor.u32 $0x280, v4;
	v38 =	vor.u32 $0x100, v6;
	v40 =	vld.idx.msk [tilespmem:v11+s18+$0x0], $0xffff;
	[tilespmem:v24+s20+$0x0] =	vst.idx.msk $0xffff, v23  }
0x32b: {  	v41 =	vor.u32 $0x300, v12;
	v42 =	vadd.s32 $0x6880, v61;
	v23 =	vadd.s32 $0x3600, v59;
	v24 =	vld.idx.msk [tilespmem:v27+s18+$0x0], $0xffff;
	[tilespmem:v28+s20+$0x0] =	vst.idx.msk $0xffff, v25  }
.Ltmp3:
0x32c: {  	v10 =	vadd.s32 $0x3680, v59;
	v19 =	vadd.s32 $0x3680, v62;
	v59 =	vmovc v2;
	[tilespmem:v29+s20+$0x0] =	vst.idx.msk $0xffff, v26;
	v26 =	vadd.s32 $0x6800, v60;
	v22 =	vld.idx.msk [tilespmem:v22+s18+$0x0], $0xffff;
	(pc) =	sbr.rel @p0 .LBB2_8-.Ltmp3, $4  }
0x32d: {  	v2 =	vmovc v5;
	v25 =	vadd.s32 $0x3480, v59;
	v27 =	vadd.s32 $0x6A00, v36;
	v33 =	vld.idx.msk [tilespmem:v32+s18+$0x0], $0xffff;
	[tilespmem:v17+s20+$0x0] =	vst.idx.msk $0xffff, v31;
	v17 =	vadd.s32 $0x6A00, v20  }
0x32e: {  	v35 =	vor.u32 $0x100, v7;
	v16 =	vadd.s32 $0x6A80, v36;
	v5 =	vmovc v21;
	[tilespmem:v34+s20+$0x0] =	vst.idx.msk $0xffff, v9;
	v28 =	vld.idx.msk [tilespmem:v37+s18+$0x0], $0xffff;
	v9 =	vadd.s32 $0x6A80, v20  }
0x32f: {  	v62 =	vmovc v3;
	v36 =	vor.u32 $0x180, v5;
	v11 =	vadd.s32 $0x3500, v59;
	v29 =	vor.u32 $0x300, v63;
	v34 =	vld.idx.msk [tilespmem:v38+s18+$0x0], $0xffff;
	[tilespmem:v39+s20+$0x0] =	vst.idx.msk $0xffff, v18  }
0x330: {  	s25 =	sadd.s32 $0x20, s25;
	v3 =	vmovc v12;
	v32 =	vor.u32 $0x380, v2;
	v37 =	vor.u32 $0x100, v8;
	v18 =	vadd.s32 $0x3500, v62;
	v31 =	vld.idx.msk [tilespmem:v41+s18+$0x0], $0xffff;
	[tilespmem:v42+s20+$0x0] =	vst.idx.msk $0xffff, v40  }
0x331: {  	_ =	sdelay $0x3  }
0x332: {  	[tilespmem:v37+s20+$0x0] =	vst.idx.msk $0xffff, v34  }
0x333: {  	[tilespmem:v35+s20+$0x0] =	vst.idx.msk $0xffff, v33;
	v12 =	vld.idx.msk [tilespmem:v14+s18+$0x0], $0xffff;
	v14 =	vor.u32 $0x180, v8  }
0x334: {  	v21 =	vor.u32 $0x180, v7;
	v39 =	vor.u32 $0x200, v6;
	v20 =	vld.idx.msk [tilespmem:v36+s18+$0x0], $0xffff  }
0x335: {  	v40 =	vor.u32 $0x200, v5;
	_ =	sdelay $0x2  }
0x336: {  	[tilespmem:v14+s20+$0x0] =	vst.idx.msk $0xffff, v12  }
0x337: {  	[tilespmem:v21+s20+$0x0] =	vst.idx.msk $0xffff, v20;
	v14 =	vor.u32 $0x200, v8;
	v12 =	vld.idx.msk [tilespmem:v39+s18+$0x0], $0xffff  }
0x338: {  	v41 =	vor.u32 $0x280, v6;
	v21 =	vor.u32 $0x200, v7;
	v20 =	vld.idx.msk [tilespmem:v40+s18+$0x0], $0xffff  }
0x339: {  	v42 =	vor.u32 $0x280, v5;
	_ =	sdelay $0x2  }
0x33a: {  	[tilespmem:v14+s20+$0x0] =	vst.idx.msk $0xffff, v12  }
0x33b: {  	[tilespmem:v21+s20+$0x0] =	vst.idx.msk $0xffff, v20;
	v14 =	vor.u32 $0x280, v8;
	v12 =	vld.idx.msk [tilespmem:v41+s18+$0x0], $0xffff  }
0x33c: {  	v43 =	vor.u32 $0x300, v6;
	v21 =	vor.u32 $0x280, v7;
	v20 =	vld.idx.msk [tilespmem:v42+s18+$0x0], $0xffff  }
0x33d: {  	v44 =	vor.u32 $0x300, v5;
	_ =	sdelay $0x2  }
0x33e: {  	v45 =	vor.u32 $0x380, v3;
	[tilespmem:v14+s20+$0x0] =	vst.idx.msk $0xffff, v12  }
0x33f: {  	[tilespmem:v21+s20+$0x0] =	vst.idx.msk $0xffff, v20;
	v12 =	vld.idx.msk [tilespmem:v43+s18+$0x0], $0xffff  }
0x340: {  	v20 =	vor.u32 $0x300, v7;
	v21 =	vor.u32 $0x380, v6;
	v14 =	vld.idx.msk [tilespmem:v44+s18+$0x0], $0xffff  }
0x341: {  	v36 =	vor.u32 $0x380, v5  }
0x342: {  	[tilespmem:v13+s20+$0x0] =	vst.idx.msk $0xffff, v31  }
0x343: {  	[tilespmem:v29+s20+$0x0] =	vst.idx.msk $0xffff, v28;
	v28 =	vor.u32 $0x380, v4;
	v13 =	vld.idx.msk [tilespmem:v45+s18+$0x0], $0xffff  }
0x344: {  	v29 =	vld.idx.msk [tilespmem:v32+s18+$0x0], $0xffff;
	v37 =	vadd.s32 $0x3400, v3;
	v31 =	vor.u32 $0x380, v63;
	[tilespmem:v15+s20+$0x0] =	vst.idx.msk $0xffff, v12  }
0x345: {  	[tilespmem:v20+s20+$0x0] =	vst.idx.msk $0xffff, v14;
	v12 =	vadd.s32 $0x3400, v2;
	v15 =	vor.u32 $0x380, v8;
	v14 =	vld.idx.msk [tilespmem:v21+s18+$0x0], $0xffff  }
0x346: {  	[tilespmem:v26+s20+$0x0] =	vst.idx.msk $0xffff, v24;
	v24 =	vadd.s32 $0x3400, v6;
	v20 =	vld.idx.msk [tilespmem:v36+s18+$0x0], $0xffff;
	v21 =	vor.u32 $0x380, v7  }
0x347: {  	v23 =	vld.idx.msk [tilespmem:v23+s18+$0x0], $0xffff;
	[tilespmem:v27+s20+$0x0] =	vst.idx.msk $0xffff, v22;
	v22 =	vadd.s32 $0x3400, v5  }
0x348: {  	v26 =	vadd.s32 $0x6880, v60;
	v25 =	vld.idx.msk [tilespmem:v25+s18+$0x0], $0xffff;
	[tilespmem:v28+s20+$0x0] =	vst.idx.msk $0xffff, v13  }
0x349: {  	v27 =	vadd.s32 $0x6800, v4;
	[tilespmem:v31+s20+$0x0] =	vst.idx.msk $0xffff, v29;
	v13 =	vld.idx.msk [tilespmem:v37+s18+$0x0], $0xffff  }
0x34a: {  	v29 =	vadd.s32 $0x6800, v63;
	v28 =	vadd.s32 $0x3480, v3;
	v12 =	vld.idx.msk [tilespmem:v12+s18+$0x0], $0xffff;
	[tilespmem:v15+s20+$0x0] =	vst.idx.msk $0xffff, v14  }
0x34b: {  	v14 =	vadd.s32 $0x3480, v2;
	[tilespmem:v21+s20+$0x0] =	vst.idx.msk $0xffff, v20;
	v20 =	vadd.s32 $0x6800, v8;
	v15 =	vld.idx.msk [tilespmem:v24+s18+$0x0], $0xffff  }
0x34c: {  	[tilespmem:v17+s20+$0x0] =	vst.idx.msk $0xffff, v23;
	v17 =	vadd.s32 $0x3480, v6;
	v21 =	vld.idx.msk [tilespmem:v22+s18+$0x0], $0xffff;
	v22 =	vadd.s32 $0x6800, v7  }
0x34d: {  	v19 =	vld.idx.msk [tilespmem:v19+s18+$0x0], $0xffff;
	v23 =	vadd.s32 $0x3480, v5;
	[tilespmem:v26+s20+$0x0] =	vst.idx.msk $0xffff, v25  }
0x34e: {  	v10 =	vld.idx.msk [tilespmem:v10+s18+$0x0], $0xffff;
	[tilespmem:v27+s20+$0x0] =	vst.idx.msk $0xffff, v13  }
0x34f: {  	v13 =	vld.idx.msk [tilespmem:v28+s18+$0x0], $0xffff;
	v24 =	vadd.s32 $0x6880, v4;
	[tilespmem:v29+s20+$0x0] =	vst.idx.msk $0xffff, v12  }
0x350: {  	v25 =	vadd.s32 $0x6880, v63;
	v12 =	vadd.s32 $0x3500, v3;
	v14 =	vld.idx.msk [tilespmem:v14+s18+$0x0], $0xffff;
	[tilespmem:v20+s20+$0x0] =	vst.idx.msk $0xffff, v15  }
0x351: {  	v15 =	vadd.s32 $0x3500, v2;
	v20 =	vadd.s32 $0x6880, v8;
	[tilespmem:v22+s20+$0x0] =	vst.idx.msk $0xffff, v21;
	v17 =	vld.idx.msk [tilespmem:v17+s18+$0x0], $0xffff  }
0x352: {  	[tilespmem:v16+s20+$0x0] =	vst.idx.msk $0xffff, v19;
	v16 =	vadd.s32 $0x3500, v6;
	v19 =	vadd.s32 $0x6880, v7;
	v21 =	vld.idx.msk [tilespmem:v23+s18+$0x0], $0xffff  }
0x353: {  	v18 =	vld.idx.msk [tilespmem:v18+s18+$0x0], $0xffff;
	[tilespmem:v9+s20+$0x0] =	vst.idx.msk $0xffff, v10;
	v9 =	vadd.s32 $0x3500, v5;
	v22 =	vadd.s32 $0x6900, v61  }
0x354: {  	v11 =	vld.idx.msk [tilespmem:v11+s18+$0x0], $0xffff;
	v10 =	vadd.s32 $0x3580, v62;
	[tilespmem:v24+s20+$0x0] =	vst.idx.msk $0xffff, v13;
	v23 =	vadd.s32 $0x6900, v60  }
0x355: {  	v13 =	vadd.s32 $0x3580, v59;
	v12 =	vld.idx.msk [tilespmem:v12+s18+$0x0], $0xffff;
	[tilespmem:v25+s20+$0x0] =	vst.idx.msk $0xffff, v14;
	v14 =	vadd.s32 $0x6900, v4  }
0x356: {  	v24 =	vadd.s32 $0x3580, v3;
	v25 =	vadd.s32 $0x6900, v63;
	v15 =	vld.idx.msk [tilespmem:v15+s18+$0x0], $0xffff;
	[tilespmem:v20+s20+$0x0] =	vst.idx.msk $0xffff, v17  }
0x357: {  	v17 =	vadd.s32 $0x3580, v2;
	[tilespmem:v19+s20+$0x0] =	vst.idx.msk $0xffff, v21;
	v19 =	vadd.s32 $0x6900, v8;
	v16 =	vld.idx.msk [tilespmem:v16+s18+$0x0], $0xffff  }
0x358: {  	[tilespmem:v22+s20+$0x0] =	vst.idx.msk $0xffff, v18;
	v18 =	vadd.s32 $0x3580, v6;
	v20 =	vadd.s32 $0x6900, v7;
	v9 =	vld.idx.msk [tilespmem:v9+s18+$0x0], $0xffff  }
0x359: {  	v10 =	vld.idx.msk [tilespmem:v10+s18+$0x0], $0xffff;
	[tilespmem:v23+s20+$0x0] =	vst.idx.msk $0xffff, v11;
	v11 =	vadd.s32 $0x6980, v61;
	v21 =	vadd.s32 $0x3580, v5  }
0x35a: {  	v22 =	vadd.s32 $0x6980, v60;
	v23 =	vadd.s32 $0x3600, v62;
	v13 =	vld.idx.msk [tilespmem:v13+s18+$0x0], $0xffff;
	[tilespmem:v14+s20+$0x0] =	vst.idx.msk $0xffff, v12  }
0x35b: {  	v12 =	vadd.s32 $0x3600, v59;
	v14 =	vld.idx.msk [tilespmem:v24+s18+$0x0], $0xffff;
	[tilespmem:v25+s20+$0x0] =	vst.idx.msk $0xffff, v15;
	v15 =	vadd.s32 $0x6980, v4  }
0x35c: {  	v24 =	vadd.s32 $0x6980, v63;
	v25 =	vadd.s32 $0x3600, v3;
	v17 =	vld.idx.msk [tilespmem:v17+s18+$0x0], $0xffff;
	[tilespmem:v19+s20+$0x0] =	vst.idx.msk $0xffff, v16  }
0x35d: {  	v16 =	vadd.s32 $0x3600, v2;
	[tilespmem:v20+s20+$0x0] =	vst.idx.msk $0xffff, v9;
	v9 =	vadd.s32 $0x6980, v8;
	v18 =	vld.idx.msk [tilespmem:v18+s18+$0x0], $0xffff  }
0x35e: {  	[tilespmem:v11+s20+$0x0] =	vst.idx.msk $0xffff, v10;
	v11 =	vadd.s32 $0x6980, v7;
	v19 =	vadd.s32 $0x3600, v6;
	v10 =	vld.idx.msk [tilespmem:v21+s18+$0x0], $0xffff  }
0x35f: {  	[tilespmem:v22+s20+$0x0] =	vst.idx.msk $0xffff, v13;
	v13 =	vld.idx.msk [tilespmem:v23+s18+$0x0], $0xffff;
	v20 =	vadd.s32 $0x6A00, v61;
	v21 =	vadd.s32 $0x3600, v5  }
0x360: {  	v22 =	vadd.s32 $0x3680, v62;
	v23 =	vadd.s32 $0x6A00, v60;
	v12 =	vld.idx.msk [tilespmem:v12+s18+$0x0], $0xffff;
	[tilespmem:v15+s20+$0x0] =	vst.idx.msk $0xffff, v14  }
0x361: {  	v14 =	vadd.s32 $0x3680, v59;
	[tilespmem:v24+s20+$0x0] =	vst.idx.msk $0xffff, v17;
	v15 =	vld.idx.msk [tilespmem:v25+s18+$0x0], $0xffff;
	v17 =	vadd.s32 $0x6A00, v4  }
0x362: {  	v3 =	vadd.s32 $0x3680, v3;
	v24 =	vadd.s32 $0x6A00, v63;
	v16 =	vld.idx.msk [tilespmem:v16+s18+$0x0], $0xffff;
	[tilespmem:v9+s20+$0x0] =	vst.idx.msk $0xffff, v18  }
0x363: {  	v2 =	vadd.s32 $0x3680, v2;
	[tilespmem:v11+s20+$0x0] =	vst.idx.msk $0xffff, v10;
	v10 =	vadd.s32 $0x6A00, v8;
	v9 =	vld.idx.msk [tilespmem:v19+s18+$0x0], $0xffff  }
0x364: {  	v6 =	vadd.s32 $0x3680, v6;
	[tilespmem:v20+s20+$0x0] =	vst.idx.msk $0xffff, v13;
	v11 =	vadd.s32 $0x6A00, v7;
	v13 =	vld.idx.msk [tilespmem:v21+s18+$0x0], $0xffff  }
0x365: {  	v5 =	vadd.s32 $0x3680, v5;
	v18 =	vadd.s32 $0x6A80, v61;
	v19 =	vld.idx.msk [tilespmem:v22+s18+$0x0], $0xffff;
	[tilespmem:v23+s20+$0x0] =	vst.idx.msk $0xffff, v12  }
0x366: {  	v12 =	vadd.s32 $0x6A80, v60;
	v14 =	vld.idx.msk [tilespmem:v14+s18+$0x0], $0xffff;
	[tilespmem:v17+s20+$0x0] =	vst.idx.msk $0xffff, v15  }
0x367: {  	v4 =	vadd.s32 $0x6A80, v4;
	v3 =	vld.idx.msk [tilespmem:v3+s18+$0x0], $0xffff;
	[tilespmem:v24+s20+$0x0] =	vst.idx.msk $0xffff, v16  }
0x368: {  	v15 =	vadd.s32 $0x6A80, v63;
	v2 =	vld.idx.msk [tilespmem:v2+s18+$0x0], $0xffff;
	[tilespmem:v10+s20+$0x0] =	vst.idx.msk $0xffff, v9  }
0x369: {  	v8 =	vadd.s32 $0x6A80, v8;
	[tilespmem:v11+s20+$0x0] =	vst.idx.msk $0xffff, v13;
	v6 =	vld.idx.msk [tilespmem:v6+s18+$0x0], $0xffff  }
0x36a: {  	v7 =	vadd.s32 $0x6A80, v7;
	[tilespmem:v18+s20+$0x0] =	vst.idx.msk $0xffff, v19;
	v5 =	vld.idx.msk [tilespmem:v5+s18+$0x0], $0xffff  }
0x36b: {  	[tilespmem:v12+s20+$0x0] =	vst.idx.msk $0xffff, v14  }
0x36c: {  	[tilespmem:v4+s20+$0x0] =	vst.idx.msk $0xffff, v3  }
0x36d: {  	[tilespmem:v15+s20+$0x0] =	vst.idx.msk $0xffff, v2  }
0x36e: {  	[tilespmem:v8+s20+$0x0] =	vst.idx.msk $0xffff, v6  }
0x36f: {  	[tilespmem:v7+s20+$0x0] =	vst.idx.msk $0xffff, v5  }
0x370: {  	v2 =	vld [tilespmem:$0x1FF10];
	_ =	sdelay $0x4  }
0x371: {  	v3 =	vld [tilespmem:$0x1FF20];
	_ =	sdelay $0x2  }
0x372: {  	v2 =	vld.idx.msk [tilespmem:v2+s18+$0x0], $0xffff;
	_ =	sdelay $0x4  }
0x373: {  	[tilespmem:v3+s20+$0x0] =	vst.idx.msk $0xffff, v2;
	v2 =	vld [tilespmem:$0x1FF30];
	_ =	sdelay $0x4  }
0x374: {  	v3 =	vld [tilespmem:$0x1FF40];
	_ =	sdelay $0x2  }
0x375: {  	v2 =	vld.idx.msk [tilespmem:v2+s18+$0x0], $0xffff;
	_ =	sdelay $0x4  }
0x376: {  	[tilespmem:v3+s20+$0x0] =	vst.idx.msk $0xffff, v2;
	v2 =	vld [tilespmem:$0x1FF50];
	_ =	sdelay $0x4  }
0x377: {  	v3 =	vld [tilespmem:$0x1FF60];
	_ =	sdelay $0x2  }
0x378: {  	v2 =	vld.idx.msk [tilespmem:v2+s18+$0x0], $0xffff;
	_ =	sdelay $0x4  }
0x379: {  	[tilespmem:v3+s20+$0x0] =	vst.idx.msk $0xffff, v2;
	v2 =	vld [tilespmem:$0x1FF70];
	_ =	sdelay $0x4  }
0x37a: {  	v3 =	vld [tilespmem:$0x1FF80];
	_ =	sdelay $0x2  }
0x37b: {  	v2 =	vld.idx.msk [tilespmem:v2+s18+$0x0], $0xffff;
	_ =	sdelay $0x4  }
0x37c: {  	[tilespmem:v3+s20+$0x0] =	vst.idx.msk $0xffff, v2;
	v2 =	vld [tilespmem:$0x1FF90];
	_ =	sdelay $0x4  }
0x37d: {  	v3 =	vld [tilespmem:$0x1FFA0];
	_ =	sdelay $0x2  }
0x37e: {  	v2 =	vld.idx.msk [tilespmem:v2+s18+$0x0], $0xffff;
	_ =	sdelay $0x4  }
0x37f: {  	[tilespmem:v3+s20+$0x0] =	vst.idx.msk $0xffff, v2;
	v2 =	vld [tilespmem:$0x1FFB0];
	_ =	sdelay $0x4  }
0x380: {  	v3 =	vld [tilespmem:$0x1FFC0];
	_ =	sdelay $0x2  }
0x381: {  	v2 =	vld.idx.msk [tilespmem:v2+s18+$0x0], $0xffff;
	_ =	sdelay $0x4  }
0x382: {  	[tilespmem:v3+s20+$0x0] =	vst.idx.msk $0xffff, v2;
	v2 =	vld [tilespmem:$0x1FFD0];
	_ =	sdelay $0x4  }
0x383: {  	v3 =	vld [tilespmem:$0x1FFE0];
	_ =	sdelay $0x2  }
0x384: {  	v2 =	vld.idx.msk [tilespmem:v2+s18+$0x0], $0xffff;
	_ =	sdelay $0x4  }
0x385: {  	[tilespmem:v3+s20+$0x0] =	vst.idx.msk $0xffff, v2;
	v2 =	vld [tilespmem:$0x1FFF0];
	_ =	sdelay $0x7  }
0x386: {  	v2 =	vld.idx.msk [tilespmem:v2+s18+$0x0], $0xffff;
	_ =	sdelay $0x4  }
0x387: {  	[tilespmem:v46+s20+$0x0] =	vst.idx.msk $0xffff, v2  }
0x388: {  	v2 =	vld.idx.msk [tilespmem:v47+s18+$0x0], $0xffff;
	_ =	sdelay $0x4  }
0x389: {  	[tilespmem:v48+s20+$0x0] =	vst.idx.msk $0xffff, v2  }
0x38a: {  	v2 =	vld.idx.msk [tilespmem:v49+s18+$0x0], $0xffff;
	_ =	sdelay $0x4  }
0x38b: {  	[tilespmem:v50+s20+$0x0] =	vst.idx.msk $0xffff, v2  }
0x38c: {  	v2 =	vld.idx.msk [tilespmem:v51+s18+$0x0], $0xffff;
	_ =	sdelay $0x4  }
0x38d: {  	[tilespmem:v52+s20+$0x0] =	vst.idx.msk $0xffff, v2  }
0x38e: {  	v2 =	vld.idx.msk [tilespmem:v53+s18+$0x0], $0xffff;
	_ =	sdelay $0x4  }
0x38f: {  	[tilespmem:v54+s20+$0x0] =	vst.idx.msk $0xffff, v2  }
0x390: {  	v2 =	vld.idx.msk [tilespmem:v55+s18+$0x0], $0xffff;
	_ =	sdelay $0x4  }
0x391: {  	[tilespmem:v56+s20+$0x0] =	vst.idx.msk $0xffff, v2  }
0x392: {  	v2 =	vld.idx.msk [tilespmem:v57+s18+$0x0], $0xffff;
	_ =	sdelay $0x4  }
0x393: {  	s24 =	simm.s32 $0x0;
	s25 =	simm.s32 $0x10;
	[tilespmem:v58+s20+$0x0] =	vst.idx.msk $0xffff, v2  }
0x394: {  	[hbm4b:s9+s24] =	stream.linear.scatter [tilespmem:s20], [sflag:$0x3], $0xD000, $0x38;
	[tilespmem:$0x1A000] =	vst v63  }
0x395: {  	v2 =	vadd.s32 s25, v1  }
0x396: {  	v3 =	vadd.s32 s24, v1;
	v4 =	vshll.u32 v2, $0x3;
	[tilespmem:s18], [sflag:$0x2] =	stream.strided.gather [hbm4b:s10+s16], $0x6800, s17, s16, $0x38;
	[tilespmem:$0x1A000] =	vst v63  }
0x397: {  	v5 =	vshll.u32 v3, $0x3;
	v2 =	vand.u32 $0x7F, v2;
	v4 =	vand.u32 $0x7C00, v4;
	_ =	swait.ge [sflag:s19], $0x6800  }
0x398: {  	v3 =	vand.u32 $0x7F, v3;
	v5 =	vand.u32 $0x7C00, v5;
	v9 =	vor.u32 v2, v4;
	[sflag:s19] =	ssyncset.done $0x0  }
0x399: {  	v11 =	vor.u32 v3, v5;
	[sflag:s19] =	ssyncadd.s32 $0xFFFF9800  }
0x39a: {  	v3 =	vor.u32 s25, v0;
	v2 =	vmov s25;
	_ =	swait.ge [sflag:s22], $0xD000  }
0x39b: {  	v5 =	vor.u32 s24, v0;
	v4 =	vmov s24;
	v2 =	vshll.u32 v2, $0x3;
	[sflag:s22] =	ssyncset.done $0x0  }
0x39c: {  	v3 =	vand.u32 $0x7F, v3;
	v4 =	vshll.u32 v4, $0x3;
	v2 =	vand.u32 $0x7C00, v2;
	[sflag:s22] =	ssyncadd.s32 $0xFFFF3000  }
0x39d: {  	v5 =	vand.u32 $0x6F, v5;
	v6 =	vand.u32 $0x3C00, v4;
	v10 =	vor.u32 v3, v2;
	v7 =	vld.idx.msk [tilespmem:v9+s1+$0x0], $0xffff  }
0x39e: {  	v12 =	vor.u32 v5, v6;
	v3 =	vor.u32 $0x80, v9;
	v2 =	vld.idx.msk [tilespmem:v11+s1+$0x0], $0xffff  }
0x39f: {  	v6 =	vor.u32 $0x80, v11;
	_ =	sdelay $0x2  }
0x3a0: {  	[tilespmem:v10+s20+$0x0] =	vst.idx.msk $0xffff, v7  }
0x3a1: {  	s25 =	simm.s32 $0x20;
	[tilespmem:v12+s20+$0x0] =	vst.idx.msk $0xffff, v2;
	v2 =	vld.idx.msk [tilespmem:v3+s1+$0x0], $0xffff;
	v3 =	vor.u32 $0x80, v10  }
0x3a2: {  	v8 =	vor.u32 $0x100, v9;
	v13 =	vadd.s32 s25, v1;
	v7 =	vor.u32 $0x80, v12;
	v6 =	vld.idx.msk [tilespmem:v6+s1+$0x0], $0xffff  }
0x3a3: {  	s26 =	simm.s32 $0x30;
	v14 =	vor.u32 $0x100, v11;
	v15 =	vshll.u32 v13, $0x3  }
0x3a4: {  	v16 =	vadd.s32 s26, v1;
	v13 =	vand.u32 $0x7F, v13;
	v15 =	vand.u32 $0x7C00, v15  }
0x3a5: {  	v18 =	vshll.u32 v16, $0x3;
	v17 =	vor.u32 $0x180, v9;
	v59 =	vor.u32 v13, v15  }
0x3a6: {  	v13 =	vor.u32 $0x100, v12;
	[tilespmem:v3+s20+$0x0] =	vst.idx.msk $0xffff, v2;
	v2 =	vand.u32 $0x7F, v16;
	v3 =	vand.u32 $0x7C00, v18  }
0x3a7: {  	[tilespmem:v7+s20+$0x0] =	vst.idx.msk $0xffff, v6;
	v7 =	vor.u32 $0x100, v10;
	v6 =	vld.idx.msk [tilespmem:v8+s1+$0x0], $0xffff;
	v61 =	vor.u32 v2, v3;
	v2 =	vmov s25  }
0x3a8: {  	v3 =	vld.idx.msk [tilespmem:v14+s1+$0x0], $0xffff;
	v8 =	vor.u32 $0x180, v11;
	v14 =	vor.u32 s25, v0;
	v15 =	vshll.u32 v2, $0x3  }
0x3a9: {  	v2 =	vmov s26;
	v16 =	vand.u32 $0x6F, v14;
	v14 =	vand.u32 $0x3C00, v15  }
0x3aa: {  	v19 =	vld.idx.msk [tilespmem:v59+s1+$0x0], $0xffff;
	v18 =	vor.u32 s26, v0;
	v2 =	vshll.u32 v2, $0x3;
	v60 =	vor.u32 v16, v14  }
0x3ab: {  	v18 =	vand.u32 $0x7F, v18;
	v2 =	vand.u32 $0x7C00, v2;
	v14 =	vor.u32 $0x80, v59  }
0x3ac: {  	v62 =	vor.u32 v18, v2;
	[tilespmem:v7+s20+$0x0] =	vst.idx.msk $0xffff, v6;
	v6 =	vld.idx.msk [tilespmem:v61+s1+$0x0], $0xffff  }
0x3ad: {  	[tilespmem:v13+s20+$0x0] =	vst.idx.msk $0xffff, v3;
	v3 =	vor.u32 $0x180, v10;
	v7 =	vor.u32 $0x80, v61;
	v2 =	vld.idx.msk [tilespmem:v17+s1+$0x0], $0xffff  }
0x3ae: {  	v13 =	vor.u32 $0x180, v12;
	v8 =	vld.idx.msk [tilespmem:v8+s1+$0x0], $0xffff;
	v17 =	vor.u32 $0x200, v9  }
0x3af: {  	v18 =	vor.u32 $0x200, v11;
	[tilespmem:v60+s20+$0x0] =	vst.idx.msk $0xffff, v19  }
0x3b0: {  	v19 =	vor.u32 $0x80, v60;
	v14 =	vld.idx.msk [tilespmem:v14+s1+$0x0], $0xffff  }
0x3b1: {  	[tilespmem:v62+s20+$0x0] =	vst.idx.msk $0xffff, v6;
	v6 =	vor.u32 $0x100, v59  }
0x3b2: {  	[tilespmem:v3+s20+$0x0] =	vst.idx.msk $0xffff, v2;
	v2 =	vld.idx.msk [tilespmem:v7+s1+$0x0], $0xffff;
	v3 =	vor.u32 $0x80, v62  }
0x3b3: {  	[tilespmem:v13+s20+$0x0] =	vst.idx.msk $0xffff, v8;
	v8 =	vor.u32 $0x200, v10;
	v13 =	vor.u32 $0x100, v61;
	v7 =	vld.idx.msk [tilespmem:v17+s1+$0x0], $0xffff  }
0x3b4: {  	v20 =	vor.u32 $0x280, v9;
	v17 =	vld.idx.msk [tilespmem:v18+s1+$0x0], $0xffff;
	v18 =	vor.u32 $0x200, v12  }
0x3b5: {  	s28 =	simm.s32 $0x40;
	s29 =	simm.s32 $0x50;
	v5 =	vor.u32 v4, v5;
	v4 =	vor.u32 $0x280, v11;
	[tilespmem:v19+s20+$0x0] =	vst.idx.msk $0xffff, v14  }
0x3b6: {  	v28 =	vadd.s32 s29, v1;
	v24 =	vadd.s32 s28, v1;
	v21 =	vor.u32 $0x100, v60;
	v6 =	vld.idx.msk [tilespmem:v6+s1+$0x0], $0xffff  }
0x3b7: {  	v23 =	vor.u32 $0x300, v11;
	v27 =	vor.u32 $0x380, v9;
	[tilespmem:v3+s20+$0x0] =	vst.idx.msk $0xffff, v2;
	v2 =	vor.u32 $0x180, v59  }
0x3b8: {  	v22 =	vor.u32 $0x280, v12;
	v26 =	vor.u32 $0x180, v60;
	[tilespmem:v8+s20+$0x0] =	vst.idx.msk $0xffff, v7;
	v8 =	vld.idx.msk [tilespmem:v13+s1+$0x0], $0xffff;
	v13 =	vor.u32 $0x100, v62  }
0x3b9: {  	v19 =	vor.u32 $0x300, v10;
	v14 =	vor.u32 $0x180, v61;
	v3 =	vor.u32 $0x280, v10;
	[tilespmem:v18+s20+$0x0] =	vst.idx.msk $0xffff, v17;
	v17 =	vld.idx.msk [tilespmem:v20+s1+$0x0], $0xffff  }
0x3ba: {  	v7 =	vor.u32 $0x300, v9;
	v18 =	vor.u32 $0x300, v5;
	v25 =	vld.idx.msk [tilespmem:v4+s1+$0x0], $0xffff;
	v4 =	vshll.u32 v24, $0x3  }
0x3bb: {  	v20 =	vor.u32 $0x380, v11;
	v24 =	vand.u32 $0x7F, v24;
	v4 =	vand.u32 $0x7C00, v4;
	[tilespmem:v21+s20+$0x0] =	vst.idx.msk $0xffff, v6  }
0x3bc: {  	v6 =	vmov s29;
	v21 =	vshll.u32 v28, $0x3;
	v63 =	vor.u32 v24, v4;
	v2 =	vld.idx.msk [tilespmem:v2+s1+$0x0], $0xffff  }
0x3bd: {  	v4 =	vand.u32 $0x7F, v28;
	v21 =	vand.u32 $0x7C00, v21;
	[tilespmem:v13+s20+$0x0] =	vst.idx.msk $0xffff, v8;
	v8 =	vor.u32 $0x200, v59  }
0x3be: {  	v4 =	vor.u32 v4, v21;
	v13 =	vmov s28;
	[tilespmem:v3+s20+$0x0] =	vst.idx.msk $0xffff, v17;
	v3 =	vld.idx.msk [tilespmem:v14+s1+$0x0], $0xffff;
	v17 =	vor.u32 $0x180, v62  }
0x3bf: {  	v21 =	vor.u32 $0x200, v61;
	[tilespmem:v22+s20+$0x0] =	vst.idx.msk $0xffff, v25;
	v14 =	vor.u32 s28, v0;
	v13 =	vshll.u32 v13, $0x3;
	v7 =	vld.idx.msk [tilespmem:v7+s1+$0x0], $0xffff  }
0x3c0: {  	v24 =	vor.u32 s29, v0;
	v22 =	vld.idx.msk [tilespmem:v23+s1+$0x0], $0xffff;
	v14 =	vand.u32 $0x6F, v14;
	v23 =	vand.u32 $0x3C00, v13  }
0x3c1: {  	v6 =	vshll.u32 v6, $0x3;
	v24 =	vand.u32 $0x7F, v24;
	v25 =	vld.idx.msk [tilespmem:v63+s1+$0x0], $0xffff;
	[tilespmem:v26+s20+$0x0] =	vst.idx.msk $0xffff, v2;
	v2 =	vor.u32 v14, v23  }
0x3c2: {  	v6 =	vand.u32 $0x7C00, v6;
	v23 =	vor.u32 $0x80, v63;
	v26 =	vor.u32 $0x200, v60;
	v8 =	vld.idx.msk [tilespmem:v8+s1+$0x0], $0xffff  }
0x3c3: {  	[tilespmem:v17+s20+$0x0] =	vst.idx.msk $0xffff, v3;
	v17 =	vld.idx.msk [tilespmem:v4+s1+$0x0], $0xffff;
	v3 =	vor.u32 v24, v6;
	v6 =	vor.u32 $0x280, v59  }
0x3c4: {  	[tilespmem:v19+s20+$0x0] =	vst.idx.msk $0xffff, v7;
	v7 =	vld.idx.msk [tilespmem:v21+s1+$0x0], $0xffff;
	v19 =	vor.u32 $0x80, v4;
	v21 =	vor.u32 $0x200, v62  }
0x3c5: {  	v24 =	vor.u32 $0x280, v61;
	[tilespmem:v18+s20+$0x0] =	vst.idx.msk $0xffff, v22;
	v22 =	vor.u32 $0x380, v10;
	v18 =	vld.idx.msk [tilespmem:v27+s1+$0x0], $0xffff  }
0x3c6: {  	v5 =	vor.u32 $0x380, v5;
	v20 =	vld.idx.msk [tilespmem:v20+s1+$0x0], $0xffff;
	v27 =	vadd.s32 $0x3400, v9;
	[tilespmem:v2+s20+$0x0] =	vst.idx.msk $0xffff, v25  }
0x3c7: {  	v25 =	vor.u32 $0x80, v2;
	v23 =	vld.idx.msk [tilespmem:v23+s1+$0x0], $0xffff;
	[tilespmem:v26+s20+$0x0] =	vst.idx.msk $0xffff, v8;
	v8 =	vadd.s32 $0x3400, v11  }
0x3c8: {  	v26 =	vor.u32 $0x280, v60;
	[tilespmem:v3+s20+$0x0] =	vst.idx.msk $0xffff, v17;
	v6 =	vld.idx.msk [tilespmem:v6+s1+$0x0], $0xffff;
	v17 =	vor.u32 $0x100, v63  }
0x3c9: {  	v19 =	vld.idx.msk [tilespmem:v19+s1+$0x0], $0xffff;
	[tilespmem:v21+s20+$0x0] =	vst.idx.msk $0xffff, v7;
	v7 =	vor.u32 $0x80, v3;
	v21 =	vor.u32 $0x300, v59  }
0x3ca: {  	v15 =	vor.u32 v15, v16;
	[tilespmem:v22+s20+$0x0] =	vst.idx.msk $0xffff, v18;
	v16 =	vld.idx.msk [tilespmem:v24+s1+$0x0], $0xffff;
	v18 =	vor.u32 $0x100, v4;
	v22 =	vor.u32 $0x280, v62  }
0x3cb: {  	v44 =	vadd.s32 $0x3580, v11;
	[tilespmem:v5+s20+$0x0] =	vst.idx.msk $0xffff, v20;
	v20 =	vadd.s32 $0x6800, v10;
	v5 =	vld.idx.msk [tilespmem:v27+s1+$0x0], $0xffff;
	v27 =	vor.u32 $0x300, v61  }
0x3cc: {  	v29 =	vadd.s32 $0x3480, v9;
	v38 =	vor.u32 $0x380, v59;
	v8 =	vld.idx.msk [tilespmem:v8+s1+$0x0], $0xffff;
	[tilespmem:v25+s20+$0x0] =	vst.idx.msk $0xffff, v23;
	v23 =	vadd.s32 $0x6800, v12  }
0x3cd: {  	v40 =	vor.u32 $0x380, v61;
	v17 =	vld.idx.msk [tilespmem:v17+s1+$0x0], $0xffff;
	[tilespmem:v26+s20+$0x0] =	vst.idx.msk $0xffff, v6;
	v6 =	vadd.s32 $0x3480, v11;
	v26 =	vor.u32 $0x100, v2  }
0x3ce: {  	v31 =	vor.u32 $0x300, v15;
	v28 =	vor.u32 $0x180, v4;
	[tilespmem:v7+s20+$0x0] =	vst.idx.msk $0xffff, v19;
	v7 =	vld.idx.msk [tilespmem:v21+s1+$0x0], $0xffff;
	v21 =	vor.u32 $0x180, v63  }
0x3cf: {  	s30 =	simm.s32 $0x60;
	v24 =	vor.u32 $0x300, v62;
	v25 =	vadd.s32 $0x6880, v10;
	v18 =	vld.idx.msk [tilespmem:v18+s1+$0x0], $0xffff;
	[tilespmem:v22+s20+$0x0] =	vst.idx.msk $0xffff, v16;
	v22 =	vor.u32 $0x100, v3  }
0x3d0: {  	s31 =	simm.s32 $0x70;
	v19 =	vadd.s32 $0x3500, v11;
	v16 =	vadd.s32 $0x3500, v9;
	[tilespmem:v20+s20+$0x0] =	vst.idx.msk $0xffff, v5;
	v20 =	vld.idx.msk [tilespmem:v27+s1+$0x0], $0xffff;
	v5 =	vadd.s32 s30, v1  }
0x3d1: {  	v27 =	vadd.s32 $0x6880, v12;
	v29 =	vld.idx.msk [tilespmem:v29+s1+$0x0], $0xffff;
	[tilespmem:v23+s20+$0x0] =	vst.idx.msk $0xffff, v8;
	v8 =	vshll.u32 v5, $0x3;
	v23 =	vadd.s32 s31, v1  }
0x3d2: {  	v5 =	vand.u32 $0x7F, v5;
	v41 =	vld.idx.msk [tilespmem:v6+s1+$0x0], $0xffff;
	v6 =	vand.u32 $0x7C00, v8;
	v8 =	vshll.u32 v23, $0x3;
	[tilespmem:v26+s20+$0x0] =	vst.idx.msk $0xffff, v17  }
0x3d3: {  	v5 =	vor.u32 v5, v6;
	v6 =	vand.u32 $0x7F, v23;
	v8 =	vand.u32 $0x7C00, v8;
	v17 =	vld.idx.msk [tilespmem:v21+s1+$0x0], $0xffff;
	[tilespmem:v31+s20+$0x0] =	vst.idx.msk $0xffff, v7  }
0x3d4: {  	v43 =	vadd.s32 $0x6900, v12;
	v39 =	vor.u32 $0x180, v2;
	v6 =	vor.u32 v6, v8;
	[tilespmem:v22+s20+$0x0] =	vst.idx.msk $0xffff, v18;
	v8 =	vld.idx.msk [tilespmem:v38+s1+$0x0], $0xffff  }
0x3d5: {  	v15 =	vor.u32 $0x380, v15;
	v26 =	vmov s30;
	v18 =	vld.idx.msk [tilespmem:v28+s1+$0x0], $0xffff;
	[tilespmem:v24+s20+$0x0] =	vst.idx.msk $0xffff, v20;
	v20 =	vor.u32 $0x200, v63  }
0x3d6: {  	v7 =	vmov s31;
	v21 =	vor.u32 s31, v0;
	v22 =	vor.u32 $0x180, v3;
	[tilespmem:v25+s20+$0x0] =	vst.idx.msk $0xffff, v29;
	v23 =	vld.idx.msk [tilespmem:v40+s1+$0x0], $0xffff  }
0x3d7: {  	v26 =	vshll.u32 v26, $0x3;
	v24 =	vor.u32 $0x380, v62;
	[tilespmem:v27+s20+$0x0] =	vst.idx.msk $0xffff, v41;
	v27 =	vor.u32 $0x200, v4;
	v16 =	vld.idx.msk [tilespmem:v16+s1+$0x0], $0xffff  }
0x3d8: {  	v31 =	vadd.s32 $0x3400, v61;
	v28 =	vadd.s32 $0x6900, v10;
	v29 =	vor.u32 s30, v0;
	v19 =	vld.idx.msk [tilespmem:v19+s1+$0x0], $0xffff  }
0x3d9: {  	v42 =	vand.u32 $0x3C00, v26;
	v25 =	vadd.s32 $0x3580, v9;
	v29 =	vand.u32 $0x6F, v29;
	[tilespmem:v39+s20+$0x0] =	vst.idx.msk $0xffff, v17;
	v17 =	vld.idx.msk [tilespmem:v5+s1+$0x0], $0xffff  }
0x3da: {  	v7 =	vshll.u32 v7, $0x3;
	v21 =	vand.u32 $0x7F, v21;
	[tilespmem:v15+s20+$0x0] =	vst.idx.msk $0xffff, v8;
	v8 =	vor.u32 v29, v42;
	v15 =	vld.idx.msk [tilespmem:v20+s1+$0x0], $0xffff  }
0x3db: {  	v7 =	vand.u32 $0x7C00, v7;
	[tilespmem:v22+s20+$0x0] =	vst.idx.msk $0xffff, v18;
	v18 =	vor.u32 $0x80, v5;
	v20 =	vld.idx.msk [tilespmem:v6+s1+$0x0], $0xffff;
	v22 =	vor.u32 $0x200, v2  }
0x3dc: {  	v7 =	vor.u32 v21, v7;
	v21 =	vor.u32 $0x280, v63;
	[tilespmem:v24+s20+$0x0] =	vst.idx.msk $0xffff, v23;
	v23 =	vld.idx.msk [tilespmem:v27+s1+$0x0], $0xffff  }
0x3dd: {  	v24 =	vor.u32 $0x80, v6;
	v27 =	vor.u32 $0x200, v3;
	v31 =	vld.idx.msk [tilespmem:v31+s1+$0x0], $0xffff;
	[tilespmem:v28+s20+$0x0] =	vst.idx.msk $0xffff, v16  }
0x3de: {  	v45 =	vadd.s32 $0x6800, v62;
	v28 =	vor.u32 $0x280, v4;
	[tilespmem:v43+s20+$0x0] =	vst.idx.msk $0xffff, v19;
	v19 =	vld.idx.msk [tilespmem:v25+s1+$0x0], $0xffff  }
0x3df: {  	v34 =	vadd.s32 $0x6980, v10;
	v36 =	vadd.s32 $0x6980, v12;
	v25 =	vadd.s32 $0x3480, v61;
	[tilespmem:v8+s20+$0x0] =	vst.idx.msk $0xffff, v17;
	v33 =	vld.idx.msk [tilespmem:v44+s1+$0x0], $0xffff  }
0x3e0: {  	v13 =	vor.u32 v13, v14;
	v14 =	vor.u32 $0x300, v3;
	v35 =	vld.idx.msk [tilespmem:v18+s1+$0x0], $0xffff;
	[tilespmem:v22+s20+$0x0] =	vst.idx.msk $0xffff, v15;
	v22 =	vadd.s32 $0x3400, v59  }
0x3e1: {  	v38 =	vor.u32 $0x100, v5;
	v37 =	vor.u32 $0x80, v8;
	[tilespmem:v7+s20+$0x0] =	vst.idx.msk $0xffff, v20;
	v20 =	vadd.s32 $0x3600, v9;
	v21 =	vld.idx.msk [tilespmem:v21+s1+$0x0], $0xffff  }
0x3e2: {  	v40 =	vor.u32 $0x300, v63;
	v39 =	vor.u32 $0x280, v2;
	v42 =	vor.u32 $0x100, v6;
	v24 =	vld.idx.msk [tilespmem:v24+s1+$0x0], $0xffff;
	[tilespmem:v27+s20+$0x0] =	vst.idx.msk $0xffff, v23  }
0x3e3: {  	v16 =	vor.u32 $0x180, v6;
	v43 =	vor.u32 $0x280, v3;
	v23 =	vor.u32 $0x80, v7;
	[tilespmem:v45+s20+$0x0] =	vst.idx.msk $0xffff, v31;
	v41 =	vld.idx.msk [tilespmem:v28+s1+$0x0], $0xffff  }
0x3e4: {  	v17 =	vor.u32 $0x300, v7;
	v15 =	vor.u32 v26, v29;
	v18 =	vadd.s32 $0x3680, v11;
	v44 =	vld.idx.msk [tilespmem:v25+s1+$0x0], $0xffff;
	[tilespmem:v34+s20+$0x0] =	vst.idx.msk $0xffff, v19  }
0x3e5: {  	v26 =	vadd.s32 $0x3600, v11;
	v45 =	vor.u32 $0x300, v4;
	[tilespmem:v36+s20+$0x0] =	vst.idx.msk $0xffff, v33;
	v25 =	vld.idx.msk [tilespmem:v22+s1+$0x0], $0xffff;
	v22 =	vadd.s32 $0x6880, v62  }
0x3e6: {  	v29 =	vadd.s32 $0x6800, v60;
	v11 =	vadd.s32 $0x6A80, v12;
	v31 =	vadd.s32 $0x6A00, v10;
	[tilespmem:v37+s20+$0x0] =	vst.idx.msk $0xffff, v35;
	v27 =	vld.idx.msk [tilespmem:v20+s1+$0x0], $0xffff  }
0x3e7: {  	v10 =	vadd.s32 $0x6A80, v10;
	v28 =	vadd.s32 $0x3480, v59;
	v19 =	vadd.s32 $0x6A00, v12;
	v36 =	vld.idx.msk [tilespmem:v38+s1+$0x0], $0xffff;
	[tilespmem:v39+s20+$0x0] =	vst.idx.msk $0xffff, v21  }
0x3e8: {  	v12 =	vadd.s32 $0x3500, v61;
	v20 =	vadd.s32 $0x3680, v9;
	v37 =	vor.u32 $0x100, v8;
	[tilespmem:v23+s20+$0x0] =	vst.idx.msk $0xffff, v24;
	v32 =	vld.idx.msk [tilespmem:v40+s1+$0x0], $0xffff  }
0x3e9: {  	v34 =	vor.u32 $0x380, v63;
	v33 =	vor.u32 $0x300, v13;
	v38 =	vor.u32 $0x180, v5;
	v39 =	vld.idx.msk [tilespmem:v42+s1+$0x0], $0xffff;
	[tilespmem:v43+s20+$0x0] =	vst.idx.msk $0xffff, v41  }
0x3ea: {  	s24 =	simm.s32 $0x6;
	s25 =	simm.s32 $0x80;
	v9 =	vadd.s32 $0x3500, v59;
	v40 =	vor.u32 $0x100, v7;
	v24 =	vadd.s32 $0x6880, v60;
	v35 =	vld.idx.msk [tilespmem:v45+s1+$0x0], $0xffff;
	[tilespmem:v22+s20+$0x0] =	vst.idx.msk $0xffff, v44  }
.LBB2_10:
0x3eb: {  	v22 =	vadd.s32 s25, v1;
	s26 =	sadd.s32 $0x10, s25;
	s24 =	sadd.s32 $0x2, s24;
	v41 =	vor.u32 $0x180, v8;
	v42 =	vor.u32 $0x380, v4;
	[tilespmem:v29+s20+$0x0] =	vst.idx.msk $0xffff, v25;
	v25 =	vld.idx.msk [tilespmem:v26+s1+$0x0], $0xffff;
	v21 =	vmovc v60  }
0x3ec: {  	v60 =	vmovc v2;
	v2 =	vmovc v8;
	v43 =	vshll.u32 v22, $0x3;
	v26 =	vmov s26;
	v29 =	vadd.s32 s26, v1;
	p0 =	slt.u32 s24, $0x64;
	v28 =	vld.idx.msk [tilespmem:v28+s1+$0x0], $0xffff;
	[tilespmem:v31+s20+$0x0] =	vst.idx.msk $0xffff, v27  }
0x3ed: {  	v23 =	vmovc v62;
	v8 =	vand.u32 $0x7F, v22;
	v22 =	vand.u32 $0x7C00, v43;
	v27 =	vshll.u32 v29, $0x3;
	[tilespmem:v37+s20+$0x0] =	vst.idx.msk $0xffff, v36;
	v20 =	vld.idx.msk [tilespmem:v20+s1+$0x0], $0xffff  }
0x3ee: {  	v37 =	vor.u32 v8, v22;
	v8 =	vand.u32 $0x7F, v29;
	v22 =	vand.u32 $0x7C00, v27;
	v27 =	vld.idx.msk [tilespmem:v38+s1+$0x0], $0xffff;
	[tilespmem:v33+s20+$0x0] =	vst.idx.msk $0xffff, v32  }
0x3ef: {  	v29 =	vor.u32 s26, v0;
	v22 =	vor.u32 v8, v22;
	v8 =	vshll.u32 v26, $0x3;
	[tilespmem:v40+s20+$0x0] =	vst.idx.msk $0xffff, v39;
	v26 =	vld.idx.msk [tilespmem:v34+s1+$0x0], $0xffff  }
0x3f0: {  	v31 =	vand.u32 $0x7C00, v8;
	v32 =	vld.idx.msk [tilespmem:v16+s1+$0x0], $0xffff;
	v16 =	vor.u32 $0x180, v22;
	v8 =	vor.u32 $0x380, v13;
	[tilespmem:v14+s20+$0x0] =	vst.idx.msk $0xffff, v35;
	v13 =	vmovc v15  }
0x3f1: {  	v62 =	vmovc v3;
	v3 =	vmov v7;
	v33 =	vor.u32 $0x200, v5;
	v34 =	vor.u32 $0x180, v7;
	v35 =	vld.idx.msk [tilespmem:v42+s1+$0x0], $0xffff;
	[tilespmem:v19+s20+$0x0] =	vst.idx.msk $0xffff, v25  }
0x3f2: {  	v7 =	vor.u32 $0x380, v62;
	v14 =	vmovc v17;
	v19 =	vadd.s32 $0x3580, v59;
	[tilespmem:v24+s20+$0x0] =	vst.idx.msk $0xffff, v28;
	v24 =	vadd.s32 $0x3580, v61;
	v18 =	vld.idx.msk [tilespmem:v18+s1+$0x0], $0xffff  }
0x3f3: {  	v15 =	vmov s25;
	v17 =	vor.u32 $0x200, v6;
	v25 =	vadd.s32 $0x6900, v23;
	v12 =	vld.idx.msk [tilespmem:v12+s1+$0x0], $0xffff;
	[tilespmem:v10+s20+$0x0] =	vst.idx.msk $0xffff, v20  }
0x3f4: {  	v15 =	vshll.u32 v15, $0x3;
	v10 =	vor.u32 s25, v0;
	v20 =	vadd.s32 $0x3400, v4;
	[tilespmem:v41+s20+$0x0] =	vst.idx.msk $0xffff, v27;
	v9 =	vld.idx.msk [tilespmem:v9+s1+$0x0], $0xffff  }
0x3f5: {  	v28 =	vand.u32 $0x3C00, v15;
	v10 =	vand.u32 $0x6F, v10;
	v27 =	vld.idx.msk [tilespmem:v37+s1+$0x0], $0xffff;
	[tilespmem:v8+s20+$0x0] =	vst.idx.msk $0xffff, v26;
	v26 =	vadd.s32 $0x6900, v21  }
0x3f6: {  	v8 =	vor.u32 v10, v28;
	v15 =	vor.u32 v15, v10;
	v10 =	vld.idx.msk [tilespmem:v33+s1+$0x0], $0xffff;
	[tilespmem:v34+s20+$0x0] =	vst.idx.msk $0xffff, v32  }
0x3f7: {  	v29 =	vand.u32 $0x7F, v29;
	v28 =	vor.u32 $0x80, v37;
	v33 =	vor.u32 $0x200, v2;
	v32 =	vld.idx.msk [tilespmem:v22+s1+$0x0], $0xffff;
	[tilespmem:v7+s20+$0x0] =	vst.idx.msk $0xffff, v35  }
0x3f8: {  	v7 =	vor.u32 v29, v31;
	v29 =	vor.u32 $0x280, v5;
	v31 =	vld.idx.msk [tilespmem:v17+s1+$0x0], $0xffff;
	[tilespmem:v11+s20+$0x0] =	vst.idx.msk $0xffff, v18  }
0x3f9: {  	v11 =	vor.u32 $0x80, v22;
	v17 =	vor.u32 $0x300, v7;
	v18 =	vor.u32 $0x200, v3;
	v20 =	vld.idx.msk [tilespmem:v20+s1+$0x0], $0xffff;
	[tilespmem:v25+s20+$0x0] =	vst.idx.msk $0xffff, v12  }
0x3fa: {  	v12 =	vor.u32 $0x280, v6;
	v25 =	vadd.s32 $0x6800, v62;
	[tilespmem:v26+s20+$0x0] =	vst.idx.msk $0xffff, v9;
	v9 =	vld.idx.msk [tilespmem:v24+s1+$0x0], $0xffff  }
0x3fb: {  	v24 =	vadd.s32 $0x3480, v4;
	v26 =	vadd.s32 $0x6980, v23;
	[tilespmem:v8+s20+$0x0] =	vst.idx.msk $0xffff, v27;
	v19 =	vld.idx.msk [tilespmem:v19+s1+$0x0], $0xffff  }
0x3fc: {  	v27 =	vld.idx.msk [tilespmem:v28+s1+$0x0], $0xffff;
	[tilespmem:v33+s20+$0x0] =	vst.idx.msk $0xffff, v10;
	v10 =	vadd.s32 $0x3400, v63;
	v28 =	vadd.s32 $0x6980, v21  }
0x3fd: {  	v34 =	vadd.s32 $0x3600, v61;
	v33 =	vor.u32 $0x80, v8;
	[tilespmem:v7+s20+$0x0] =	vst.idx.msk $0xffff, v32;
	v32 =	vld.idx.msk [tilespmem:v29+s1+$0x0], $0xffff  }
0x3fe: {  	v39 =	vor.u32 $0x280, v2;
	v35 =	vor.u32 $0x100, v37;
	v38 =	vld.idx.msk [tilespmem:v11+s1+$0x0], $0xffff;
	[tilespmem:v18+s20+$0x0] =	vst.idx.msk $0xffff, v31  }
0x3ff: {  	v41 =	vor.u32 $0x300, v5;
	v40 =	vor.u32 $0x80, v7;
	v12 =	vld.idx.msk [tilespmem:v12+s1+$0x0], $0xffff;
	[tilespmem:v25+s20+$0x0] =	vst.idx.msk $0xffff, v20  }
0x400: {  	v43 =	vor.u32 $0x280, v3;
	v42 =	vor.u32 $0x100, v22;
	v18 =	vadd.s32 $0x3680, v59;
	v44 =	vld.idx.msk [tilespmem:v24+s1+$0x0], $0xffff;
	[tilespmem:v26+s20+$0x0] =	vst.idx.msk $0xffff, v9  }
0x401: {  	v45 =	vadd.s32 $0x6880, v62;
	v24 =	vor.u32 $0x300, v6;
	v26 =	vadd.s32 $0x3600, v59;
	v59 =	vmovc v63;
	v25 =	vld.idx.msk [tilespmem:v10+s1+$0x0], $0xffff;
	[tilespmem:v28+s20+$0x0] =	vst.idx.msk $0xffff, v19  }
.Ltmp4:
0x402: {  	v29 =	vadd.s32 $0x6800, v60;
	v11 =	vadd.s32 $0x6A80, v21;
	v20 =	vadd.s32 $0x3680, v61;
	v63 =	vmovc v5;
	[tilespmem:v33+s20+$0x0] =	vst.idx.msk $0xffff, v27;
	v27 =	vld.idx.msk [tilespmem:v34+s1+$0x0], $0xffff;
	(pc) =	sbr.rel @p0 .LBB2_10-.Ltmp4, $4  }
0x403: {  	v31 =	vadd.s32 $0x6A00, v23;
	v5 =	vmovc v37;
	v28 =	vadd.s32 $0x3480, v59;
	v19 =	vadd.s32 $0x6A00, v21;
	v36 =	vld.idx.msk [tilespmem:v35+s1+$0x0], $0xffff;
	[tilespmem:v39+s20+$0x0] =	vst.idx.msk $0xffff, v32  }
0x404: {  	v61 =	vmovc v4;
	v37 =	vor.u32 $0x100, v8;
	v9 =	vadd.s32 $0x3500, v59;
	v10 =	vadd.s32 $0x6A80, v23;
	[tilespmem:v40+s20+$0x0] =	vst.idx.msk $0xffff, v38;
	v32 =	vld.idx.msk [tilespmem:v41+s1+$0x0], $0xffff  }
0x405: {  	v4 =	vmovc v6;
	v33 =	vor.u32 $0x300, v13;
	v38 =	vor.u32 $0x180, v5;
	v39 =	vld.idx.msk [tilespmem:v42+s1+$0x0], $0xffff;
	[tilespmem:v43+s20+$0x0] =	vst.idx.msk $0xffff, v12;
	v12 =	vadd.s32 $0x3500, v61  }
0x406: {  	s25 =	sadd.s32 $0x20, s25;
	v6 =	vmovc v22;
	v34 =	vor.u32 $0x380, v63;
	v40 =	vor.u32 $0x100, v7;
	v35 =	vld.idx.msk [tilespmem:v24+s1+$0x0], $0xffff;
	v24 =	vadd.s32 $0x6880, v60;
	[tilespmem:v45+s20+$0x0] =	vst.idx.msk $0xffff, v44  }
0x407: {  	_ =	sdelay $0x3  }
0x408: {  	[tilespmem:v40+s20+$0x0] =	vst.idx.msk $0xffff, v39  }
0x409: {  	v21 =	vor.u32 $0x180, v7;
	[tilespmem:v37+s20+$0x0] =	vst.idx.msk $0xffff, v36;
	v16 =	vld.idx.msk [tilespmem:v16+s1+$0x0], $0xffff  }
0x40a: {  	v22 =	vor.u32 $0x180, v8;
	v41 =	vor.u32 $0x200, v6;
	v23 =	vld.idx.msk [tilespmem:v38+s1+$0x0], $0xffff  }
0x40b: {  	v42 =	vor.u32 $0x200, v5;
	_ =	sdelay $0x2  }
0x40c: {  	[tilespmem:v21+s20+$0x0] =	vst.idx.msk $0xffff, v16  }
0x40d: {  	[tilespmem:v22+s20+$0x0] =	vst.idx.msk $0xffff, v23;
	v21 =	vor.u32 $0x200, v7;
	v16 =	vld.idx.msk [tilespmem:v41+s1+$0x0], $0xffff  }
0x40e: {  	v43 =	vor.u32 $0x280, v6;
	v23 =	vor.u32 $0x200, v8;
	v22 =	vld.idx.msk [tilespmem:v42+s1+$0x0], $0xffff  }
0x40f: {  	v44 =	vor.u32 $0x280, v5;
	_ =	sdelay $0x2  }
0x410: {  	[tilespmem:v21+s20+$0x0] =	vst.idx.msk $0xffff, v16  }
0x411: {  	[tilespmem:v23+s20+$0x0] =	vst.idx.msk $0xffff, v22;
	v21 =	vor.u32 $0x280, v7;
	v16 =	vld.idx.msk [tilespmem:v43+s1+$0x0], $0xffff  }
0x412: {  	v45 =	vor.u32 $0x300, v6;
	v23 =	vor.u32 $0x280, v8;
	v22 =	vld.idx.msk [tilespmem:v44+s1+$0x0], $0xffff  }
0x413: {  	v40 =	vor.u32 $0x300, v5;
	_ =	sdelay $0x2  }
0x414: {  	[tilespmem:v21+s20+$0x0] =	vst.idx.msk $0xffff, v16;
	v16 =	vor.u32 $0x380, v4  }
0x415: {  	[tilespmem:v23+s20+$0x0] =	vst.idx.msk $0xffff, v22;
	v21 =	vld.idx.msk [tilespmem:v45+s1+$0x0], $0xffff  }
0x416: {  	v41 =	vor.u32 $0x380, v6;
	v23 =	vor.u32 $0x300, v15;
	v22 =	vld.idx.msk [tilespmem:v40+s1+$0x0], $0xffff  }
0x417: {  	v42 =	vor.u32 $0x380, v5  }
0x418: {  	[tilespmem:v14+s20+$0x0] =	vst.idx.msk $0xffff, v35  }
0x419: {  	[tilespmem:v33+s20+$0x0] =	vst.idx.msk $0xffff, v32;
	v14 =	vld.idx.msk [tilespmem:v16+s1+$0x0], $0xffff;
	v16 =	vor.u32 $0x380, v3  }
0x41a: {  	v13 =	vor.u32 $0x380, v13;
	v32 =	vld.idx.msk [tilespmem:v34+s1+$0x0], $0xffff;
	[tilespmem:v17+s20+$0x0] =	vst.idx.msk $0xffff, v21;
	v17 =	vadd.s32 $0x3400, v4  }
0x41b: {  	[tilespmem:v23+s20+$0x0] =	vst.idx.msk $0xffff, v22;
	v23 =	vor.u32 $0x380, v7;
	v21 =	vadd.s32 $0x3400, v63;
	v22 =	vld.idx.msk [tilespmem:v41+s1+$0x0], $0xffff  }
0x41c: {  	[tilespmem:v29+s20+$0x0] =	vst.idx.msk $0xffff, v25;
	v29 =	vadd.s32 $0x3400, v6;
	v15 =	vor.u32 $0x380, v15;
	v25 =	vld.idx.msk [tilespmem:v42+s1+$0x0], $0xffff  }
0x41d: {  	v26 =	vld.idx.msk [tilespmem:v26+s1+$0x0], $0xffff;
	[tilespmem:v31+s20+$0x0] =	vst.idx.msk $0xffff, v27;
	v27 =	vadd.s32 $0x3400, v5  }
0x41e: {  	v28 =	vld.idx.msk [tilespmem:v28+s1+$0x0], $0xffff;
	[tilespmem:v16+s20+$0x0] =	vst.idx.msk $0xffff, v14  }
0x41f: {  	[tilespmem:v13+s20+$0x0] =	vst.idx.msk $0xffff, v32;
	v14 =	vadd.s32 $0x6800, v3;
	v13 =	vld.idx.msk [tilespmem:v17+s1+$0x0], $0xffff  }
0x420: {  	v16 =	vadd.s32 $0x3480, v4;
	v17 =	vld.idx.msk [tilespmem:v21+s1+$0x0], $0xffff;
	v21 =	vadd.s32 $0x6800, v2;
	[tilespmem:v23+s20+$0x0] =	vst.idx.msk $0xffff, v22  }
0x421: {  	[tilespmem:v15+s20+$0x0] =	vst.idx.msk $0xffff, v25;
	v22 =	vadd.s32 $0x3480, v63;
	v23 =	vadd.s32 $0x6800, v7;
	v15 =	vld.idx.msk [tilespmem:v29+s1+$0x0], $0xffff  }
0x422: {  	[tilespmem:v19+s20+$0x0] =	vst.idx.msk $0xffff, v26;
	v19 =	vadd.s32 $0x3480, v6;
	v26 =	vadd.s32 $0x6800, v8;
	v25 =	vld.idx.msk [tilespmem:v27+s1+$0x0], $0xffff  }
0x423: {  	v20 =	vld.idx.msk [tilespmem:v20+s1+$0x0], $0xffff;
	[tilespmem:v24+s20+$0x0] =	vst.idx.msk $0xffff, v28;
	v24 =	vadd.s32 $0x3480, v5  }
0x424: {  	v18 =	vld.idx.msk [tilespmem:v18+s1+$0x0], $0xffff;
	[tilespmem:v14+s20+$0x0] =	vst.idx.msk $0xffff, v13  }
0x425: {  	v14 =	vadd.s32 $0x6880, v3;
	[tilespmem:v21+s20+$0x0] =	vst.idx.msk $0xffff, v17;
	v13 =	vld.idx.msk [tilespmem:v16+s1+$0x0], $0xffff  }
0x426: {  	v17 =	vadd.s32 $0x6880, v2;
	v16 =	vadd.s32 $0x3500, v4;
	v21 =	vld.idx.msk [tilespmem:v22+s1+$0x0], $0xffff;
	[tilespmem:v23+s20+$0x0] =	vst.idx.msk $0xffff, v15  }
0x427: {  	[tilespmem:v26+s20+$0x0] =	vst.idx.msk $0xffff, v25;
	v22 =	vadd.s32 $0x6880, v7;
	v15 =	vadd.s32 $0x3500, v63;
	v19 =	vld.idx.msk [tilespmem:v19+s1+$0x0], $0xffff  }
0x428: {  	[tilespmem:v10+s20+$0x0] =	vst.idx.msk $0xffff, v20;
	v10 =	vadd.s32 $0x3500, v6;
	v20 =	vadd.s32 $0x6880, v8;
	v23 =	vld.idx.msk [tilespmem:v24+s1+$0x0], $0xffff  }
0x429: {  	v12 =	vld.idx.msk [tilespmem:v12+s1+$0x0], $0xffff;
	[tilespmem:v11+s20+$0x0] =	vst.idx.msk $0xffff, v18;
	v11 =	vadd.s32 $0x3500, v5;
	v24 =	vadd.s32 $0x6900, v62  }
0x42a: {  	v9 =	vld.idx.msk [tilespmem:v9+s1+$0x0], $0xffff;
	v18 =	vadd.s32 $0x3580, v61;
	v25 =	vadd.s32 $0x6900, v60;
	[tilespmem:v14+s20+$0x0] =	vst.idx.msk $0xffff, v13  }
0x42b: {  	v13 =	vadd.s32 $0x3580, v59;
	[tilespmem:v17+s20+$0x0] =	vst.idx.msk $0xffff, v21;
	v14 =	vld.idx.msk [tilespmem:v16+s1+$0x0], $0xffff;
	v16 =	vadd.s32 $0x6900, v3  }
0x42c: {  	v17 =	vadd.s32 $0x3580, v4;
	v21 =	vadd.s32 $0x6900, v2;
	v15 =	vld.idx.msk [tilespmem:v15+s1+$0x0], $0xffff;
	[tilespmem:v22+s20+$0x0] =	vst.idx.msk $0xffff, v19  }
0x42d: {  	[tilespmem:v20+s20+$0x0] =	vst.idx.msk $0xffff, v23;
	v20 =	vadd.s32 $0x6900, v7;
	v19 =	vadd.s32 $0x3580, v63;
	v10 =	vld.idx.msk [tilespmem:v10+s1+$0x0], $0xffff  }
0x42e: {  	[tilespmem:v24+s20+$0x0] =	vst.idx.msk $0xffff, v12;
	v12 =	vadd.s32 $0x3580, v6;
	v11 =	vld.idx.msk [tilespmem:v11+s1+$0x0], $0xffff;
	v22 =	vadd.s32 $0x6900, v8  }
0x42f: {  	[tilespmem:v25+s20+$0x0] =	vst.idx.msk $0xffff, v9;
	v23 =	vadd.s32 $0x3580, v5;
	v9 =	vld.idx.msk [tilespmem:v18+s1+$0x0], $0xffff;
	v18 =	vadd.s32 $0x6980, v62  }
0x430: {  	v25 =	vadd.s32 $0x3600, v61;
	v24 =	vadd.s32 $0x6980, v60;
	v13 =	vld.idx.msk [tilespmem:v13+s1+$0x0], $0xffff;
	[tilespmem:v16+s20+$0x0] =	vst.idx.msk $0xffff, v14  }
0x431: {  	v14 =	vadd.s32 $0x3600, v59;
	[tilespmem:v21+s20+$0x0] =	vst.idx.msk $0xffff, v15;
	v16 =	vadd.s32 $0x6980, v3;
	v15 =	vld.idx.msk [tilespmem:v17+s1+$0x0], $0xffff  }
0x432: {  	v21 =	vadd.s32 $0x3600, v4;
	v17 =	vld.idx.msk [tilespmem:v19+s1+$0x0], $0xffff;
	v19 =	vadd.s32 $0x6980, v2;
	[tilespmem:v20+s20+$0x0] =	vst.idx.msk $0xffff, v10  }
0x433: {  	[tilespmem:v22+s20+$0x0] =	vst.idx.msk $0xffff, v11;
	v10 =	vadd.s32 $0x3600, v63;
	v11 =	vld.idx.msk [tilespmem:v12+s1+$0x0], $0xffff;
	v12 =	vadd.s32 $0x6980, v7  }
0x434: {  	[tilespmem:v18+s20+$0x0] =	vst.idx.msk $0xffff, v9;
	v18 =	vadd.s32 $0x6980, v8;
	v9 =	vld.idx.msk [tilespmem:v23+s1+$0x0], $0xffff;
	v20 =	vadd.s32 $0x3600, v6  }
0x435: {  	v22 =	vadd.s32 $0x6A00, v62;
	v23 =	vadd.s32 $0x3600, v5;
	[tilespmem:v24+s20+$0x0] =	vst.idx.msk $0xffff, v13;
	v13 =	vld.idx.msk [tilespmem:v25+s1+$0x0], $0xffff  }
0x436: {  	v24 =	vadd.s32 $0x3680, v61;
	v25 =	vadd.s32 $0x6A00, v60;
	v14 =	vld.idx.msk [tilespmem:v14+s1+$0x0], $0xffff;
	[tilespmem:v16+s20+$0x0] =	vst.idx.msk $0xffff, v15  }
0x437: {  	v15 =	vadd.s32 $0x3680, v59;
	[tilespmem:v19+s20+$0x0] =	vst.idx.msk $0xffff, v17;
	v17 =	vadd.s32 $0x6A00, v3;
	v16 =	vld.idx.msk [tilespmem:v21+s1+$0x0], $0xffff  }
0x438: {  	v4 =	vadd.s32 $0x3680, v4;
	v19 =	vadd.s32 $0x6A00, v2;
	v10 =	vld.idx.msk [tilespmem:v10+s1+$0x0], $0xffff;
	[tilespmem:v12+s20+$0x0] =	vst.idx.msk $0xffff, v11  }
0x439: {  	[tilespmem:v18+s20+$0x0] =	vst.idx.msk $0xffff, v9;
	v11 =	vadd.s32 $0x3680, v63;
	v12 =	vadd.s32 $0x6A00, v7;
	v9 =	vld.idx.msk [tilespmem:v20+s1+$0x0], $0xffff  }
0x43a: {  	v6 =	vadd.s32 $0x3680, v6;
	v18 =	vld.idx.msk [tilespmem:v23+s1+$0x0], $0xffff;
	[tilespmem:v22+s20+$0x0] =	vst.idx.msk $0xffff, v13;
	v13 =	vadd.s32 $0x6A00, v8  }
0x43b: {  	v5 =	vadd.s32 $0x3680, v5;
	v20 =	vadd.s32 $0x6A80, v62;
	v21 =	vld.idx.msk [tilespmem:v24+s1+$0x0], $0xffff;
	[tilespmem:v25+s20+$0x0] =	vst.idx.msk $0xffff, v14  }
0x43c: {  	v14 =	vadd.s32 $0x6A80, v60;
	v15 =	vld.idx.msk [tilespmem:v15+s1+$0x0], $0xffff;
	[tilespmem:v17+s20+$0x0] =	vst.idx.msk $0xffff, v16  }
0x43d: {  	v3 =	vadd.s32 $0x6A80, v3;
	[tilespmem:v19+s20+$0x0] =	vst.idx.msk $0xffff, v10;
	v4 =	vld.idx.msk [tilespmem:v4+s1+$0x0], $0xffff  }
0x43e: {  	v2 =	vadd.s32 $0x6A80, v2;
	v10 =	vld.idx.msk [tilespmem:v11+s1+$0x0], $0xffff;
	[tilespmem:v12+s20+$0x0] =	vst.idx.msk $0xffff, v9  }
0x43f: {  	v7 =	vadd.s32 $0x6A80, v7;
	[tilespmem:v13+s20+$0x0] =	vst.idx.msk $0xffff, v18;
	v6 =	vld.idx.msk [tilespmem:v6+s1+$0x0], $0xffff  }
0x440: {  	v8 =	vadd.s32 $0x6A80, v8;
	[tilespmem:v20+s20+$0x0] =	vst.idx.msk $0xffff, v21;
	v5 =	vld.idx.msk [tilespmem:v5+s1+$0x0], $0xffff  }
0x441: {  	[tilespmem:v14+s20+$0x0] =	vst.idx.msk $0xffff, v15  }
0x442: {  	[tilespmem:v3+s20+$0x0] =	vst.idx.msk $0xffff, v4  }
0x443: {  	[tilespmem:v2+s20+$0x0] =	vst.idx.msk $0xffff, v10  }
0x444: {  	[tilespmem:v7+s20+$0x0] =	vst.idx.msk $0xffff, v6  }
0x445: {  	[tilespmem:v8+s20+$0x0] =	vst.idx.msk $0xffff, v5  }
0x446: {  	v2 =	vld [tilespmem:$0x1FD50];
	_ =	sdelay $0x4  }
0x447: {  	v3 =	vld [tilespmem:$0x1FD60];
	_ =	sdelay $0x2  }
0x448: {  	v2 =	vld.idx.msk [tilespmem:v2+s1+$0x0], $0xffff;
	_ =	sdelay $0x4  }
0x449: {  	[tilespmem:v3+s20+$0x0] =	vst.idx.msk $0xffff, v2;
	v2 =	vld [tilespmem:$0x1FD70];
	_ =	sdelay $0x4  }
0x44a: {  	v3 =	vld [tilespmem:$0x1FD80];
	_ =	sdelay $0x2  }
0x44b: {  	v2 =	vld.idx.msk [tilespmem:v2+s1+$0x0], $0xffff;
	_ =	sdelay $0x4  }
0x44c: {  	[tilespmem:v3+s20+$0x0] =	vst.idx.msk $0xffff, v2;
	v2 =	vld [tilespmem:$0x1FD90];
	_ =	sdelay $0x4  }
0x44d: {  	v3 =	vld [tilespmem:$0x1FDA0];
	_ =	sdelay $0x2  }
0x44e: {  	v2 =	vld.idx.msk [tilespmem:v2+s1+$0x0], $0xffff;
	_ =	sdelay $0x4  }
0x44f: {  	[tilespmem:v3+s20+$0x0] =	vst.idx.msk $0xffff, v2;
	v2 =	vld [tilespmem:$0x1FDB0];
	_ =	sdelay $0x4  }
0x450: {  	v3 =	vld [tilespmem:$0x1FDC0];
	_ =	sdelay $0x2  }
0x451: {  	v2 =	vld.idx.msk [tilespmem:v2+s1+$0x0], $0xffff;
	_ =	sdelay $0x4  }
0x452: {  	[tilespmem:v3+s20+$0x0] =	vst.idx.msk $0xffff, v2;
	v2 =	vld [tilespmem:$0x1FDD0];
	_ =	sdelay $0x4  }
0x453: {  	v3 =	vld [tilespmem:$0x1FDE0];
	_ =	sdelay $0x2  }
0x454: {  	v2 =	vld.idx.msk [tilespmem:v2+s1+$0x0], $0xffff;
	_ =	sdelay $0x4  }
0x455: {  	[tilespmem:v3+s20+$0x0] =	vst.idx.msk $0xffff, v2;
	v2 =	vld [tilespmem:$0x1FDF0];
	_ =	sdelay $0x4  }
0x456: {  	v3 =	vld [tilespmem:$0x1FE00];
	_ =	sdelay $0x2  }
0x457: {  	v2 =	vld.idx.msk [tilespmem:v2+s1+$0x0], $0xffff;
	_ =	sdelay $0x4  }
0x458: {  	[tilespmem:v3+s20+$0x0] =	vst.idx.msk $0xffff, v2;
	v2 =	vld [tilespmem:$0x1FE10];
	_ =	sdelay $0x4  }
0x459: {  	v3 =	vld [tilespmem:$0x1FE20];
	_ =	sdelay $0x2  }
0x45a: {  	v2 =	vld.idx.msk [tilespmem:v2+s1+$0x0], $0xffff;
	_ =	sdelay $0x4  }
0x45b: {  	[tilespmem:v3+s20+$0x0] =	vst.idx.msk $0xffff, v2;
	v2 =	vld [tilespmem:$0x1FE30];
	_ =	sdelay $0x4  }
0x45c: {  	v3 =	vld [tilespmem:$0x1FE40];
	_ =	sdelay $0x2  }
0x45d: {  	v2 =	vld.idx.msk [tilespmem:v2+s1+$0x0], $0xffff;
	_ =	sdelay $0x4  }
0x45e: {  	[tilespmem:v3+s20+$0x0] =	vst.idx.msk $0xffff, v2;
	v2 =	vld [tilespmem:$0x1FE50];
	_ =	sdelay $0x4  }
0x45f: {  	v3 =	vld [tilespmem:$0x1FE60];
	_ =	sdelay $0x2  }
0x460: {  	v2 =	vld.idx.msk [tilespmem:v2+s1+$0x0], $0xffff;
	_ =	sdelay $0x4  }
0x461: {  	[tilespmem:v3+s20+$0x0] =	vst.idx.msk $0xffff, v2;
	v2 =	vld [tilespmem:$0x1FE70];
	_ =	sdelay $0x4  }
0x462: {  	v3 =	vld [tilespmem:$0x1FE80];
	_ =	sdelay $0x2  }
0x463: {  	v2 =	vld.idx.msk [tilespmem:v2+s1+$0x0], $0xffff;
	_ =	sdelay $0x4  }
0x464: {  	[tilespmem:v3+s20+$0x0] =	vst.idx.msk $0xffff, v2;
	v2 =	vld [tilespmem:$0x1FE90];
	_ =	sdelay $0x4  }
0x465: {  	v3 =	vld [tilespmem:$0x1FEA0];
	_ =	sdelay $0x2  }
0x466: {  	v2 =	vld.idx.msk [tilespmem:v2+s1+$0x0], $0xffff;
	_ =	sdelay $0x4  }
0x467: {  	[tilespmem:v3+s20+$0x0] =	vst.idx.msk $0xffff, v2;
	v2 =	vld [tilespmem:$0x1FEB0];
	_ =	sdelay $0x4  }
0x468: {  	v3 =	vld [tilespmem:$0x1FEC0];
	_ =	sdelay $0x2  }
0x469: {  	v2 =	vld.idx.msk [tilespmem:v2+s1+$0x0], $0xffff;
	_ =	sdelay $0x4  }
0x46a: {  	[tilespmem:v3+s20+$0x0] =	vst.idx.msk $0xffff, v2;
	v2 =	vld [tilespmem:$0x1FED0];
	_ =	sdelay $0x4  }
0x46b: {  	v3 =	vld [tilespmem:$0x1FEE0];
	_ =	sdelay $0x2  }
0x46c: {  	v2 =	vld.idx.msk [tilespmem:v2+s1+$0x0], $0xffff;
	_ =	sdelay $0x4  }
0x46d: {  	[tilespmem:v3+s20+$0x0] =	vst.idx.msk $0xffff, v2;
	v2 =	vld [tilespmem:$0x1FEF0];
	_ =	sdelay $0x4  }
0x46e: {  	v7 =	vld [tilespmem:$0x1FF00];
	_ =	sdelay $0x2  }
0x46f: {  	v2 =	vld.idx.msk [tilespmem:v2+s1+$0x0], $0xffff  }
0x470: {  	s24 =	simm.s32 $0x666  }
0x471: {  	s25 =	simm.s32 $0x676;
	v3 =	vadd.s32 s24, v30  }
0x472: {  	v4 =	vadd.s32 s25, v30;
	v5 =	vshll.u32 v3, $0x3  }
0x473: {  	v6 =	vshll.u32 v4, $0x3;
	v3 =	vand.u32 $0x7F, v3;
	v5 =	vand.u32 $0xFFFFFC00, v5  }
0x474: {  	v9 =	vor.u32 v3, v5;
	[tilespmem:v7+s20+$0x0] =	vst.idx.msk $0xffff, v2;
	v2 =	vand.u32 $0x7F, v4;
	v4 =	vand.u32 $0xFFFFFC00, v6  }
0x475: {  	[tilespmem:s1], [sflag:$0x1] =	stream.strided.gather [hbm4b:s11+s16], $0x6800, s17, s16, $0x38;
	v10 =	vor.u32 v2, v4;
	[tilespmem:$0x1A000] =	vst v63  }
0x476: {  	v2 =	vadd.s32 s24, v0;
	_ =	swait.ge [sflag:s21], $0x6800  }
0x477: {  	v4 =	vadd.s32 s25, v0;
	v3 =	vshll.u32 v2, $0x3;
	[sflag:s21] =	ssyncset.done $0x0  }
0x478: {  	v5 =	vshll.u32 v4, $0x3;
	v2 =	vand.u32 $0x7F, v2;
	v3 =	vand.u32 $0x7FFFFC00, v3;
	[sflag:s21] =	ssyncadd.s32 $0xFFFF9800  }
0x479: {  	v4 =	vand.u32 $0x7F, v4;
	v5 =	vand.u32 $0xFC00, v5;
	v11 =	vor.u32 v2, v3;
	v6 =	vld.idx.msk [tilespmem:v9+s18+$0x0], $0xffff  }
0x47a: {  	v12 =	vor.u32 v4, v5;
	v3 =	vor.u32 $0x80, v9;
	v2 =	vld.idx.msk [tilespmem:v10+s18+$0x0], $0xffff  }
0x47b: {  	v4 =	vor.u32 $0x80, v10;
	_ =	sdelay $0x2  }
0x47c: {  	[tilespmem:v11+s20+$0x0] =	vst.idx.msk $0xffff, v6  }
0x47d: {  	s25 =	simm.s32 $0x696;
	[tilespmem:v12+s20+$0x0] =	vst.idx.msk $0xffff, v2;
	v2 =	vld.idx.msk [tilespmem:v3+s18+$0x0], $0xffff;
	v3 =	vor.u32 $0x80, v11  }
0x47e: {  	v7 =	vadd.s32 s25, v30;
	v5 =	vor.u32 $0x80, v12;
	v6 =	vor.u32 $0x100, v9;
	v4 =	vld.idx.msk [tilespmem:v4+s18+$0x0], $0xffff  }
0x47f: {  	s26 =	simm.s32 $0x686;
	v8 =	vor.u32 $0x100, v10;
	v13 =	vshll.u32 v7, $0x3  }
0x480: {  	v14 =	vadd.s32 s26, v30;
	v7 =	vand.u32 $0x7F, v7;
	v13 =	vand.u32 $0xFFFFFC00, v13  }
0x481: {  	v15 =	vshll.u32 v14, $0x3;
	v59 =	vor.u32 v7, v13  }
0x482: {  	v7 =	vor.u32 $0x180, v9;
	[tilespmem:v3+s20+$0x0] =	vst.idx.msk $0xffff, v2;
	v2 =	vand.u32 $0x7F, v14;
	v3 =	vand.u32 $0xFFFFFC00, v15  }
0x483: {  	[tilespmem:v5+s20+$0x0] =	vst.idx.msk $0xffff, v4;
	v4 =	vld.idx.msk [tilespmem:v6+s18+$0x0], $0xffff;
	v5 =	vor.u32 $0x100, v11;
	v62 =	vor.u32 v2, v3;
	v2 =	vadd.s32 s25, v0  }
0x484: {  	v14 =	vadd.s32 s26, v0;
	v6 =	vor.u32 $0x100, v12;
	v3 =	vld.idx.msk [tilespmem:v8+s18+$0x0], $0xffff;
	v13 =	vshll.u32 v2, $0x3  }
0x485: {  	v8 =	vor.u32 $0x180, v10;
	v2 =	vand.u32 $0x7F, v2;
	v13 =	vand.u32 $0xFC00, v13  }
0x486: {  	v16 =	vld.idx.msk [tilespmem:v59+s18+$0x0], $0xffff;
	v15 =	vshll.u32 v14, $0x3;
	v60 =	vor.u32 v2, v13  }
0x487: {  	v2 =	vand.u32 $0x7FFFFC00, v15;
	v13 =	vand.u32 $0x7F, v14;
	v14 =	vor.u32 $0x80, v59  }
0x488: {  	v61 =	vor.u32 v13, v2;
	[tilespmem:v5+s20+$0x0] =	vst.idx.msk $0xffff, v4;
	v4 =	vld.idx.msk [tilespmem:v62+s18+$0x0], $0xffff  }
0x489: {  	v5 =	vor.u32 $0x80, v62;
	[tilespmem:v6+s20+$0x0] =	vst.idx.msk $0xffff, v3;
	v2 =	vld.idx.msk [tilespmem:v7+s18+$0x0], $0xffff;
	v3 =	vor.u32 $0x180, v11  }
0x48a: {  	v7 =	vor.u32 $0x180, v12;
	v6 =	vld.idx.msk [tilespmem:v8+s18+$0x0], $0xffff;
	v8 =	vor.u32 $0x200, v9  }
0x48b: {  	v13 =	vor.u32 $0x200, v10;
	[tilespmem:v60+s20+$0x0] =	vst.idx.msk $0xffff, v16  }
0x48c: {  	v15 =	vor.u32 $0x80, v60;
	v14 =	vld.idx.msk [tilespmem:v14+s18+$0x0], $0xffff  }
0x48d: {  	[tilespmem:v61+s20+$0x0] =	vst.idx.msk $0xffff, v4;
	v4 =	vor.u32 $0x100, v59  }
0x48e: {  	[tilespmem:v3+s20+$0x0] =	vst.idx.msk $0xffff, v2;
	v2 =	vld.idx.msk [tilespmem:v5+s18+$0x0], $0xffff;
	v3 =	vor.u32 $0x80, v61  }
0x48f: {  	[tilespmem:v7+s20+$0x0] =	vst.idx.msk $0xffff, v6;
	v5 =	vld.idx.msk [tilespmem:v8+s18+$0x0], $0xffff;
	v6 =	vor.u32 $0x200, v11;
	v7 =	vor.u32 $0x100, v62  }
0x490: {  	v16 =	vor.u32 $0x280, v9;
	v8 =	vld.idx.msk [tilespmem:v13+s18+$0x0], $0xffff;
	v13 =	vor.u32 $0x200, v12  }
0x491: {  	v17 =	vor.u32 $0x280, v10;
	[tilespmem:v15+s20+$0x0] =	vst.idx.msk $0xffff, v14  }
0x492: {  	s29 =	simm.s32 $0x6A6;
	v14 =	vor.u32 $0x100, v60;
	v4 =	vld.idx.msk [tilespmem:v4+s18+$0x0], $0xffff  }
0x493: {  	v23 =	vadd.s32 s29, v30;
	v21 =	vor.u32 $0x380, v9;
	[tilespmem:v3+s20+$0x0] =	vst.idx.msk $0xffff, v2;
	v3 =	vor.u32 $0x180, v59  }
0x494: {  	s28 =	simm.s32 $0x6B6;
	v20 =	vor.u32 $0x300, v12;
	v18 =	vor.u32 $0x180, v62;
	v19 =	vor.u32 $0x100, v61;
	[tilespmem:v6+s20+$0x0] =	vst.idx.msk $0xffff, v5;
	v7 =	vld.idx.msk [tilespmem:v7+s18+$0x0], $0xffff  }
0x495: {  	v15 =	vor.u32 $0x300, v11;
	v2 =	vadd.s32 s28, v30;
	[tilespmem:v13+s20+$0x0] =	vst.idx.msk $0xffff, v8;
	v8 =	vld.idx.msk [tilespmem:v16+s18+$0x0], $0xffff;
	v13 =	vor.u32 $0x280, v11  }
0x496: {  	v5 =	vor.u32 $0x280, v12;
	v22 =	vshll.u32 v2, $0x3;
	v16 =	vor.u32 $0x300, v9;
	v17 =	vld.idx.msk [tilespmem:v17+s18+$0x0], $0xffff  }
0x497: {  	v6 =	vor.u32 $0x300, v10;
	v2 =	vand.u32 $0x7F, v2;
	v22 =	vand.u32 $0xFFFFFC00, v22;
	[tilespmem:v14+s20+$0x0] =	vst.idx.msk $0xffff, v4  }
0x498: {  	v2 =	vor.u32 v2, v22;
	v22 =	vor.u32 $0x180, v60;
	v4 =	vshll.u32 v23, $0x3;
	v14 =	vld.idx.msk [tilespmem:v3+s18+$0x0], $0xffff  }
0x499: {  	v3 =	vand.u32 $0x7F, v23;
	v4 =	vand.u32 $0xFFFFFC00, v4;
	[tilespmem:v19+s20+$0x0] =	vst.idx.msk $0xffff, v7;
	v7 =	vor.u32 $0x200, v59  }
0x49a: {  	v3 =	vor.u32 v3, v4;
	[tilespmem:v13+s20+$0x0] =	vst.idx.msk $0xffff, v8;
	v4 =	vld.idx.msk [tilespmem:v18+s18+$0x0], $0xffff;
	v8 =	vor.u32 $0x180, v61;
	v13 =	vadd.s32 s28, v0  }
0x49b: {  	[tilespmem:v5+s20+$0x0] =	vst.idx.msk $0xffff, v17;
	v5 =	vld.idx.msk [tilespmem:v16+s18+$0x0], $0xffff;
	v16 =	vadd.s32 s29, v0;
	v17 =	vor.u32 $0x200, v62;
	v18 =	vshll.u32 v13, $0x3  }
0x49c: {  	v13 =	vand.u32 $0x7F, v13;
	v6 =	vld.idx.msk [tilespmem:v6+s18+$0x0], $0xffff;
	v19 =	vshll.u32 v16, $0x3;
	v18 =	vand.u32 $0xFC00, v18  }
0x49d: {  	v23 =	vor.u32 $0x380, v10;
	v19 =	vand.u32 $0x7FFFFC00, v19;
	[tilespmem:v22+s20+$0x0] =	vst.idx.msk $0xffff, v14;
	v14 =	vld.idx.msk [tilespmem:v2+s18+$0x0], $0xffff;
	v63 =	vor.u32 v13, v18  }
0x49e: {  	v13 =	vand.u32 $0x7F, v16;
	v16 =	vor.u32 $0x80, v2;
	v18 =	vor.u32 $0x200, v60;
	v7 =	vld.idx.msk [tilespmem:v7+s18+$0x0], $0xffff  }
0x49f: {  	[tilespmem:v8+s20+$0x0] =	vst.idx.msk $0xffff, v4;
	v8 =	vld.idx.msk [tilespmem:v3+s18+$0x0], $0xffff;
	v4 =	vor.u32 v13, v19;
	v13 =	vor.u32 $0x280, v59  }
0x4a0: {  	[tilespmem:v15+s20+$0x0] =	vst.idx.msk $0xffff, v5;
	v5 =	vld.idx.msk [tilespmem:v17+s18+$0x0], $0xffff;
	v15 =	vor.u32 $0x80, v3;
	v17 =	vor.u32 $0x200, v61  }
0x4a1: {  	v19 =	vor.u32 $0x380, v11;
	[tilespmem:v20+s20+$0x0] =	vst.idx.msk $0xffff, v6;
	v6 =	vld.idx.msk [tilespmem:v21+s18+$0x0], $0xffff;
	v20 =	vor.u32 $0x280, v62  }
0x4a2: {  	v22 =	vor.u32 $0x380, v12;
	v21 =	vld.idx.msk [tilespmem:v23+s18+$0x0], $0xffff;
	v23 =	vadd.s32 $0x3400, v9;
	[tilespmem:v63+s20+$0x0] =	vst.idx.msk $0xffff, v14  }
0x4a3: {  	v14 =	vld.idx.msk [tilespmem:v16+s18+$0x0], $0xffff;
	[tilespmem:v18+s20+$0x0] =	vst.idx.msk $0xffff, v7;
	v7 =	vadd.s32 $0x3400, v10;
	v16 =	vor.u32 $0x80, v63  }
0x4a4: {  	v18 =	vor.u32 $0x280, v60;
	[tilespmem:v4+s20+$0x0] =	vst.idx.msk $0xffff, v8;
	v8 =	vld.idx.msk [tilespmem:v13+s18+$0x0], $0xffff;
	v13 =	vor.u32 $0x100, v2  }
0x4a5: {  	v15 =	vld.idx.msk [tilespmem:v15+s18+$0x0], $0xffff;
	[tilespmem:v17+s20+$0x0] =	vst.idx.msk $0xffff, v5;
	v5 =	vor.u32 $0x80, v4;
	v17 =	vor.u32 $0x300, v59  }
0x4a6: {  	[tilespmem:v19+s20+$0x0] =	vst.idx.msk $0xffff, v6;
	v6 =	vld.idx.msk [tilespmem:v20+s18+$0x0], $0xffff;
	v19 =	vor.u32 $0x100, v3;
	v20 =	vor.u32 $0x280, v61  }
0x4a7: {  	[tilespmem:v22+s20+$0x0] =	vst.idx.msk $0xffff, v21;
	v21 =	vld.idx.msk [tilespmem:v23+s18+$0x0], $0xffff;
	v22 =	vadd.s32 $0x6800, v11;
	v23 =	vor.u32 $0x300, v62  }
0x4a8: {  	s30 =	simm.s32 $0x6D6;
	v24 =	vadd.s32 $0x3480, v9;
	v7 =	vld.idx.msk [tilespmem:v7+s18+$0x0], $0xffff;
	[tilespmem:v16+s20+$0x0] =	vst.idx.msk $0xffff, v14;
	v14 =	vadd.s32 $0x6800, v12  }
0x4a9: {  	v27 =	vadd.s32 s30, v30;
	v13 =	vld.idx.msk [tilespmem:v13+s18+$0x0], $0xffff;
	[tilespmem:v18+s20+$0x0] =	vst.idx.msk $0xffff, v8;
	v8 =	vadd.s32 $0x3480, v10;
	v18 =	vor.u32 $0x100, v63  }
0x4aa: {  	s31 =	simm.s32 $0x6C6;
	v31 =	vshll.u32 v27, $0x3;
	[tilespmem:v5+s20+$0x0] =	vst.idx.msk $0xffff, v15;
	v5 =	vld.idx.msk [tilespmem:v17+s18+$0x0], $0xffff;
	v15 =	vor.u32 $0x180, v2;
	v17 =	vor.u32 $0x300, v60  }
0x4ab: {  	v29 =	vadd.s32 s31, v0;
	v19 =	vld.idx.msk [tilespmem:v19+s18+$0x0], $0xffff;
	[tilespmem:v20+s20+$0x0] =	vst.idx.msk $0xffff, v6;
	v6 =	vor.u32 $0x100, v4;
	v20 =	vor.u32 $0x380, v59  }
0x4ac: {  	v26 =	vadd.s32 $0x6880, v11;
	v25 =	vor.u32 $0x180, v3;
	v16 =	vor.u32 $0x300, v61;
	[tilespmem:v22+s20+$0x0] =	vst.idx.msk $0xffff, v21;
	v22 =	vld.idx.msk [tilespmem:v23+s18+$0x0], $0xffff  }
0x4ad: {  	v28 =	vor.u32 $0x380, v62;
	v21 =	vadd.s32 $0x3500, v10;
	v24 =	vld.idx.msk [tilespmem:v24+s18+$0x0], $0xffff;
	[tilespmem:v14+s20+$0x0] =	vst.idx.msk $0xffff, v7;
	v14 =	vadd.s32 s31, v30  }
0x4ae: {  	v23 =	vadd.s32 $0x3500, v9;
	v7 =	vadd.s32 $0x6880, v12;
	v8 =	vld.idx.msk [tilespmem:v8+s18+$0x0], $0xffff;
	v43 =	vshll.u32 v14, $0x3;
	[tilespmem:v18+s20+$0x0] =	vst.idx.msk $0xffff, v13  }
0x4af: {  	v13 =	vand.u32 $0x7F, v27;
	v18 =	vand.u32 $0xFFFFFC00, v31;
	v14 =	vand.u32 $0x7F, v14;
	v15 =	vld.idx.msk [tilespmem:v15+s18+$0x0], $0xffff;
	[tilespmem:v17+s20+$0x0] =	vst.idx.msk $0xffff, v5  }
0x4b0: {  	v17 =	vand.u32 $0xFFFFFC00, v43;
	v5 =	vor.u32 v13, v18;
	v13 =	vor.u32 $0x180, v63;
	[tilespmem:v6+s20+$0x0] =	vst.idx.msk $0xffff, v19;
	v18 =	vld.idx.msk [tilespmem:v20+s18+$0x0], $0xffff  }
0x4b1: {  	v6 =	vor.u32 v14, v17;
	v17 =	vor.u32 $0x200, v2;
	v14 =	vld.idx.msk [tilespmem:v25+s18+$0x0], $0xffff;
	[tilespmem:v16+s20+$0x0] =	vst.idx.msk $0xffff, v22;
	v16 =	vor.u32 $0x380, v60  }
0x4b2: {  	v27 =	vadd.s32 $0x3400, v62;
	v19 =	vshll.u32 v29, $0x3;
	v20 =	vor.u32 $0x180, v4;
	[tilespmem:v26+s20+$0x0] =	vst.idx.msk $0xffff, v24;
	v22 =	vld.idx.msk [tilespmem:v28+s18+$0x0], $0xffff  }
0x4b3: {  	v25 =	vor.u32 $0x200, v3;
	v24 =	vor.u32 $0x380, v61;
	[tilespmem:v7+s20+$0x0] =	vst.idx.msk $0xffff, v8;
	v7 =	vadd.s32 s30, v0;
	v23 =	vld.idx.msk [tilespmem:v23+s18+$0x0], $0xffff  }
0x4b4: {  	v26 =	vadd.s32 $0x3580, v9;
	v28 =	vadd.s32 $0x6900, v11;
	v8 =	vshll.u32 v7, $0x3;
	v21 =	vld.idx.msk [tilespmem:v21+s18+$0x0], $0xffff  }
0x4b5: {  	[tilespmem:v13+s20+$0x0] =	vst.idx.msk $0xffff, v15;
	v13 =	vld.idx.msk [tilespmem:v5+s18+$0x0], $0xffff;
	v7 =	vand.u32 $0x7F, v7;
	v15 =	vadd.s32 $0x6900, v12;
	v8 =	vand.u32 $0xFC00, v8  }
0x4b6: {  	v19 =	vand.u32 $0x7FFFFC00, v19;
	[tilespmem:v16+s20+$0x0] =	vst.idx.msk $0xffff, v18;
	v7 =	vor.u32 v7, v8;
	v16 =	vld.idx.msk [tilespmem:v17+s18+$0x0], $0xffff;
	v17 =	vadd.s32 $0x3580, v10  }
0x4b7: {  	[tilespmem:v20+s20+$0x0] =	vst.idx.msk $0xffff, v14;
	v14 =	vld.idx.msk [tilespmem:v6+s18+$0x0], $0xffff;
	v8 =	vand.u32 $0x7F, v29;
	v18 =	vor.u32 $0x80, v5;
	v20 =	vor.u32 $0x200, v63  }
0x4b8: {  	[tilespmem:v24+s20+$0x0] =	vst.idx.msk $0xffff, v22;
	v8 =	vor.u32 v8, v19;
	v19 =	vld.idx.msk [tilespmem:v25+s18+$0x0], $0xffff;
	v22 =	vor.u32 $0x280, v2  }
0x4b9: {  	v24 =	vor.u32 $0x80, v6;
	v25 =	vor.u32 $0x200, v4;
	v27 =	vld.idx.msk [tilespmem:v27+s18+$0x0], $0xffff;
	[tilespmem:v28+s20+$0x0] =	vst.idx.msk $0xffff, v23  }
0x4ba: {  	v23 =	vor.u32 $0x280, v3;
	v28 =	vadd.s32 $0x6800, v61;
	v26 =	vld.idx.msk [tilespmem:v26+s18+$0x0], $0xffff;
	[tilespmem:v15+s20+$0x0] =	vst.idx.msk $0xffff, v21  }
0x4bb: {  	v29 =	vadd.s32 $0x6980, v11;
	v21 =	vadd.s32 $0x3480, v62;
	[tilespmem:v7+s20+$0x0] =	vst.idx.msk $0xffff, v13;
	v17 =	vld.idx.msk [tilespmem:v17+s18+$0x0], $0xffff  }
0x4bc: {  	[tilespmem:v20+s20+$0x0] =	vst.idx.msk $0xffff, v16;
	v16 =	vadd.s32 $0x3400, v59;
	v20 =	vadd.s32 $0x6980, v12;
	v18 =	vld.idx.msk [tilespmem:v18+s18+$0x0], $0xffff  }
0x4bd: {  	v31 =	vor.u32 $0x80, v7;
	[tilespmem:v8+s20+$0x0] =	vst.idx.msk $0xffff, v14;
	v32 =	vld.idx.msk [tilespmem:v22+s18+$0x0], $0xffff;
	v22 =	vadd.s32 $0x3600, v9  }
0x4be: {  	v41 =	vadd.s32 $0x6880, v61;
	v33 =	vor.u32 $0x100, v5;
	[tilespmem:v25+s20+$0x0] =	vst.idx.msk $0xffff, v19;
	v25 =	vor.u32 $0x280, v63;
	v34 =	vld.idx.msk [tilespmem:v24+s18+$0x0], $0xffff  }
0x4bf: {  	v36 =	vor.u32 $0x300, v2;
	v45 =	vor.u32 $0x300, v3;
	v35 =	vor.u32 $0x80, v8;
	v37 =	vld.idx.msk [tilespmem:v23+s18+$0x0], $0xffff;
	[tilespmem:v28+s20+$0x0] =	vst.idx.msk $0xffff, v27  }
0x4c0: {  	v44 =	vor.u32 $0x280, v4;
	v38 =	vor.u32 $0x100, v6;
	v15 =	vor.u32 $0x300, v8;
	v21 =	vld.idx.msk [tilespmem:v21+s18+$0x0], $0xffff;
	[tilespmem:v29+s20+$0x0] =	vst.idx.msk $0xffff, v26  }
0x4c1: {  	v13 =	vor.u32 $0x300, v4;
	v14 =	vor.u32 $0x180, v6;
	v19 =	vadd.s32 $0x3680, v9;
	v24 =	vld.idx.msk [tilespmem:v16+s18+$0x0], $0xffff;
	[tilespmem:v20+s20+$0x0] =	vst.idx.msk $0xffff, v17  }
0x4c2: {  	v9 =	vadd.s32 $0x6A80, v12;
	v23 =	vadd.s32 $0x3600, v10;
	v26 =	vadd.s32 $0x6800, v60;
	[tilespmem:v31+s20+$0x0] =	vst.idx.msk $0xffff, v18;
	v22 =	vld.idx.msk [tilespmem:v22+s18+$0x0], $0xffff  }
0x4c3: {  	v10 =	vadd.s32 $0x3680, v10;
	v27 =	vadd.s32 $0x6A00, v11;
	[tilespmem:v25+s20+$0x0] =	vst.idx.msk $0xffff, v32;
	v25 =	vadd.s32 $0x3480, v59;
	v33 =	vld.idx.msk [tilespmem:v33+s18+$0x0], $0xffff  }
0x4c4: {  	v29 =	vor.u32 $0x300, v63;
	v17 =	vadd.s32 $0x6A00, v12;
	[tilespmem:v35+s20+$0x0] =	vst.idx.msk $0xffff, v34;
	v35 =	vor.u32 $0x100, v7;
	v28 =	vld.idx.msk [tilespmem:v36+s18+$0x0], $0xffff  }
0x4c5: {  	v16 =	vadd.s32 $0x6A80, v11;
	v11 =	vadd.s32 $0x3500, v59;
	v36 =	vor.u32 $0x180, v5;
	[tilespmem:v44+s20+$0x0] =	vst.idx.msk $0xffff, v37;
	v34 =	vld.idx.msk [tilespmem:v38+s18+$0x0], $0xffff  }
0x4c6: {  	s24 =	simm.s32 $0x6;
	s25 =	simm.s32 $0x6F6;
	v32 =	vor.u32 $0x380, v2;
	v18 =	vadd.s32 $0x3500, v62;
	v37 =	vor.u32 $0x100, v8;
	v31 =	vld.idx.msk [tilespmem:v45+s18+$0x0], $0xffff;
	[tilespmem:v41+s20+$0x0] =	vst.idx.msk $0xffff, v21  }
.LBB2_12:
0x4c7: {  	s26 =	sadd.s32 $0xFFFFFFF0, s25;
	v21 =	vadd.s32 s25, v30;
	s24 =	sadd.s32 $0x2, s24;
	v38 =	vor.u32 $0x380, v3;
	[tilespmem:v26+s20+$0x0] =	vst.idx.msk $0xffff, v24;
	v24 =	vadd.s32 $0x6880, v60;
	v23 =	vld.idx.msk [tilespmem:v23+s18+$0x0], $0xffff;
	v12 =	vmovc v6  }
0x4c8: {  	v20 =	vmovc v60;
	v26 =	vadd.s32 s26, v0;
	v6 =	vadd.s32 s26, v30;
	v39 =	vshll.u32 v21, $0x3;
	p0 =	slt.u32 s24, $0x64;
	v25 =	vld.idx.msk [tilespmem:v25+s18+$0x0], $0xffff;
	[tilespmem:v27+s20+$0x0] =	vst.idx.msk $0xffff, v22  }
0x4c9: {  	v60 =	vmovc v63;
	v21 =	vand.u32 $0x7F, v21;
	v22 =	vshll.u32 v6, $0x3;
	v27 =	vand.u32 $0xFFFFFC00, v39;
	[tilespmem:v35+s20+$0x0] =	vst.idx.msk $0xffff, v33;
	v19 =	vld.idx.msk [tilespmem:v19+s18+$0x0], $0xffff  }
0x4ca: {  	v6 =	vand.u32 $0x7F, v6;
	v22 =	vand.u32 $0xFFFFFC00, v22;
	v21 =	vor.u32 v21, v27;
	v27 =	vld.idx.msk [tilespmem:v36+s18+$0x0], $0xffff;
	[tilespmem:v29+s20+$0x0] =	vst.idx.msk $0xffff, v28  }
0x4cb: {  	v28 =	vor.u32 $0x180, v7;
	v6 =	vor.u32 v6, v22;
	v22 =	vshll.u32 v26, $0x3;
	[tilespmem:v37+s20+$0x0] =	vst.idx.msk $0xffff, v34;
	v29 =	vld.idx.msk [tilespmem:v32+s18+$0x0], $0xffff  }
0x4cc: {  	v63 =	vmovc v7;
	v22 =	vand.u32 $0x7FFFFC00, v22;
	v32 =	vld.idx.msk [tilespmem:v14+s18+$0x0], $0xffff;
	v14 =	vor.u32 $0x180, v6;
	[tilespmem:v13+s20+$0x0] =	vst.idx.msk $0xffff, v31;
	v31 =	vor.u32 $0x380, v60  }
0x4cd: {  	v33 =	vor.u32 $0x180, v8;
	v36 =	vmovc v61;
	v61 =	vmov v4;
	v34 =	vor.u32 $0x200, v5;
	v35 =	vld.idx.msk [tilespmem:v38+s18+$0x0], $0xffff;
	[tilespmem:v17+s20+$0x0] =	vst.idx.msk $0xffff, v23  }
0x4ce: {  	v4 =	vmov v8;
	v13 =	vmov v15;
	v17 =	vor.u32 $0x380, v61;
	[tilespmem:v24+s20+$0x0] =	vst.idx.msk $0xffff, v25;
	v10 =	vld.idx.msk [tilespmem:v10+s18+$0x0], $0xffff  }
0x4cf: {  	v7 =	vadd.s32 s25, v0;
	v15 =	vor.u32 $0x200, v12;
	v23 =	vadd.s32 $0x3580, v62;
	v18 =	vld.idx.msk [tilespmem:v18+s18+$0x0], $0xffff;
	[tilespmem:v16+s20+$0x0] =	vst.idx.msk $0xffff, v19  }
0x4d0: {  	v8 =	vshll.u32 v7, $0x3;
	v16 =	vadd.s32 $0x3400, v3;
	v19 =	vadd.s32 $0x6900, v36;
	[tilespmem:v28+s20+$0x0] =	vst.idx.msk $0xffff, v27;
	v11 =	vld.idx.msk [tilespmem:v11+s18+$0x0], $0xffff  }
0x4d1: {  	v7 =	vand.u32 $0x7F, v7;
	v8 =	vand.u32 $0xFC00, v8;
	v25 =	vadd.s32 $0x6900, v20;
	v24 =	vld.idx.msk [tilespmem:v21+s18+$0x0], $0xffff;
	[tilespmem:v31+s20+$0x0] =	vst.idx.msk $0xffff, v29  }
0x4d2: {  	v7 =	vor.u32 v7, v8;
	v28 =	vadd.s32 $0x3580, v59;
	[tilespmem:v33+s20+$0x0] =	vst.idx.msk $0xffff, v32;
	v27 =	vld.idx.msk [tilespmem:v34+s18+$0x0], $0xffff  }
0x4d3: {  	v8 =	vand.u32 $0x7F, v26;
	v26 =	vor.u32 $0x80, v21;
	v31 =	vor.u32 $0x200, v63;
	v29 =	vld.idx.msk [tilespmem:v6+s18+$0x0], $0xffff;
	[tilespmem:v17+s20+$0x0] =	vst.idx.msk $0xffff, v35  }
0x4d4: {  	v8 =	vor.u32 v8, v22;
	v22 =	vor.u32 $0x280, v5;
	v17 =	vld.idx.msk [tilespmem:v15+s18+$0x0], $0xffff;
	[tilespmem:v9+s20+$0x0] =	vst.idx.msk $0xffff, v10  }
0x4d5: {  	v9 =	vor.u32 $0x80, v6;
	v15 =	vor.u32 $0x300, v8;
	v10 =	vor.u32 $0x200, v4;
	v16 =	vld.idx.msk [tilespmem:v16+s18+$0x0], $0xffff;
	[tilespmem:v19+s20+$0x0] =	vst.idx.msk $0xffff, v18  }
0x4d6: {  	v18 =	vor.u32 $0x280, v12;
	v19 =	vadd.s32 $0x6800, v61;
	v23 =	vld.idx.msk [tilespmem:v23+s18+$0x0], $0xffff;
	[tilespmem:v25+s20+$0x0] =	vst.idx.msk $0xffff, v11  }
0x4d7: {  	v11 =	vadd.s32 $0x3480, v3;
	[tilespmem:v7+s20+$0x0] =	vst.idx.msk $0xffff, v24;
	v24 =	vadd.s32 $0x6980, v36;
	v25 =	vld.idx.msk [tilespmem:v28+s18+$0x0], $0xffff  }
0x4d8: {  	v28 =	vadd.s32 $0x6980, v20;
	v26 =	vld.idx.msk [tilespmem:v26+s18+$0x0], $0xffff;
	[tilespmem:v31+s20+$0x0] =	vst.idx.msk $0xffff, v27;
	v27 =	vadd.s32 $0x3400, v2  }
0x4d9: {  	[tilespmem:v8+s20+$0x0] =	vst.idx.msk $0xffff, v29;
	v29 =	vor.u32 $0x80, v7;
	v31 =	vld.idx.msk [tilespmem:v22+s18+$0x0], $0xffff;
	v22 =	vadd.s32 $0x3600, v62  }
0x4da: {  	v32 =	vor.u32 $0x100, v21;
	v9 =	vld.idx.msk [tilespmem:v9+s18+$0x0], $0xffff;
	[tilespmem:v10+s20+$0x0] =	vst.idx.msk $0xffff, v17;
	v17 =	vor.u32 $0x280, v63  }
0x4db: {  	v37 =	vor.u32 $0x300, v5;
	v34 =	vor.u32 $0x80, v8;
	v18 =	vld.idx.msk [tilespmem:v18+s18+$0x0], $0xffff;
	[tilespmem:v19+s20+$0x0] =	vst.idx.msk $0xffff, v16  }
0x4dc: {  	v39 =	vor.u32 $0x280, v4;
	v38 =	vor.u32 $0x100, v6;
	v40 =	vld.idx.msk [tilespmem:v11+s18+$0x0], $0xffff;
	[tilespmem:v24+s20+$0x0] =	vst.idx.msk $0xffff, v23  }
0x4dd: {  	v41 =	vor.u32 $0x300, v12;
	v42 =	vadd.s32 $0x6880, v61;
	v23 =	vadd.s32 $0x3600, v59;
	v24 =	vld.idx.msk [tilespmem:v27+s18+$0x0], $0xffff;
	[tilespmem:v28+s20+$0x0] =	vst.idx.msk $0xffff, v25  }
.Ltmp5:
0x4de: {  	v10 =	vadd.s32 $0x3680, v59;
	v19 =	vadd.s32 $0x3680, v62;
	v59 =	vmovc v2;
	[tilespmem:v29+s20+$0x0] =	vst.idx.msk $0xffff, v26;
	v26 =	vadd.s32 $0x6800, v60;
	v22 =	vld.idx.msk [tilespmem:v22+s18+$0x0], $0xffff;
	(pc) =	sbr.rel @p0 .LBB2_12-.Ltmp5, $4  }
0x4df: {  	v2 =	vmovc v5;
	v25 =	vadd.s32 $0x3480, v59;
	v27 =	vadd.s32 $0x6A00, v36;
	v33 =	vld.idx.msk [tilespmem:v32+s18+$0x0], $0xffff;
	[tilespmem:v17+s20+$0x0] =	vst.idx.msk $0xffff, v31;
	v17 =	vadd.s32 $0x6A00, v20  }
0x4e0: {  	v35 =	vor.u32 $0x100, v7;
	v16 =	vadd.s32 $0x6A80, v36;
	v5 =	vmovc v21;
	[tilespmem:v34+s20+$0x0] =	vst.idx.msk $0xffff, v9;
	v28 =	vld.idx.msk [tilespmem:v37+s18+$0x0], $0xffff;
	v9 =	vadd.s32 $0x6A80, v20  }
0x4e1: {  	v62 =	vmovc v3;
	v36 =	vor.u32 $0x180, v5;
	v11 =	vadd.s32 $0x3500, v59;
	v29 =	vor.u32 $0x300, v63;
	v34 =	vld.idx.msk [tilespmem:v38+s18+$0x0], $0xffff;
	[tilespmem:v39+s20+$0x0] =	vst.idx.msk $0xffff, v18  }
0x4e2: {  	s25 =	sadd.s32 $0x20, s25;
	v3 =	vmovc v12;
	v32 =	vor.u32 $0x380, v2;
	v37 =	vor.u32 $0x100, v8;
	v18 =	vadd.s32 $0x3500, v62;
	v31 =	vld.idx.msk [tilespmem:v41+s18+$0x0], $0xffff;
	[tilespmem:v42+s20+$0x0] =	vst.idx.msk $0xffff, v40  }
0x4e3: {  	_ =	sdelay $0x3  }
0x4e4: {  	[tilespmem:v37+s20+$0x0] =	vst.idx.msk $0xffff, v34  }
0x4e5: {  	[tilespmem:v35+s20+$0x0] =	vst.idx.msk $0xffff, v33;
	v12 =	vld.idx.msk [tilespmem:v14+s18+$0x0], $0xffff;
	v14 =	vor.u32 $0x180, v8  }
0x4e6: {  	v21 =	vor.u32 $0x180, v7;
	v39 =	vor.u32 $0x200, v6;
	v20 =	vld.idx.msk [tilespmem:v36+s18+$0x0], $0xffff  }
0x4e7: {  	v40 =	vor.u32 $0x200, v5;
	_ =	sdelay $0x2  }
0x4e8: {  	[tilespmem:v14+s20+$0x0] =	vst.idx.msk $0xffff, v12  }
0x4e9: {  	[tilespmem:v21+s20+$0x0] =	vst.idx.msk $0xffff, v20;
	v14 =	vor.u32 $0x200, v8;
	v12 =	vld.idx.msk [tilespmem:v39+s18+$0x0], $0xffff  }
0x4ea: {  	v41 =	vor.u32 $0x280, v6;
	v21 =	vor.u32 $0x200, v7;
	v20 =	vld.idx.msk [tilespmem:v40+s18+$0x0], $0xffff  }
0x4eb: {  	v42 =	vor.u32 $0x280, v5;
	_ =	sdelay $0x2  }
0x4ec: {  	[tilespmem:v14+s20+$0x0] =	vst.idx.msk $0xffff, v12  }
0x4ed: {  	[tilespmem:v21+s20+$0x0] =	vst.idx.msk $0xffff, v20;
	v14 =	vor.u32 $0x280, v8;
	v12 =	vld.idx.msk [tilespmem:v41+s18+$0x0], $0xffff  }
0x4ee: {  	v43 =	vor.u32 $0x300, v6;
	v21 =	vor.u32 $0x280, v7;
	v20 =	vld.idx.msk [tilespmem:v42+s18+$0x0], $0xffff  }
0x4ef: {  	v44 =	vor.u32 $0x300, v5;
	_ =	sdelay $0x2  }
0x4f0: {  	v45 =	vor.u32 $0x380, v3;
	[tilespmem:v14+s20+$0x0] =	vst.idx.msk $0xffff, v12  }
0x4f1: {  	[tilespmem:v21+s20+$0x0] =	vst.idx.msk $0xffff, v20;
	v12 =	vld.idx.msk [tilespmem:v43+s18+$0x0], $0xffff  }
0x4f2: {  	v20 =	vor.u32 $0x300, v7;
	v21 =	vor.u32 $0x380, v6;
	v14 =	vld.idx.msk [tilespmem:v44+s18+$0x0], $0xffff  }
0x4f3: {  	v36 =	vor.u32 $0x380, v5  }
0x4f4: {  	[tilespmem:v13+s20+$0x0] =	vst.idx.msk $0xffff, v31  }
0x4f5: {  	[tilespmem:v29+s20+$0x0] =	vst.idx.msk $0xffff, v28;
	v28 =	vor.u32 $0x380, v4;
	v13 =	vld.idx.msk [tilespmem:v45+s18+$0x0], $0xffff  }
0x4f6: {  	v29 =	vld.idx.msk [tilespmem:v32+s18+$0x0], $0xffff;
	v37 =	vadd.s32 $0x3400, v3;
	v31 =	vor.u32 $0x380, v63;
	[tilespmem:v15+s20+$0x0] =	vst.idx.msk $0xffff, v12  }
0x4f7: {  	[tilespmem:v20+s20+$0x0] =	vst.idx.msk $0xffff, v14;
	v12 =	vadd.s32 $0x3400, v2;
	v15 =	vor.u32 $0x380, v8;
	v14 =	vld.idx.msk [tilespmem:v21+s18+$0x0], $0xffff  }
0x4f8: {  	[tilespmem:v26+s20+$0x0] =	vst.idx.msk $0xffff, v24;
	v24 =	vadd.s32 $0x3400, v6;
	v20 =	vld.idx.msk [tilespmem:v36+s18+$0x0], $0xffff;
	v21 =	vor.u32 $0x380, v7  }
0x4f9: {  	v23 =	vld.idx.msk [tilespmem:v23+s18+$0x0], $0xffff;
	[tilespmem:v27+s20+$0x0] =	vst.idx.msk $0xffff, v22;
	v22 =	vadd.s32 $0x3400, v5  }
0x4fa: {  	v26 =	vadd.s32 $0x6880, v60;
	v25 =	vld.idx.msk [tilespmem:v25+s18+$0x0], $0xffff;
	[tilespmem:v28+s20+$0x0] =	vst.idx.msk $0xffff, v13  }
0x4fb: {  	v27 =	vadd.s32 $0x6800, v4;
	[tilespmem:v31+s20+$0x0] =	vst.idx.msk $0xffff, v29;
	v13 =	vld.idx.msk [tilespmem:v37+s18+$0x0], $0xffff  }
0x4fc: {  	v29 =	vadd.s32 $0x6800, v63;
	v28 =	vadd.s32 $0x3480, v3;
	v12 =	vld.idx.msk [tilespmem:v12+s18+$0x0], $0xffff;
	[tilespmem:v15+s20+$0x0] =	vst.idx.msk $0xffff, v14  }
0x4fd: {  	v14 =	vadd.s32 $0x3480, v2;
	[tilespmem:v21+s20+$0x0] =	vst.idx.msk $0xffff, v20;
	v20 =	vadd.s32 $0x6800, v8;
	v15 =	vld.idx.msk [tilespmem:v24+s18+$0x0], $0xffff  }
0x4fe: {  	[tilespmem:v17+s20+$0x0] =	vst.idx.msk $0xffff, v23;
	v17 =	vadd.s32 $0x3480, v6;
	v21 =	vld.idx.msk [tilespmem:v22+s18+$0x0], $0xffff;
	v22 =	vadd.s32 $0x6800, v7  }
0x4ff: {  	v19 =	vld.idx.msk [tilespmem:v19+s18+$0x0], $0xffff;
	v23 =	vadd.s32 $0x3480, v5;
	[tilespmem:v26+s20+$0x0] =	vst.idx.msk $0xffff, v25  }
0x500: {  	v10 =	vld.idx.msk [tilespmem:v10+s18+$0x0], $0xffff;
	[tilespmem:v27+s20+$0x0] =	vst.idx.msk $0xffff, v13  }
0x501: {  	v13 =	vld.idx.msk [tilespmem:v28+s18+$0x0], $0xffff;
	v24 =	vadd.s32 $0x6880, v4;
	[tilespmem:v29+s20+$0x0] =	vst.idx.msk $0xffff, v12  }
0x502: {  	v25 =	vadd.s32 $0x6880, v63;
	v12 =	vadd.s32 $0x3500, v3;
	v14 =	vld.idx.msk [tilespmem:v14+s18+$0x0], $0xffff;
	[tilespmem:v20+s20+$0x0] =	vst.idx.msk $0xffff, v15  }
0x503: {  	v15 =	vadd.s32 $0x3500, v2;
	v20 =	vadd.s32 $0x6880, v8;
	[tilespmem:v22+s20+$0x0] =	vst.idx.msk $0xffff, v21;
	v17 =	vld.idx.msk [tilespmem:v17+s18+$0x0], $0xffff  }
0x504: {  	[tilespmem:v16+s20+$0x0] =	vst.idx.msk $0xffff, v19;
	v16 =	vadd.s32 $0x3500, v6;
	v19 =	vadd.s32 $0x6880, v7;
	v21 =	vld.idx.msk [tilespmem:v23+s18+$0x0], $0xffff  }
0x505: {  	v18 =	vld.idx.msk [tilespmem:v18+s18+$0x0], $0xffff;
	[tilespmem:v9+s20+$0x0] =	vst.idx.msk $0xffff, v10;
	v9 =	vadd.s32 $0x3500, v5;
	v22 =	vadd.s32 $0x6900, v61  }
0x506: {  	v11 =	vld.idx.msk [tilespmem:v11+s18+$0x0], $0xffff;
	v10 =	vadd.s32 $0x3580, v62;
	[tilespmem:v24+s20+$0x0] =	vst.idx.msk $0xffff, v13;
	v23 =	vadd.s32 $0x6900, v60  }
0x507: {  	v13 =	vadd.s32 $0x3580, v59;
	v12 =	vld.idx.msk [tilespmem:v12+s18+$0x0], $0xffff;
	[tilespmem:v25+s20+$0x0] =	vst.idx.msk $0xffff, v14;
	v14 =	vadd.s32 $0x6900, v4  }
0x508: {  	v24 =	vadd.s32 $0x3580, v3;
	v25 =	vadd.s32 $0x6900, v63;
	v15 =	vld.idx.msk [tilespmem:v15+s18+$0x0], $0xffff;
	[tilespmem:v20+s20+$0x0] =	vst.idx.msk $0xffff, v17  }
0x509: {  	v17 =	vadd.s32 $0x3580, v2;
	[tilespmem:v19+s20+$0x0] =	vst.idx.msk $0xffff, v21;
	v19 =	vadd.s32 $0x6900, v8;
	v16 =	vld.idx.msk [tilespmem:v16+s18+$0x0], $0xffff  }
0x50a: {  	[tilespmem:v22+s20+$0x0] =	vst.idx.msk $0xffff, v18;
	v18 =	vadd.s32 $0x3580, v6;
	v20 =	vadd.s32 $0x6900, v7;
	v9 =	vld.idx.msk [tilespmem:v9+s18+$0x0], $0xffff  }
0x50b: {  	v10 =	vld.idx.msk [tilespmem:v10+s18+$0x0], $0xffff;
	[tilespmem:v23+s20+$0x0] =	vst.idx.msk $0xffff, v11;
	v11 =	vadd.s32 $0x6980, v61;
	v21 =	vadd.s32 $0x3580, v5  }
0x50c: {  	v22 =	vadd.s32 $0x6980, v60;
	v23 =	vadd.s32 $0x3600, v62;
	v13 =	vld.idx.msk [tilespmem:v13+s18+$0x0], $0xffff;
	[tilespmem:v14+s20+$0x0] =	vst.idx.msk $0xffff, v12  }
0x50d: {  	v12 =	vadd.s32 $0x3600, v59;
	v14 =	vld.idx.msk [tilespmem:v24+s18+$0x0], $0xffff;
	[tilespmem:v25+s20+$0x0] =	vst.idx.msk $0xffff, v15;
	v15 =	vadd.s32 $0x6980, v4  }
0x50e: {  	v24 =	vadd.s32 $0x6980, v63;
	v25 =	vadd.s32 $0x3600, v3;
	v17 =	vld.idx.msk [tilespmem:v17+s18+$0x0], $0xffff;
	[tilespmem:v19+s20+$0x0] =	vst.idx.msk $0xffff, v16  }
0x50f: {  	v16 =	vadd.s32 $0x3600, v2;
	[tilespmem:v20+s20+$0x0] =	vst.idx.msk $0xffff, v9;
	v9 =	vadd.s32 $0x6980, v8;
	v18 =	vld.idx.msk [tilespmem:v18+s18+$0x0], $0xffff  }
0x510: {  	[tilespmem:v11+s20+$0x0] =	vst.idx.msk $0xffff, v10;
	v11 =	vadd.s32 $0x6980, v7;
	v19 =	vadd.s32 $0x3600, v6;
	v10 =	vld.idx.msk [tilespmem:v21+s18+$0x0], $0xffff  }
0x511: {  	[tilespmem:v22+s20+$0x0] =	vst.idx.msk $0xffff, v13;
	v13 =	vld.idx.msk [tilespmem:v23+s18+$0x0], $0xffff;
	v20 =	vadd.s32 $0x6A00, v61;
	v21 =	vadd.s32 $0x3600, v5  }
0x512: {  	v22 =	vadd.s32 $0x3680, v62;
	v23 =	vadd.s32 $0x6A00, v60;
	v12 =	vld.idx.msk [tilespmem:v12+s18+$0x0], $0xffff;
	[tilespmem:v15+s20+$0x0] =	vst.idx.msk $0xffff, v14  }
0x513: {  	v14 =	vadd.s32 $0x3680, v59;
	[tilespmem:v24+s20+$0x0] =	vst.idx.msk $0xffff, v17;
	v15 =	vld.idx.msk [tilespmem:v25+s18+$0x0], $0xffff;
	v17 =	vadd.s32 $0x6A00, v4  }
0x514: {  	v3 =	vadd.s32 $0x3680, v3;
	v24 =	vadd.s32 $0x6A00, v63;
	v16 =	vld.idx.msk [tilespmem:v16+s18+$0x0], $0xffff;
	[tilespmem:v9+s20+$0x0] =	vst.idx.msk $0xffff, v18  }
0x515: {  	v2 =	vadd.s32 $0x3680, v2;
	[tilespmem:v11+s20+$0x0] =	vst.idx.msk $0xffff, v10;
	v10 =	vadd.s32 $0x6A00, v8;
	v9 =	vld.idx.msk [tilespmem:v19+s18+$0x0], $0xffff  }
0x516: {  	v6 =	vadd.s32 $0x3680, v6;
	[tilespmem:v20+s20+$0x0] =	vst.idx.msk $0xffff, v13;
	v11 =	vadd.s32 $0x6A00, v7;
	v13 =	vld.idx.msk [tilespmem:v21+s18+$0x0], $0xffff  }
0x517: {  	v5 =	vadd.s32 $0x3680, v5;
	v18 =	vadd.s32 $0x6A80, v61;
	v19 =	vld.idx.msk [tilespmem:v22+s18+$0x0], $0xffff;
	[tilespmem:v23+s20+$0x0] =	vst.idx.msk $0xffff, v12  }
0x518: {  	v12 =	vadd.s32 $0x6A80, v60;
	v14 =	vld.idx.msk [tilespmem:v14+s18+$0x0], $0xffff;
	[tilespmem:v17+s20+$0x0] =	vst.idx.msk $0xffff, v15  }
0x519: {  	v4 =	vadd.s32 $0x6A80, v4;
	v3 =	vld.idx.msk [tilespmem:v3+s18+$0x0], $0xffff;
	[tilespmem:v24+s20+$0x0] =	vst.idx.msk $0xffff, v16  }
0x51a: {  	v15 =	vadd.s32 $0x6A80, v63;
	v2 =	vld.idx.msk [tilespmem:v2+s18+$0x0], $0xffff;
	[tilespmem:v10+s20+$0x0] =	vst.idx.msk $0xffff, v9  }
0x51b: {  	v8 =	vadd.s32 $0x6A80, v8;
	[tilespmem:v11+s20+$0x0] =	vst.idx.msk $0xffff, v13;
	v6 =	vld.idx.msk [tilespmem:v6+s18+$0x0], $0xffff  }
0x51c: {  	v7 =	vadd.s32 $0x6A80, v7;
	[tilespmem:v18+s20+$0x0] =	vst.idx.msk $0xffff, v19;
	v5 =	vld.idx.msk [tilespmem:v5+s18+$0x0], $0xffff  }
0x51d: {  	[tilespmem:v12+s20+$0x0] =	vst.idx.msk $0xffff, v14  }
0x51e: {  	[tilespmem:v4+s20+$0x0] =	vst.idx.msk $0xffff, v3  }
0x51f: {  	[tilespmem:v15+s20+$0x0] =	vst.idx.msk $0xffff, v2  }
0x520: {  	[tilespmem:v8+s20+$0x0] =	vst.idx.msk $0xffff, v6  }
0x521: {  	[tilespmem:v7+s20+$0x0] =	vst.idx.msk $0xffff, v5  }
0x522: {  	v2 =	vld [tilespmem:$0x1FF10];
	_ =	sdelay $0x4  }
0x523: {  	v3 =	vld [tilespmem:$0x1FF20];
	_ =	sdelay $0x2  }
0x524: {  	v2 =	vld.idx.msk [tilespmem:v2+s18+$0x0], $0xffff;
	_ =	sdelay $0x4  }
0x525: {  	[tilespmem:v3+s20+$0x0] =	vst.idx.msk $0xffff, v2;
	v2 =	vld [tilespmem:$0x1FF30];
	_ =	sdelay $0x4  }
0x526: {  	v3 =	vld [tilespmem:$0x1FF40];
	_ =	sdelay $0x2  }
0x527: {  	v2 =	vld.idx.msk [tilespmem:v2+s18+$0x0], $0xffff;
	_ =	sdelay $0x4  }
0x528: {  	[tilespmem:v3+s20+$0x0] =	vst.idx.msk $0xffff, v2;
	v2 =	vld [tilespmem:$0x1FF50];
	_ =	sdelay $0x4  }
0x529: {  	v3 =	vld [tilespmem:$0x1FF60];
	_ =	sdelay $0x2  }
0x52a: {  	v2 =	vld.idx.msk [tilespmem:v2+s18+$0x0], $0xffff;
	_ =	sdelay $0x4  }
0x52b: {  	[tilespmem:v3+s20+$0x0] =	vst.idx.msk $0xffff, v2;
	v2 =	vld [tilespmem:$0x1FF70];
	_ =	sdelay $0x4  }
0x52c: {  	v3 =	vld [tilespmem:$0x1FF80];
	_ =	sdelay $0x2  }
0x52d: {  	v2 =	vld.idx.msk [tilespmem:v2+s18+$0x0], $0xffff;
	_ =	sdelay $0x4  }
0x52e: {  	[tilespmem:v3+s20+$0x0] =	vst.idx.msk $0xffff, v2;
	v2 =	vld [tilespmem:$0x1FF90];
	_ =	sdelay $0x4  }
0x52f: {  	v3 =	vld [tilespmem:$0x1FFA0];
	_ =	sdelay $0x2  }
0x530: {  	v2 =	vld.idx.msk [tilespmem:v2+s18+$0x0], $0xffff;
	_ =	sdelay $0x4  }
0x531: {  	[tilespmem:v3+s20+$0x0] =	vst.idx.msk $0xffff, v2;
	v2 =	vld [tilespmem:$0x1FFB0];
	_ =	sdelay $0x4  }
0x532: {  	v3 =	vld [tilespmem:$0x1FFC0];
	_ =	sdelay $0x2  }
0x533: {  	v2 =	vld.idx.msk [tilespmem:v2+s18+$0x0], $0xffff;
	_ =	sdelay $0x4  }
0x534: {  	[tilespmem:v3+s20+$0x0] =	vst.idx.msk $0xffff, v2;
	v2 =	vld [tilespmem:$0x1FFD0];
	_ =	sdelay $0x4  }
0x535: {  	v3 =	vld [tilespmem:$0x1FFE0];
	_ =	sdelay $0x2  }
0x536: {  	v2 =	vld.idx.msk [tilespmem:v2+s18+$0x0], $0xffff;
	_ =	sdelay $0x4  }
0x537: {  	[tilespmem:v3+s20+$0x0] =	vst.idx.msk $0xffff, v2;
	v2 =	vld [tilespmem:$0x1FFF0];
	_ =	sdelay $0x7  }
0x538: {  	v2 =	vld.idx.msk [tilespmem:v2+s18+$0x0], $0xffff;
	_ =	sdelay $0x4  }
0x539: {  	[tilespmem:v46+s20+$0x0] =	vst.idx.msk $0xffff, v2  }
0x53a: {  	v2 =	vld.idx.msk [tilespmem:v47+s18+$0x0], $0xffff;
	_ =	sdelay $0x4  }
0x53b: {  	[tilespmem:v48+s20+$0x0] =	vst.idx.msk $0xffff, v2  }
0x53c: {  	v2 =	vld.idx.msk [tilespmem:v49+s18+$0x0], $0xffff;
	_ =	sdelay $0x4  }
0x53d: {  	[tilespmem:v50+s20+$0x0] =	vst.idx.msk $0xffff, v2  }
0x53e: {  	v2 =	vld.idx.msk [tilespmem:v51+s18+$0x0], $0xffff;
	_ =	sdelay $0x4  }
0x53f: {  	[tilespmem:v52+s20+$0x0] =	vst.idx.msk $0xffff, v2  }
0x540: {  	v2 =	vld.idx.msk [tilespmem:v53+s18+$0x0], $0xffff;
	_ =	sdelay $0x4  }
0x541: {  	[tilespmem:v54+s20+$0x0] =	vst.idx.msk $0xffff, v2  }
0x542: {  	v2 =	vld.idx.msk [tilespmem:v55+s18+$0x0], $0xffff;
	_ =	sdelay $0x4  }
0x543: {  	[tilespmem:v56+s20+$0x0] =	vst.idx.msk $0xffff, v2  }
0x544: {  	v2 =	vld.idx.msk [tilespmem:v57+s18+$0x0], $0xffff;
	_ =	sdelay $0x4  }
0x545: {  	s24 =	simm.s32 $0x0;
	s25 =	simm.s32 $0x10;
	[tilespmem:v58+s20+$0x0] =	vst.idx.msk $0xffff, v2  }
0x546: {  	[hbm4b:s12+s24] =	stream.linear.scatter [tilespmem:s20], [sflag:$0x3], $0xD000, $0x38;
	[tilespmem:$0x1A000] =	vst v63  }
0x547: {  	v2 =	vadd.s32 s25, v1  }
0x548: {  	v3 =	vadd.s32 s24, v1;
	v4 =	vshll.u32 v2, $0x3;
	[tilespmem:s18], [sflag:$0x2] =	stream.strided.gather [hbm4b:s13+s16], $0x6800, s17, s16, $0x38;
	[tilespmem:$0x1A000] =	vst v63  }
0x549: {  	v5 =	vshll.u32 v3, $0x3;
	v2 =	vand.u32 $0x7F, v2;
	v4 =	vand.u32 $0x7C00, v4;
	_ =	swait.ge [sflag:s19], $0x6800  }
0x54a: {  	v3 =	vand.u32 $0x7F, v3;
	v5 =	vand.u32 $0x7C00, v5;
	v9 =	vor.u32 v2, v4;
	[sflag:s19] =	ssyncset.done $0x0  }
0x54b: {  	v11 =	vor.u32 v3, v5;
	[sflag:s19] =	ssyncadd.s32 $0xFFFF9800  }
0x54c: {  	v3 =	vor.u32 s25, v0;
	v2 =	vmov s25;
	_ =	swait.ge [sflag:s22], $0xD000  }
0x54d: {  	v5 =	vor.u32 s24, v0;
	v4 =	vmov s24;
	v2 =	vshll.u32 v2, $0x3;
	[sflag:s22] =	ssyncset.done $0x0  }
0x54e: {  	v3 =	vand.u32 $0x7F, v3;
	v4 =	vshll.u32 v4, $0x3;
	v2 =	vand.u32 $0x7C00, v2;
	[sflag:s22] =	ssyncadd.s32 $0xFFFF3000  }
0x54f: {  	v5 =	vand.u32 $0x6F, v5;
	v6 =	vand.u32 $0x3C00, v4;
	v10 =	vor.u32 v3, v2;
	v7 =	vld.idx.msk [tilespmem:v9+s1+$0x0], $0xffff  }
0x550: {  	v12 =	vor.u32 v5, v6;
	v3 =	vor.u32 $0x80, v9;
	v2 =	vld.idx.msk [tilespmem:v11+s1+$0x0], $0xffff  }
0x551: {  	v6 =	vor.u32 $0x80, v11;
	_ =	sdelay $0x2  }
0x552: {  	[tilespmem:v10+s20+$0x0] =	vst.idx.msk $0xffff, v7  }
0x553: {  	s25 =	simm.s32 $0x20;
	[tilespmem:v12+s20+$0x0] =	vst.idx.msk $0xffff, v2;
	v2 =	vld.idx.msk [tilespmem:v3+s1+$0x0], $0xffff;
	v3 =	vor.u32 $0x80, v10  }
0x554: {  	v8 =	vor.u32 $0x100, v9;
	v13 =	vadd.s32 s25, v1;
	v7 =	vor.u32 $0x80, v12;
	v6 =	vld.idx.msk [tilespmem:v6+s1+$0x0], $0xffff  }
0x555: {  	s26 =	simm.s32 $0x30;
	v14 =	vor.u32 $0x100, v11;
	v15 =	vshll.u32 v13, $0x3  }
0x556: {  	v16 =	vadd.s32 s26, v1;
	v13 =	vand.u32 $0x7F, v13;
	v15 =	vand.u32 $0x7C00, v15  }
0x557: {  	v18 =	vshll.u32 v16, $0x3;
	v17 =	vor.u32 $0x180, v9;
	v59 =	vor.u32 v13, v15  }
0x558: {  	v13 =	vor.u32 $0x100, v12;
	[tilespmem:v3+s20+$0x0] =	vst.idx.msk $0xffff, v2;
	v2 =	vand.u32 $0x7F, v16;
	v3 =	vand.u32 $0x7C00, v18  }
0x559: {  	[tilespmem:v7+s20+$0x0] =	vst.idx.msk $0xffff, v6;
	v7 =	vor.u32 $0x100, v10;
	v6 =	vld.idx.msk [tilespmem:v8+s1+$0x0], $0xffff;
	v61 =	vor.u32 v2, v3;
	v2 =	vmov s25  }
0x55a: {  	v3 =	vld.idx.msk [tilespmem:v14+s1+$0x0], $0xffff;
	v8 =	vor.u32 $0x180, v11;
	v14 =	vor.u32 s25, v0;
	v15 =	vshll.u32 v2, $0x3  }
0x55b: {  	v2 =	vmov s26;
	v16 =	vand.u32 $0x6F, v14;
	v14 =	vand.u32 $0x3C00, v15  }
0x55c: {  	v19 =	vld.idx.msk [tilespmem:v59+s1+$0x0], $0xffff;
	v18 =	vor.u32 s26, v0;
	v2 =	vshll.u32 v2, $0x3;
	v60 =	vor.u32 v16, v14  }
0x55d: {  	v18 =	vand.u32 $0x7F, v18;
	v2 =	vand.u32 $0x7C00, v2;
	v14 =	vor.u32 $0x80, v59  }
0x55e: {  	v62 =	vor.u32 v18, v2;
	[tilespmem:v7+s20+$0x0] =	vst.idx.msk $0xffff, v6;
	v6 =	vld.idx.msk [tilespmem:v61+s1+$0x0], $0xffff  }
0x55f: {  	[tilespmem:v13+s20+$0x0] =	vst.idx.msk $0xffff, v3;
	v3 =	vor.u32 $0x180, v10;
	v7 =	vor.u32 $0x80, v61;
	v2 =	vld.idx.msk [tilespmem:v17+s1+$0x0], $0xffff  }
0x560: {  	v13 =	vor.u32 $0x180, v12;
	v8 =	vld.idx.msk [tilespmem:v8+s1+$0x0], $0xffff;
	v17 =	vor.u32 $0x200, v9  }
0x561: {  	v18 =	vor.u32 $0x200, v11;
	[tilespmem:v60+s20+$0x0] =	vst.idx.msk $0xffff, v19  }
0x562: {  	v19 =	vor.u32 $0x80, v60;
	v14 =	vld.idx.msk [tilespmem:v14+s1+$0x0], $0xffff  }
0x563: {  	[tilespmem:v62+s20+$0x0] =	vst.idx.msk $0xffff, v6;
	v6 =	vor.u32 $0x100, v59  }
0x564: {  	[tilespmem:v3+s20+$0x0] =	vst.idx.msk $0xffff, v2;
	v2 =	vld.idx.msk [tilespmem:v7+s1+$0x0], $0xffff;
	v3 =	vor.u32 $0x80, v62  }
0x565: {  	[tilespmem:v13+s20+$0x0] =	vst.idx.msk $0xffff, v8;
	v8 =	vor.u32 $0x200, v10;
	v13 =	vor.u32 $0x100, v61;
	v7 =	vld.idx.msk [tilespmem:v17+s1+$0x0], $0xffff  }
0x566: {  	v20 =	vor.u32 $0x280, v9;
	v17 =	vld.idx.msk [tilespmem:v18+s1+$0x0], $0xffff;
	v18 =	vor.u32 $0x200, v12  }
0x567: {  	s28 =	simm.s32 $0x40;
	s29 =	simm.s32 $0x50;
	v5 =	vor.u32 v4, v5;
	v4 =	vor.u32 $0x280, v11;
	[tilespmem:v19+s20+$0x0] =	vst.idx.msk $0xffff, v14  }
0x568: {  	v28 =	vadd.s32 s29, v1;
	v24 =	vadd.s32 s28, v1;
	v21 =	vor.u32 $0x100, v60;
	v6 =	vld.idx.msk [tilespmem:v6+s1+$0x0], $0xffff  }
0x569: {  	v23 =	vor.u32 $0x300, v11;
	v27 =	vor.u32 $0x380, v9;
	[tilespmem:v3+s20+$0x0] =	vst.idx.msk $0xffff, v2;
	v2 =	vor.u32 $0x180, v59  }
0x56a: {  	v22 =	vor.u32 $0x280, v12;
	v26 =	vor.u32 $0x180, v60;
	[tilespmem:v8+s20+$0x0] =	vst.idx.msk $0xffff, v7;
	v8 =	vld.idx.msk [tilespmem:v13+s1+$0x0], $0xffff;
	v13 =	vor.u32 $0x100, v62  }
0x56b: {  	v19 =	vor.u32 $0x300, v10;
	v14 =	vor.u32 $0x180, v61;
	v3 =	vor.u32 $0x280, v10;
	[tilespmem:v18+s20+$0x0] =	vst.idx.msk $0xffff, v17;
	v17 =	vld.idx.msk [tilespmem:v20+s1+$0x0], $0xffff  }
0x56c: {  	v7 =	vor.u32 $0x300, v9;
	v18 =	vor.u32 $0x300, v5;
	v25 =	vld.idx.msk [tilespmem:v4+s1+$0x0], $0xffff;
	v4 =	vshll.u32 v24, $0x3  }
0x56d: {  	v20 =	vor.u32 $0x380, v11;
	v24 =	vand.u32 $0x7F, v24;
	v4 =	vand.u32 $0x7C00, v4;
	[tilespmem:v21+s20+$0x0] =	vst.idx.msk $0xffff, v6  }
0x56e: {  	v6 =	vmov s29;
	v21 =	vshll.u32 v28, $0x3;
	v63 =	vor.u32 v24, v4;
	v2 =	vld.idx.msk [tilespmem:v2+s1+$0x0], $0xffff  }
0x56f: {  	v4 =	vand.u32 $0x7F, v28;
	v21 =	vand.u32 $0x7C00, v21;
	[tilespmem:v13+s20+$0x0] =	vst.idx.msk $0xffff, v8;
	v8 =	vor.u32 $0x200, v59  }
0x570: {  	v4 =	vor.u32 v4, v21;
	v13 =	vmov s28;
	[tilespmem:v3+s20+$0x0] =	vst.idx.msk $0xffff, v17;
	v3 =	vld.idx.msk [tilespmem:v14+s1+$0x0], $0xffff;
	v17 =	vor.u32 $0x180, v62  }
0x571: {  	v21 =	vor.u32 $0x200, v61;
	[tilespmem:v22+s20+$0x0] =	vst.idx.msk $0xffff, v25;
	v14 =	vor.u32 s28, v0;
	v13 =	vshll.u32 v13, $0x3;
	v7 =	vld.idx.msk [tilespmem:v7+s1+$0x0], $0xffff  }
0x572: {  	v24 =	vor.u32 s29, v0;
	v22 =	vld.idx.msk [tilespmem:v23+s1+$0x0], $0xffff;
	v14 =	vand.u32 $0x6F, v14;
	v23 =	vand.u32 $0x3C00, v13  }
0x573: {  	v6 =	vshll.u32 v6, $0x3;
	v24 =	vand.u32 $0x7F, v24;
	v25 =	vld.idx.msk [tilespmem:v63+s1+$0x0], $0xffff;
	[tilespmem:v26+s20+$0x0] =	vst.idx.msk $0xffff, v2;
	v2 =	vor.u32 v14, v23  }
0x574: {  	v6 =	vand.u32 $0x7C00, v6;
	v23 =	vor.u32 $0x80, v63;
	v26 =	vor.u32 $0x200, v60;
	v8 =	vld.idx.msk [tilespmem:v8+s1+$0x0], $0xffff  }
0x575: {  	[tilespmem:v17+s20+$0x0] =	vst.idx.msk $0xffff, v3;
	v17 =	vld.idx.msk [tilespmem:v4+s1+$0x0], $0xffff;
	v3 =	vor.u32 v24, v6;
	v6 =	vor.u32 $0x280, v59  }
0x576: {  	[tilespmem:v19+s20+$0x0] =	vst.idx.msk $0xffff, v7;
	v7 =	vld.idx.msk [tilespmem:v21+s1+$0x0], $0xffff;
	v19 =	vor.u32 $0x80, v4;
	v21 =	vor.u32 $0x200, v62  }
0x577: {  	v24 =	vor.u32 $0x280, v61;
	[tilespmem:v18+s20+$0x0] =	vst.idx.msk $0xffff, v22;
	v22 =	vor.u32 $0x380, v10;
	v18 =	vld.idx.msk [tilespmem:v27+s1+$0x0], $0xffff  }
0x578: {  	v5 =	vor.u32 $0x380, v5;
	v20 =	vld.idx.msk [tilespmem:v20+s1+$0x0], $0xffff;
	v27 =	vadd.s32 $0x3400, v9;
	[tilespmem:v2+s20+$0x0] =	vst.idx.msk $0xffff, v25  }
0x579: {  	v25 =	vor.u32 $0x80, v2;
	v23 =	vld.idx.msk [tilespmem:v23+s1+$0x0], $0xffff;
	[tilespmem:v26+s20+$0x0] =	vst.idx.msk $0xffff, v8;
	v8 =	vadd.s32 $0x3400, v11  }
0x57a: {  	v26 =	vor.u32 $0x280, v60;
	[tilespmem:v3+s20+$0x0] =	vst.idx.msk $0xffff, v17;
	v6 =	vld.idx.msk [tilespmem:v6+s1+$0x0], $0xffff;
	v17 =	vor.u32 $0x100, v63  }
0x57b: {  	v19 =	vld.idx.msk [tilespmem:v19+s1+$0x0], $0xffff;
	[tilespmem:v21+s20+$0x0] =	vst.idx.msk $0xffff, v7;
	v7 =	vor.u32 $0x80, v3;
	v21 =	vor.u32 $0x300, v59  }
0x57c: {  	v15 =	vor.u32 v15, v16;
	[tilespmem:v22+s20+$0x0] =	vst.idx.msk $0xffff, v18;
	v16 =	vld.idx.msk [tilespmem:v24+s1+$0x0], $0xffff;
	v18 =	vor.u32 $0x100, v4;
	v22 =	vor.u32 $0x280, v62  }
0x57d: {  	v44 =	vadd.s32 $0x3580, v11;
	[tilespmem:v5+s20+$0x0] =	vst.idx.msk $0xffff, v20;
	v20 =	vadd.s32 $0x6800, v10;
	v5 =	vld.idx.msk [tilespmem:v27+s1+$0x0], $0xffff;
	v27 =	vor.u32 $0x300, v61  }
0x57e: {  	v29 =	vadd.s32 $0x3480, v9;
	v38 =	vor.u32 $0x380, v59;
	v8 =	vld.idx.msk [tilespmem:v8+s1+$0x0], $0xffff;
	[tilespmem:v25+s20+$0x0] =	vst.idx.msk $0xffff, v23;
	v23 =	vadd.s32 $0x6800, v12  }
0x57f: {  	v40 =	vor.u32 $0x380, v61;
	v17 =	vld.idx.msk [tilespmem:v17+s1+$0x0], $0xffff;
	[tilespmem:v26+s20+$0x0] =	vst.idx.msk $0xffff, v6;
	v6 =	vadd.s32 $0x3480, v11;
	v26 =	vor.u32 $0x100, v2  }
0x580: {  	v31 =	vor.u32 $0x300, v15;
	v28 =	vor.u32 $0x180, v4;
	[tilespmem:v7+s20+$0x0] =	vst.idx.msk $0xffff, v19;
	v7 =	vld.idx.msk [tilespmem:v21+s1+$0x0], $0xffff;
	v21 =	vor.u32 $0x180, v63  }
0x581: {  	s30 =	simm.s32 $0x60;
	v24 =	vor.u32 $0x300, v62;
	v25 =	vadd.s32 $0x6880, v10;
	v18 =	vld.idx.msk [tilespmem:v18+s1+$0x0], $0xffff;
	[tilespmem:v22+s20+$0x0] =	vst.idx.msk $0xffff, v16;
	v22 =	vor.u32 $0x100, v3  }
0x582: {  	s31 =	simm.s32 $0x70;
	v19 =	vadd.s32 $0x3500, v11;
	v16 =	vadd.s32 $0x3500, v9;
	[tilespmem:v20+s20+$0x0] =	vst.idx.msk $0xffff, v5;
	v20 =	vld.idx.msk [tilespmem:v27+s1+$0x0], $0xffff;
	v5 =	vadd.s32 s30, v1  }
0x583: {  	v27 =	vadd.s32 $0x6880, v12;
	v29 =	vld.idx.msk [tilespmem:v29+s1+$0x0], $0xffff;
	[tilespmem:v23+s20+$0x0] =	vst.idx.msk $0xffff, v8;
	v8 =	vshll.u32 v5, $0x3;
	v23 =	vadd.s32 s31, v1  }
0x584: {  	v5 =	vand.u32 $0x7F, v5;
	v41 =	vld.idx.msk [tilespmem:v6+s1+$0x0], $0xffff;
	v6 =	vand.u32 $0x7C00, v8;
	v8 =	vshll.u32 v23, $0x3;
	[tilespmem:v26+s20+$0x0] =	vst.idx.msk $0xffff, v17  }
0x585: {  	v5 =	vor.u32 v5, v6;
	v6 =	vand.u32 $0x7F, v23;
	v8 =	vand.u32 $0x7C00, v8;
	v17 =	vld.idx.msk [tilespmem:v21+s1+$0x0], $0xffff;
	[tilespmem:v31+s20+$0x0] =	vst.idx.msk $0xffff, v7  }
0x586: {  	v43 =	vadd.s32 $0x6900, v12;
	v39 =	vor.u32 $0x180, v2;
	v6 =	vor.u32 v6, v8;
	[tilespmem:v22+s20+$0x0] =	vst.idx.msk $0xffff, v18;
	v8 =	vld.idx.msk [tilespmem:v38+s1+$0x0], $0xffff  }
0x587: {  	v15 =	vor.u32 $0x380, v15;
	v26 =	vmov s30;
	v18 =	vld.idx.msk [tilespmem:v28+s1+$0x0], $0xffff;
	[tilespmem:v24+s20+$0x0] =	vst.idx.msk $0xffff, v20;
	v20 =	vor.u32 $0x200, v63  }
0x588: {  	v7 =	vmov s31;
	v21 =	vor.u32 s31, v0;
	v22 =	vor.u32 $0x180, v3;
	[tilespmem:v25+s20+$0x0] =	vst.idx.msk $0xffff, v29;
	v23 =	vld.idx.msk [tilespmem:v40+s1+$0x0], $0xffff  }
0x589: {  	v26 =	vshll.u32 v26, $0x3;
	v24 =	vor.u32 $0x380, v62;
	[tilespmem:v27+s20+$0x0] =	vst.idx.msk $0xffff, v41;
	v27 =	vor.u32 $0x200, v4;
	v16 =	vld.idx.msk [tilespmem:v16+s1+$0x0], $0xffff  }
0x58a: {  	v31 =	vadd.s32 $0x3400, v61;
	v28 =	vadd.s32 $0x6900, v10;
	v29 =	vor.u32 s30, v0;
	v19 =	vld.idx.msk [tilespmem:v19+s1+$0x0], $0xffff  }
0x58b: {  	v42 =	vand.u32 $0x3C00, v26;
	v25 =	vadd.s32 $0x3580, v9;
	v29 =	vand.u32 $0x6F, v29;
	[tilespmem:v39+s20+$0x0] =	vst.idx.msk $0xffff, v17;
	v17 =	vld.idx.msk [tilespmem:v5+s1+$0x0], $0xffff  }
0x58c: {  	v7 =	vshll.u32 v7, $0x3;
	v21 =	vand.u32 $0x7F, v21;
	[tilespmem:v15+s20+$0x0] =	vst.idx.msk $0xffff, v8;
	v8 =	vor.u32 v29, v42;
	v15 =	vld.idx.msk [tilespmem:v20+s1+$0x0], $0xffff  }
0x58d: {  	v7 =	vand.u32 $0x7C00, v7;
	[tilespmem:v22+s20+$0x0] =	vst.idx.msk $0xffff, v18;
	v18 =	vor.u32 $0x80, v5;
	v20 =	vld.idx.msk [tilespmem:v6+s1+$0x0], $0xffff;
	v22 =	vor.u32 $0x200, v2  }
0x58e: {  	v7 =	vor.u32 v21, v7;
	v21 =	vor.u32 $0x280, v63;
	[tilespmem:v24+s20+$0x0] =	vst.idx.msk $0xffff, v23;
	v23 =	vld.idx.msk [tilespmem:v27+s1+$0x0], $0xffff  }
0x58f: {  	v24 =	vor.u32 $0x80, v6;
	v27 =	vor.u32 $0x200, v3;
	v31 =	vld.idx.msk [tilespmem:v31+s1+$0x0], $0xffff;
	[tilespmem:v28+s20+$0x0] =	vst.idx.msk $0xffff, v16  }
0x590: {  	v45 =	vadd.s32 $0x6800, v62;
	v28 =	vor.u32 $0x280, v4;
	[tilespmem:v43+s20+$0x0] =	vst.idx.msk $0xffff, v19;
	v19 =	vld.idx.msk [tilespmem:v25+s1+$0x0], $0xffff  }
0x591: {  	v34 =	vadd.s32 $0x6980, v10;
	v36 =	vadd.s32 $0x6980, v12;
	v25 =	vadd.s32 $0x3480, v61;
	[tilespmem:v8+s20+$0x0] =	vst.idx.msk $0xffff, v17;
	v33 =	vld.idx.msk [tilespmem:v44+s1+$0x0], $0xffff  }
0x592: {  	v13 =	vor.u32 v13, v14;
	v14 =	vor.u32 $0x300, v3;
	v35 =	vld.idx.msk [tilespmem:v18+s1+$0x0], $0xffff;
	[tilespmem:v22+s20+$0x0] =	vst.idx.msk $0xffff, v15;
	v22 =	vadd.s32 $0x3400, v59  }
0x593: {  	v38 =	vor.u32 $0x100, v5;
	v37 =	vor.u32 $0x80, v8;
	[tilespmem:v7+s20+$0x0] =	vst.idx.msk $0xffff, v20;
	v20 =	vadd.s32 $0x3600, v9;
	v21 =	vld.idx.msk [tilespmem:v21+s1+$0x0], $0xffff  }
0x594: {  	v40 =	vor.u32 $0x300, v63;
	v39 =	vor.u32 $0x280, v2;
	v42 =	vor.u32 $0x100, v6;
	v24 =	vld.idx.msk [tilespmem:v24+s1+$0x0], $0xffff;
	[tilespmem:v27+s20+$0x0] =	vst.idx.msk $0xffff, v23  }
0x595: {  	v16 =	vor.u32 $0x180, v6;
	v43 =	vor.u32 $0x280, v3;
	v23 =	vor.u32 $0x80, v7;
	[tilespmem:v45+s20+$0x0] =	vst.idx.msk $0xffff, v31;
	v41 =	vld.idx.msk [tilespmem:v28+s1+$0x0], $0xffff  }
0x596: {  	v17 =	vor.u32 $0x300, v7;
	v15 =	vor.u32 v26, v29;
	v18 =	vadd.s32 $0x3680, v11;
	v44 =	vld.idx.msk [tilespmem:v25+s1+$0x0], $0xffff;
	[tilespmem:v34+s20+$0x0] =	vst.idx.msk $0xffff, v19  }
0x597: {  	v26 =	vadd.s32 $0x3600, v11;
	v45 =	vor.u32 $0x300, v4;
	[tilespmem:v36+s20+$0x0] =	vst.idx.msk $0xffff, v33;
	v25 =	vld.idx.msk [tilespmem:v22+s1+$0x0], $0xffff;
	v22 =	vadd.s32 $0x6880, v62  }
0x598: {  	v29 =	vadd.s32 $0x6800, v60;
	v11 =	vadd.s32 $0x6A80, v12;
	v31 =	vadd.s32 $0x6A00, v10;
	[tilespmem:v37+s20+$0x0] =	vst.idx.msk $0xffff, v35;
	v27 =	vld.idx.msk [tilespmem:v20+s1+$0x0], $0xffff  }
0x599: {  	v10 =	vadd.s32 $0x6A80, v10;
	v28 =	vadd.s32 $0x3480, v59;
	v19 =	vadd.s32 $0x6A00, v12;
	v36 =	vld.idx.msk [tilespmem:v38+s1+$0x0], $0xffff;
	[tilespmem:v39+s20+$0x0] =	vst.idx.msk $0xffff, v21  }
0x59a: {  	v12 =	vadd.s32 $0x3500, v61;
	v20 =	vadd.s32 $0x3680, v9;
	v37 =	vor.u32 $0x100, v8;
	[tilespmem:v23+s20+$0x0] =	vst.idx.msk $0xffff, v24;
	v32 =	vld.idx.msk [tilespmem:v40+s1+$0x0], $0xffff  }
0x59b: {  	v34 =	vor.u32 $0x380, v63;
	v33 =	vor.u32 $0x300, v13;
	v38 =	vor.u32 $0x180, v5;
	v39 =	vld.idx.msk [tilespmem:v42+s1+$0x0], $0xffff;
	[tilespmem:v43+s20+$0x0] =	vst.idx.msk $0xffff, v41  }
0x59c: {  	s24 =	simm.s32 $0x6;
	s25 =	simm.s32 $0x80;
	v9 =	vadd.s32 $0x3500, v59;
	v40 =	vor.u32 $0x100, v7;
	v24 =	vadd.s32 $0x6880, v60;
	v35 =	vld.idx.msk [tilespmem:v45+s1+$0x0], $0xffff;
	[tilespmem:v22+s20+$0x0] =	vst.idx.msk $0xffff, v44  }
.LBB2_14:
0x59d: {  	v22 =	vadd.s32 s25, v1;
	s26 =	sadd.s32 $0x10, s25;
	s24 =	sadd.s32 $0x2, s24;
	v41 =	vor.u32 $0x180, v8;
	v42 =	vor.u32 $0x380, v4;
	[tilespmem:v29+s20+$0x0] =	vst.idx.msk $0xffff, v25;
	v25 =	vld.idx.msk [tilespmem:v26+s1+$0x0], $0xffff;
	v21 =	vmovc v60  }
0x59e: {  	v60 =	vmovc v2;
	v2 =	vmovc v8;
	v43 =	vshll.u32 v22, $0x3;
	v26 =	vmov s26;
	v29 =	vadd.s32 s26, v1;
	p0 =	slt.u32 s24, $0x64;
	v28 =	vld.idx.msk [tilespmem:v28+s1+$0x0], $0xffff;
	[tilespmem:v31+s20+$0x0] =	vst.idx.msk $0xffff, v27  }
0x59f: {  	v23 =	vmovc v62;
	v8 =	vand.u32 $0x7F, v22;
	v22 =	vand.u32 $0x7C00, v43;
	v27 =	vshll.u32 v29, $0x3;
	[tilespmem:v37+s20+$0x0] =	vst.idx.msk $0xffff, v36;
	v20 =	vld.idx.msk [tilespmem:v20+s1+$0x0], $0xffff  }
0x5a0: {  	v37 =	vor.u32 v8, v22;
	v8 =	vand.u32 $0x7F, v29;
	v22 =	vand.u32 $0x7C00, v27;
	v27 =	vld.idx.msk [tilespmem:v38+s1+$0x0], $0xffff;
	[tilespmem:v33+s20+$0x0] =	vst.idx.msk $0xffff, v32  }
0x5a1: {  	v29 =	vor.u32 s26, v0;
	v22 =	vor.u32 v8, v22;
	v8 =	vshll.u32 v26, $0x3;
	[tilespmem:v40+s20+$0x0] =	vst.idx.msk $0xffff, v39;
	v26 =	vld.idx.msk [tilespmem:v34+s1+$0x0], $0xffff  }
0x5a2: {  	v31 =	vand.u32 $0x7C00, v8;
	v32 =	vld.idx.msk [tilespmem:v16+s1+$0x0], $0xffff;
	v16 =	vor.u32 $0x180, v22;
	v8 =	vor.u32 $0x380, v13;
	[tilespmem:v14+s20+$0x0] =	vst.idx.msk $0xffff, v35;
	v13 =	vmovc v15  }
0x5a3: {  	v62 =	vmovc v3;
	v3 =	vmov v7;
	v33 =	vor.u32 $0x200, v5;
	v34 =	vor.u32 $0x180, v7;
	v35 =	vld.idx.msk [tilespmem:v42+s1+$0x0], $0xffff;
	[tilespmem:v19+s20+$0x0] =	vst.idx.msk $0xffff, v25  }
0x5a4: {  	v7 =	vor.u32 $0x380, v62;
	v14 =	vmovc v17;
	v19 =	vadd.s32 $0x3580, v59;
	[tilespmem:v24+s20+$0x0] =	vst.idx.msk $0xffff, v28;
	v24 =	vadd.s32 $0x3580, v61;
	v18 =	vld.idx.msk [tilespmem:v18+s1+$0x0], $0xffff  }
0x5a5: {  	v15 =	vmov s25;
	v17 =	vor.u32 $0x200, v6;
	v25 =	vadd.s32 $0x6900, v23;
	v12 =	vld.idx.msk [tilespmem:v12+s1+$0x0], $0xffff;
	[tilespmem:v10+s20+$0x0] =	vst.idx.msk $0xffff, v20  }
0x5a6: {  	v15 =	vshll.u32 v15, $0x3;
	v10 =	vor.u32 s25, v0;
	v20 =	vadd.s32 $0x3400, v4;
	[tilespmem:v41+s20+$0x0] =	vst.idx.msk $0xffff, v27;
	v9 =	vld.idx.msk [tilespmem:v9+s1+$0x0], $0xffff  }
0x5a7: {  	v28 =	vand.u32 $0x3C00, v15;
	v10 =	vand.u32 $0x6F, v10;
	v27 =	vld.idx.msk [tilespmem:v37+s1+$0x0], $0xffff;
	[tilespmem:v8+s20+$0x0] =	vst.idx.msk $0xffff, v26;
	v26 =	vadd.s32 $0x6900, v21  }
0x5a8: {  	v8 =	vor.u32 v10, v28;
	v15 =	vor.u32 v15, v10;
	v10 =	vld.idx.msk [tilespmem:v33+s1+$0x0], $0xffff;
	[tilespmem:v34+s20+$0x0] =	vst.idx.msk $0xffff, v32  }
0x5a9: {  	v29 =	vand.u32 $0x7F, v29;
	v28 =	vor.u32 $0x80, v37;
	v33 =	vor.u32 $0x200, v2;
	v32 =	vld.idx.msk [tilespmem:v22+s1+$0x0], $0xffff;
	[tilespmem:v7+s20+$0x0] =	vst.idx.msk $0xffff, v35  }
0x5aa: {  	v7 =	vor.u32 v29, v31;
	v29 =	vor.u32 $0x280, v5;
	v31 =	vld.idx.msk [tilespmem:v17+s1+$0x0], $0xffff;
	[tilespmem:v11+s20+$0x0] =	vst.idx.msk $0xffff, v18  }
0x5ab: {  	v11 =	vor.u32 $0x80, v22;
	v17 =	vor.u32 $0x300, v7;
	v18 =	vor.u32 $0x200, v3;
	v20 =	vld.idx.msk [tilespmem:v20+s1+$0x0], $0xffff;
	[tilespmem:v25+s20+$0x0] =	vst.idx.msk $0xffff, v12  }
0x5ac: {  	v12 =	vor.u32 $0x280, v6;
	v25 =	vadd.s32 $0x6800, v62;
	[tilespmem:v26+s20+$0x0] =	vst.idx.msk $0xffff, v9;
	v9 =	vld.idx.msk [tilespmem:v24+s1+$0x0], $0xffff  }
0x5ad: {  	v24 =	vadd.s32 $0x3480, v4;
	v26 =	vadd.s32 $0x6980, v23;
	[tilespmem:v8+s20+$0x0] =	vst.idx.msk $0xffff, v27;
	v19 =	vld.idx.msk [tilespmem:v19+s1+$0x0], $0xffff  }
0x5ae: {  	v27 =	vld.idx.msk [tilespmem:v28+s1+$0x0], $0xffff;
	[tilespmem:v33+s20+$0x0] =	vst.idx.msk $0xffff, v10;
	v10 =	vadd.s32 $0x3400, v63;
	v28 =	vadd.s32 $0x6980, v21  }
0x5af: {  	v34 =	vadd.s32 $0x3600, v61;
	v33 =	vor.u32 $0x80, v8;
	[tilespmem:v7+s20+$0x0] =	vst.idx.msk $0xffff, v32;
	v32 =	vld.idx.msk [tilespmem:v29+s1+$0x0], $0xffff  }
0x5b0: {  	v39 =	vor.u32 $0x280, v2;
	v35 =	vor.u32 $0x100, v37;
	v38 =	vld.idx.msk [tilespmem:v11+s1+$0x0], $0xffff;
	[tilespmem:v18+s20+$0x0] =	vst.idx.msk $0xffff, v31  }
0x5b1: {  	v41 =	vor.u32 $0x300, v5;
	v40 =	vor.u32 $0x80, v7;
	v12 =	vld.idx.msk [tilespmem:v12+s1+$0x0], $0xffff;
	[tilespmem:v25+s20+$0x0] =	vst.idx.msk $0xffff, v20  }
0x5b2: {  	v43 =	vor.u32 $0x280, v3;
	v42 =	vor.u32 $0x100, v22;
	v18 =	vadd.s32 $0x3680, v59;
	v44 =	vld.idx.msk [tilespmem:v24+s1+$0x0], $0xffff;
	[tilespmem:v26+s20+$0x0] =	vst.idx.msk $0xffff, v9  }
0x5b3: {  	v45 =	vadd.s32 $0x6880, v62;
	v24 =	vor.u32 $0x300, v6;
	v26 =	vadd.s32 $0x3600, v59;
	v59 =	vmovc v63;
	v25 =	vld.idx.msk [tilespmem:v10+s1+$0x0], $0xffff;
	[tilespmem:v28+s20+$0x0] =	vst.idx.msk $0xffff, v19  }
.Ltmp6:
0x5b4: {  	v29 =	vadd.s32 $0x6800, v60;
	v11 =	vadd.s32 $0x6A80, v21;
	v20 =	vadd.s32 $0x3680, v61;
	v63 =	vmovc v5;
	[tilespmem:v33+s20+$0x0] =	vst.idx.msk $0xffff, v27;
	v27 =	vld.idx.msk [tilespmem:v34+s1+$0x0], $0xffff;
	(pc) =	sbr.rel @p0 .LBB2_14-.Ltmp6, $4  }
0x5b5: {  	v31 =	vadd.s32 $0x6A00, v23;
	v5 =	vmovc v37;
	v28 =	vadd.s32 $0x3480, v59;
	v19 =	vadd.s32 $0x6A00, v21;
	v36 =	vld.idx.msk [tilespmem:v35+s1+$0x0], $0xffff;
	[tilespmem:v39+s20+$0x0] =	vst.idx.msk $0xffff, v32  }
0x5b6: {  	v61 =	vmovc v4;
	v37 =	vor.u32 $0x100, v8;
	v9 =	vadd.s32 $0x3500, v59;
	v10 =	vadd.s32 $0x6A80, v23;
	[tilespmem:v40+s20+$0x0] =	vst.idx.msk $0xffff, v38;
	v32 =	vld.idx.msk [tilespmem:v41+s1+$0x0], $0xffff  }
0x5b7: {  	v4 =	vmovc v6;
	v33 =	vor.u32 $0x300, v13;
	v38 =	vor.u32 $0x180, v5;
	v39 =	vld.idx.msk [tilespmem:v42+s1+$0x0], $0xffff;
	[tilespmem:v43+s20+$0x0] =	vst.idx.msk $0xffff, v12;
	v12 =	vadd.s32 $0x3500, v61  }
0x5b8: {  	s25 =	sadd.s32 $0x20, s25;
	v6 =	vmovc v22;
	v34 =	vor.u32 $0x380, v63;
	v40 =	vor.u32 $0x100, v7;
	v35 =	vld.idx.msk [tilespmem:v24+s1+$0x0], $0xffff;
	v24 =	vadd.s32 $0x6880, v60;
	[tilespmem:v45+s20+$0x0] =	vst.idx.msk $0xffff, v44  }
0x5b9: {  	_ =	sdelay $0x3  }
0x5ba: {  	[tilespmem:v40+s20+$0x0] =	vst.idx.msk $0xffff, v39  }
0x5bb: {  	v21 =	vor.u32 $0x180, v7;
	[tilespmem:v37+s20+$0x0] =	vst.idx.msk $0xffff, v36;
	v16 =	vld.idx.msk [tilespmem:v16+s1+$0x0], $0xffff  }
0x5bc: {  	v22 =	vor.u32 $0x180, v8;
	v42 =	vor.u32 $0x200, v6;
	v23 =	vld.idx.msk [tilespmem:v38+s1+$0x0], $0xffff  }
0x5bd: {  	v43 =	vor.u32 $0x200, v5;
	_ =	sdelay $0x2  }
0x5be: {  	[tilespmem:v21+s20+$0x0] =	vst.idx.msk $0xffff, v16  }
0x5bf: {  	[tilespmem:v22+s20+$0x0] =	vst.idx.msk $0xffff, v23;
	v21 =	vor.u32 $0x200, v7;
	v16 =	vld.idx.msk [tilespmem:v42+s1+$0x0], $0xffff  }
0x5c0: {  	v44 =	vor.u32 $0x280, v6;
	v23 =	vor.u32 $0x200, v8;
	v22 =	vld.idx.msk [tilespmem:v43+s1+$0x0], $0xffff  }
0x5c1: {  	v45 =	vor.u32 $0x280, v5;
	_ =	sdelay $0x2  }
0x5c2: {  	[tilespmem:v21+s20+$0x0] =	vst.idx.msk $0xffff, v16  }
0x5c3: {  	[tilespmem:v23+s20+$0x0] =	vst.idx.msk $0xffff, v22;
	v21 =	vor.u32 $0x280, v7;
	v16 =	vld.idx.msk [tilespmem:v44+s1+$0x0], $0xffff  }
0x5c4: {  	v40 =	vor.u32 $0x300, v6;
	v23 =	vor.u32 $0x280, v8;
	v22 =	vld.idx.msk [tilespmem:v45+s1+$0x0], $0xffff  }
0x5c5: {  	v41 =	vor.u32 $0x300, v5;
	_ =	sdelay $0x2  }
0x5c6: {  	[tilespmem:v21+s20+$0x0] =	vst.idx.msk $0xffff, v16;
	v16 =	vor.u32 $0x380, v4  }
0x5c7: {  	[tilespmem:v23+s20+$0x0] =	vst.idx.msk $0xffff, v22;
	v21 =	vld.idx.msk [tilespmem:v40+s1+$0x0], $0xffff  }
0x5c8: {  	v42 =	vor.u32 $0x380, v6;
	v23 =	vor.u32 $0x300, v15;
	v22 =	vld.idx.msk [tilespmem:v41+s1+$0x0], $0xffff  }
0x5c9: {  	v43 =	vor.u32 $0x380, v5  }
0x5ca: {  	[tilespmem:v14+s20+$0x0] =	vst.idx.msk $0xffff, v35  }
0x5cb: {  	[tilespmem:v33+s20+$0x0] =	vst.idx.msk $0xffff, v32;
	v14 =	vld.idx.msk [tilespmem:v16+s1+$0x0], $0xffff;
	v16 =	vor.u32 $0x380, v3  }
0x5cc: {  	v13 =	vor.u32 $0x380, v13;
	v32 =	vld.idx.msk [tilespmem:v34+s1+$0x0], $0xffff;
	[tilespmem:v17+s20+$0x0] =	vst.idx.msk $0xffff, v21;
	v17 =	vadd.s32 $0x3400, v4  }
0x5cd: {  	[tilespmem:v23+s20+$0x0] =	vst.idx.msk $0xffff, v22;
	v23 =	vor.u32 $0x380, v7;
	v21 =	vadd.s32 $0x3400, v63;
	v22 =	vld.idx.msk [tilespmem:v42+s1+$0x0], $0xffff  }
0x5ce: {  	[tilespmem:v29+s20+$0x0] =	vst.idx.msk $0xffff, v25;
	v29 =	vadd.s32 $0x3400, v6;
	v15 =	vor.u32 $0x380, v15;
	v25 =	vld.idx.msk [tilespmem:v43+s1+$0x0], $0xffff  }
0x5cf: {  	v26 =	vld.idx.msk [tilespmem:v26+s1+$0x0], $0xffff;
	[tilespmem:v31+s20+$0x0] =	vst.idx.msk $0xffff, v27;
	v27 =	vadd.s32 $0x3400, v5  }
0x5d0: {  	v28 =	vld.idx.msk [tilespmem:v28+s1+$0x0], $0xffff;
	[tilespmem:v16+s20+$0x0] =	vst.idx.msk $0xffff, v14  }
0x5d1: {  	[tilespmem:v13+s20+$0x0] =	vst.idx.msk $0xffff, v32;
	v14 =	vadd.s32 $0x6800, v3;
	v13 =	vld.idx.msk [tilespmem:v17+s1+$0x0], $0xffff  }
0x5d2: {  	v16 =	vadd.s32 $0x3480, v4;
	v17 =	vld.idx.msk [tilespmem:v21+s1+$0x0], $0xffff;
	v21 =	vadd.s32 $0x6800, v2;
	[tilespmem:v23+s20+$0x0] =	vst.idx.msk $0xffff, v22  }
0x5d3: {  	[tilespmem:v15+s20+$0x0] =	vst.idx.msk $0xffff, v25;
	v22 =	vadd.s32 $0x3480, v63;
	v23 =	vadd.s32 $0x6800, v7;
	v15 =	vld.idx.msk [tilespmem:v29+s1+$0x0], $0xffff  }
0x5d4: {  	[tilespmem:v19+s20+$0x0] =	vst.idx.msk $0xffff, v26;
	v19 =	vadd.s32 $0x3480, v6;
	v26 =	vadd.s32 $0x6800, v8;
	v25 =	vld.idx.msk [tilespmem:v27+s1+$0x0], $0xffff  }
0x5d5: {  	v20 =	vld.idx.msk [tilespmem:v20+s1+$0x0], $0xffff;
	[tilespmem:v24+s20+$0x0] =	vst.idx.msk $0xffff, v28;
	v24 =	vadd.s32 $0x3480, v5  }
0x5d6: {  	v18 =	vld.idx.msk [tilespmem:v18+s1+$0x0], $0xffff;
	[tilespmem:v14+s20+$0x0] =	vst.idx.msk $0xffff, v13  }
0x5d7: {  	v14 =	vadd.s32 $0x6880, v3;
	[tilespmem:v21+s20+$0x0] =	vst.idx.msk $0xffff, v17;
	v13 =	vld.idx.msk [tilespmem:v16+s1+$0x0], $0xffff  }
0x5d8: {  	v17 =	vadd.s32 $0x6880, v2;
	v16 =	vadd.s32 $0x3500, v4;
	v21 =	vld.idx.msk [tilespmem:v22+s1+$0x0], $0xffff;
	[tilespmem:v23+s20+$0x0] =	vst.idx.msk $0xffff, v15  }
0x5d9: {  	[tilespmem:v26+s20+$0x0] =	vst.idx.msk $0xffff, v25;
	v22 =	vadd.s32 $0x6880, v7;
	v15 =	vadd.s32 $0x3500, v63;
	v19 =	vld.idx.msk [tilespmem:v19+s1+$0x0], $0xffff  }
0x5da: {  	[tilespmem:v10+s20+$0x0] =	vst.idx.msk $0xffff, v20;
	v10 =	vadd.s32 $0x3500, v6;
	v20 =	vadd.s32 $0x6880, v8;
	v23 =	vld.idx.msk [tilespmem:v24+s1+$0x0], $0xffff  }
0x5db: {  	v12 =	vld.idx.msk [tilespmem:v12+s1+$0x0], $0xffff;
	[tilespmem:v11+s20+$0x0] =	vst.idx.msk $0xffff, v18;
	v11 =	vadd.s32 $0x3500, v5;
	v24 =	vadd.s32 $0x6900, v62  }
0x5dc: {  	v9 =	vld.idx.msk [tilespmem:v9+s1+$0x0], $0xffff;
	v18 =	vadd.s32 $0x3580, v61;
	v25 =	vadd.s32 $0x6900, v60;
	[tilespmem:v14+s20+$0x0] =	vst.idx.msk $0xffff, v13  }
0x5dd: {  	v13 =	vadd.s32 $0x3580, v59;
	[tilespmem:v17+s20+$0x0] =	vst.idx.msk $0xffff, v21;
	v14 =	vld.idx.msk [tilespmem:v16+s1+$0x0], $0xffff;
	v16 =	vadd.s32 $0x6900, v3  }
0x5de: {  	v17 =	vadd.s32 $0x3580, v4;
	v21 =	vadd.s32 $0x6900, v2;
	v15 =	vld.idx.msk [tilespmem:v15+s1+$0x0], $0xffff;
	[tilespmem:v22+s20+$0x0] =	vst.idx.msk $0xffff, v19  }
0x5df: {  	[tilespmem:v20+s20+$0x0] =	vst.idx.msk $0xffff, v23;
	v20 =	vadd.s32 $0x6900, v7;
	v19 =	vadd.s32 $0x3580, v63;
	v10 =	vld.idx.msk [tilespmem:v10+s1+$0x0], $0xffff  }
0x5e0: {  	[tilespmem:v24+s20+$0x0] =	vst.idx.msk $0xffff, v12;
	v12 =	vadd.s32 $0x3580, v6;
	v11 =	vld.idx.msk [tilespmem:v11+s1+$0x0], $0xffff;
	v22 =	vadd.s32 $0x6900, v8  }
0x5e1: {  	[tilespmem:v25+s20+$0x0] =	vst.idx.msk $0xffff, v9;
	v23 =	vadd.s32 $0x3580, v5;
	v9 =	vld.idx.msk [tilespmem:v18+s1+$0x0], $0xffff;
	v18 =	vadd.s32 $0x6980, v62  }
0x5e2: {  	v25 =	vadd.s32 $0x3600, v61;
	v24 =	vadd.s32 $0x6980, v60;
	v13 =	vld.idx.msk [tilespmem:v13+s1+$0x0], $0xffff;
	[tilespmem:v16+s20+$0x0] =	vst.idx.msk $0xffff, v14  }
0x5e3: {  	v14 =	vadd.s32 $0x3600, v59;
	[tilespmem:v21+s20+$0x0] =	vst.idx.msk $0xffff, v15;
	v16 =	vadd.s32 $0x6980, v3;
	v15 =	vld.idx.msk [tilespmem:v17+s1+$0x0], $0xffff  }
0x5e4: {  	v21 =	vadd.s32 $0x3600, v4;
	v17 =	vld.idx.msk [tilespmem:v19+s1+$0x0], $0xffff;
	v19 =	vadd.s32 $0x6980, v2;
	[tilespmem:v20+s20+$0x0] =	vst.idx.msk $0xffff, v10  }
0x5e5: {  	[tilespmem:v22+s20+$0x0] =	vst.idx.msk $0xffff, v11;
	v10 =	vadd.s32 $0x3600, v63;
	v11 =	vld.idx.msk [tilespmem:v12+s1+$0x0], $0xffff;
	v12 =	vadd.s32 $0x6980, v7  }
0x5e6: {  	[tilespmem:v18+s20+$0x0] =	vst.idx.msk $0xffff, v9;
	v18 =	vadd.s32 $0x6980, v8;
	v9 =	vld.idx.msk [tilespmem:v23+s1+$0x0], $0xffff;
	v20 =	vadd.s32 $0x3600, v6  }
0x5e7: {  	v22 =	vadd.s32 $0x6A00, v62;
	v23 =	vadd.s32 $0x3600, v5;
	[tilespmem:v24+s20+$0x0] =	vst.idx.msk $0xffff, v13;
	v13 =	vld.idx.msk [tilespmem:v25+s1+$0x0], $0xffff  }
0x5e8: {  	v24 =	vadd.s32 $0x3680, v61;
	v25 =	vadd.s32 $0x6A00, v60;
	v14 =	vld.idx.msk [tilespmem:v14+s1+$0x0], $0xffff;
	[tilespmem:v16+s20+$0x0] =	vst.idx.msk $0xffff, v15  }
0x5e9: {  	v15 =	vadd.s32 $0x3680, v59;
	[tilespmem:v19+s20+$0x0] =	vst.idx.msk $0xffff, v17;
	v17 =	vadd.s32 $0x6A00, v3;
	v16 =	vld.idx.msk [tilespmem:v21+s1+$0x0], $0xffff  }
0x5ea: {  	v4 =	vadd.s32 $0x3680, v4;
	v19 =	vadd.s32 $0x6A00, v2;
	v10 =	vld.idx.msk [tilespmem:v10+s1+$0x0], $0xffff;
	[tilespmem:v12+s20+$0x0] =	vst.idx.msk $0xffff, v11  }
0x5eb: {  	[tilespmem:v18+s20+$0x0] =	vst.idx.msk $0xffff, v9;
	v11 =	vadd.s32 $0x3680, v63;
	v12 =	vadd.s32 $0x6A00, v7;
	v9 =	vld.idx.msk [tilespmem:v20+s1+$0x0], $0xffff  }
0x5ec: {  	v6 =	vadd.s32 $0x3680, v6;
	v18 =	vld.idx.msk [tilespmem:v23+s1+$0x0], $0xffff;
	[tilespmem:v22+s20+$0x0] =	vst.idx.msk $0xffff, v13;
	v13 =	vadd.s32 $0x6A00, v8  }
0x5ed: {  	v5 =	vadd.s32 $0x3680, v5;
	v20 =	vadd.s32 $0x6A80, v62;
	v21 =	vld.idx.msk [tilespmem:v24+s1+$0x0], $0xffff;
	[tilespmem:v25+s20+$0x0] =	vst.idx.msk $0xffff, v14  }
0x5ee: {  	v14 =	vadd.s32 $0x6A80, v60;
	v15 =	vld.idx.msk [tilespmem:v15+s1+$0x0], $0xffff;
	[tilespmem:v17+s20+$0x0] =	vst.idx.msk $0xffff, v16  }
0x5ef: {  	v3 =	vadd.s32 $0x6A80, v3;
	[tilespmem:v19+s20+$0x0] =	vst.idx.msk $0xffff, v10;
	v4 =	vld.idx.msk [tilespmem:v4+s1+$0x0], $0xffff  }
0x5f0: {  	v2 =	vadd.s32 $0x6A80, v2;
	v10 =	vld.idx.msk [tilespmem:v11+s1+$0x0], $0xffff;
	[tilespmem:v12+s20+$0x0] =	vst.idx.msk $0xffff, v9  }
0x5f1: {  	v7 =	vadd.s32 $0x6A80, v7;
	[tilespmem:v13+s20+$0x0] =	vst.idx.msk $0xffff, v18;
	v6 =	vld.idx.msk [tilespmem:v6+s1+$0x0], $0xffff  }
0x5f2: {  	v8 =	vadd.s32 $0x6A80, v8;
	[tilespmem:v20+s20+$0x0] =	vst.idx.msk $0xffff, v21;
	v5 =	vld.idx.msk [tilespmem:v5+s1+$0x0], $0xffff  }
0x5f3: {  	[tilespmem:v14+s20+$0x0] =	vst.idx.msk $0xffff, v15  }
0x5f4: {  	[tilespmem:v3+s20+$0x0] =	vst.idx.msk $0xffff, v4  }
0x5f5: {  	[tilespmem:v2+s20+$0x0] =	vst.idx.msk $0xffff, v10  }
0x5f6: {  	[tilespmem:v7+s20+$0x0] =	vst.idx.msk $0xffff, v6  }
0x5f7: {  	[tilespmem:v8+s20+$0x0] =	vst.idx.msk $0xffff, v5  }
0x5f8: {  	v2 =	vld [tilespmem:$0x1FD50];
	_ =	sdelay $0x4  }
0x5f9: {  	v3 =	vld [tilespmem:$0x1FD60];
	_ =	sdelay $0x2  }
0x5fa: {  	v2 =	vld.idx.msk [tilespmem:v2+s1+$0x0], $0xffff;
	_ =	sdelay $0x4  }
0x5fb: {  	[tilespmem:v3+s20+$0x0] =	vst.idx.msk $0xffff, v2;
	v2 =	vld [tilespmem:$0x1FD70];
	_ =	sdelay $0x4  }
0x5fc: {  	v3 =	vld [tilespmem:$0x1FD80];
	_ =	sdelay $0x2  }
0x5fd: {  	v2 =	vld.idx.msk [tilespmem:v2+s1+$0x0], $0xffff;
	_ =	sdelay $0x4  }
0x5fe: {  	[tilespmem:v3+s20+$0x0] =	vst.idx.msk $0xffff, v2;
	v2 =	vld [tilespmem:$0x1FD90];
	_ =	sdelay $0x4  }
0x5ff: {  	v3 =	vld [tilespmem:$0x1FDA0];
	_ =	sdelay $0x2  }
0x600: {  	v2 =	vld.idx.msk [tilespmem:v2+s1+$0x0], $0xffff;
	_ =	sdelay $0x4  }
0x601: {  	[tilespmem:v3+s20+$0x0] =	vst.idx.msk $0xffff, v2;
	v2 =	vld [tilespmem:$0x1FDB0];
	_ =	sdelay $0x4  }
0x602: {  	v3 =	vld [tilespmem:$0x1FDC0];
	_ =	sdelay $0x2  }
0x603: {  	v2 =	vld.idx.msk [tilespmem:v2+s1+$0x0], $0xffff;
	_ =	sdelay $0x4  }
0x604: {  	[tilespmem:v3+s20+$0x0] =	vst.idx.msk $0xffff, v2;
	v2 =	vld [tilespmem:$0x1FDD0];
	_ =	sdelay $0x4  }
0x605: {  	v3 =	vld [tilespmem:$0x1FDE0];
	_ =	sdelay $0x2  }
0x606: {  	v2 =	vld.idx.msk [tilespmem:v2+s1+$0x0], $0xffff;
	_ =	sdelay $0x4  }
0x607: {  	[tilespmem:v3+s20+$0x0] =	vst.idx.msk $0xffff, v2;
	v2 =	vld [tilespmem:$0x1FDF0];
	_ =	sdelay $0x4  }
0x608: {  	v3 =	vld [tilespmem:$0x1FE00];
	_ =	sdelay $0x2  }
0x609: {  	v2 =	vld.idx.msk [tilespmem:v2+s1+$0x0], $0xffff;
	_ =	sdelay $0x4  }
0x60a: {  	[tilespmem:v3+s20+$0x0] =	vst.idx.msk $0xffff, v2;
	v2 =	vld [tilespmem:$0x1FE10];
	_ =	sdelay $0x4  }
0x60b: {  	v3 =	vld [tilespmem:$0x1FE20];
	_ =	sdelay $0x2  }
0x60c: {  	v2 =	vld.idx.msk [tilespmem:v2+s1+$0x0], $0xffff;
	_ =	sdelay $0x4  }
0x60d: {  	[tilespmem:v3+s20+$0x0] =	vst.idx.msk $0xffff, v2;
	v2 =	vld [tilespmem:$0x1FE30];
	_ =	sdelay $0x4  }
0x60e: {  	v3 =	vld [tilespmem:$0x1FE40];
	_ =	sdelay $0x2  }
0x60f: {  	v2 =	vld.idx.msk [tilespmem:v2+s1+$0x0], $0xffff;
	_ =	sdelay $0x4  }
0x610: {  	[tilespmem:v3+s20+$0x0] =	vst.idx.msk $0xffff, v2;
	v2 =	vld [tilespmem:$0x1FE50];
	_ =	sdelay $0x4  }
0x611: {  	v3 =	vld [tilespmem:$0x1FE60];
	_ =	sdelay $0x2  }
0x612: {  	v2 =	vld.idx.msk [tilespmem:v2+s1+$0x0], $0xffff;
	_ =	sdelay $0x4  }
0x613: {  	[tilespmem:v3+s20+$0x0] =	vst.idx.msk $0xffff, v2;
	v2 =	vld [tilespmem:$0x1FE70];
	_ =	sdelay $0x4  }
0x614: {  	v3 =	vld [tilespmem:$0x1FE80];
	_ =	sdelay $0x2  }
0x615: {  	v2 =	vld.idx.msk [tilespmem:v2+s1+$0x0], $0xffff;
	_ =	sdelay $0x4  }
0x616: {  	[tilespmem:v3+s20+$0x0] =	vst.idx.msk $0xffff, v2;
	v2 =	vld [tilespmem:$0x1FE90];
	_ =	sdelay $0x4  }
0x617: {  	v3 =	vld [tilespmem:$0x1FEA0];
	_ =	sdelay $0x2  }
0x618: {  	v2 =	vld.idx.msk [tilespmem:v2+s1+$0x0], $0xffff;
	_ =	sdelay $0x4  }
0x619: {  	[tilespmem:v3+s20+$0x0] =	vst.idx.msk $0xffff, v2;
	v2 =	vld [tilespmem:$0x1FEB0];
	_ =	sdelay $0x4  }
0x61a: {  	v3 =	vld [tilespmem:$0x1FEC0];
	_ =	sdelay $0x2  }
0x61b: {  	v2 =	vld.idx.msk [tilespmem:v2+s1+$0x0], $0xffff;
	_ =	sdelay $0x4  }
0x61c: {  	[tilespmem:v3+s20+$0x0] =	vst.idx.msk $0xffff, v2;
	v2 =	vld [tilespmem:$0x1FED0];
	_ =	sdelay $0x4  }
0x61d: {  	v3 =	vld [tilespmem:$0x1FEE0];
	_ =	sdelay $0x2  }
0x61e: {  	v2 =	vld.idx.msk [tilespmem:v2+s1+$0x0], $0xffff;
	_ =	sdelay $0x4  }
0x61f: {  	[tilespmem:v3+s20+$0x0] =	vst.idx.msk $0xffff, v2;
	v2 =	vld [tilespmem:$0x1FEF0]  }
0x620: {  	s24 =	simm.s32 $0x666  }
0x621: {  	v3 =	vadd.s32 s24, v30  }
0x622: {  	v5 =	vshll.u32 v3, $0x3  }
0x623: {  	v3 =	vand.u32 $0x7F, v3;
	v5 =	vand.u32 $0xFFFFFC00, v5  }
0x624: {  	v9 =	vor.u32 v3, v5;
	v3 =	vld [tilespmem:$0x1FF00];
	_ =	sdelay $0x2  }
0x625: {  	v2 =	vld.idx.msk [tilespmem:v2+s1+$0x0], $0xffff  }
0x626: {  	s25 =	simm.s32 $0x676  }
0x627: {  	v4 =	vadd.s32 s25, v30  }
0x628: {  	v6 =	vshll.u32 v4, $0x3  }
0x629: {  	v4 =	vand.u32 $0x7F, v4;
	v6 =	vand.u32 $0xFFFFFC00, v6  }
0x62a: {  	v10 =	vor.u32 v4, v6;
	[tilespmem:v3+s20+$0x0] =	vst.idx.msk $0xffff, v2  }
0x62b: {  	v2 =	vadd.s32 s24, v0;
	_ =	swait.ge [sflag:s21], $0x6800  }
0x62c: {  	v4 =	vadd.s32 s25, v0;
	v3 =	vshll.u32 v2, $0x3;
	[sflag:s21] =	ssyncset.done $0x0  }
0x62d: {  	v5 =	vshll.u32 v4, $0x3;
	v2 =	vand.u32 $0x7F, v2;
	v3 =	vand.u32 $0x7FFFFC00, v3;
	[sflag:s21] =	ssyncadd.s32 $0xFFFF9800  }
0x62e: {  	v4 =	vand.u32 $0x7F, v4;
	v5 =	vand.u32 $0xFC00, v5;
	v11 =	vor.u32 v2, v3;
	v6 =	vld.idx.msk [tilespmem:v9+s18+$0x0], $0xffff  }
0x62f: {  	v12 =	vor.u32 v4, v5;
	v3 =	vor.u32 $0x80, v9;
	v2 =	vld.idx.msk [tilespmem:v10+s18+$0x0], $0xffff  }
0x630: {  	v4 =	vor.u32 $0x80, v10;
	_ =	sdelay $0x2  }
0x631: {  	[tilespmem:v11+s20+$0x0] =	vst.idx.msk $0xffff, v6  }
0x632: {  	s25 =	simm.s32 $0x696;
	[tilespmem:v12+s20+$0x0] =	vst.idx.msk $0xffff, v2;
	v2 =	vld.idx.msk [tilespmem:v3+s18+$0x0], $0xffff;
	v3 =	vor.u32 $0x80, v11  }
0x633: {  	v7 =	vadd.s32 s25, v30;
	v5 =	vor.u32 $0x80, v12;
	v6 =	vor.u32 $0x100, v9;
	v4 =	vld.idx.msk [tilespmem:v4+s18+$0x0], $0xffff  }
0x634: {  	s26 =	simm.s32 $0x686;
	v8 =	vor.u32 $0x100, v10;
	v13 =	vshll.u32 v7, $0x3  }
0x635: {  	v14 =	vadd.s32 s26, v30;
	v7 =	vand.u32 $0x7F, v7;
	v13 =	vand.u32 $0xFFFFFC00, v13  }
0x636: {  	v15 =	vshll.u32 v14, $0x3;
	v59 =	vor.u32 v7, v13  }
0x637: {  	v7 =	vor.u32 $0x180, v9;
	[tilespmem:v3+s20+$0x0] =	vst.idx.msk $0xffff, v2;
	v2 =	vand.u32 $0x7F, v14;
	v3 =	vand.u32 $0xFFFFFC00, v15  }
0x638: {  	[tilespmem:v5+s20+$0x0] =	vst.idx.msk $0xffff, v4;
	v5 =	vor.u32 $0x100, v11;
	v4 =	vld.idx.msk [tilespmem:v6+s18+$0x0], $0xffff;
	v62 =	vor.u32 v2, v3;
	v2 =	vadd.s32 s25, v0  }
0x639: {  	v14 =	vadd.s32 s26, v0;
	v3 =	vld.idx.msk [tilespmem:v8+s18+$0x0], $0xffff;
	v6 =	vor.u32 $0x100, v12;
	v13 =	vshll.u32 v2, $0x3  }
0x63a: {  	v8 =	vor.u32 $0x180, v10;
	v2 =	vand.u32 $0x7F, v2;
	v13 =	vand.u32 $0xFC00, v13  }
0x63b: {  	v16 =	vld.idx.msk [tilespmem:v59+s18+$0x0], $0xffff;
	v15 =	vshll.u32 v14, $0x3;
	v60 =	vor.u32 v2, v13  }
0x63c: {  	v2 =	vand.u32 $0x7FFFFC00, v15;
	v13 =	vand.u32 $0x7F, v14;
	v14 =	vor.u32 $0x80, v59  }
0x63d: {  	v61 =	vor.u32 v13, v2;
	[tilespmem:v5+s20+$0x0] =	vst.idx.msk $0xffff, v4;
	v4 =	vld.idx.msk [tilespmem:v62+s18+$0x0], $0xffff  }
0x63e: {  	[tilespmem:v6+s20+$0x0] =	vst.idx.msk $0xffff, v3;
	v3 =	vor.u32 $0x180, v11;
	v5 =	vor.u32 $0x80, v62;
	v2 =	vld.idx.msk [tilespmem:v7+s18+$0x0], $0xffff  }
0x63f: {  	v6 =	vld.idx.msk [tilespmem:v8+s18+$0x0], $0xffff;
	v7 =	vor.u32 $0x180, v12;
	v8 =	vor.u32 $0x200, v9  }
0x640: {  	v13 =	vor.u32 $0x200, v10;
	[tilespmem:v60+s20+$0x0] =	vst.idx.msk $0xffff, v16  }
0x641: {  	v15 =	vor.u32 $0x80, v60;
	v14 =	vld.idx.msk [tilespmem:v14+s18+$0x0], $0xffff  }
0x642: {  	[tilespmem:v61+s20+$0x0] =	vst.idx.msk $0xffff, v4;
	v4 =	vor.u32 $0x100, v59  }
0x643: {  	[tilespmem:v3+s20+$0x0] =	vst.idx.msk $0xffff, v2;
	v2 =	vld.idx.msk [tilespmem:v5+s18+$0x0], $0xffff;
	v3 =	vor.u32 $0x80, v61  }
0x644: {  	[tilespmem:v7+s20+$0x0] =	vst.idx.msk $0xffff, v6;
	v6 =	vor.u32 $0x200, v11;
	v7 =	vor.u32 $0x100, v62;
	v5 =	vld.idx.msk [tilespmem:v8+s18+$0x0], $0xffff  }
0x645: {  	v16 =	vor.u32 $0x280, v9;
	v8 =	vld.idx.msk [tilespmem:v13+s18+$0x0], $0xffff;
	v13 =	vor.u32 $0x200, v12  }
0x646: {  	v17 =	vor.u32 $0x280, v10;
	[tilespmem:v15+s20+$0x0] =	vst.idx.msk $0xffff, v14  }
0x647: {  	s29 =	simm.s32 $0x6A6;
	v14 =	vor.u32 $0x100, v60;
	v4 =	vld.idx.msk [tilespmem:v4+s18+$0x0], $0xffff  }
0x648: {  	v23 =	vadd.s32 s29, v30;
	v21 =	vor.u32 $0x380, v9;
	[tilespmem:v3+s20+$0x0] =	vst.idx.msk $0xffff, v2;
	v3 =	vor.u32 $0x180, v59  }
0x649: {  	s28 =	simm.s32 $0x6B6;
	v20 =	vor.u32 $0x300, v12;
	v18 =	vor.u32 $0x180, v62;
	v19 =	vor.u32 $0x100, v61;
	[tilespmem:v6+s20+$0x0] =	vst.idx.msk $0xffff, v5;
	v7 =	vld.idx.msk [tilespmem:v7+s18+$0x0], $0xffff  }
0x64a: {  	v15 =	vor.u32 $0x300, v11;
	v2 =	vadd.s32 s28, v30;
	[tilespmem:v13+s20+$0x0] =	vst.idx.msk $0xffff, v8;
	v13 =	vor.u32 $0x280, v11;
	v8 =	vld.idx.msk [tilespmem:v16+s18+$0x0], $0xffff  }
0x64b: {  	v5 =	vor.u32 $0x280, v12;
	v22 =	vshll.u32 v2, $0x3;
	v16 =	vor.u32 $0x300, v9;
	v17 =	vld.idx.msk [tilespmem:v17+s18+$0x0], $0xffff  }
0x64c: {  	v6 =	vor.u32 $0x300, v10;
	v2 =	vand.u32 $0x7F, v2;
	v22 =	vand.u32 $0xFFFFFC00, v22;
	[tilespmem:v14+s20+$0x0] =	vst.idx.msk $0xffff, v4  }
0x64d: {  	v2 =	vor.u32 v2, v22;
	v22 =	vor.u32 $0x180, v60;
	v4 =	vshll.u32 v23, $0x3;
	v14 =	vld.idx.msk [tilespmem:v3+s18+$0x0], $0xffff  }
0x64e: {  	v3 =	vand.u32 $0x7F, v23;
	v4 =	vand.u32 $0xFFFFFC00, v4;
	[tilespmem:v19+s20+$0x0] =	vst.idx.msk $0xffff, v7;
	v7 =	vor.u32 $0x200, v59  }
0x64f: {  	v3 =	vor.u32 v3, v4;
	[tilespmem:v13+s20+$0x0] =	vst.idx.msk $0xffff, v8;
	v4 =	vld.idx.msk [tilespmem:v18+s18+$0x0], $0xffff;
	v8 =	vor.u32 $0x180, v61;
	v13 =	vadd.s32 s28, v0  }
0x650: {  	[tilespmem:v5+s20+$0x0] =	vst.idx.msk $0xffff, v17;
	v17 =	vor.u32 $0x200, v62;
	v5 =	vld.idx.msk [tilespmem:v16+s18+$0x0], $0xffff;
	v16 =	vadd.s32 s29, v0;
	v18 =	vshll.u32 v13, $0x3  }
0x651: {  	v6 =	vld.idx.msk [tilespmem:v6+s18+$0x0], $0xffff;
	v13 =	vand.u32 $0x7F, v13;
	v19 =	vshll.u32 v16, $0x3;
	v18 =	vand.u32 $0xFC00, v18  }
0x652: {  	v23 =	vor.u32 $0x380, v10;
	v19 =	vand.u32 $0x7FFFFC00, v19;
	[tilespmem:v22+s20+$0x0] =	vst.idx.msk $0xffff, v14;
	v14 =	vld.idx.msk [tilespmem:v2+s18+$0x0], $0xffff;
	v63 =	vor.u32 v13, v18  }
0x653: {  	v13 =	vand.u32 $0x7F, v16;
	v16 =	vor.u32 $0x80, v2;
	v18 =	vor.u32 $0x200, v60;
	v7 =	vld.idx.msk [tilespmem:v7+s18+$0x0], $0xffff  }
0x654: {  	[tilespmem:v8+s20+$0x0] =	vst.idx.msk $0xffff, v4;
	v8 =	vld.idx.msk [tilespmem:v3+s18+$0x0], $0xffff;
	v4 =	vor.u32 v13, v19;
	v13 =	vor.u32 $0x280, v59  }
0x655: {  	[tilespmem:v15+s20+$0x0] =	vst.idx.msk $0xffff, v5;
	v5 =	vld.idx.msk [tilespmem:v17+s18+$0x0], $0xffff;
	v15 =	vor.u32 $0x80, v3;
	v17 =	vor.u32 $0x200, v61  }
0x656: {  	v19 =	vor.u32 $0x380, v11;
	[tilespmem:v20+s20+$0x0] =	vst.idx.msk $0xffff, v6;
	v20 =	vor.u32 $0x280, v62;
	v6 =	vld.idx.msk [tilespmem:v21+s18+$0x0], $0xffff  }
0x657: {  	v22 =	vor.u32 $0x380, v12;
	v21 =	vld.idx.msk [tilespmem:v23+s18+$0x0], $0xffff;
	v23 =	vadd.s32 $0x3400, v9;
	[tilespmem:v63+s20+$0x0] =	vst.idx.msk $0xffff, v14  }
0x658: {  	v14 =	vld.idx.msk [tilespmem:v16+s18+$0x0], $0xffff;
	[tilespmem:v18+s20+$0x0] =	vst.idx.msk $0xffff, v7;
	v7 =	vadd.s32 $0x3400, v10;
	v16 =	vor.u32 $0x80, v63  }
0x659: {  	v18 =	vor.u32 $0x280, v60;
	[tilespmem:v4+s20+$0x0] =	vst.idx.msk $0xffff, v8;
	v8 =	vld.idx.msk [tilespmem:v13+s18+$0x0], $0xffff;
	v13 =	vor.u32 $0x100, v2  }
0x65a: {  	v15 =	vld.idx.msk [tilespmem:v15+s18+$0x0], $0xffff;
	[tilespmem:v17+s20+$0x0] =	vst.idx.msk $0xffff, v5;
	v5 =	vor.u32 $0x80, v4;
	v17 =	vor.u32 $0x300, v59  }
0x65b: {  	[tilespmem:v19+s20+$0x0] =	vst.idx.msk $0xffff, v6;
	v6 =	vld.idx.msk [tilespmem:v20+s18+$0x0], $0xffff;
	v19 =	vor.u32 $0x100, v3;
	v20 =	vor.u32 $0x280, v61  }
0x65c: {  	[tilespmem:v22+s20+$0x0] =	vst.idx.msk $0xffff, v21;
	v22 =	vadd.s32 $0x6800, v11;
	v21 =	vld.idx.msk [tilespmem:v23+s18+$0x0], $0xffff;
	v23 =	vor.u32 $0x300, v62  }
0x65d: {  	s30 =	simm.s32 $0x6D6;
	v24 =	vadd.s32 $0x3480, v9;
	v7 =	vld.idx.msk [tilespmem:v7+s18+$0x0], $0xffff;
	[tilespmem:v16+s20+$0x0] =	vst.idx.msk $0xffff, v14;
	v14 =	vadd.s32 $0x6800, v12  }
0x65e: {  	v27 =	vadd.s32 s30, v30;
	v13 =	vld.idx.msk [tilespmem:v13+s18+$0x0], $0xffff;
	[tilespmem:v18+s20+$0x0] =	vst.idx.msk $0xffff, v8;
	v8 =	vadd.s32 $0x3480, v10;
	v18 =	vor.u32 $0x100, v63  }
0x65f: {  	s31 =	simm.s32 $0x6C6;
	v31 =	vshll.u32 v27, $0x3;
	[tilespmem:v5+s20+$0x0] =	vst.idx.msk $0xffff, v15;
	v5 =	vld.idx.msk [tilespmem:v17+s18+$0x0], $0xffff;
	v15 =	vor.u32 $0x180, v2;
	v17 =	vor.u32 $0x300, v60  }
0x660: {  	v29 =	vadd.s32 s31, v0;
	v19 =	vld.idx.msk [tilespmem:v19+s18+$0x0], $0xffff;
	[tilespmem:v20+s20+$0x0] =	vst.idx.msk $0xffff, v6;
	v6 =	vor.u32 $0x100, v4;
	v20 =	vor.u32 $0x380, v59  }
0x661: {  	v26 =	vadd.s32 $0x6880, v11;
	v25 =	vor.u32 $0x180, v3;
	v16 =	vor.u32 $0x300, v61;
	[tilespmem:v22+s20+$0x0] =	vst.idx.msk $0xffff, v21;
	v22 =	vld.idx.msk [tilespmem:v23+s18+$0x0], $0xffff  }
0x662: {  	v28 =	vor.u32 $0x380, v62;
	v21 =	vadd.s32 $0x3500, v10;
	v24 =	vld.idx.msk [tilespmem:v24+s18+$0x0], $0xffff;
	[tilespmem:v14+s20+$0x0] =	vst.idx.msk $0xffff, v7;
	v14 =	vadd.s32 s31, v30  }
0x663: {  	v23 =	vadd.s32 $0x3500, v9;
	v7 =	vadd.s32 $0x6880, v12;
	v8 =	vld.idx.msk [tilespmem:v8+s18+$0x0], $0xffff;
	v44 =	vshll.u32 v14, $0x3;
	[tilespmem:v18+s20+$0x0] =	vst.idx.msk $0xffff, v13  }
0x664: {  	v13 =	vand.u32 $0x7F, v27;
	v18 =	vand.u32 $0xFFFFFC00, v31;
	v14 =	vand.u32 $0x7F, v14;
	v15 =	vld.idx.msk [tilespmem:v15+s18+$0x0], $0xffff;
	[tilespmem:v17+s20+$0x0] =	vst.idx.msk $0xffff, v5  }
0x665: {  	v17 =	vand.u32 $0xFFFFFC00, v44;
	v5 =	vor.u32 v13, v18;
	v13 =	vor.u32 $0x180, v63;
	[tilespmem:v6+s20+$0x0] =	vst.idx.msk $0xffff, v19;
	v18 =	vld.idx.msk [tilespmem:v20+s18+$0x0], $0xffff  }
0x666: {  	v6 =	vor.u32 v14, v17;
	v17 =	vor.u32 $0x200, v2;
	v14 =	vld.idx.msk [tilespmem:v25+s18+$0x0], $0xffff;
	[tilespmem:v16+s20+$0x0] =	vst.idx.msk $0xffff, v22;
	v16 =	vor.u32 $0x380, v60  }
0x667: {  	v27 =	vadd.s32 $0x3400, v62;
	v19 =	vshll.u32 v29, $0x3;
	v20 =	vor.u32 $0x180, v4;
	[tilespmem:v26+s20+$0x0] =	vst.idx.msk $0xffff, v24;
	v22 =	vld.idx.msk [tilespmem:v28+s18+$0x0], $0xffff  }
0x668: {  	v25 =	vor.u32 $0x200, v3;
	v24 =	vor.u32 $0x380, v61;
	[tilespmem:v7+s20+$0x0] =	vst.idx.msk $0xffff, v8;
	v7 =	vadd.s32 s30, v0;
	v23 =	vld.idx.msk [tilespmem:v23+s18+$0x0], $0xffff  }
0x669: {  	v26 =	vadd.s32 $0x3580, v9;
	v28 =	vadd.s32 $0x6900, v11;
	v8 =	vshll.u32 v7, $0x3;
	v21 =	vld.idx.msk [tilespmem:v21+s18+$0x0], $0xffff  }
0x66a: {  	[tilespmem:v13+s20+$0x0] =	vst.idx.msk $0xffff, v15;
	v13 =	vld.idx.msk [tilespmem:v5+s18+$0x0], $0xffff;
	v7 =	vand.u32 $0x7F, v7;
	v15 =	vadd.s32 $0x6900, v12;
	v8 =	vand.u32 $0xFC00, v8  }
0x66b: {  	v19 =	vand.u32 $0x7FFFFC00, v19;
	[tilespmem:v16+s20+$0x0] =	vst.idx.msk $0xffff, v18;
	v7 =	vor.u32 v7, v8;
	v16 =	vld.idx.msk [tilespmem:v17+s18+$0x0], $0xffff;
	v17 =	vadd.s32 $0x3580, v10  }
0x66c: {  	[tilespmem:v20+s20+$0x0] =	vst.idx.msk $0xffff, v14;
	v14 =	vld.idx.msk [tilespmem:v6+s18+$0x0], $0xffff;
	v8 =	vand.u32 $0x7F, v29;
	v18 =	vor.u32 $0x80, v5;
	v20 =	vor.u32 $0x200, v63  }
0x66d: {  	[tilespmem:v24+s20+$0x0] =	vst.idx.msk $0xffff, v22;
	v8 =	vor.u32 v8, v19;
	v19 =	vld.idx.msk [tilespmem:v25+s18+$0x0], $0xffff;
	v22 =	vor.u32 $0x280, v2  }
0x66e: {  	v24 =	vor.u32 $0x80, v6;
	v25 =	vor.u32 $0x200, v4;
	v27 =	vld.idx.msk [tilespmem:v27+s18+$0x0], $0xffff;
	[tilespmem:v28+s20+$0x0] =	vst.idx.msk $0xffff, v23  }
0x66f: {  	v23 =	vor.u32 $0x280, v3;
	v28 =	vadd.s32 $0x6800, v61;
	v26 =	vld.idx.msk [tilespmem:v26+s18+$0x0], $0xffff;
	[tilespmem:v15+s20+$0x0] =	vst.idx.msk $0xffff, v21  }
0x670: {  	v29 =	vadd.s32 $0x6980, v11;
	v21 =	vadd.s32 $0x3480, v62;
	[tilespmem:v7+s20+$0x0] =	vst.idx.msk $0xffff, v13;
	v17 =	vld.idx.msk [tilespmem:v17+s18+$0x0], $0xffff  }
0x671: {  	v33 =	vadd.s32 $0x3600, v9;
	[tilespmem:v20+s20+$0x0] =	vst.idx.msk $0xffff, v16;
	v20 =	vadd.s32 $0x6980, v12;
	v18 =	vld.idx.msk [tilespmem:v18+s18+$0x0], $0xffff  }
0x672: {  	v31 =	vor.u32 $0x80, v7;
	v16 =	vadd.s32 $0x3400, v59;
	[tilespmem:v8+s20+$0x0] =	vst.idx.msk $0xffff, v14;
	v32 =	vld.idx.msk [tilespmem:v22+s18+$0x0], $0xffff  }
0x673: {  	v42 =	vadd.s32 $0x6880, v61;
	v35 =	vor.u32 $0x100, v5;
	[tilespmem:v25+s20+$0x0] =	vst.idx.msk $0xffff, v19;
	v25 =	vor.u32 $0x280, v63;
	v34 =	vld.idx.msk [tilespmem:v24+s18+$0x0], $0xffff  }
0x674: {  	v38 =	vor.u32 $0x300, v2;
	v41 =	vor.u32 $0x300, v3;
	v36 =	vor.u32 $0x80, v8;
	v37 =	vld.idx.msk [tilespmem:v23+s18+$0x0], $0xffff;
	[tilespmem:v28+s20+$0x0] =	vst.idx.msk $0xffff, v27  }
0x675: {  	v45 =	vor.u32 $0x280, v4;
	v39 =	vor.u32 $0x100, v6;
	v15 =	vor.u32 $0x300, v8;
	v21 =	vld.idx.msk [tilespmem:v21+s18+$0x0], $0xffff;
	[tilespmem:v29+s20+$0x0] =	vst.idx.msk $0xffff, v26  }
0x676: {  	v13 =	vor.u32 $0x300, v4;
	v14 =	vor.u32 $0x180, v6;
	v22 =	vadd.s32 $0x3600, v10;
	v23 =	vld.idx.msk [tilespmem:v33+s18+$0x0], $0xffff;
	[tilespmem:v20+s20+$0x0] =	vst.idx.msk $0xffff, v17  }
0x677: {  	v19 =	vadd.s32 $0x3680, v9;
	v10 =	vadd.s32 $0x3680, v10;
	v26 =	vadd.s32 $0x6800, v60;
	v24 =	vld.idx.msk [tilespmem:v16+s18+$0x0], $0xffff;
	[tilespmem:v31+s20+$0x0] =	vst.idx.msk $0xffff, v18  }
0x678: {  	v9 =	vadd.s32 $0x6A80, v12;
	v27 =	vadd.s32 $0x6A00, v11;
	[tilespmem:v25+s20+$0x0] =	vst.idx.msk $0xffff, v32;
	v25 =	vadd.s32 $0x3480, v59;
	v33 =	vld.idx.msk [tilespmem:v35+s18+$0x0], $0xffff  }
0x679: {  	v29 =	vor.u32 $0x300, v63;
	v17 =	vadd.s32 $0x6A00, v12;
	[tilespmem:v36+s20+$0x0] =	vst.idx.msk $0xffff, v34;
	v35 =	vor.u32 $0x100, v7;
	v28 =	vld.idx.msk [tilespmem:v38+s18+$0x0], $0xffff  }
0x67a: {  	v16 =	vadd.s32 $0x6A80, v11;
	v11 =	vadd.s32 $0x3500, v59;
	v36 =	vor.u32 $0x180, v5;
	[tilespmem:v45+s20+$0x0] =	vst.idx.msk $0xffff, v37;
	v34 =	vld.idx.msk [tilespmem:v39+s18+$0x0], $0xffff  }
0x67b: {  	s24 =	simm.s32 $0x6;
	s25 =	simm.s32 $0x6F6;
	v32 =	vor.u32 $0x380, v2;
	v18 =	vadd.s32 $0x3500, v62;
	v37 =	vor.u32 $0x100, v8;
	v31 =	vld.idx.msk [tilespmem:v41+s18+$0x0], $0xffff;
	[tilespmem:v42+s20+$0x0] =	vst.idx.msk $0xffff, v21  }
.LBB2_16:
0x67c: {  	s26 =	sadd.s32 $0xFFFFFFF0, s25;
	v21 =	vadd.s32 s25, v30;
	s24 =	sadd.s32 $0x2, s24;
	v38 =	vor.u32 $0x380, v3;
	[tilespmem:v26+s20+$0x0] =	vst.idx.msk $0xffff, v24;
	v24 =	vadd.s32 $0x6880, v60;
	v22 =	vld.idx.msk [tilespmem:v22+s18+$0x0], $0xffff;
	v12 =	vmovc v6  }
0x67d: {  	v20 =	vmovc v60;
	v26 =	vadd.s32 s26, v0;
	v6 =	vadd.s32 s26, v30;
	v39 =	vshll.u32 v21, $0x3;
	p0 =	slt.u32 s24, $0x64;
	v25 =	vld.idx.msk [tilespmem:v25+s18+$0x0], $0xffff;
	[tilespmem:v27+s20+$0x0] =	vst.idx.msk $0xffff, v23  }
0x67e: {  	v60 =	vmovc v63;
	v21 =	vand.u32 $0x7F, v21;
	v23 =	vshll.u32 v6, $0x3;
	v27 =	vand.u32 $0xFFFFFC00, v39;
	[tilespmem:v35+s20+$0x0] =	vst.idx.msk $0xffff, v33;
	v19 =	vld.idx.msk [tilespmem:v19+s18+$0x0], $0xffff  }
0x67f: {  	v6 =	vand.u32 $0x7F, v6;
	v23 =	vand.u32 $0xFFFFFC00, v23;
	v21 =	vor.u32 v21, v27;
	v27 =	vld.idx.msk [tilespmem:v36+s18+$0x0], $0xffff;
	[tilespmem:v29+s20+$0x0] =	vst.idx.msk $0xffff, v28  }
0x680: {  	v28 =	vor.u32 $0x180, v7;
	v6 =	vor.u32 v6, v23;
	v23 =	vshll.u32 v26, $0x3;
	[tilespmem:v37+s20+$0x0] =	vst.idx.msk $0xffff, v34;
	v29 =	vld.idx.msk [tilespmem:v32+s18+$0x0], $0xffff  }
0x681: {  	v63 =	vmovc v7;
	v23 =	vand.u32 $0x7FFFFC00, v23;
	v32 =	vld.idx.msk [tilespmem:v14+s18+$0x0], $0xffff;
	v14 =	vor.u32 $0x180, v6;
	[tilespmem:v13+s20+$0x0] =	vst.idx.msk $0xffff, v31;
	v31 =	vor.u32 $0x380, v60  }
0x682: {  	v33 =	vor.u32 $0x180, v8;
	v36 =	vmovc v61;
	v61 =	vmov v4;
	v34 =	vor.u32 $0x200, v5;
	v35 =	vld.idx.msk [tilespmem:v38+s18+$0x0], $0xffff;
	[tilespmem:v17+s20+$0x0] =	vst.idx.msk $0xffff, v22  }
0x683: {  	v4 =	vmov v8;
	v13 =	vmov v15;
	v17 =	vor.u32 $0x380, v61;
	[tilespmem:v24+s20+$0x0] =	vst.idx.msk $0xffff, v25;
	v10 =	vld.idx.msk [tilespmem:v10+s18+$0x0], $0xffff  }
0x684: {  	v7 =	vadd.s32 s25, v0;
	v15 =	vor.u32 $0x200, v12;
	v22 =	vadd.s32 $0x3580, v62;
	v18 =	vld.idx.msk [tilespmem:v18+s18+$0x0], $0xffff;
	[tilespmem:v16+s20+$0x0] =	vst.idx.msk $0xffff, v19  }
0x685: {  	v8 =	vshll.u32 v7, $0x3;
	v16 =	vadd.s32 $0x3400, v3;
	v19 =	vadd.s32 $0x6900, v36;
	[tilespmem:v28+s20+$0x0] =	vst.idx.msk $0xffff, v27;
	v11 =	vld.idx.msk [tilespmem:v11+s18+$0x0], $0xffff  }
0x686: {  	v7 =	vand.u32 $0x7F, v7;
	v8 =	vand.u32 $0xFC00, v8;
	v25 =	vadd.s32 $0x6900, v20;
	v24 =	vld.idx.msk [tilespmem:v21+s18+$0x0], $0xffff;
	[tilespmem:v31+s20+$0x0] =	vst.idx.msk $0xffff, v29  }
0x687: {  	v7 =	vor.u32 v7, v8;
	v28 =	vadd.s32 $0x3580, v59;
	[tilespmem:v33+s20+$0x0] =	vst.idx.msk $0xffff, v32;
	v27 =	vld.idx.msk [tilespmem:v34+s18+$0x0], $0xffff  }
0x688: {  	v8 =	vand.u32 $0x7F, v26;
	v26 =	vor.u32 $0x80, v21;
	v31 =	vor.u32 $0x200, v63;
	v29 =	vld.idx.msk [tilespmem:v6+s18+$0x0], $0xffff;
	[tilespmem:v17+s20+$0x0] =	vst.idx.msk $0xffff, v35  }
0x689: {  	v8 =	vor.u32 v8, v23;
	v23 =	vor.u32 $0x280, v5;
	v17 =	vld.idx.msk [tilespmem:v15+s18+$0x0], $0xffff;
	[tilespmem:v9+s20+$0x0] =	vst.idx.msk $0xffff, v10  }
0x68a: {  	v9 =	vor.u32 $0x80, v6;
	v15 =	vor.u32 $0x300, v8;
	v10 =	vor.u32 $0x200, v4;
	v16 =	vld.idx.msk [tilespmem:v16+s18+$0x0], $0xffff;
	[tilespmem:v19+s20+$0x0] =	vst.idx.msk $0xffff, v18  }
0x68b: {  	v18 =	vor.u32 $0x280, v12;
	v19 =	vadd.s32 $0x6800, v61;
	v22 =	vld.idx.msk [tilespmem:v22+s18+$0x0], $0xffff;
	[tilespmem:v25+s20+$0x0] =	vst.idx.msk $0xffff, v11  }
0x68c: {  	v11 =	vadd.s32 $0x3480, v3;
	[tilespmem:v7+s20+$0x0] =	vst.idx.msk $0xffff, v24;
	v24 =	vadd.s32 $0x6980, v36;
	v25 =	vld.idx.msk [tilespmem:v28+s18+$0x0], $0xffff  }
0x68d: {  	v28 =	vadd.s32 $0x6980, v20;
	v26 =	vld.idx.msk [tilespmem:v26+s18+$0x0], $0xffff;
	[tilespmem:v31+s20+$0x0] =	vst.idx.msk $0xffff, v27;
	v27 =	vadd.s32 $0x3400, v2  }
0x68e: {  	[tilespmem:v8+s20+$0x0] =	vst.idx.msk $0xffff, v29;
	v29 =	vor.u32 $0x80, v7;
	v31 =	vld.idx.msk [tilespmem:v23+s18+$0x0], $0xffff;
	v23 =	vadd.s32 $0x3600, v62  }
0x68f: {  	v32 =	vor.u32 $0x100, v21;
	v9 =	vld.idx.msk [tilespmem:v9+s18+$0x0], $0xffff;
	[tilespmem:v10+s20+$0x0] =	vst.idx.msk $0xffff, v17;
	v17 =	vor.u32 $0x280, v63  }
0x690: {  	v37 =	vor.u32 $0x300, v5;
	v34 =	vor.u32 $0x80, v8;
	v18 =	vld.idx.msk [tilespmem:v18+s18+$0x0], $0xffff;
	[tilespmem:v19+s20+$0x0] =	vst.idx.msk $0xffff, v16  }
0x691: {  	v39 =	vor.u32 $0x280, v4;
	v38 =	vor.u32 $0x100, v6;
	v40 =	vld.idx.msk [tilespmem:v11+s18+$0x0], $0xffff;
	[tilespmem:v24+s20+$0x0] =	vst.idx.msk $0xffff, v22  }
0x692: {  	v41 =	vor.u32 $0x300, v12;
	v42 =	vadd.s32 $0x6880, v61;
	v22 =	vadd.s32 $0x3600, v59;
	v24 =	vld.idx.msk [tilespmem:v27+s18+$0x0], $0xffff;
	[tilespmem:v28+s20+$0x0] =	vst.idx.msk $0xffff, v25  }
.Ltmp7:
0x693: {  	v10 =	vadd.s32 $0x3680, v59;
	v19 =	vadd.s32 $0x3680, v62;
	v59 =	vmovc v2;
	[tilespmem:v29+s20+$0x0] =	vst.idx.msk $0xffff, v26;
	v26 =	vadd.s32 $0x6800, v60;
	v23 =	vld.idx.msk [tilespmem:v23+s18+$0x0], $0xffff;
	(pc) =	sbr.rel @p0 .LBB2_16-.Ltmp7, $4  }
0x694: {  	v2 =	vmovc v5;
	v25 =	vadd.s32 $0x3480, v59;
	v27 =	vadd.s32 $0x6A00, v36;
	v33 =	vld.idx.msk [tilespmem:v32+s18+$0x0], $0xffff;
	[tilespmem:v17+s20+$0x0] =	vst.idx.msk $0xffff, v31;
	v17 =	vadd.s32 $0x6A00, v20  }
0x695: {  	v35 =	vor.u32 $0x100, v7;
	v16 =	vadd.s32 $0x6A80, v36;
	v5 =	vmovc v21;
	[tilespmem:v34+s20+$0x0] =	vst.idx.msk $0xffff, v9;
	v28 =	vld.idx.msk [tilespmem:v37+s18+$0x0], $0xffff;
	v9 =	vadd.s32 $0x6A80, v20  }
0x696: {  	v62 =	vmovc v3;
	v36 =	vor.u32 $0x180, v5;
	v11 =	vadd.s32 $0x3500, v59;
	v29 =	vor.u32 $0x300, v63;
	v34 =	vld.idx.msk [tilespmem:v38+s18+$0x0], $0xffff;
	[tilespmem:v39+s20+$0x0] =	vst.idx.msk $0xffff, v18  }
0x697: {  	s25 =	sadd.s32 $0x20, s25;
	v3 =	vmovc v12;
	v32 =	vor.u32 $0x380, v2;
	v37 =	vor.u32 $0x100, v8;
	v18 =	vadd.s32 $0x3500, v62;
	v31 =	vld.idx.msk [tilespmem:v41+s18+$0x0], $0xffff;
	[tilespmem:v42+s20+$0x0] =	vst.idx.msk $0xffff, v40  }
0x698: {  	_ =	sdelay $0x3  }
0x699: {  	[tilespmem:v35+s20+$0x0] =	vst.idx.msk $0xffff, v33  }
0x69a: {  	v21 =	vor.u32 $0x180, v7;
	v20 =	vld.idx.msk [tilespmem:v36+s18+$0x0], $0xffff;
	[tilespmem:v37+s20+$0x0] =	vst.idx.msk $0xffff, v34  }
0x69b: {  	v44 =	vor.u32 $0x180, v8;
	v36 =	vor.u32 $0x200, v5;
	v12 =	vld.idx.msk [tilespmem:v14+s18+$0x0], $0xffff  }
0x69c: {  	v45 =	vor.u32 $0x200, v6;
	_ =	sdelay $0x2  }
0x69d: {  	[tilespmem:v21+s20+$0x0] =	vst.idx.msk $0xffff, v20  }
0x69e: {  	v38 =	vor.u32 $0x200, v7;
	v20 =	vld.idx.msk [tilespmem:v36+s18+$0x0], $0xffff;
	[tilespmem:v44+s20+$0x0] =	vst.idx.msk $0xffff, v12  }
0x69f: {  	v40 =	vor.u32 $0x280, v5;
	v37 =	vor.u32 $0x200, v8;
	v12 =	vld.idx.msk [tilespmem:v45+s18+$0x0], $0xffff  }
0x6a0: {  	v39 =	vor.u32 $0x280, v6;
	_ =	sdelay $0x2  }
0x6a1: {  	[tilespmem:v38+s20+$0x0] =	vst.idx.msk $0xffff, v20  }
0x6a2: {  	v42 =	vor.u32 $0x280, v7;
	v20 =	vld.idx.msk [tilespmem:v40+s18+$0x0], $0xffff;
	[tilespmem:v37+s20+$0x0] =	vst.idx.msk $0xffff, v12  }
0x6a3: {  	v41 =	vor.u32 $0x280, v8;
	v44 =	vor.u32 $0x300, v5;
	v12 =	vld.idx.msk [tilespmem:v39+s18+$0x0], $0xffff  }
0x6a4: {  	v43 =	vor.u32 $0x300, v6;
	_ =	sdelay $0x2  }
0x6a5: {  	v45 =	vor.u32 $0x380, v3;
	[tilespmem:v42+s20+$0x0] =	vst.idx.msk $0xffff, v20  }
0x6a6: {  	v36 =	vor.u32 $0x300, v7;
	v20 =	vld.idx.msk [tilespmem:v44+s18+$0x0], $0xffff;
	[tilespmem:v41+s20+$0x0] =	vst.idx.msk $0xffff, v12  }
0x6a7: {  	v38 =	vor.u32 $0x380, v5;
	v14 =	vld.idx.msk [tilespmem:v43+s18+$0x0], $0xffff  }
0x6a8: {  	v37 =	vor.u32 $0x380, v6  }
0x6a9: {  	[tilespmem:v13+s20+$0x0] =	vst.idx.msk $0xffff, v31  }
0x6aa: {  	[tilespmem:v29+s20+$0x0] =	vst.idx.msk $0xffff, v28;
	v39 =	vor.u32 $0x380, v4;
	v12 =	vld.idx.msk [tilespmem:v45+s18+$0x0], $0xffff  }
0x6ab: {  	v28 =	vld.idx.msk [tilespmem:v32+s18+$0x0], $0xffff;
	v40 =	vor.u32 $0x380, v63;
	v41 =	vadd.s32 $0x3400, v3;
	[tilespmem:v36+s20+$0x0] =	vst.idx.msk $0xffff, v20  }
0x6ac: {  	v42 =	vadd.s32 $0x3400, v2;
	v45 =	vor.u32 $0x380, v7;
	v44 =	vld.idx.msk [tilespmem:v38+s18+$0x0], $0xffff;
	[tilespmem:v15+s20+$0x0] =	vst.idx.msk $0xffff, v14  }
0x6ad: {  	[tilespmem:v26+s20+$0x0] =	vst.idx.msk $0xffff, v24;
	v29 =	vor.u32 $0x380, v8;
	v32 =	vadd.s32 $0x3400, v5;
	v43 =	vld.idx.msk [tilespmem:v37+s18+$0x0], $0xffff  }
0x6ae: {  	[tilespmem:v27+s20+$0x0] =	vst.idx.msk $0xffff, v23;
	v22 =	vld.idx.msk [tilespmem:v22+s18+$0x0], $0xffff;
	v31 =	vadd.s32 $0x3400, v6  }
0x6af: {  	v33 =	vadd.s32 $0x6880, v60;
	v34 =	vld.idx.msk [tilespmem:v25+s18+$0x0], $0xffff;
	[tilespmem:v39+s20+$0x0] =	vst.idx.msk $0xffff, v12  }
0x6b0: {  	[tilespmem:v40+s20+$0x0] =	vst.idx.msk $0xffff, v28;
	v36 =	vadd.s32 $0x6800, v4;
	v35 =	vld.idx.msk [tilespmem:v41+s18+$0x0], $0xffff  }
0x6b1: {  	v20 =	vld.idx.msk [tilespmem:v42+s18+$0x0], $0xffff;
	v38 =	vadd.s32 $0x6800, v63;
	v37 =	vadd.s32 $0x3480, v3;
	[tilespmem:v45+s20+$0x0] =	vst.idx.msk $0xffff, v44  }
0x6b2: {  	v39 =	vadd.s32 $0x3480, v2;
	v44 =	vadd.s32 $0x6800, v7;
	[tilespmem:v29+s20+$0x0] =	vst.idx.msk $0xffff, v43;
	v43 =	vld.idx.msk [tilespmem:v32+s18+$0x0], $0xffff  }
0x6b3: {  	[tilespmem:v17+s20+$0x0] =	vst.idx.msk $0xffff, v22;
	v41 =	vadd.s32 $0x6800, v8;
	v32 =	vadd.s32 $0x3480, v5;
	v40 =	vld.idx.msk [tilespmem:v31+s18+$0x0], $0xffff  }
0x6b4: {  	v10 =	vld.idx.msk [tilespmem:v10+s18+$0x0], $0xffff;
	[tilespmem:v33+s20+$0x0] =	vst.idx.msk $0xffff, v34;
	v42 =	vadd.s32 $0x3480, v6  }
0x6b5: {  	v45 =	vld.idx.msk [tilespmem:v19+s18+$0x0], $0xffff;
	[tilespmem:v36+s20+$0x0] =	vst.idx.msk $0xffff, v35  }
0x6b6: {  	v33 =	vadd.s32 $0x6880, v4;
	[tilespmem:v38+s20+$0x0] =	vst.idx.msk $0xffff, v20;
	v14 =	vld.idx.msk [tilespmem:v37+s18+$0x0], $0xffff  }
0x6b7: {  	v34 =	vadd.s32 $0x3500, v3;
	v35 =	vadd.s32 $0x6880, v63;
	v36 =	vld.idx.msk [tilespmem:v39+s18+$0x0], $0xffff;
	[tilespmem:v44+s20+$0x0] =	vst.idx.msk $0xffff, v43  }
0x6b8: {  	v37 =	vadd.s32 $0x3500, v2;
	[tilespmem:v41+s20+$0x0] =	vst.idx.msk $0xffff, v40;
	v40 =	vadd.s32 $0x6880, v7;
	v13 =	vld.idx.msk [tilespmem:v32+s18+$0x0], $0xffff  }
0x6b9: {  	[tilespmem:v9+s20+$0x0] =	vst.idx.msk $0xffff, v10;
	v38 =	vadd.s32 $0x6880, v8;
	v17 =	vld.idx.msk [tilespmem:v42+s18+$0x0], $0xffff;
	v42 =	vadd.s32 $0x3500, v5  }
0x6ba: {  	v18 =	vld.idx.msk [tilespmem:v18+s18+$0x0], $0xffff;
	v39 =	vadd.s32 $0x3500, v6;
	[tilespmem:v16+s20+$0x0] =	vst.idx.msk $0xffff, v45;
	v41 =	vadd.s32 $0x6900, v61  }
0x6bb: {  	v11 =	vld.idx.msk [tilespmem:v11+s18+$0x0], $0xffff;
	[tilespmem:v33+s20+$0x0] =	vst.idx.msk $0xffff, v14;
	v43 =	vadd.s32 $0x3580, v62;
	v44 =	vadd.s32 $0x6900, v60  }
0x6bc: {  	v24 =	vadd.s32 $0x6900, v4;
	v45 =	vadd.s32 $0x3580, v59;
	[tilespmem:v35+s20+$0x0] =	vst.idx.msk $0xffff, v36;
	v19 =	vld.idx.msk [tilespmem:v34+s18+$0x0], $0xffff  }
0x6bd: {  	v26 =	vadd.s32 $0x6900, v63;
	v25 =	vadd.s32 $0x3580, v3;
	v22 =	vld.idx.msk [tilespmem:v37+s18+$0x0], $0xffff;
	[tilespmem:v40+s20+$0x0] =	vst.idx.msk $0xffff, v13  }
0x6be: {  	v27 =	vadd.s32 $0x3580, v2;
	v34 =	vadd.s32 $0x6900, v7;
	[tilespmem:v38+s20+$0x0] =	vst.idx.msk $0xffff, v17;
	v10 =	vld.idx.msk [tilespmem:v42+s18+$0x0], $0xffff  }
0x6bf: {  	v36 =	vadd.s32 $0x3580, v5;
	v32 =	vadd.s32 $0x6900, v8;
	[tilespmem:v41+s20+$0x0] =	vst.idx.msk $0xffff, v18;
	v12 =	vld.idx.msk [tilespmem:v39+s18+$0x0], $0xffff  }
0x6c0: {  	v35 =	vadd.s32 $0x6980, v61;
	v33 =	vadd.s32 $0x3580, v6;
	[tilespmem:v44+s20+$0x0] =	vst.idx.msk $0xffff, v11;
	v14 =	vld.idx.msk [tilespmem:v43+s18+$0x0], $0xffff  }
0x6c1: {  	v37 =	vadd.s32 $0x6980, v60;
	v20 =	vld.idx.msk [tilespmem:v45+s18+$0x0], $0xffff;
	[tilespmem:v24+s20+$0x0] =	vst.idx.msk $0xffff, v19;
	v38 =	vadd.s32 $0x3600, v62  }
0x6c2: {  	[tilespmem:v26+s20+$0x0] =	vst.idx.msk $0xffff, v22;
	v40 =	vadd.s32 $0x6980, v4;
	v17 =	vld.idx.msk [tilespmem:v25+s18+$0x0], $0xffff;
	v39 =	vadd.s32 $0x3600, v59  }
0x6c3: {  	v13 =	vld.idx.msk [tilespmem:v27+s18+$0x0], $0xffff;
	v41 =	vadd.s32 $0x6980, v63;
	v42 =	vadd.s32 $0x3600, v3;
	[tilespmem:v34+s20+$0x0] =	vst.idx.msk $0xffff, v10  }
0x6c4: {  	v24 =	vadd.s32 $0x6980, v7;
	v43 =	vadd.s32 $0x3600, v2;
	[tilespmem:v32+s20+$0x0] =	vst.idx.msk $0xffff, v12;
	v45 =	vld.idx.msk [tilespmem:v36+s18+$0x0], $0xffff  }
0x6c5: {  	v44 =	vadd.s32 $0x6980, v8;
	[tilespmem:v35+s20+$0x0] =	vst.idx.msk $0xffff, v14;
	v32 =	vadd.s32 $0x3600, v5;
	v9 =	vld.idx.msk [tilespmem:v33+s18+$0x0], $0xffff  }
0x6c6: {  	v27 =	vadd.s32 $0x6A00, v61;
	v25 =	vadd.s32 $0x3600, v6;
	[tilespmem:v37+s20+$0x0] =	vst.idx.msk $0xffff, v20;
	v26 =	vld.idx.msk [tilespmem:v38+s18+$0x0], $0xffff  }
0x6c7: {  	[tilespmem:v40+s20+$0x0] =	vst.idx.msk $0xffff, v17;
	v34 =	vadd.s32 $0x6A00, v60;
	v22 =	vld.idx.msk [tilespmem:v39+s18+$0x0], $0xffff;
	v33 =	vadd.s32 $0x3680, v62  }
0x6c8: {  	[tilespmem:v41+s20+$0x0] =	vst.idx.msk $0xffff, v13;
	v37 =	vadd.s32 $0x6A00, v4;
	v35 =	vadd.s32 $0x3680, v59;
	v36 =	vld.idx.msk [tilespmem:v42+s18+$0x0], $0xffff  }
0x6c9: {  	v3 =	vadd.s32 $0x3680, v3;
	v10 =	vld.idx.msk [tilespmem:v43+s18+$0x0], $0xffff;
	v38 =	vadd.s32 $0x6A00, v63;
	[tilespmem:v24+s20+$0x0] =	vst.idx.msk $0xffff, v45  }
0x6ca: {  	v2 =	vadd.s32 $0x3680, v2;
	v42 =	vadd.s32 $0x6A00, v7;
	[tilespmem:v44+s20+$0x0] =	vst.idx.msk $0xffff, v9;
	v43 =	vld.idx.msk [tilespmem:v32+s18+$0x0], $0xffff  }
0x6cb: {  	v40 =	vadd.s32 $0x6A00, v8;
	[tilespmem:v27+s20+$0x0] =	vst.idx.msk $0xffff, v26;
	v45 =	vadd.s32 $0x3680, v5;
	v39 =	vld.idx.msk [tilespmem:v25+s18+$0x0], $0xffff  }
0x6cc: {  	v41 =	vadd.s32 $0x3680, v6;
	[tilespmem:v34+s20+$0x0] =	vst.idx.msk $0xffff, v22;
	v44 =	vadd.s32 $0x6A80, v61;
	v17 =	vld.idx.msk [tilespmem:v33+s18+$0x0], $0xffff  }
0x6cd: {  	v59 =	vadd.s32 $0x6A80, v60;
	[tilespmem:v37+s20+$0x0] =	vst.idx.msk $0xffff, v36;
	v12 =	vld.idx.msk [tilespmem:v35+s18+$0x0], $0xffff  }
0x6ce: {  	v60 =	vadd.s32 $0x6A80, v4;
	[tilespmem:v38+s20+$0x0] =	vst.idx.msk $0xffff, v10;
	v3 =	vld.idx.msk [tilespmem:v3+s18+$0x0], $0xffff  }
0x6cf: {  	v61 =	vadd.s32 $0x6A80, v63;
	v2 =	vld.idx.msk [tilespmem:v2+s18+$0x0], $0xffff;
	[tilespmem:v42+s20+$0x0] =	vst.idx.msk $0xffff, v43  }
0x6d0: {  	v63 =	vadd.s32 $0x6A80, v7;
	[tilespmem:v40+s20+$0x0] =	vst.idx.msk $0xffff, v39;
	v5 =	vld.idx.msk [tilespmem:v45+s18+$0x0], $0xffff  }
0x6d1: {  	v62 =	vadd.s32 $0x6A80, v8;
	[tilespmem:v44+s20+$0x0] =	vst.idx.msk $0xffff, v17;
	v6 =	vld.idx.msk [tilespmem:v41+s18+$0x0], $0xffff  }
0x6d2: {  	[tilespmem:v59+s20+$0x0] =	vst.idx.msk $0xffff, v12  }
0x6d3: {  	[tilespmem:v60+s20+$0x0] =	vst.idx.msk $0xffff, v3  }
0x6d4: {  	[tilespmem:v61+s20+$0x0] =	vst.idx.msk $0xffff, v2  }
0x6d5: {  	[tilespmem:v63+s20+$0x0] =	vst.idx.msk $0xffff, v5  }
0x6d6: {  	[tilespmem:v62+s20+$0x0] =	vst.idx.msk $0xffff, v6  }
0x6d7: {  	v2 =	vld [tilespmem:$0x1FF10];
	_ =	sdelay $0x4  }
0x6d8: {  	v3 =	vld [tilespmem:$0x1FF20];
	_ =	sdelay $0x2  }
0x6d9: {  	v2 =	vld.idx.msk [tilespmem:v2+s18+$0x0], $0xffff;
	_ =	sdelay $0x4  }
0x6da: {  	[tilespmem:v3+s20+$0x0] =	vst.idx.msk $0xffff, v2;
	v2 =	vld [tilespmem:$0x1FF30];
	_ =	sdelay $0x4  }
0x6db: {  	v3 =	vld [tilespmem:$0x1FF40];
	_ =	sdelay $0x2  }
0x6dc: {  	v2 =	vld.idx.msk [tilespmem:v2+s18+$0x0], $0xffff;
	_ =	sdelay $0x4  }
0x6dd: {  	[tilespmem:v3+s20+$0x0] =	vst.idx.msk $0xffff, v2;
	v2 =	vld [tilespmem:$0x1FF50];
	_ =	sdelay $0x4  }
0x6de: {  	v3 =	vld [tilespmem:$0x1FF60];
	_ =	sdelay $0x2  }
0x6df: {  	v2 =	vld.idx.msk [tilespmem:v2+s18+$0x0], $0xffff;
	_ =	sdelay $0x4  }
0x6e0: {  	[tilespmem:v3+s20+$0x0] =	vst.idx.msk $0xffff, v2;
	v2 =	vld [tilespmem:$0x1FF70];
	_ =	sdelay $0x4  }
0x6e1: {  	v3 =	vld [tilespmem:$0x1FF80];
	_ =	sdelay $0x2  }
0x6e2: {  	v2 =	vld.idx.msk [tilespmem:v2+s18+$0x0], $0xffff;
	_ =	sdelay $0x4  }
0x6e3: {  	[tilespmem:v3+s20+$0x0] =	vst.idx.msk $0xffff, v2;
	v2 =	vld [tilespmem:$0x1FF90];
	_ =	sdelay $0x4  }
0x6e4: {  	v3 =	vld [tilespmem:$0x1FFA0];
	_ =	sdelay $0x2  }
0x6e5: {  	v2 =	vld.idx.msk [tilespmem:v2+s18+$0x0], $0xffff;
	_ =	sdelay $0x4  }
0x6e6: {  	[tilespmem:v3+s20+$0x0] =	vst.idx.msk $0xffff, v2;
	v2 =	vld [tilespmem:$0x1FFB0];
	_ =	sdelay $0x4  }
0x6e7: {  	v3 =	vld [tilespmem:$0x1FFC0];
	_ =	sdelay $0x2  }
0x6e8: {  	v2 =	vld.idx.msk [tilespmem:v2+s18+$0x0], $0xffff;
	_ =	sdelay $0x4  }
0x6e9: {  	[tilespmem:v3+s20+$0x0] =	vst.idx.msk $0xffff, v2;
	v2 =	vld [tilespmem:$0x1FFD0];
	_ =	sdelay $0x4  }
0x6ea: {  	v3 =	vld [tilespmem:$0x1FFE0];
	_ =	sdelay $0x2  }
0x6eb: {  	v2 =	vld.idx.msk [tilespmem:v2+s18+$0x0], $0xffff;
	_ =	sdelay $0x4  }
0x6ec: {  	[tilespmem:v3+s20+$0x0] =	vst.idx.msk $0xffff, v2;
	v2 =	vld [tilespmem:$0x1FFF0];
	_ =	sdelay $0x7  }
0x6ed: {  	v2 =	vld.idx.msk [tilespmem:v2+s18+$0x0], $0xffff;
	_ =	sdelay $0x4  }
0x6ee: {  	[tilespmem:v46+s20+$0x0] =	vst.idx.msk $0xffff, v2  }
0x6ef: {  	v2 =	vld.idx.msk [tilespmem:v47+s18+$0x0], $0xffff;
	_ =	sdelay $0x4  }
0x6f0: {  	[tilespmem:v48+s20+$0x0] =	vst.idx.msk $0xffff, v2  }
0x6f1: {  	v2 =	vld.idx.msk [tilespmem:v49+s18+$0x0], $0xffff;
	_ =	sdelay $0x4  }
0x6f2: {  	[tilespmem:v50+s20+$0x0] =	vst.idx.msk $0xffff, v2  }
0x6f3: {  	v2 =	vld.idx.msk [tilespmem:v51+s18+$0x0], $0xffff;
	_ =	sdelay $0x4  }
0x6f4: {  	[tilespmem:v52+s20+$0x0] =	vst.idx.msk $0xffff, v2  }
0x6f5: {  	v2 =	vld.idx.msk [tilespmem:v53+s18+$0x0], $0xffff;
	_ =	sdelay $0x4  }
0x6f6: {  	[tilespmem:v54+s20+$0x0] =	vst.idx.msk $0xffff, v2  }
0x6f7: {  	v2 =	vld.idx.msk [tilespmem:v55+s18+$0x0], $0xffff;
	_ =	sdelay $0x4  }
0x6f8: {  	[tilespmem:v56+s20+$0x0] =	vst.idx.msk $0xffff, v2  }
0x6f9: {  	v2 =	vld.idx.msk [tilespmem:v57+s18+$0x0], $0xffff;
	_ =	sdelay $0x2  }
0x6fa: {  	s23 =	sadd.s32 $0x1, s23  }
0x6fb: {  	p0 =	sne.s32 s23, s15  }
.Ltmp8:
0x6fc: {  	[tilespmem:v58+s20+$0x0] =	vst.idx.msk $0xffff, v2;
	(pc) =	sbr.rel @p0 .LBB2_1-.Ltmp8, $4  }
0x6fd: {  	[hbm4b:s14+s1] =	stream.linear.scatter [tilespmem:s20], [sflag:$0x3], $0xD000, $0x38;
	[tilespmem:$0x1A000] =	vst v63  }
0x6fe: {  	_ =	swait.ge [sflag:s22], $0xD000  }
0x6ff: {  	[sflag:s22] =	ssyncset.done $0x0  }
0x700: {  	[sflag:s22] =	ssyncadd.s32 $0xFFFF3000  }
0x701: {  	_ =	sfence.sel $0x180000  }
0x702: {  	[bflag:$0x0] =	sbarrier.arrive $0xFFFF  }
0x703: {  	p0 =	sne.s32 s2, $0x0;
	_ =	strace $0x90000047  }
0x704: {  	s0 =	sadd.s32 @!p0 $0x100000, s0;
	[bflag:$0x2] =	sbarrier.arrive $0xFFFF  }
0x705: {  	[sflag:s0] =	ssyncadd.tile.s32 @!p0 $0x1;
	_ =	shalt  }
.Lfunc_end2:
_tile_overlayer_lowered:
.L_overlay_start_2:
0x706: {  	(tag) =	ssettag $0x2  }
0x707: {  	s0 =	rddreg [dreg:$0x0];
	s2 =	stileid.u32  }
0x708: {  	s1 =	rddreg [dreg:$0x1];
	p0 =	sne.s32 s2, $0x0  }
0x709: {  	s3 =	rddreg [dreg:$0x2];
	[bflag:$0x3] =	sbarrier.arrive $0xFFFF;
	s2 =	simm.s32 @!p0 $0x1C04  }
0x70a: {  	[timem:s3], [sflag:s2] =	dma.local @!p0 [hbm:s0], s1  }
0x70b: {  	s0 =	simm.s32 @!p0 $0x4  }
0x70c: {  	_ =	swait.ge @!p0 [sflag:s0], s1  }
0x70d: {  	s1 =	ssub.s32 @!p0 $0x0, s1;
	[sflag:s0] =	ssyncset.done @!p0 $0x0  }
0x70e: {  	[sflag:s0] =	ssyncadd.s32 @!p0 s1  }
0x70f: {  	[bflag:$0x3] =	sbarrier.arrive $0xFFFF  }
0x710: {  	_ =	shalt  }

</sc_bundles>
